<compile_context>
chip_gen: v7x
topology: tpu7x:2x2x1
jax: 0.10.2.dev20260603
libtpu: 0.0.44.dev20260713+nightly
codegen_flags: <defaults>
</compile_context>

<pallas_src>
import jax
import jax.numpy as jnp
from jax import lax
from jax.experimental import pallas as pl
from jax.experimental.pallas import tpu as pltpu
from jax.experimental.pallas import tpu_sc as plsc

B, N, C = 8, 20000, 91
L = 16
W = 512
NCHUNK = 3
RW = NCHUNK * W
SC_N = 4 * RW
TC_N = N - SC_N
NB = 2048
assert SC_N % NB == 0


def _sc_body(lg_hbm, ts_hbm, o_s, o_n, o_l,
             lg_v, s_v, n_v, l_v, ts_v,
             isem0, isem1, osem0, osem1):
    cid = lax.axis_index("c")
    sid = lax.axis_index("s")
    wid = sid * 2 + cid
    img = lax.shift_right_logical(wid, 2)
    nbase = (wid & 3) * RW
    lane = lax.iota(jnp.int32, L)
    isem = (isem0, isem1)
    osem = (osem0, osem1)

    pltpu.sync_copy(ts_hbm, ts_v)

    def in_copies(k, slot):
        n0 = nbase + k * W
        return (
            pltpu.make_async_copy(lg_hbm.at[:, img, pl.ds(n0, W)],
                                  lg_v.at[slot], isem[slot]),
        )

    def out_copies(k, slot):
        n0 = nbase + k * W
        return (
            pltpu.make_async_copy(s_v.at[slot], o_s.at[img, pl.ds(n0, W)],
                                  osem[slot]),
            pltpu.make_async_copy(n_v.at[slot], o_n.at[img, pl.ds(n0, W)],
                                  osem[slot]),
            pltpu.make_async_copy(l_v.at[slot], o_l.at[img, pl.ds(n0, W)],
                                  osem[slot]),
        )

    def compute(slot):
        def grp(g, c2):
            base = g * L
            dsl = pl.ds(base, L)
            m = lg_v[slot, 0, dsl]
            lbl = jnp.zeros((L,), jnp.int32)
            for c in range(1, C, 2):
                va = lg_v[slot, c, dsl]
                vb = lg_v[slot, c + 1, dsl]
                mp = jnp.maximum(va, vb)
                gt = mp > m
                m = jnp.maximum(m, mp)
                lbl = jnp.where(gt, jnp.full((L,), c, jnp.int32), lbl)
            pos = base + lane
            vwin = plsc.load_gather(lg_v, [lane * 0 + slot, lbl, pos])
            lbl = lbl + (vwin != m).astype(jnp.int32)
            sig = 1.0 / (1.0 + jnp.exp(-m))
            s_v[slot, dsl] = sig
            n_v[slot, dsl] = 1.0 - sig
            l_v[slot, dsl] = lbl
            return c2

        lax.fori_loop(0, W // L, grp, 0)

    for k in range(min(2, NCHUNK)):
        for d in in_copies(k, k):
            d.start()
    for k in range(NCHUNK):
        slot = k % 2
        for d in in_copies(k, slot):
            d.wait()
        if k >= 2:
            for d in out_copies(k - 2, slot):
                d.wait()
        compute(slot)
        for d in out_copies(k, slot):
            d.start()
        if k + 2 < NCHUNK:
            for d in in_copies(k + 2, slot):
                d.start()
    for k in range(max(0, NCHUNK - 2), NCHUNK):
        for d in out_copies(k, k % 2):
            d.wait()


def _tc_body(lg_ref, s_ref, n_ref, l_ref):
    x = lg_ref[...]
    m = jnp.max(x, axis=0)
    iota = lax.broadcasted_iota(jnp.int32, x.shape, 0)
    lbl = jnp.min(jnp.where(x == m[None], iota, C), axis=0)
    sig = 1.0 / (1.0 + jnp.exp(-m))
    s_ref[...] = sig
    n_ref[...] = 1.0 - sig
    l_ref[...] = lbl


def _tc_box_body(bx_ref, ts_ref, ob_ref):
    tsf = ts_ref[...].astype(jnp.float32)
    hsz = tsf[:, 0:1]
    wsz = tsf[:, 1:2]
    cx = bx_ref[:, 0, :]
    cy = bx_ref[:, 1, :]
    hw = bx_ref[:, 2, :] * 0.5
    hh = bx_ref[:, 3, :] * 0.5
    ob_ref[:, 0, :] = (cx - hw) * wsz
    ob_ref[:, 1, :] = (cy - hh) * hsz
    ob_ref[:, 2, :] = (cx + hw) * wsz
    ob_ref[:, 3, :] = (cy + hh) * hsz


def kernel(pred_logits, pred_boxes, target_sizes):
    lg = jnp.transpose(pred_logits, (2, 0, 1))
    bx = jnp.transpose(pred_boxes, (0, 2, 1))
    ts = target_sizes.reshape(2 * B)

    mesh = plsc.VectorSubcoreMesh(core_axis_name="c", subcore_axis_name="s")
    sc_out_type = [
        jax.ShapeDtypeStruct((B, SC_N), jnp.float32),
        jax.ShapeDtypeStruct((B, SC_N), jnp.float32),
        jax.ShapeDtypeStruct((B, SC_N), jnp.int32),
    ]
    sc_scratch = [
        pltpu.VMEM((2, C, W), jnp.float32),
        pltpu.VMEM((2, W), jnp.float32),
        pltpu.VMEM((2, W), jnp.float32),
        pltpu.VMEM((2, W), jnp.int32),
        pltpu.VMEM((2 * B,), jnp.int32),
        pltpu.SemaphoreType.DMA,
        pltpu.SemaphoreType.DMA,
        pltpu.SemaphoreType.DMA,
        pltpu.SemaphoreType.DMA,
    ]
    sc_f = pl.kernel(_sc_body, out_type=sc_out_type, mesh=mesh,
                     scratch_types=sc_scratch,
                     compiler_params=pltpu.CompilerParams(
                         needs_layout_passes=False))
    sc_s, sc_n, sc_l = sc_f(lg, ts)

    nblk = (TC_N + NB - 1) // NB
    off = SC_N // NB
    tc_s, tc_n, tc_l = pl.pallas_call(
        _tc_body,
        grid=(nblk,),
        in_specs=[pl.BlockSpec((C, B, NB), lambda j: (0, 0, off + j))],
        out_specs=[
            pl.BlockSpec((B, NB), lambda j: (0, j)),
            pl.BlockSpec((B, NB), lambda j: (0, j)),
            pl.BlockSpec((B, NB), lambda j: (0, j)),
        ],
        out_shape=[
            jax.ShapeDtypeStruct((B, TC_N), jnp.float32),
            jax.ShapeDtypeStruct((B, TC_N), jnp.float32),
            jax.ShapeDtypeStruct((B, TC_N), jnp.int32),
        ],
        compiler_params=pltpu.CompilerParams(skip_device_barrier=True),
    )(lg)

    b4 = pl.pallas_call(
        _tc_box_body,
        out_shape=[jax.ShapeDtypeStruct((B, 4, N), jnp.float32)],
        compiler_params=pltpu.CompilerParams(skip_device_barrier=True),
    )(bx, target_sizes)[0]

    s = jnp.concatenate([sc_s, tc_s], axis=1)
    n = jnp.concatenate([sc_n, tc_n], axis=1)
    l = jnp.concatenate([sc_l, tc_l], axis=1)
    return s, n, l, jnp.transpose(b4, (0, 2, 1))

# --- scband reference (transcript-rebuilt; emitter-appended) ---
"""Pipeline reference for scband-deformable-post-process-62371515073114 (READ-ONLY COPY).

The authoritative reference and input builder live on the scoring server;
editing this copy changes nothing except your own understanding.
"""

import jax, jax.numpy as jnp
import numpy as np


def box_cxcywh_to_xyxy(x):
    cx, cy, w, h = jnp.split(x, 4, axis=-1)
    return jnp.concatenate([cx - 0.5 * w, cy - 0.5 * h, cx + 0.5 * w, cy + 0.5 * h], axis=-1)


def setup_inputs(seed: int = 0) -> dict:
    key = jax.random.key(seed)
    k1, k2, k3 = jax.random.split(key, 3)
    B, N, C = 8, 20000, 91
    pred_logits = jax.random.normal(k1, (B, N, C), dtype=jnp.float32)
    pred_boxes = jax.random.uniform(k2, (B, N, 4), dtype=jnp.float32)
    target_sizes = jax.random.randint(k3, (B, 2), 0, 1024, dtype=jnp.int32)
    return {"pred_logits": pred_logits, "pred_boxes": pred_boxes, "target_sizes": target_sizes}


def reference(pred_logits, pred_boxes, target_sizes):
    # prob = out_logits.sigmoid(); scores, labels = prob.max(-1)
    prob = jax.nn.sigmoid(pred_logits)
    scores = jnp.max(prob, axis=-1)
    labels = jnp.argmax(prob, axis=-1)
    # boxes = box_cxcywh_to_xyxy(out_bbox)
    boxes = box_cxcywh_to_xyxy(pred_boxes)
    # img_h, img_w = target_sizes.unbind(1)
    img_h = target_sizes[:, 0]
    img_w = target_sizes[:, 1]
    scale_fct = jnp.stack([img_w, img_h, img_w, img_h], axis=1).astype(jnp.float32)
    boxes = boxes * scale_fct[:, None, :]
    scores_no_object = 1.0 - scores
    # torch returns a list of per-image dicts; here we return the batched arrays
    return scores, scores_no_object, labels, boxes

if __name__ == "__main__":
    import jax
    _d = setup_inputs()
    print(jax.jit(kernel)(*tuple(_d.values())))

</pallas_src>

<mosaic_0001>
#map = affine_map<(d0, d1) -> (0, 0, 0)>
#map1 = affine_map<(d0, d1) -> (0)>
#map2 = affine_map<(d0, d1) -> (0, 0)>
module attributes {stable_mosaic.version = 14 : i64} {
  func.func @_sc_body(%arg0: i32, %arg1: i32, %arg2: memref<91x8x20000xf32, #tpu.memory_space<hbm>>, %arg3: memref<16xi32, #tpu.memory_space<hbm>>, %arg4: memref<8x6144xf32, #tpu.memory_space<hbm>>, %arg5: memref<8x6144xf32, #tpu.memory_space<hbm>>, %arg6: memref<8x6144xi32, #tpu.memory_space<hbm>>, %arg7: memref<2x91x512xf32, #tpu.memory_space<vmem>>, %arg8: memref<2x512xf32, #tpu.memory_space<vmem>>, %arg9: memref<2x512xf32, #tpu.memory_space<vmem>>, %arg10: memref<2x512xi32, #tpu.memory_space<vmem>>, %arg11: memref<16xi32, #tpu.memory_space<vmem>>, %arg12: memref<!tpu.dma_semaphore, #tpu.memory_space<semaphore_mem>>, %arg13: memref<!tpu.dma_semaphore, #tpu.memory_space<semaphore_mem>>, %arg14: memref<!tpu.dma_semaphore, #tpu.memory_space<semaphore_mem>>, %arg15: memref<!tpu.dma_semaphore, #tpu.memory_space<semaphore_mem>>) attributes {dimension_semantics = [#tpu.dimension_semantics<core_parallel>, #tpu.dimension_semantics<subcore_parallel>], iteration_bounds = array<i64: 2, 16>, scalar_prefetch = 0 : i64, scratch_operands = 9 : i64, tpu.core_type = #tpu.core_type<sc_vector_subcore>, window_params = [{transform_indices = #map}, {transform_indices = #map1}, {transform_indices = #map2}, {transform_indices = #map2}, {transform_indices = #map2}]} {
    %mul3A = arith.constant 2 : i32
    %mul3A_0 = arith.muli %arg1, %mul3A : i32
    %add3A = arith.addi %mul3A_0, %arg0 : i32
    %shift_right_logical3A = arith.constant 2 : i32
    %shift_right_logical3A_1 = arith.shrui %add3A, %shift_right_logical3A : i32
    %and3A = arith.constant 3 : i32
    %and3A_2 = arith.andi %add3A, %and3A : i32
    %mul3A_3 = arith.constant 1536 : i32
    %mul3A_4 = arith.muli %and3A_2, %mul3A_3 : i32
    %iota3A = tpu.iota {dimensions = array<i32: 0>} : vector<16xi32>
    "tpu.region"() ({
      %run_scoped3A = tpu.sem_alloc : memref<!tpu.dma_semaphore, #tpu.memory_space<semaphore_mem>>
      tpu.enqueue_dma source(%arg3 : memref<16xi32, #tpu.memory_space<hbm>>) target(%arg11 : memref<16xi32, #tpu.memory_space<vmem>>) target_semaphore(%run_scoped3A : memref<!tpu.dma_semaphore, #tpu.memory_space<semaphore_mem>>)
      tpu.wait_dma2 semaphore(%run_scoped3A : memref<!tpu.dma_semaphore, #tpu.memory_space<semaphore_mem>>) src(%arg3 : memref<16xi32, #tpu.memory_space<hbm>>) dst(%arg11 : memref<16xi32, #tpu.memory_space<vmem>>)
      tpu.yield
    }) : () -> ()
    %add3A_5 = arith.constant 0 : i32
    %add3A_6 = arith.addi %mul3A_4, %add3A_5 : i32
    %dma_start3A = arith.constant 0 : i32
    %dma_start3A_7 = arith.constant 0 : i32
    %dma_start3A_8 = arith.constant 0 : i32
    %dma_start3A_9 = tpu.memref_slice %arg7[%dma_start3A, %dma_start3A_7, %dma_start3A_8] : memref<2x91x512xf32, #tpu.memory_space<vmem>> -> memref<1x91x512xf32, #tpu.memory_space<vmem>>
    %dma_start3A_10 = tpu.memref_squeeze %dma_start3A_9 : memref<1x91x512xf32, #tpu.memory_space<vmem>> -> memref<91x512xf32, #tpu.memory_space<vmem>>
    %dma_start3A_11 = arith.constant 0 : i32
    %dma_start3A_12 = tpu.memref_slice %arg2[%dma_start3A_11, %shift_right_logical3A_1, %add3A_6] : memref<91x8x20000xf32, #tpu.memory_space<hbm>> -> memref<91x1x512xf32, #tpu.memory_space<hbm>>
    %dma_start3A_13 = tpu.memref_squeeze %dma_start3A_12 : memref<91x1x512xf32, #tpu.memory_space<hbm>> -> memref<91x512xf32, #tpu.memory_space<hbm>>
    %dma_start3A_14 = arith.constant 0 : i32
    %dma_start3A_15 = arith.constant 0 : i32
    %dma_start3A_16 = tpu.memref_slice %arg7[%dma_start3A, %dma_start3A_14, %dma_start3A_15] : memref<2x91x512xf32, #tpu.memory_space<vmem>> -> memref<1x91x512xf32, #tpu.memory_space<vmem>>
    %dma_start3A_17 = tpu.memref_squeeze %dma_start3A_16 : memref<1x91x512xf32, #tpu.memory_space<vmem>> -> memref<91x512xf32, #tpu.memory_space<vmem>>
    %dma_start3A_18 = arith.constant 0 : i32
    %dma_start3A_19 = tpu.memref_slice %arg2[%dma_start3A_18, %shift_right_logical3A_1, %add3A_6] : memref<91x8x20000xf32, #tpu.memory_space<hbm>> -> memref<91x1x512xf32, #tpu.memory_space<hbm>>
    %dma_start3A_20 = tpu.memref_squeeze %dma_start3A_19 : memref<91x1x512xf32, #tpu.memory_space<hbm>> -> memref<91x512xf32, #tpu.memory_space<hbm>>
    tpu.enqueue_dma source(%dma_start3A_20 : memref<91x512xf32, #tpu.memory_space<hbm>>) target(%dma_start3A_17 : memref<91x512xf32, #tpu.memory_space<vmem>>) target_semaphore(%arg12 : memref<!tpu.dma_semaphore, #tpu.memory_space<semaphore_mem>>)
    %add3A_21 = arith.constant 512 : i32
    %add3A_22 = arith.addi %mul3A_4, %add3A_21 : i32
    %dma_start3A_23 = arith.constant 1 : i32
    %dma_start3A_24 = arith.constant 0 : i32
    %dma_start3A_25 = arith.constant 0 : i32
    %dma_start3A_26 = tpu.memref_slice %arg7[%dma_start3A_23, %dma_start3A_24, %dma_start3A_25] : memref<2x91x512xf32, #tpu.memory_space<vmem>> -> memref<1x91x512xf32, #tpu.memory_space<vmem>>
    %dma_start3A_27 = tpu.memref_squeeze %dma_start3A_26 : memref<1x91x512xf32, #tpu.memory_space<vmem>> -> memref<91x512xf32, #tpu.memory_space<vmem>>
    %dma_start3A_28 = arith.constant 0 : i32
    %dma_start3A_29 = tpu.memref_slice %arg2[%dma_start3A_28, %shift_right_logical3A_1, %add3A_22] : memref<91x8x20000xf32, #tpu.memory_space<hbm>> -> memref<91x1x512xf32, #tpu.memory_space<hbm>>
    %dma_start3A_30 = tpu.memref_squeeze %dma_start3A_29 : memref<91x1x512xf32, #tpu.memory_space<hbm>> -> memref<91x512xf32, #tpu.memory_space<hbm>>
    %dma_start3A_31 = arith.constant 0 : i32
    %dma_start3A_32 = arith.constant 0 : i32
    %dma_start3A_33 = tpu.memref_slice %arg7[%dma_start3A_23, %dma_start3A_31, %dma_start3A_32] : memref<2x91x512xf32, #tpu.memory_space<vmem>> -> memref<1x91x512xf32, #tpu.memory_space<vmem>>
    %dma_start3A_34 = tpu.memref_squeeze %dma_start3A_33 : memref<1x91x512xf32, #tpu.memory_space<vmem>> -> memref<91x512xf32, #tpu.memory_space<vmem>>
    %dma_start3A_35 = arith.constant 0 : i32
    %dma_start3A_36 = tpu.memref_slice %arg2[%dma_start3A_35, %shift_right_logical3A_1, %add3A_22] : memref<91x8x20000xf32, #tpu.memory_space<hbm>> -> memref<91x1x512xf32, #tpu.memory_space<hbm>>
    %dma_start3A_37 = tpu.memref_squeeze %dma_start3A_36 : memref<91x1x512xf32, #tpu.memory_space<hbm>> -> memref<91x512xf32, #tpu.memory_space<hbm>>
    tpu.enqueue_dma source(%dma_start3A_37 : memref<91x512xf32, #tpu.memory_space<hbm>>) target(%dma_start3A_34 : memref<91x512xf32, #tpu.memory_space<vmem>>) target_semaphore(%arg13 : memref<!tpu.dma_semaphore, #tpu.memory_space<semaphore_mem>>)
    %add3A_38 = arith.constant 0 : i32
    %add3A_39 = arith.addi %mul3A_4, %add3A_38 : i32
    %dma_wait3A = arith.constant 0 : i32
    %dma_wait3A_40 = arith.constant 0 : i32
    %dma_wait3A_41 = arith.constant 0 : i32
    %dma_wait3A_42 = tpu.memref_slice %arg7[%dma_wait3A, %dma_wait3A_40, %dma_wait3A_41] : memref<2x91x512xf32, #tpu.memory_space<vmem>> -> memref<1x91x512xf32, #tpu.memory_space<vmem>>
    %dma_wait3A_43 = tpu.memref_squeeze %dma_wait3A_42 : memref<1x91x512xf32, #tpu.memory_space<vmem>> -> memref<91x512xf32, #tpu.memory_space<vmem>>
    %dma_wait3A_44 = arith.constant 0 : i32
    %dma_wait3A_45 = tpu.memref_slice %arg2[%dma_wait3A_44, %shift_right_logical3A_1, %add3A_39] : memref<91x8x20000xf32, #tpu.memory_space<hbm>> -> memref<91x1x512xf32, #tpu.memory_space<hbm>>
    %dma_wait3A_46 = tpu.memref_squeeze %dma_wait3A_45 : memref<91x1x512xf32, #tpu.memory_space<hbm>> -> memref<91x512xf32, #tpu.memory_space<hbm>>
    %dma_wait3A_47 = arith.constant 0 : i32
    %dma_wait3A_48 = arith.constant 0 : i32
    %dma_wait3A_49 = tpu.memref_slice %arg7[%dma_wait3A, %dma_wait3A_47, %dma_wait3A_48] : memref<2x91x512xf32, #tpu.memory_space<vmem>> -> memref<1x91x512xf32, #tpu.memory_space<vmem>>
    %dma_wait3A_50 = tpu.memref_squeeze %dma_wait3A_49 : memref<1x91x512xf32, #tpu.memory_space<vmem>> -> memref<91x512xf32, #tpu.memory_space<vmem>>
    %dma_wait3A_51 = arith.constant 0 : i32
    %dma_wait3A_52 = tpu.memref_slice %arg2[%dma_wait3A_51, %shift_right_logical3A_1, %add3A_39] : memref<91x8x20000xf32, #tpu.memory_space<hbm>> -> memref<91x1x512xf32, #tpu.memory_space<hbm>>
    %dma_wait3A_53 = tpu.memref_squeeze %dma_wait3A_52 : memref<91x1x512xf32, #tpu.memory_space<hbm>> -> memref<91x512xf32, #tpu.memory_space<hbm>>
    tpu.wait_dma2 semaphore(%arg12 : memref<!tpu.dma_semaphore, #tpu.memory_space<semaphore_mem>>) src(%dma_wait3A_53 : memref<91x512xf32, #tpu.memory_space<hbm>>) dst(%dma_wait3A_50 : memref<91x512xf32, #tpu.memory_space<vmem>>)
    %scan3A = arith.constant 0 : i32
    %scan3A_54 = arith.constant 0 : i32
    %scan3A_55 = arith.constant 32 : i32
    %scan3A_56 = arith.addi %scan3A_54, %scan3A_55 : i32
    %scan3A_57 = arith.constant 1 : i32
    scf.for %scan3A_332 = %scan3A_54 to %scan3A_56 step %scan3A_57  : i32 {
      %mul3A_333 = arith.constant 16 : i32
      %mul3A_334 = arith.muli %scan3A_332, %mul3A_333 : i32
      %get3A = arith.constant 0 : i32
      %get3A_335 = arith.constant 0 : i32
      %get3A_336 = arith.index_cast %get3A : i32 to index
      %get3A_337 = arith.index_cast %get3A_335 : i32 to index
      %get3A_338 = arith.index_cast %mul3A_334 : i32 to index
      %get3A_339 = tpu.vector_load %arg7[%get3A_336, %get3A_337, %get3A_338] {strides = array<i32>} : memref<2x91x512xf32, #tpu.memory_space<vmem>>, vector<16xf32>,
      %broadcast_in_dim3A = arith.constant 0 : i32
      %broadcast_in_dim3A_340 = vector.broadcast %broadcast_in_dim3A : i32 to vector<16xi32>
      %get3A_341 = arith.constant 0 : i32
      %get3A_342 = arith.constant 1 : i32
      %get3A_343 = arith.index_cast %get3A_341 : i32 to index
      %get3A_344 = arith.index_cast %get3A_342 : i32 to index
      %get3A_345 = arith.index_cast %mul3A_334 : i32 to index
      %get3A_346 = tpu.vector_load %arg7[%get3A_343, %get3A_344, %get3A_345] {strides = array<i32>} : memref<2x91x512xf32, #tpu.memory_space<vmem>>, vector<16xf32>,
      %get3A_347 = arith.constant 0 : i32
      %get3A_348 = arith.constant 2 : i32
      %get3A_349 = arith.index_cast %get3A_347 : i32 to index
      %get3A_350 = arith.index_cast %get3A_348 : i32 to index
      %get3A_351 = arith.index_cast %mul3A_334 : i32 to index
      %get3A_352 = tpu.vector_load %arg7[%get3A_349, %get3A_350, %get3A_351] {strides = array<i32>} : memref<2x91x512xf32, #tpu.memory_space<vmem>>, vector<16xf32>,
      %max3A = arith.maximumf %get3A_346, %get3A_352 : vector<16xf32>
      %gt3A = arith.cmpf ogt, %max3A, %get3A_339 : vector<16xf32>
      %max3A_353 = arith.maximumf %get3A_339, %max3A : vector<16xf32>
      %broadcast_in_dim3A_354 = arith.constant 1 : i32
      %broadcast_in_dim3A_355 = vector.broadcast %broadcast_in_dim3A_354 : i32 to vector<16xi32>
      %select_n3A = arith.select %gt3A, %broadcast_in_dim3A_355, %broadcast_in_dim3A_340 : vector<16xi1>, vector<16xi32>
      %get3A_356 = arith.constant 0 : i32
      %get3A_357 = arith.constant 3 : i32
      %get3A_358 = arith.index_cast %get3A_356 : i32 to index
      %get3A_359 = arith.index_cast %get3A_357 : i32 to index
      %get3A_360 = arith.index_cast %mul3A_334 : i32 to index
      %get3A_361 = tpu.vector_load %arg7[%get3A_358, %get3A_359, %get3A_360] {strides = array<i32>} : memref<2x91x512xf32, #tpu.memory_space<vmem>>, vector<16xf32>,
      %get3A_362 = arith.constant 0 : i32
      %get3A_363 = arith.constant 4 : i32
      %get3A_364 = arith.index_cast %get3A_362 : i32 to index
      %get3A_365 = arith.index_cast %get3A_363 : i32 to index
      %get3A_366 = arith.index_cast %mul3A_334 : i32 to index
      %get3A_367 = tpu.vector_load %arg7[%get3A_364, %get3A_365, %get3A_366] {strides = array<i32>} : memref<2x91x512xf32, #tpu.memory_space<vmem>>, vector<16xf32>,
      %max3A_368 = arith.maximumf %get3A_361, %get3A_367 : vector<16xf32>
      %gt3A_369 = arith.cmpf ogt, %max3A_368, %max3A_353 : vector<16xf32>
      %max3A_370 = arith.maximumf %max3A_353, %max3A_368 : vector<16xf32>
      %broadcast_in_dim3A_371 = arith.constant 3 : i32
      %broadcast_in_dim3A_372 = vector.broadcast %broadcast_in_dim3A_371 : i32 to vector<16xi32>
      %select_n3A_373 = arith.select %gt3A_369, %broadcast_in_dim3A_372, %select_n3A : vector<16xi1>, vector<16xi32>
      %get3A_374 = arith.constant 0 : i32
      %get3A_375 = arith.constant 5 : i32
      %get3A_376 = arith.index_cast %get3A_374 : i32 to index
      %get3A_377 = arith.index_cast %get3A_375 : i32 to index
      %get3A_378 = arith.index_cast %mul3A_334 : i32 to index
      %get3A_379 = tpu.vector_load %arg7[%get3A_376, %get3A_377, %get3A_378] {strides = array<i32>} : memref<2x91x512xf32, #tpu.memory_space<vmem>>, vector<16xf32>,
      %get3A_380 = arith.constant 0 : i32
      %get3A_381 = arith.constant 6 : i32
      %get3A_382 = arith.index_cast %get3A_380 : i32 to index
      %get3A_383 = arith.index_cast %get3A_381 : i32 to index
      %get3A_384 = arith.index_cast %mul3A_334 : i32 to index
      %get3A_385 = tpu.vector_load %arg7[%get3A_382, %get3A_383, %get3A_384] {strides = array<i32>} : memref<2x91x512xf32, #tpu.memory_space<vmem>>, vector<16xf32>,
      %max3A_386 = arith.maximumf %get3A_379, %get3A_385 : vector<16xf32>
      %gt3A_387 = arith.cmpf ogt, %max3A_386, %max3A_370 : vector<16xf32>
      %max3A_388 = arith.maximumf %max3A_370, %max3A_386 : vector<16xf32>
      %broadcast_in_dim3A_389 = arith.constant 5 : i32
      %broadcast_in_dim3A_390 = vector.broadcast %broadcast_in_dim3A_389 : i32 to vector<16xi32>
      %select_n3A_391 = arith.select %gt3A_387, %broadcast_in_dim3A_390, %select_n3A_373 : vector<16xi1>, vector<16xi32>
      %get3A_392 = arith.constant 0 : i32
      %get3A_393 = arith.constant 7 : i32
      %get3A_394 = arith.index_cast %get3A_392 : i32 to index
      %get3A_395 = arith.index_cast %get3A_393 : i32 to index
      %get3A_396 = arith.index_cast %mul3A_334 : i32 to index
      %get3A_397 = tpu.vector_load %arg7[%get3A_394, %get3A_395, %get3A_396] {strides = array<i32>} : memref<2x91x512xf32, #tpu.memory_space<vmem>>, vector<16xf32>,
      %get3A_398 = arith.constant 0 : i32
      %get3A_399 = arith.constant 8 : i32
      %get3A_400 = arith.index_cast %get3A_398 : i32 to index
      %get3A_401 = arith.index_cast %get3A_399 : i32 to index
      %get3A_402 = arith.index_cast %mul3A_334 : i32 to index
      %get3A_403 = tpu.vector_load %arg7[%get3A_400, %get3A_401, %get3A_402] {strides = array<i32>} : memref<2x91x512xf32, #tpu.memory_space<vmem>>, vector<16xf32>,
      %max3A_404 = arith.maximumf %get3A_397, %get3A_403 : vector<16xf32>
      %gt3A_405 = arith.cmpf ogt, %max3A_404, %max3A_388 : vector<16xf32>
      %max3A_406 = arith.maximumf %max3A_388, %max3A_404 : vector<16xf32>
      %broadcast_in_dim3A_407 = arith.constant 7 : i32
      %broadcast_in_dim3A_408 = vector.broadcast %broadcast_in_dim3A_407 : i32 to vector<16xi32>
      %select_n3A_409 = arith.select %gt3A_405, %broadcast_in_dim3A_408, %select_n3A_391 : vector<16xi1>, vector<16xi32>
      %get3A_410 = arith.constant 0 : i32
      %get3A_411 = arith.constant 9 : i32
      %get3A_412 = arith.index_cast %get3A_410 : i32 to index
      %get3A_413 = arith.index_cast %get3A_411 : i32 to index
      %get3A_414 = arith.index_cast %mul3A_334 : i32 to index
      %get3A_415 = tpu.vector_load %arg7[%get3A_412, %get3A_413, %get3A_414] {strides = array<i32>} : memref<2x91x512xf32, #tpu.memory_space<vmem>>, vector<16xf32>,
      %get3A_416 = arith.constant 0 : i32
      %get3A_417 = arith.constant 10 : i32
      %get3A_418 = arith.index_cast %get3A_416 : i32 to index
      %get3A_419 = arith.index_cast %get3A_417 : i32 to index
      %get3A_420 = arith.index_cast %mul3A_334 : i32 to index
      %get3A_421 = tpu.vector_load %arg7[%get3A_418, %get3A_419, %get3A_420] {strides = array<i32>} : memref<2x91x512xf32, #tpu.memory_space<vmem>>, vector<16xf32>,
      %max3A_422 = arith.maximumf %get3A_415, %get3A_421 : vector<16xf32>
      %gt3A_423 = arith.cmpf ogt, %max3A_422, %max3A_406 : vector<16xf32>
      %max3A_424 = arith.maximumf %max3A_406, %max3A_422 : vector<16xf32>
      %broadcast_in_dim3A_425 = arith.constant 9 : i32
      %broadcast_in_dim3A_426 = vector.broadcast %broadcast_in_dim3A_425 : i32 to vector<16xi32>
      %select_n3A_427 = arith.select %gt3A_423, %broadcast_in_dim3A_426, %select_n3A_409 : vector<16xi1>, vector<16xi32>
      %get3A_428 = arith.constant 0 : i32
      %get3A_429 = arith.constant 11 : i32
      %get3A_430 = arith.index_cast %get3A_428 : i32 to index
      %get3A_431 = arith.index_cast %get3A_429 : i32 to index
      %get3A_432 = arith.index_cast %mul3A_334 : i32 to index
      %get3A_433 = tpu.vector_load %arg7[%get3A_430, %get3A_431, %get3A_432] {strides = array<i32>} : memref<2x91x512xf32, #tpu.memory_space<vmem>>, vector<16xf32>,
      %get3A_434 = arith.constant 0 : i32
      %get3A_435 = arith.constant 12 : i32
      %get3A_436 = arith.index_cast %get3A_434 : i32 to index
      %get3A_437 = arith.index_cast %get3A_435 : i32 to index
      %get3A_438 = arith.index_cast %mul3A_334 : i32 to index
      %get3A_439 = tpu.vector_load %arg7[%get3A_436, %get3A_437, %get3A_438] {strides = array<i32>} : memref<2x91x512xf32, #tpu.memory_space<vmem>>, vector<16xf32>,
      %max3A_440 = arith.maximumf %get3A_433, %get3A_439 : vector<16xf32>
      %gt3A_441 = arith.cmpf ogt, %max3A_440, %max3A_424 : vector<16xf32>
      %max3A_442 = arith.maximumf %max3A_424, %max3A_440 : vector<16xf32>
      %broadcast_in_dim3A_443 = arith.constant 11 : i32
      %broadcast_in_dim3A_444 = vector.broadcast %broadcast_in_dim3A_443 : i32 to vector<16xi32>
      %select_n3A_445 = arith.select %gt3A_441, %broadcast_in_dim3A_444, %select_n3A_427 : vector<16xi1>, vector<16xi32>
      %get3A_446 = arith.constant 0 : i32
      %get3A_447 = arith.constant 13 : i32
      %get3A_448 = arith.index_cast %get3A_446 : i32 to index
      %get3A_449 = arith.index_cast %get3A_447 : i32 to index
      %get3A_450 = arith.index_cast %mul3A_334 : i32 to index
      %get3A_451 = tpu.vector_load %arg7[%get3A_448, %get3A_449, %get3A_450] {strides = array<i32>} : memref<2x91x512xf32, #tpu.memory_space<vmem>>, vector<16xf32>,
      %get3A_452 = arith.constant 0 : i32
      %get3A_453 = arith.constant 14 : i32
      %get3A_454 = arith.index_cast %get3A_452 : i32 to index
      %get3A_455 = arith.index_cast %get3A_453 : i32 to index
      %get3A_456 = arith.index_cast %mul3A_334 : i32 to index
      %get3A_457 = tpu.vector_load %arg7[%get3A_454, %get3A_455, %get3A_456] {strides = array<i32>} : memref<2x91x512xf32, #tpu.memory_space<vmem>>, vector<16xf32>,
      %max3A_458 = arith.maximumf %get3A_451, %get3A_457 : vector<16xf32>
      %gt3A_459 = arith.cmpf ogt, %max3A_458, %max3A_442 : vector<16xf32>
      %max3A_460 = arith.maximumf %max3A_442, %max3A_458 : vector<16xf32>
      %broadcast_in_dim3A_461 = arith.constant 13 : i32
      %broadcast_in_dim3A_462 = vector.broadcast %broadcast_in_dim3A_461 : i32 to vector<16xi32>
      %select_n3A_463 = arith.select %gt3A_459, %broadcast_in_dim3A_462, %select_n3A_445 : vector<16xi1>, vector<16xi32>
      %get3A_464 = arith.constant 0 : i32
      %get3A_465 = arith.constant 15 : i32
      %get3A_466 = arith.index_cast %get3A_464 : i32 to index
      %get3A_467 = arith.index_cast %get3A_465 : i32 to index
      %get3A_468 = arith.index_cast %mul3A_334 : i32 to index
      %get3A_469 = tpu.vector_load %arg7[%get3A_466, %get3A_467, %get3A_468] {strides = array<i32>} : memref<2x91x512xf32, #tpu.memory_space<vmem>>, vector<16xf32>,
      %get3A_470 = arith.constant 0 : i32
      %get3A_471 = arith.constant 16 : i32
      %get3A_472 = arith.index_cast %get3A_470 : i32 to index
      %get3A_473 = arith.index_cast %get3A_471 : i32 to index
      %get3A_474 = arith.index_cast %mul3A_334 : i32 to index
      %get3A_475 = tpu.vector_load %arg7[%get3A_472, %get3A_473, %get3A_474] {strides = array<i32>} : memref<2x91x512xf32, #tpu.memory_space<vmem>>, vector<16xf32>,
      %max3A_476 = arith.maximumf %get3A_469, %get3A_475 : vector<16xf32>
      %gt3A_477 = arith.cmpf ogt, %max3A_476, %max3A_460 : vector<16xf32>
      %max3A_478 = arith.maximumf %max3A_460, %max3A_476 : vector<16xf32>
      %broadcast_in_dim3A_479 = arith.constant 15 : i32
      %broadcast_in_dim3A_480 = vector.broadcast %broadcast_in_dim3A_479 : i32 to vector<16xi32>
      %select_n3A_481 = arith.select %gt3A_477, %broadcast_in_dim3A_480, %select_n3A_463 : vector<16xi1>, vector<16xi32>
      %get3A_482 = arith.constant 0 : i32
      %get3A_483 = arith.constant 17 : i32
      %get3A_484 = arith.index_cast %get3A_482 : i32 to index
      %get3A_485 = arith.index_cast %get3A_483 : i32 to index
      %get3A_486 = arith.index_cast %mul3A_334 : i32 to index
      %get3A_487 = tpu.vector_load %arg7[%get3A_484, %get3A_485, %get3A_486] {strides = array<i32>} : memref<2x91x512xf32, #tpu.memory_space<vmem>>, vector<16xf32>,
      %get3A_488 = arith.constant 0 : i32
      %get3A_489 = arith.constant 18 : i32
      %get3A_490 = arith.index_cast %get3A_488 : i32 to index
      %get3A_491 = arith.index_cast %get3A_489 : i32 to index
      %get3A_492 = arith.index_cast %mul3A_334 : i32 to index
      %get3A_493 = tpu.vector_load %arg7[%get3A_490, %get3A_491, %get3A_492] {strides = array<i32>} : memref<2x91x512xf32, #tpu.memory_space<vmem>>, vector<16xf32>,
      %max3A_494 = arith.maximumf %get3A_487, %get3A_493 : vector<16xf32>
      %gt3A_495 = arith.cmpf ogt, %max3A_494, %max3A_478 : vector<16xf32>
      %max3A_496 = arith.maximumf %max3A_478, %max3A_494 : vector<16xf32>
      %broadcast_in_dim3A_497 = arith.constant 17 : i32
      %broadcast_in_dim3A_498 = vector.broadcast %broadcast_in_dim3A_497 : i32 to vector<16xi32>
      %select_n3A_499 = arith.select %gt3A_495, %broadcast_in_dim3A_498, %select_n3A_481 : vector<16xi1>, vector<16xi32>
      %get3A_500 = arith.constant 0 : i32
      %get3A_501 = arith.constant 19 : i32
      %get3A_502 = arith.index_cast %get3A_500 : i32 to index
      %get3A_503 = arith.index_cast %get3A_501 : i32 to index
      %get3A_504 = arith.index_cast %mul3A_334 : i32 to index
      %get3A_505 = tpu.vector_load %arg7[%get3A_502, %get3A_503, %get3A_504] {strides = array<i32>} : memref<2x91x512xf32, #tpu.memory_space<vmem>>, vector<16xf32>,
      %get3A_506 = arith.constant 0 : i32
      %get3A_507 = arith.constant 20 : i32
      %get3A_508 = arith.index_cast %get3A_506 : i32 to index
      %get3A_509 = arith.index_cast %get3A_507 : i32 to index
      %get3A_510 = arith.index_cast %mul3A_334 : i32 to index
      %get3A_511 = tpu.vector_load %arg7[%get3A_508, %get3A_509, %get3A_510] {strides = array<i32>} : memref<2x91x512xf32, #tpu.memory_space<vmem>>, vector<16xf32>,
      %max3A_512 = arith.maximumf %get3A_505, %get3A_511 : vector<16xf32>
      %gt3A_513 = arith.cmpf ogt, %max3A_512, %max3A_496 : vector<16xf32>
      %max3A_514 = arith.maximumf %max3A_496, %max3A_512 : vector<16xf32>
      %broadcast_in_dim3A_515 = arith.constant 19 : i32
      %broadcast_in_dim3A_516 = vector.broadcast %broadcast_in_dim3A_515 : i32 to vector<16xi32>
      %select_n3A_517 = arith.select %gt3A_513, %broadcast_in_dim3A_516, %select_n3A_499 : vector<16xi1>, vector<16xi32>
      %get3A_518 = arith.constant 0 : i32
      %get3A_519 = arith.constant 21 : i32
      %get3A_520 = arith.index_cast %get3A_518 : i32 to index
      %get3A_521 = arith.index_cast %get3A_519 : i32 to index
      %get3A_522 = arith.index_cast %mul3A_334 : i32 to index
      %get3A_523 = tpu.vector_load %arg7[%get3A_520, %get3A_521, %get3A_522] {strides = array<i32>} : memref<2x91x512xf32, #tpu.memory_space<vmem>>, vector<16xf32>,
      %get3A_524 = arith.constant 0 : i32
      %get3A_525 = arith.constant 22 : i32
      %get3A_526 = arith.index_cast %get3A_524 : i32 to index
      %get3A_527 = arith.index_cast %get3A_525 : i32 to index
      %get3A_528 = arith.index_cast %mul3A_334 : i32 to index
      %get3A_529 = tpu.vector_load %arg7[%get3A_526, %get3A_527, %get3A_528] {strides = array<i32>} : memref<2x91x512xf32, #tpu.memory_space<vmem>>, vector<16xf32>,
      %max3A_530 = arith.maximumf %get3A_523, %get3A_529 : vector<16xf32>
      %gt3A_531 = arith.cmpf ogt, %max3A_530, %max3A_514 : vector<16xf32>
      %max3A_532 = arith.maximumf %max3A_514, %max3A_530 : vector<16xf32>
      %broadcast_in_dim3A_533 = arith.constant 21 : i32
      %broadcast_in_dim3A_534 = vector.broadcast %broadcast_in_dim3A_533 : i32 to vector<16xi32>
      %select_n3A_535 = arith.select %gt3A_531, %broadcast_in_dim3A_534, %select_n3A_517 : vector<16xi1>, vector<16xi32>
      %get3A_536 = arith.constant 0 : i32
      %get3A_537 = arith.constant 23 : i32
      %get3A_538 = arith.index_cast %get3A_536 : i32 to index
      %get3A_539 = arith.index_cast %get3A_537 : i32 to index
      %get3A_540 = arith.index_cast %mul3A_334 : i32 to index
      %get3A_541 = tpu.vector_load %arg7[%get3A_538, %get3A_539, %get3A_540] {strides = array<i32>} : memref<2x91x512xf32, #tpu.memory_space<vmem>>, vector<16xf32>,
      %get3A_542 = arith.constant 0 : i32
      %get3A_543 = arith.constant 24 : i32
      %get3A_544 = arith.index_cast %get3A_542 : i32 to index
      %get3A_545 = arith.index_cast %get3A_543 : i32 to index
      %get3A_546 = arith.index_cast %mul3A_334 : i32 to index
      %get3A_547 = tpu.vector_load %arg7[%get3A_544, %get3A_545, %get3A_546] {strides = array<i32>} : memref<2x91x512xf32, #tpu.memory_space<vmem>>, vector<16xf32>,
      %max3A_548 = arith.maximumf %get3A_541, %get3A_547 : vector<16xf32>
      %gt3A_549 = arith.cmpf ogt, %max3A_548, %max3A_532 : vector<16xf32>
      %max3A_550 = arith.maximumf %max3A_532, %max3A_548 : vector<16xf32>
      %broadcast_in_dim3A_551 = arith.constant 23 : i32
      %broadcast_in_dim3A_552 = vector.broadcast %broadcast_in_dim3A_551 : i32 to vector<16xi32>
      %select_n3A_553 = arith.select %gt3A_549, %broadcast_in_dim3A_552, %select_n3A_535 : vector<16xi1>, vector<16xi32>
      %get3A_554 = arith.constant 0 : i32
      %get3A_555 = arith.constant 25 : i32
      %get3A_556 = arith.index_cast %get3A_554 : i32 to index
      %get3A_557 = arith.index_cast %get3A_555 : i32 to index
      %get3A_558 = arith.index_cast %mul3A_334 : i32 to index
      %get3A_559 = tpu.vector_load %arg7[%get3A_556, %get3A_557, %get3A_558] {strides = array<i32>} : memref<2x91x512xf32, #tpu.memory_space<vmem>>, vector<16xf32>,
      %get3A_560 = arith.constant 0 : i32
      %get3A_561 = arith.constant 26 : i32
      %get3A_562 = arith.index_cast %get3A_560 : i32 to index
      %get3A_563 = arith.index_cast %get3A_561 : i32 to index
      %get3A_564 = arith.index_cast %mul3A_334 : i32 to index
      %get3A_565 = tpu.vector_load %arg7[%get3A_562, %get3A_563, %get3A_564] {strides = array<i32>} : memref<2x91x512xf32, #tpu.memory_space<vmem>>, vector<16xf32>,
      %max3A_566 = arith.maximumf %get3A_559, %get3A_565 : vector<16xf32>
      %gt3A_567 = arith.cmpf ogt, %max3A_566, %max3A_550 : vector<16xf32>
      %max3A_568 = arith.maximumf %max3A_550, %max3A_566 : vector<16xf32>
      %broadcast_in_dim3A_569 = arith.constant 25 : i32
      %broadcast_in_dim3A_570 = vector.broadcast %broadcast_in_dim3A_569 : i32 to vector<16xi32>
      %select_n3A_571 = arith.select %gt3A_567, %broadcast_in_dim3A_570, %select_n3A_553 : vector<16xi1>, vector<16xi32>
      %get3A_572 = arith.constant 0 : i32
      %get3A_573 = arith.constant 27 : i32
      %get3A_574 = arith.index_cast %get3A_572 : i32 to index
      %get3A_575 = arith.index_cast %get3A_573 : i32 to index
      %get3A_576 = arith.index_cast %mul3A_334 : i32 to index
      %get3A_577 = tpu.vector_load %arg7[%get3A_574, %get3A_575, %get3A_576] {strides = array<i32>} : memref<2x91x512xf32, #tpu.memory_space<vmem>>, vector<16xf32>,
      %get3A_578 = arith.constant 0 : i32
      %get3A_579 = arith.constant 28 : i32
      %get3A_580 = arith.index_cast %get3A_578 : i32 to index
      %get3A_581 = arith.index_cast %get3A_579 : i32 to index
      %get3A_582 = arith.index_cast %mul3A_334 : i32 to index
      %get3A_583 = tpu.vector_load %arg7[%get3A_580, %get3A_581, %get3A_582] {strides = array<i32>} : memref<2x91x512xf32, #tpu.memory_space<vmem>>, vector<16xf32>,
      %max3A_584 = arith.maximumf %get3A_577, %get3A_583 : vector<16xf32>
      %gt3A_585 = arith.cmpf ogt, %max3A_584, %max3A_568 : vector<16xf32>
      %max3A_586 = arith.maximumf %max3A_568, %max3A_584 : vector<16xf32>
      %broadcast_in_dim3A_587 = arith.constant 27 : i32
      %broadcast_in_dim3A_588 = vector.broadcast %broadcast_in_dim3A_587 : i32 to vector<16xi32>
      %select_n3A_589 = arith.select %gt3A_585, %broadcast_in_dim3A_588, %select_n3A_571 : vector<16xi1>, vector<16xi32>
      %get3A_590 = arith.constant 0 : i32
      %get3A_591 = arith.constant 29 : i32
      %get3A_592 = arith.index_cast %get3A_590 : i32 to index
      %get3A_593 = arith.index_cast %get3A_591 : i32 to index
      %get3A_594 = arith.index_cast %mul3A_334 : i32 to index
      %get3A_595 = tpu.vector_load %arg7[%get3A_592, %get3A_593, %get3A_594] {strides = array<i32>} : memref<2x91x512xf32, #tpu.memory_space<vmem>>, vector<16xf32>,
      %get3A_596 = arith.constant 0 : i32
      %get3A_597 = arith.constant 30 : i32
      %get3A_598 = arith.index_cast %get3A_596 : i32 to index
      %get3A_599 = arith.index_cast %get3A_597 : i32 to index
      %get3A_600 = arith.index_cast %mul3A_334 : i32 to index
      %get3A_601 = tpu.vector_load %arg7[%get3A_598, %get3A_599, %get3A_600] {strides = array<i32>} : memref<2x91x512xf32, #tpu.memory_space<vmem>>, vector<16xf32>,
      %max3A_602 = arith.maximumf %get3A_595, %get3A_601 : vector<16xf32>
      %gt3A_603 = arith.cmpf ogt, %max3A_602, %max3A_586 : vector<16xf32>
      %max3A_604 = arith.maximumf %max3A_586, %max3A_602 : vector<16xf32>
      %broadcast_in_dim3A_605 = arith.constant 29 : i32
      %broadcast_in_dim3A_606 = vector.broadcast %broadcast_in_dim3A_605 : i32 to vector<16xi32>
      %select_n3A_607 = arith.select %gt3A_603, %broadcast_in_dim3A_606, %select_n3A_589 : vector<16xi1>, vector<16xi32>
      %get3A_608 = arith.constant 0 : i32
      %get3A_609 = arith.constant 31 : i32
      %get3A_610 = arith.index_cast %get3A_608 : i32 to index
      %get3A_611 = arith.index_cast %get3A_609 : i32 to index
      %get3A_612 = arith.index_cast %mul3A_334 : i32 to index
      %get3A_613 = tpu.vector_load %arg7[%get3A_610, %get3A_611, %get3A_612] {strides = array<i32>} : memref<2x91x512xf32, #tpu.memory_space<vmem>>, vector<16xf32>,
      %get3A_614 = arith.constant 0 : i32
      %get3A_615 = arith.constant 32 : i32
      %get3A_616 = arith.index_cast %get3A_614 : i32 to index
      %get3A_617 = arith.index_cast %get3A_615 : i32 to index
      %get3A_618 = arith.index_cast %mul3A_334 : i32 to index
      %get3A_619 = tpu.vector_load %arg7[%get3A_616, %get3A_617, %get3A_618] {strides = array<i32>} : memref<2x91x512xf32, #tpu.memory_space<vmem>>, vector<16xf32>,
      %max3A_620 = arith.maximumf %get3A_613, %get3A_619 : vector<16xf32>
      %gt3A_621 = arith.cmpf ogt, %max3A_620, %max3A_604 : vector<16xf32>
      %max3A_622 = arith.maximumf %max3A_604, %max3A_620 : vector<16xf32>
      %broadcast_in_dim3A_623 = arith.constant 31 : i32
      %broadcast_in_dim3A_624 = vector.broadcast %broadcast_in_dim3A_623 : i32 to vector<16xi32>
      %select_n3A_625 = arith.select %gt3A_621, %broadcast_in_dim3A_624, %select_n3A_607 : vector<16xi1>, vector<16xi32>
      %get3A_626 = arith.constant 0 : i32
      %get3A_627 = arith.constant 33 : i32
      %get3A_628 = arith.index_cast %get3A_626 : i32 to index
      %get3A_629 = arith.index_cast %get3A_627 : i32 to index
      %get3A_630 = arith.index_cast %mul3A_334 : i32 to index
      %get3A_631 = tpu.vector_load %arg7[%get3A_628, %get3A_629, %get3A_630] {strides = array<i32>} : memref<2x91x512xf32, #tpu.memory_space<vmem>>, vector<16xf32>,
      %get3A_632 = arith.constant 0 : i32
      %get3A_633 = arith.constant 34 : i32
      %get3A_634 = arith.index_cast %get3A_632 : i32 to index
      %get3A_635 = arith.index_cast %get3A_633 : i32 to index
      %get3A_636 = arith.index_cast %mul3A_334 : i32 to index
      %get3A_637 = tpu.vector_load %arg7[%get3A_634, %get3A_635, %get3A_636] {strides = array<i32>} : memref<2x91x512xf32, #tpu.memory_space<vmem>>, vector<16xf32>,
      %max3A_638 = arith.maximumf %get3A_631, %get3A_637 : vector<16xf32>
      %gt3A_639 = arith.cmpf ogt, %max3A_638, %max3A_622 : vector<16xf32>
      %max3A_640 = arith.maximumf %max3A_622, %max3A_638 : vector<16xf32>
      %broadcast_in_dim3A_641 = arith.constant 33 : i32
      %broadcast_in_dim3A_642 = vector.broadcast %broadcast_in_dim3A_641 : i32 to vector<16xi32>
      %select_n3A_643 = arith.select %gt3A_639, %broadcast_in_dim3A_642, %select_n3A_625 : vector<16xi1>, vector<16xi32>
      %get3A_644 = arith.constant 0 : i32
      %get3A_645 = arith.constant 35 : i32
      %get3A_646 = arith.index_cast %get3A_644 : i32 to index
      %get3A_647 = arith.index_cast %get3A_645 : i32 to index
      %get3A_648 = arith.index_cast %mul3A_334 : i32 to index
      %get3A_649 = tpu.vector_load %arg7[%get3A_646, %get3A_647, %get3A_648] {strides = array<i32>} : memref<2x91x512xf32, #tpu.memory_space<vmem>>, vector<16xf32>,
      %get3A_650 = arith.constant 0 : i32
      %get3A_651 = arith.constant 36 : i32
      %get3A_652 = arith.index_cast %get3A_650 : i32 to index
      %get3A_653 = arith.index_cast %get3A_651 : i32 to index
      %get3A_654 = arith.index_cast %mul3A_334 : i32 to index
      %get3A_655 = tpu.vector_load %arg7[%get3A_652, %get3A_653, %get3A_654] {strides = array<i32>} : memref<2x91x512xf32, #tpu.memory_space<vmem>>, vector<16xf32>,
      %max3A_656 = arith.maximumf %get3A_649, %get3A_655 : vector<16xf32>
      %gt3A_657 = arith.cmpf ogt, %max3A_656, %max3A_640 : vector<16xf32>
      %max3A_658 = arith.maximumf %max3A_640, %max3A_656 : vector<16xf32>
      %broadcast_in_dim3A_659 = arith.constant 35 : i32
      %broadcast_in_dim3A_660 = vector.broadcast %broadcast_in_dim3A_659 : i32 to vector<16xi32>
      %select_n3A_661 = arith.select %gt3A_657, %broadcast_in_dim3A_660, %select_n3A_643 : vector<16xi1>, vector<16xi32>
      %get3A_662 = arith.constant 0 : i32
      %get3A_663 = arith.constant 37 : i32
      %get3A_664 = arith.index_cast %get3A_662 : i32 to index
      %get3A_665 = arith.index_cast %get3A_663 : i32 to index
      %get3A_666 = arith.index_cast %mul3A_334 : i32 to index
      %get3A_667 = tpu.vector_load %arg7[%get3A_664, %get3A_665, %get3A_666] {strides = array<i32>} : memref<2x91x512xf32, #tpu.memory_space<vmem>>, vector<16xf32>,
      %get3A_668 = arith.constant 0 : i32
      %get3A_669 = arith.constant 38 : i32
      %get3A_670 = arith.index_cast %get3A_668 : i32 to index
      %get3A_671 = arith.index_cast %get3A_669 : i32 to index
      %get3A_672 = arith.index_cast %mul3A_334 : i32 to index
      %get3A_673 = tpu.vector_load %arg7[%get3A_670, %get3A_671, %get3A_672] {strides = array<i32>} : memref<2x91x512xf32, #tpu.memory_space<vmem>>, vector<16xf32>,
      %max3A_674 = arith.maximumf %get3A_667, %get3A_673 : vector<16xf32>
      %gt3A_675 = arith.cmpf ogt, %max3A_674, %max3A_658 : vector<16xf32>
      %max3A_676 = arith.maximumf %max3A_658, %max3A_674 : vector<16xf32>
      %broadcast_in_dim3A_677 = arith.constant 37 : i32
      %broadcast_in_dim3A_678 = vector.broadcast %broadcast_in_dim3A_677 : i32 to vector<16xi32>
      %select_n3A_679 = arith.select %gt3A_675, %broadcast_in_dim3A_678, %select_n3A_661 : vector<16xi1>, vector<16xi32>
      %get3A_680 = arith.constant 0 : i32
      %get3A_681 = arith.constant 39 : i32
      %get3A_682 = arith.index_cast %get3A_680 : i32 to index
      %get3A_683 = arith.index_cast %get3A_681 : i32 to index
      %get3A_684 = arith.index_cast %mul3A_334 : i32 to index
      %get3A_685 = tpu.vector_load %arg7[%get3A_682, %get3A_683, %get3A_684] {strides = array<i32>} : memref<2x91x512xf32, #tpu.memory_space<vmem>>, vector<16xf32>,
      %get3A_686 = arith.constant 0 : i32
      %get3A_687 = arith.constant 40 : i32
      %get3A_688 = arith.index_cast %get3A_686 : i32 to index
      %get3A_689 = arith.index_cast %get3A_687 : i32 to index
      %get3A_690 = arith.index_cast %mul3A_334 : i32 to index
      %get3A_691 = tpu.vector_load %arg7[%get3A_688, %get3A_689, %get3A_690] {strides = array<i32>} : memref<2x91x512xf32, #tpu.memory_space<vmem>>, vector<16xf32>,
      %max3A_692 = arith.maximumf %get3A_685, %get3A_691 : vector<16xf32>
      %gt3A_693 = arith.cmpf ogt, %max3A_692, %max3A_676 : vector<16xf32>
      %max3A_694 = arith.maximumf %max3A_676, %max3A_692 : vector<16xf32>
      %broadcast_in_dim3A_695 = arith.constant 39 : i32
      %broadcast_in_dim3A_696 = vector.broadcast %broadcast_in_dim3A_695 : i32 to vector<16xi32>
      %select_n3A_697 = arith.select %gt3A_693, %broadcast_in_dim3A_696, %select_n3A_679 : vector<16xi1>, vector<16xi32>
      %get3A_698 = arith.constant 0 : i32
      %get3A_699 = arith.constant 41 : i32
      %get3A_700 = arith.index_cast %get3A_698 : i32 to index
      %get3A_701 = arith.index_cast %get3A_699 : i32 to index
      %get3A_702 = arith.index_cast %mul3A_334 : i32 to index
      %get3A_703 = tpu.vector_load %arg7[%get3A_700, %get3A_701, %get3A_702] {strides = array<i32>} : memref<2x91x512xf32, #tpu.memory_space<vmem>>, vector<16xf32>,
      %get3A_704 = arith.constant 0 : i32
      %get3A_705 = arith.constant 42 : i32
      %get3A_706 = arith.index_cast %get3A_704 : i32 to index
      %get3A_707 = arith.index_cast %get3A_705 : i32 to index
      %get3A_708 = arith.index_cast %mul3A_334 : i32 to index
      %get3A_709 = tpu.vector_load %arg7[%get3A_706, %get3A_707, %get3A_708] {strides = array<i32>} : memref<2x91x512xf32, #tpu.memory_space<vmem>>, vector<16xf32>,
      %max3A_710 = arith.maximumf %get3A_703, %get3A_709 : vector<16xf32>
      %gt3A_711 = arith.cmpf ogt, %max3A_710, %max3A_694 : vector<16xf32>
      %max3A_712 = arith.maximumf %max3A_694, %max3A_710 : vector<16xf32>
      %broadcast_in_dim3A_713 = arith.constant 41 : i32
      %broadcast_in_dim3A_714 = vector.broadcast %broadcast_in_dim3A_713 : i32 to vector<16xi32>
      %select_n3A_715 = arith.select %gt3A_711, %broadcast_in_dim3A_714, %select_n3A_697 : vector<16xi1>, vector<16xi32>
      %get3A_716 = arith.constant 0 : i32
      %get3A_717 = arith.constant 43 : i32
      %get3A_718 = arith.index_cast %get3A_716 : i32 to index
      %get3A_719 = arith.index_cast %get3A_717 : i32 to index
      %get3A_720 = arith.index_cast %mul3A_334 : i32 to index
      %get3A_721 = tpu.vector_load %arg7[%get3A_718, %get3A_719, %get3A_720] {strides = array<i32>} : memref<2x91x512xf32, #tpu.memory_space<vmem>>, vector<16xf32>,
      %get3A_722 = arith.constant 0 : i32
      %get3A_723 = arith.constant 44 : i32
      %get3A_724 = arith.index_cast %get3A_722 : i32 to index
      %get3A_725 = arith.index_cast %get3A_723 : i32 to index
      %get3A_726 = arith.index_cast %mul3A_334 : i32 to index
      %get3A_727 = tpu.vector_load %arg7[%get3A_724, %get3A_725, %get3A_726] {strides = array<i32>} : memref<2x91x512xf32, #tpu.memory_space<vmem>>, vector<16xf32>,
      %max3A_728 = arith.maximumf %get3A_721, %get3A_727 : vector<16xf32>
      %gt3A_729 = arith.cmpf ogt, %max3A_728, %max3A_712 : vector<16xf32>
      %max3A_730 = arith.maximumf %max3A_712, %max3A_728 : vector<16xf32>
      %broadcast_in_dim3A_731 = arith.constant 43 : i32
      %broadcast_in_dim3A_732 = vector.broadcast %broadcast_in_dim3A_731 : i32 to vector<16xi32>
      %select_n3A_733 = arith.select %gt3A_729, %broadcast_in_dim3A_732, %select_n3A_715 : vector<16xi1>, vector<16xi32>
      %get3A_734 = arith.constant 0 : i32
      %get3A_735 = arith.constant 45 : i32
      %get3A_736 = arith.index_cast %get3A_734 : i32 to index
      %get3A_737 = arith.index_cast %get3A_735 : i32 to index
      %get3A_738 = arith.index_cast %mul3A_334 : i32 to index
      %get3A_739 = tpu.vector_load %arg7[%get3A_736, %get3A_737, %get3A_738] {strides = array<i32>} : memref<2x91x512xf32, #tpu.memory_space<vmem>>, vector<16xf32>,
      %get3A_740 = arith.constant 0 : i32
      %get3A_741 = arith.constant 46 : i32
      %get3A_742 = arith.index_cast %get3A_740 : i32 to index
      %get3A_743 = arith.index_cast %get3A_741 : i32 to index
      %get3A_744 = arith.index_cast %mul3A_334 : i32 to index
      %get3A_745 = tpu.vector_load %arg7[%get3A_742, %get3A_743, %get3A_744] {strides = array<i32>} : memref<2x91x512xf32, #tpu.memory_space<vmem>>, vector<16xf32>,
      %max3A_746 = arith.maximumf %get3A_739, %get3A_745 : vector<16xf32>
      %gt3A_747 = arith.cmpf ogt, %max3A_746, %max3A_730 : vector<16xf32>
      %max3A_748 = arith.maximumf %max3A_730, %max3A_746 : vector<16xf32>
      %broadcast_in_dim3A_749 = arith.constant 45 : i32
      %broadcast_in_dim3A_750 = vector.broadcast %broadcast_in_dim3A_749 : i32 to vector<16xi32>
      %select_n3A_751 = arith.select %gt3A_747, %broadcast_in_dim3A_750, %select_n3A_733 : vector<16xi1>, vector<16xi32>
      %get3A_752 = arith.constant 0 : i32
      %get3A_753 = arith.constant 47 : i32
      %get3A_754 = arith.index_cast %get3A_752 : i32 to index
      %get3A_755 = arith.index_cast %get3A_753 : i32 to index
      %get3A_756 = arith.index_cast %mul3A_334 : i32 to index
      %get3A_757 = tpu.vector_load %arg7[%get3A_754, %get3A_755, %get3A_756] {strides = array<i32>} : memref<2x91x512xf32, #tpu.memory_space<vmem>>, vector<16xf32>,
      %get3A_758 = arith.constant 0 : i32
      %get3A_759 = arith.constant 48 : i32
      %get3A_760 = arith.index_cast %get3A_758 : i32 to index
      %get3A_761 = arith.index_cast %get3A_759 : i32 to index
      %get3A_762 = arith.index_cast %mul3A_334 : i32 to index
      %get3A_763 = tpu.vector_load %arg7[%get3A_760, %get3A_761, %get3A_762] {strides = array<i32>} : memref<2x91x512xf32, #tpu.memory_space<vmem>>, vector<16xf32>,
      %max3A_764 = arith.maximumf %get3A_757, %get3A_763 : vector<16xf32>
      %gt3A_765 = arith.cmpf ogt, %max3A_764, %max3A_748 : vector<16xf32>
      %max3A_766 = arith.maximumf %max3A_748, %max3A_764 : vector<16xf32>
      %broadcast_in_dim3A_767 = arith.constant 47 : i32
      %broadcast_in_dim3A_768 = vector.broadcast %broadcast_in_dim3A_767 : i32 to vector<16xi32>
      %select_n3A_769 = arith.select %gt3A_765, %broadcast_in_dim3A_768, %select_n3A_751 : vector<16xi1>, vector<16xi32>
      %get3A_770 = arith.constant 0 : i32
      %get3A_771 = arith.constant 49 : i32
      %get3A_772 = arith.index_cast %get3A_770 : i32 to index
      %get3A_773 = arith.index_cast %get3A_771 : i32 to index
      %get3A_774 = arith.index_cast %mul3A_334 : i32 to index
      %get3A_775 = tpu.vector_load %arg7[%get3A_772, %get3A_773, %get3A_774] {strides = array<i32>} : memref<2x91x512xf32, #tpu.memory_space<vmem>>, vector<16xf32>,
      %get3A_776 = arith.constant 0 : i32
      %get3A_777 = arith.constant 50 : i32
      %get3A_778 = arith.index_cast %get3A_776 : i32 to index
      %get3A_779 = arith.index_cast %get3A_777 : i32 to index
      %get3A_780 = arith.index_cast %mul3A_334 : i32 to index
      %get3A_781 = tpu.vector_load %arg7[%get3A_778, %get3A_779, %get3A_780] {strides = array<i32>} : memref<2x91x512xf32, #tpu.memory_space<vmem>>, vector<16xf32>,
      %max3A_782 = arith.maximumf %get3A_775, %get3A_781 : vector<16xf32>
      %gt3A_783 = arith.cmpf ogt, %max3A_782, %max3A_766 : vector<16xf32>
      %max3A_784 = arith.maximumf %max3A_766, %max3A_782 : vector<16xf32>
      %broadcast_in_dim3A_785 = arith.constant 49 : i32
      %broadcast_in_dim3A_786 = vector.broadcast %broadcast_in_dim3A_785 : i32 to vector<16xi32>
      %select_n3A_787 = arith.select %gt3A_783, %broadcast_in_dim3A_786, %select_n3A_769 : vector<16xi1>, vector<16xi32>
      %get3A_788 = arith.constant 0 : i32
      %get3A_789 = arith.constant 51 : i32
      %get3A_790 = arith.index_cast %get3A_788 : i32 to index
      %get3A_791 = arith.index_cast %get3A_789 : i32 to index
      %get3A_792 = arith.index_cast %mul3A_334 : i32 to index
      %get3A_793 = tpu.vector_load %arg7[%get3A_790, %get3A_791, %get3A_792] {strides = array<i32>} : memref<2x91x512xf32, #tpu.memory_space<vmem>>, vector<16xf32>,
      %get3A_794 = arith.constant 0 : i32
      %get3A_795 = arith.constant 52 : i32
      %get3A_796 = arith.index_cast %get3A_794 : i32 to index
      %get3A_797 = arith.index_cast %get3A_795 : i32 to index
      %get3A_798 = arith.index_cast %mul3A_334 : i32 to index
      %get3A_799 = tpu.vector_load %arg7[%get3A_796, %get3A_797, %get3A_798] {strides = array<i32>} : memref<2x91x512xf32, #tpu.memory_space<vmem>>, vector<16xf32>,
      %max3A_800 = arith.maximumf %get3A_793, %get3A_799 : vector<16xf32>
      %gt3A_801 = arith.cmpf ogt, %max3A_800, %max3A_784 : vector<16xf32>
      %max3A_802 = arith.maximumf %max3A_784, %max3A_800 : vector<16xf32>
      %broadcast_in_dim3A_803 = arith.constant 51 : i32
      %broadcast_in_dim3A_804 = vector.broadcast %broadcast_in_dim3A_803 : i32 to vector<16xi32>
      %select_n3A_805 = arith.select %gt3A_801, %broadcast_in_dim3A_804, %select_n3A_787 : vector<16xi1>, vector<16xi32>
      %get3A_806 = arith.constant 0 : i32
      %get3A_807 = arith.constant 53 : i32
      %get3A_808 = arith.index_cast %get3A_806 : i32 to index
      %get3A_809 = arith.index_cast %get3A_807 : i32 to index
      %get3A_810 = arith.index_cast %mul3A_334 : i32 to index
      %get3A_811 = tpu.vector_load %arg7[%get3A_808, %get3A_809, %get3A_810] {strides = array<i32>} : memref<2x91x512xf32, #tpu.memory_space<vmem>>, vector<16xf32>,
      %get3A_812 = arith.constant 0 : i32
      %get3A_813 = arith.constant 54 : i32
      %get3A_814 = arith.index_cast %get3A_812 : i32 to index
      %get3A_815 = arith.index_cast %get3A_813 : i32 to index
      %get3A_816 = arith.index_cast %mul3A_334 : i32 to index
      %get3A_817 = tpu.vector_load %arg7[%get3A_814, %get3A_815, %get3A_816] {strides = array<i32>} : memref<2x91x512xf32, #tpu.memory_space<vmem>>, vector<16xf32>,
      %max3A_818 = arith.maximumf %get3A_811, %get3A_817 : vector<16xf32>
      %gt3A_819 = arith.cmpf ogt, %max3A_818, %max3A_802 : vector<16xf32>
      %max3A_820 = arith.maximumf %max3A_802, %max3A_818 : vector<16xf32>
      %broadcast_in_dim3A_821 = arith.constant 53 : i32
      %broadcast_in_dim3A_822 = vector.broadcast %broadcast_in_dim3A_821 : i32 to vector<16xi32>
      %select_n3A_823 = arith.select %gt3A_819, %broadcast_in_dim3A_822, %select_n3A_805 : vector<16xi1>, vector<16xi32>
      %get3A_824 = arith.constant 0 : i32
      %get3A_825 = arith.constant 55 : i32
      %get3A_826 = arith.index_cast %get3A_824 : i32 to index
      %get3A_827 = arith.index_cast %get3A_825 : i32 to index
      %get3A_828 = arith.index_cast %mul3A_334 : i32 to index
      %get3A_829 = tpu.vector_load %arg7[%get3A_826, %get3A_827, %get3A_828] {strides = array<i32>} : memref<2x91x512xf32, #tpu.memory_space<vmem>>, vector<16xf32>,
      %get3A_830 = arith.constant 0 : i32
      %get3A_831 = arith.constant 56 : i32
      %get3A_832 = arith.index_cast %get3A_830 : i32 to index
      %get3A_833 = arith.index_cast %get3A_831 : i32 to index
      %get3A_834 = arith.index_cast %mul3A_334 : i32 to index
      %get3A_835 = tpu.vector_load %arg7[%get3A_832, %get3A_833, %get3A_834] {strides = array<i32>} : memref<2x91x512xf32, #tpu.memory_space<vmem>>, vector<16xf32>,
      %max3A_836 = arith.maximumf %get3A_829, %get3A_835 : vector<16xf32>
      %gt3A_837 = arith.cmpf ogt, %max3A_836, %max3A_820 : vector<16xf32>
      %max3A_838 = arith.maximumf %max3A_820, %max3A_836 : vector<16xf32>
      %broadcast_in_dim3A_839 = arith.constant 55 : i32
      %broadcast_in_dim3A_840 = vector.broadcast %broadcast_in_dim3A_839 : i32 to vector<16xi32>
      %select_n3A_841 = arith.select %gt3A_837, %broadcast_in_dim3A_840, %select_n3A_823 : vector<16xi1>, vector<16xi32>
      %get3A_842 = arith.constant 0 : i32
      %get3A_843 = arith.constant 57 : i32
      %get3A_844 = arith.index_cast %get3A_842 : i32 to index
      %get3A_845 = arith.index_cast %get3A_843 : i32 to index
      %get3A_846 = arith.index_cast %mul3A_334 : i32 to index
      %get3A_847 = tpu.vector_load %arg7[%get3A_844, %get3A_845, %get3A_846] {strides = array<i32>} : memref<2x91x512xf32, #tpu.memory_space<vmem>>, vector<16xf32>,
      %get3A_848 = arith.constant 0 : i32
      %get3A_849 = arith.constant 58 : i32
      %get3A_850 = arith.index_cast %get3A_848 : i32 to index
      %get3A_851 = arith.index_cast %get3A_849 : i32 to index
      %get3A_852 = arith.index_cast %mul3A_334 : i32 to index
      %get3A_853 = tpu.vector_load %arg7[%get3A_850, %get3A_851, %get3A_852] {strides = array<i32>} : memref<2x91x512xf32, #tpu.memory_space<vmem>>, vector<16xf32>,
      %max3A_854 = arith.maximumf %get3A_847, %get3A_853 : vector<16xf32>
      %gt3A_855 = arith.cmpf ogt, %max3A_854, %max3A_838 : vector<16xf32>
      %max3A_856 = arith.maximumf %max3A_838, %max3A_854 : vector<16xf32>
      %broadcast_in_dim3A_857 = arith.constant 57 : i32
      %broadcast_in_dim3A_858 = vector.broadcast %broadcast_in_dim3A_857 : i32 to vector<16xi32>
      %select_n3A_859 = arith.select %gt3A_855, %broadcast_in_dim3A_858, %select_n3A_841 : vector<16xi1>, vector<16xi32>
      %get3A_860 = arith.constant 0 : i32
      %get3A_861 = arith.constant 59 : i32
      %get3A_862 = arith.index_cast %get3A_860 : i32 to index
      %get3A_863 = arith.index_cast %get3A_861 : i32 to index
      %get3A_864 = arith.index_cast %mul3A_334 : i32 to index
      %get3A_865 = tpu.vector_load %arg7[%get3A_862, %get3A_863, %get3A_864] {strides = array<i32>} : memref<2x91x512xf32, #tpu.memory_space<vmem>>, vector<16xf32>,
      %get3A_866 = arith.constant 0 : i32
      %get3A_867 = arith.constant 60 : i32
      %get3A_868 = arith.index_cast %get3A_866 : i32 to index
      %get3A_869 = arith.index_cast %get3A_867 : i32 to index
      %get3A_870 = arith.index_cast %mul3A_334 : i32 to index
      %get3A_871 = tpu.vector_load %arg7[%get3A_868, %get3A_869, %get3A_870] {strides = array<i32>} : memref<2x91x512xf32, #tpu.memory_space<vmem>>, vector<16xf32>,
      %max3A_872 = arith.maximumf %get3A_865, %get3A_871 : vector<16xf32>
      %gt3A_873 = arith.cmpf ogt, %max3A_872, %max3A_856 : vector<16xf32>
      %max3A_874 = arith.maximumf %max3A_856, %max3A_872 : vector<16xf32>
      %broadcast_in_dim3A_875 = arith.constant 59 : i32
      %broadcast_in_dim3A_876 = vector.broadcast %broadcast_in_dim3A_875 : i32 to vector<16xi32>
      %select_n3A_877 = arith.select %gt3A_873, %broadcast_in_dim3A_876, %select_n3A_859 : vector<16xi1>, vector<16xi32>
      %get3A_878 = arith.constant 0 : i32
      %get3A_879 = arith.constant 61 : i32
      %get3A_880 = arith.index_cast %get3A_878 : i32 to index
      %get3A_881 = arith.index_cast %get3A_879 : i32 to index
      %get3A_882 = arith.index_cast %mul3A_334 : i32 to index
      %get3A_883 = tpu.vector_load %arg7[%get3A_880, %get3A_881, %get3A_882] {strides = array<i32>} : memref<2x91x512xf32, #tpu.memory_space<vmem>>, vector<16xf32>,
      %get3A_884 = arith.constant 0 : i32
      %get3A_885 = arith.constant 62 : i32
      %get3A_886 = arith.index_cast %get3A_884 : i32 to index
      %get3A_887 = arith.index_cast %get3A_885 : i32 to index
      %get3A_888 = arith.index_cast %mul3A_334 : i32 to index
      %get3A_889 = tpu.vector_load %arg7[%get3A_886, %get3A_887, %get3A_888] {strides = array<i32>} : memref<2x91x512xf32, #tpu.memory_space<vmem>>, vector<16xf32>,
      %max3A_890 = arith.maximumf %get3A_883, %get3A_889 : vector<16xf32>
      %gt3A_891 = arith.cmpf ogt, %max3A_890, %max3A_874 : vector<16xf32>
      %max3A_892 = arith.maximumf %max3A_874, %max3A_890 : vector<16xf32>
      %broadcast_in_dim3A_893 = arith.constant 61 : i32
      %broadcast_in_dim3A_894 = vector.broadcast %broadcast_in_dim3A_893 : i32 to vector<16xi32>
      %select_n3A_895 = arith.select %gt3A_891, %broadcast_in_dim3A_894, %select_n3A_877 : vector<16xi1>, vector<16xi32>
      %get3A_896 = arith.constant 0 : i32
      %get3A_897 = arith.constant 63 : i32
      %get3A_898 = arith.index_cast %get3A_896 : i32 to index
      %get3A_899 = arith.index_cast %get3A_897 : i32 to index
      %get3A_900 = arith.index_cast %mul3A_334 : i32 to index
      %get3A_901 = tpu.vector_load %arg7[%get3A_898, %get3A_899, %get3A_900] {strides = array<i32>} : memref<2x91x512xf32, #tpu.memory_space<vmem>>, vector<16xf32>,
      %get3A_902 = arith.constant 0 : i32
      %get3A_903 = arith.constant 64 : i32
      %get3A_904 = arith.index_cast %get3A_902 : i32 to index
      %get3A_905 = arith.index_cast %get3A_903 : i32 to index
      %get3A_906 = arith.index_cast %mul3A_334 : i32 to index
      %get3A_907 = tpu.vector_load %arg7[%get3A_904, %get3A_905, %get3A_906] {strides = array<i32>} : memref<2x91x512xf32, #tpu.memory_space<vmem>>, vector<16xf32>,
      %max3A_908 = arith.maximumf %get3A_901, %get3A_907 : vector<16xf32>
      %gt3A_909 = arith.cmpf ogt, %max3A_908, %max3A_892 : vector<16xf32>
      %max3A_910 = arith.maximumf %max3A_892, %max3A_908 : vector<16xf32>
      %broadcast_in_dim3A_911 = arith.constant 63 : i32
      %broadcast_in_dim3A_912 = vector.broadcast %broadcast_in_dim3A_911 : i32 to vector<16xi32>
      %select_n3A_913 = arith.select %gt3A_909, %broadcast_in_dim3A_912, %select_n3A_895 : vector<16xi1>, vector<16xi32>
      %get3A_914 = arith.constant 0 : i32
      %get3A_915 = arith.constant 65 : i32
      %get3A_916 = arith.index_cast %get3A_914 : i32 to index
      %get3A_917 = arith.index_cast %get3A_915 : i32 to index
      %get3A_918 = arith.index_cast %mul3A_334 : i32 to index
      %get3A_919 = tpu.vector_load %arg7[%get3A_916, %get3A_917, %get3A_918] {strides = array<i32>} : memref<2x91x512xf32, #tpu.memory_space<vmem>>, vector<16xf32>,
      %get3A_920 = arith.constant 0 : i32
      %get3A_921 = arith.constant 66 : i32
      %get3A_922 = arith.index_cast %get3A_920 : i32 to index
      %get3A_923 = arith.index_cast %get3A_921 : i32 to index
      %get3A_924 = arith.index_cast %mul3A_334 : i32 to index
      %get3A_925 = tpu.vector_load %arg7[%get3A_922, %get3A_923, %get3A_924] {strides = array<i32>} : memref<2x91x512xf32, #tpu.memory_space<vmem>>, vector<16xf32>,
      %max3A_926 = arith.maximumf %get3A_919, %get3A_925 : vector<16xf32>
      %gt3A_927 = arith.cmpf ogt, %max3A_926, %max3A_910 : vector<16xf32>
      %max3A_928 = arith.maximumf %max3A_910, %max3A_926 : vector<16xf32>
      %broadcast_in_dim3A_929 = arith.constant 65 : i32
      %broadcast_in_dim3A_930 = vector.broadcast %broadcast_in_dim3A_929 : i32 to vector<16xi32>
      %select_n3A_931 = arith.select %gt3A_927, %broadcast_in_dim3A_930, %select_n3A_913 : vector<16xi1>, vector<16xi32>
      %get3A_932 = arith.constant 0 : i32
      %get3A_933 = arith.constant 67 : i32
      %get3A_934 = arith.index_cast %get3A_932 : i32 to index
      %get3A_935 = arith.index_cast %get3A_933 : i32 to index
      %get3A_936 = arith.index_cast %mul3A_334 : i32 to index
      %get3A_937 = tpu.vector_load %arg7[%get3A_934, %get3A_935, %get3A_936] {strides = array<i32>} : memref<2x91x512xf32, #tpu.memory_space<vmem>>, vector<16xf32>,
      %get3A_938 = arith.constant 0 : i32
      %get3A_939 = arith.constant 68 : i32
      %get3A_940 = arith.index_cast %get3A_938 : i32 to index
      %get3A_941 = arith.index_cast %get3A_939 : i32 to index
      %get3A_942 = arith.index_cast %mul3A_334 : i32 to index
      %get3A_943 = tpu.vector_load %arg7[%get3A_940, %get3A_941, %get3A_942] {strides = array<i32>} : memref<2x91x512xf32, #tpu.memory_space<vmem>>, vector<16xf32>,
      %max3A_944 = arith.maximumf %get3A_937, %get3A_943 : vector<16xf32>
      %gt3A_945 = arith.cmpf ogt, %max3A_944, %max3A_928 : vector<16xf32>
      %max3A_946 = arith.maximumf %max3A_928, %max3A_944 : vector<16xf32>
      %broadcast_in_dim3A_947 = arith.constant 67 : i32
      %broadcast_in_dim3A_948 = vector.broadcast %broadcast_in_dim3A_947 : i32 to vector<16xi32>
      %select_n3A_949 = arith.select %gt3A_945, %broadcast_in_dim3A_948, %select_n3A_931 : vector<16xi1>, vector<16xi32>
      %get3A_950 = arith.constant 0 : i32
      %get3A_951 = arith.constant 69 : i32
      %get3A_952 = arith.index_cast %get3A_950 : i32 to index
      %get3A_953 = arith.index_cast %get3A_951 : i32 to index
      %get3A_954 = arith.index_cast %mul3A_334 : i32 to index
      %get3A_955 = tpu.vector_load %arg7[%get3A_952, %get3A_953, %get3A_954] {strides = array<i32>} : memref<2x91x512xf32, #tpu.memory_space<vmem>>, vector<16xf32>,
      %get3A_956 = arith.constant 0 : i32
      %get3A_957 = arith.constant 70 : i32
      %get3A_958 = arith.index_cast %get3A_956 : i32 to index
      %get3A_959 = arith.index_cast %get3A_957 : i32 to index
      %get3A_960 = arith.index_cast %mul3A_334 : i32 to index
      %get3A_961 = tpu.vector_load %arg7[%get3A_958, %get3A_959, %get3A_960] {strides = array<i32>} : memref<2x91x512xf32, #tpu.memory_space<vmem>>, vector<16xf32>,
      %max3A_962 = arith.maximumf %get3A_955, %get3A_961 : vector<16xf32>
      %gt3A_963 = arith.cmpf ogt, %max3A_962, %max3A_946 : vector<16xf32>
      %max3A_964 = arith.maximumf %max3A_946, %max3A_962 : vector<16xf32>
      %broadcast_in_dim3A_965 = arith.constant 69 : i32
      %broadcast_in_dim3A_966 = vector.broadcast %broadcast_in_dim3A_965 : i32 to vector<16xi32>
      %select_n3A_967 = arith.select %gt3A_963, %broadcast_in_dim3A_966, %select_n3A_949 : vector<16xi1>, vector<16xi32>
      %get3A_968 = arith.constant 0 : i32
      %get3A_969 = arith.constant 71 : i32
      %get3A_970 = arith.index_cast %get3A_968 : i32 to index
      %get3A_971 = arith.index_cast %get3A_969 : i32 to index
      %get3A_972 = arith.index_cast %mul3A_334 : i32 to index
      %get3A_973 = tpu.vector_load %arg7[%get3A_970, %get3A_971, %get3A_972] {strides = array<i32>} : memref<2x91x512xf32, #tpu.memory_space<vmem>>, vector<16xf32>,
      %get3A_974 = arith.constant 0 : i32
      %get3A_975 = arith.constant 72 : i32
      %get3A_976 = arith.index_cast %get3A_974 : i32 to index
      %get3A_977 = arith.index_cast %get3A_975 : i32 to index
      %get3A_978 = arith.index_cast %mul3A_334 : i32 to index
      %get3A_979 = tpu.vector_load %arg7[%get3A_976, %get3A_977, %get3A_978] {strides = array<i32>} : memref<2x91x512xf32, #tpu.memory_space<vmem>>, vector<16xf32>,
      %max3A_980 = arith.maximumf %get3A_973, %get3A_979 : vector<16xf32>
      %gt3A_981 = arith.cmpf ogt, %max3A_980, %max3A_964 : vector<16xf32>
      %max3A_982 = arith.maximumf %max3A_964, %max3A_980 : vector<16xf32>
      %broadcast_in_dim3A_983 = arith.constant 71 : i32
      %broadcast_in_dim3A_984 = vector.broadcast %broadcast_in_dim3A_983 : i32 to vector<16xi32>
      %select_n3A_985 = arith.select %gt3A_981, %broadcast_in_dim3A_984, %select_n3A_967 : vector<16xi1>, vector<16xi32>
      %get3A_986 = arith.constant 0 : i32
      %get3A_987 = arith.constant 73 : i32
      %get3A_988 = arith.index_cast %get3A_986 : i32 to index
      %get3A_989 = arith.index_cast %get3A_987 : i32 to index
      %get3A_990 = arith.index_cast %mul3A_334 : i32 to index
      %get3A_991 = tpu.vector_load %arg7[%get3A_988, %get3A_989, %get3A_990] {strides = array<i32>} : memref<2x91x512xf32, #tpu.memory_space<vmem>>, vector<16xf32>,
      %get3A_992 = arith.constant 0 : i32
      %get3A_993 = arith.constant 74 : i32
      %get3A_994 = arith.index_cast %get3A_992 : i32 to index
      %get3A_995 = arith.index_cast %get3A_993 : i32 to index
      %get3A_996 = arith.index_cast %mul3A_334 : i32 to index
      %get3A_997 = tpu.vector_load %arg7[%get3A_994, %get3A_995, %get3A_996] {strides = array<i32>} : memref<2x91x512xf32, #tpu.memory_space<vmem>>, vector<16xf32>,
      %max3A_998 = arith.maximumf %get3A_991, %get3A_997 : vector<16xf32>
      %gt3A_999 = arith.cmpf ogt, %max3A_998, %max3A_982 : vector<16xf32>
      %max3A_1000 = arith.maximumf %max3A_982, %max3A_998 : vector<16xf32>
      %broadcast_in_dim3A_1001 = arith.constant 73 : i32
      %broadcast_in_dim3A_1002 = vector.broadcast %broadcast_in_dim3A_1001 : i32 to vector<16xi32>
      %select_n3A_1003 = arith.select %gt3A_999, %broadcast_in_dim3A_1002, %select_n3A_985 : vector<16xi1>, vector<16xi32>
      %get3A_1004 = arith.constant 0 : i32
      %get3A_1005 = arith.constant 75 : i32
      %get3A_1006 = arith.index_cast %get3A_1004 : i32 to index
      %get3A_1007 = arith.index_cast %get3A_1005 : i32 to index
      %get3A_1008 = arith.index_cast %mul3A_334 : i32 to index
      %get3A_1009 = tpu.vector_load %arg7[%get3A_1006, %get3A_1007, %get3A_1008] {strides = array<i32>} : memref<2x91x512xf32, #tpu.memory_space<vmem>>, vector<16xf32>,
      %get3A_1010 = arith.constant 0 : i32
      %get3A_1011 = arith.constant 76 : i32
      %get3A_1012 = arith.index_cast %get3A_1010 : i32 to index
      %get3A_1013 = arith.index_cast %get3A_1011 : i32 to index
      %get3A_1014 = arith.index_cast %mul3A_334 : i32 to index
      %get3A_1015 = tpu.vector_load %arg7[%get3A_1012, %get3A_1013, %get3A_1014] {strides = array<i32>} : memref<2x91x512xf32, #tpu.memory_space<vmem>>, vector<16xf32>,
      %max3A_1016 = arith.maximumf %get3A_1009, %get3A_1015 : vector<16xf32>
      %gt3A_1017 = arith.cmpf ogt, %max3A_1016, %max3A_1000 : vector<16xf32>
      %max3A_1018 = arith.maximumf %max3A_1000, %max3A_1016 : vector<16xf32>
      %broadcast_in_dim3A_1019 = arith.constant 75 : i32
      %broadcast_in_dim3A_1020 = vector.broadcast %broadcast_in_dim3A_1019 : i32 to vector<16xi32>
      %select_n3A_1021 = arith.select %gt3A_1017, %broadcast_in_dim3A_1020, %select_n3A_1003 : vector<16xi1>, vector<16xi32>
      %get3A_1022 = arith.constant 0 : i32
      %get3A_1023 = arith.constant 77 : i32
      %get3A_1024 = arith.index_cast %get3A_1022 : i32 to index
      %get3A_1025 = arith.index_cast %get3A_1023 : i32 to index
      %get3A_1026 = arith.index_cast %mul3A_334 : i32 to index
      %get3A_1027 = tpu.vector_load %arg7[%get3A_1024, %get3A_1025, %get3A_1026] {strides = array<i32>} : memref<2x91x512xf32, #tpu.memory_space<vmem>>, vector<16xf32>,
      %get3A_1028 = arith.constant 0 : i32
      %get3A_1029 = arith.constant 78 : i32
      %get3A_1030 = arith.index_cast %get3A_1028 : i32 to index
      %get3A_1031 = arith.index_cast %get3A_1029 : i32 to index
      %get3A_1032 = arith.index_cast %mul3A_334 : i32 to index
      %get3A_1033 = tpu.vector_load %arg7[%get3A_1030, %get3A_1031, %get3A_1032] {strides = array<i32>} : memref<2x91x512xf32, #tpu.memory_space<vmem>>, vector<16xf32>,
      %max3A_1034 = arith.maximumf %get3A_1027, %get3A_1033 : vector<16xf32>
      %gt3A_1035 = arith.cmpf ogt, %max3A_1034, %max3A_1018 : vector<16xf32>
      %max3A_1036 = arith.maximumf %max3A_1018, %max3A_1034 : vector<16xf32>
      %broadcast_in_dim3A_1037 = arith.constant 77 : i32
      %broadcast_in_dim3A_1038 = vector.broadcast %broadcast_in_dim3A_1037 : i32 to vector<16xi32>
      %select_n3A_1039 = arith.select %gt3A_1035, %broadcast_in_dim3A_1038, %select_n3A_1021 : vector<16xi1>, vector<16xi32>
      %get3A_1040 = arith.constant 0 : i32
      %get3A_1041 = arith.constant 79 : i32
      %get3A_1042 = arith.index_cast %get3A_1040 : i32 to index
      %get3A_1043 = arith.index_cast %get3A_1041 : i32 to index
      %get3A_1044 = arith.index_cast %mul3A_334 : i32 to index
      %get3A_1045 = tpu.vector_load %arg7[%get3A_1042, %get3A_1043, %get3A_1044] {strides = array<i32>} : memref<2x91x512xf32, #tpu.memory_space<vmem>>, vector<16xf32>,
      %get3A_1046 = arith.constant 0 : i32
      %get3A_1047 = arith.constant 80 : i32
      %get3A_1048 = arith.index_cast %get3A_1046 : i32 to index
      %get3A_1049 = arith.index_cast %get3A_1047 : i32 to index
      %get3A_1050 = arith.index_cast %mul3A_334 : i32 to index
      %get3A_1051 = tpu.vector_load %arg7[%get3A_1048, %get3A_1049, %get3A_1050] {strides = array<i32>} : memref<2x91x512xf32, #tpu.memory_space<vmem>>, vector<16xf32>,
      %max3A_1052 = arith.maximumf %get3A_1045, %get3A_1051 : vector<16xf32>
      %gt3A_1053 = arith.cmpf ogt, %max3A_1052, %max3A_1036 : vector<16xf32>
      %max3A_1054 = arith.maximumf %max3A_1036, %max3A_1052 : vector<16xf32>
      %broadcast_in_dim3A_1055 = arith.constant 79 : i32
      %broadcast_in_dim3A_1056 = vector.broadcast %broadcast_in_dim3A_1055 : i32 to vector<16xi32>
      %select_n3A_1057 = arith.select %gt3A_1053, %broadcast_in_dim3A_1056, %select_n3A_1039 : vector<16xi1>, vector<16xi32>
      %get3A_1058 = arith.constant 0 : i32
      %get3A_1059 = arith.constant 81 : i32
      %get3A_1060 = arith.index_cast %get3A_1058 : i32 to index
      %get3A_1061 = arith.index_cast %get3A_1059 : i32 to index
      %get3A_1062 = arith.index_cast %mul3A_334 : i32 to index
      %get3A_1063 = tpu.vector_load %arg7[%get3A_1060, %get3A_1061, %get3A_1062] {strides = array<i32>} : memref<2x91x512xf32, #tpu.memory_space<vmem>>, vector<16xf32>,
      %get3A_1064 = arith.constant 0 : i32
      %get3A_1065 = arith.constant 82 : i32
      %get3A_1066 = arith.index_cast %get3A_1064 : i32 to index
      %get3A_1067 = arith.index_cast %get3A_1065 : i32 to index
      %get3A_1068 = arith.index_cast %mul3A_334 : i32 to index
      %get3A_1069 = tpu.vector_load %arg7[%get3A_1066, %get3A_1067, %get3A_1068] {strides = array<i32>} : memref<2x91x512xf32, #tpu.memory_space<vmem>>, vector<16xf32>,
      %max3A_1070 = arith.maximumf %get3A_1063, %get3A_1069 : vector<16xf32>
      %gt3A_1071 = arith.cmpf ogt, %max3A_1070, %max3A_1054 : vector<16xf32>
      %max3A_1072 = arith.maximumf %max3A_1054, %max3A_1070 : vector<16xf32>
      %broadcast_in_dim3A_1073 = arith.constant 81 : i32
      %broadcast_in_dim3A_1074 = vector.broadcast %broadcast_in_dim3A_1073 : i32 to vector<16xi32>
      %select_n3A_1075 = arith.select %gt3A_1071, %broadcast_in_dim3A_1074, %select_n3A_1057 : vector<16xi1>, vector<16xi32>
      %get3A_1076 = arith.constant 0 : i32
      %get3A_1077 = arith.constant 83 : i32
      %get3A_1078 = arith.index_cast %get3A_1076 : i32 to index
      %get3A_1079 = arith.index_cast %get3A_1077 : i32 to index
      %get3A_1080 = arith.index_cast %mul3A_334 : i32 to index
      %get3A_1081 = tpu.vector_load %arg7[%get3A_1078, %get3A_1079, %get3A_1080] {strides = array<i32>} : memref<2x91x512xf32, #tpu.memory_space<vmem>>, vector<16xf32>,
      %get3A_1082 = arith.constant 0 : i32
      %get3A_1083 = arith.constant 84 : i32
      %get3A_1084 = arith.index_cast %get3A_1082 : i32 to index
      %get3A_1085 = arith.index_cast %get3A_1083 : i32 to index
      %get3A_1086 = arith.index_cast %mul3A_334 : i32 to index
      %get3A_1087 = tpu.vector_load %arg7[%get3A_1084, %get3A_1085, %get3A_1086] {strides = array<i32>} : memref<2x91x512xf32, #tpu.memory_space<vmem>>, vector<16xf32>,
      %max3A_1088 = arith.maximumf %get3A_1081, %get3A_1087 : vector<16xf32>
      %gt3A_1089 = arith.cmpf ogt, %max3A_1088, %max3A_1072 : vector<16xf32>
      %max3A_1090 = arith.maximumf %max3A_1072, %max3A_1088 : vector<16xf32>
      %broadcast_in_dim3A_1091 = arith.constant 83 : i32
      %broadcast_in_dim3A_1092 = vector.broadcast %broadcast_in_dim3A_1091 : i32 to vector<16xi32>
      %select_n3A_1093 = arith.select %gt3A_1089, %broadcast_in_dim3A_1092, %select_n3A_1075 : vector<16xi1>, vector<16xi32>
      %get3A_1094 = arith.constant 0 : i32
      %get3A_1095 = arith.constant 85 : i32
      %get3A_1096 = arith.index_cast %get3A_1094 : i32 to index
      %get3A_1097 = arith.index_cast %get3A_1095 : i32 to index
      %get3A_1098 = arith.index_cast %mul3A_334 : i32 to index
      %get3A_1099 = tpu.vector_load %arg7[%get3A_1096, %get3A_1097, %get3A_1098] {strides = array<i32>} : memref<2x91x512xf32, #tpu.memory_space<vmem>>, vector<16xf32>,
      %get3A_1100 = arith.constant 0 : i32
      %get3A_1101 = arith.constant 86 : i32
      %get3A_1102 = arith.index_cast %get3A_1100 : i32 to index
      %get3A_1103 = arith.index_cast %get3A_1101 : i32 to index
      %get3A_1104 = arith.index_cast %mul3A_334 : i32 to index
      %get3A_1105 = tpu.vector_load %arg7[%get3A_1102, %get3A_1103, %get3A_1104] {strides = array<i32>} : memref<2x91x512xf32, #tpu.memory_space<vmem>>, vector<16xf32>,
      %max3A_1106 = arith.maximumf %get3A_1099, %get3A_1105 : vector<16xf32>
      %gt3A_1107 = arith.cmpf ogt, %max3A_1106, %max3A_1090 : vector<16xf32>
      %max3A_1108 = arith.maximumf %max3A_1090, %max3A_1106 : vector<16xf32>
      %broadcast_in_dim3A_1109 = arith.constant 85 : i32
      %broadcast_in_dim3A_1110 = vector.broadcast %broadcast_in_dim3A_1109 : i32 to vector<16xi32>
      %select_n3A_1111 = arith.select %gt3A_1107, %broadcast_in_dim3A_1110, %select_n3A_1093 : vector<16xi1>, vector<16xi32>
      %get3A_1112 = arith.constant 0 : i32
      %get3A_1113 = arith.constant 87 : i32
      %get3A_1114 = arith.index_cast %get3A_1112 : i32 to index
      %get3A_1115 = arith.index_cast %get3A_1113 : i32 to index
      %get3A_1116 = arith.index_cast %mul3A_334 : i32 to index
      %get3A_1117 = tpu.vector_load %arg7[%get3A_1114, %get3A_1115, %get3A_1116] {strides = array<i32>} : memref<2x91x512xf32, #tpu.memory_space<vmem>>, vector<16xf32>,
      %get3A_1118 = arith.constant 0 : i32
      %get3A_1119 = arith.constant 88 : i32
      %get3A_1120 = arith.index_cast %get3A_1118 : i32 to index
      %get3A_1121 = arith.index_cast %get3A_1119 : i32 to index
      %get3A_1122 = arith.index_cast %mul3A_334 : i32 to index
      %get3A_1123 = tpu.vector_load %arg7[%get3A_1120, %get3A_1121, %get3A_1122] {strides = array<i32>} : memref<2x91x512xf32, #tpu.memory_space<vmem>>, vector<16xf32>,
      %max3A_1124 = arith.maximumf %get3A_1117, %get3A_1123 : vector<16xf32>
      %gt3A_1125 = arith.cmpf ogt, %max3A_1124, %max3A_1108 : vector<16xf32>
      %max3A_1126 = arith.maximumf %max3A_1108, %max3A_1124 : vector<16xf32>
      %broadcast_in_dim3A_1127 = arith.constant 87 : i32
      %broadcast_in_dim3A_1128 = vector.broadcast %broadcast_in_dim3A_1127 : i32 to vector<16xi32>
      %select_n3A_1129 = arith.select %gt3A_1125, %broadcast_in_dim3A_1128, %select_n3A_1111 : vector<16xi1>, vector<16xi32>
      %get3A_1130 = arith.constant 0 : i32
      %get3A_1131 = arith.constant 89 : i32
      %get3A_1132 = arith.index_cast %get3A_1130 : i32 to index
      %get3A_1133 = arith.index_cast %get3A_1131 : i32 to index
      %get3A_1134 = arith.index_cast %mul3A_334 : i32 to index
      %get3A_1135 = tpu.vector_load %arg7[%get3A_1132, %get3A_1133, %get3A_1134] {strides = array<i32>} : memref<2x91x512xf32, #tpu.memory_space<vmem>>, vector<16xf32>,
      %get3A_1136 = arith.constant 0 : i32
      %get3A_1137 = arith.constant 90 : i32
      %get3A_1138 = arith.index_cast %get3A_1136 : i32 to index
      %get3A_1139 = arith.index_cast %get3A_1137 : i32 to index
      %get3A_1140 = arith.index_cast %mul3A_334 : i32 to index
      %get3A_1141 = tpu.vector_load %arg7[%get3A_1138, %get3A_1139, %get3A_1140] {strides = array<i32>} : memref<2x91x512xf32, #tpu.memory_space<vmem>>, vector<16xf32>,
      %max3A_1142 = arith.maximumf %get3A_1135, %get3A_1141 : vector<16xf32>
      %gt3A_1143 = arith.cmpf ogt, %max3A_1142, %max3A_1126 : vector<16xf32>
      %max3A_1144 = arith.maximumf %max3A_1126, %max3A_1142 : vector<16xf32>
      %broadcast_in_dim3A_1145 = arith.constant 89 : i32
      %broadcast_in_dim3A_1146 = vector.broadcast %broadcast_in_dim3A_1145 : i32 to vector<16xi32>
      %select_n3A_1147 = arith.select %gt3A_1143, %broadcast_in_dim3A_1146, %select_n3A_1129 : vector<16xi1>, vector<16xi32>
      %add3A_1148 = vector.broadcast %mul3A_334 : i32 to vector<16xi32>
      %add3A_1149 = arith.addi %add3A_1148, %iota3A : vector<16xi32>
      %mul3A_1150 = arith.constant 0 : i32
      %mul3A_1151 = vector.broadcast %mul3A_1150 : i32 to vector<16xi32>
      %mul3A_1152 = arith.muli %iota3A, %mul3A_1151 : vector<16xi32>
      %add3A_1153 = arith.constant 0 : i32
      %add3A_1154 = vector.broadcast %add3A_1153 : i32 to vector<16xi32>
      %add3A_1155 = arith.addi %mul3A_1152, %add3A_1154 : vector<16xi32>
      %gather3A = tpu.vector_load_idx %arg7[%add3A_1155, %select_n3A_1147, %add3A_1149] : memref<2x91x512xf32, #tpu.memory_space<vmem>>[vector<16xi32>, vector<16xi32>, vector<16xi32>], vector<16xf32>,
      %ne3A = arith.cmpf one, %gather3A, %max3A_1144 : vector<16xf32>
      %convert_element_type3A = arith.extui %ne3A : vector<16xi1> to vector<16xi32>
      %add3A_1156 = arith.addi %select_n3A_1147, %convert_element_type3A : vector<16xi32>
      %neg3A = arith.constant 0.000000e+00 : f32
      %neg3A_1157 = vector.broadcast %neg3A : f32 to vector<16xf32>
      %neg3A_1158 = arith.subf %neg3A_1157, %max3A_1144 : vector<16xf32>
      %exp3A = math.exp %neg3A_1158 : vector<16xf32>
      %add3A_1159 = arith.constant 1.000000e+00 : f32
      %add3A_1160 = vector.broadcast %add3A_1159 : f32 to vector<16xf32>
      %add3A_1161 = arith.addf %add3A_1160, %exp3A : vector<16xf32>
      %div3A = arith.constant 1.000000e+00 : f32
      %div3A_1162 = vector.broadcast %div3A : f32 to vector<16xf32>
      %div3A_1163 = arith.divf %div3A_1162, %add3A_1161 : vector<16xf32>
      %swap3A = arith.constant 0 : i32
      %swap3A_1164 = arith.index_cast %swap3A : i32 to index
      %swap3A_1165 = arith.index_cast %mul3A_334 : i32 to index
      %swap3A_1166 = tpu.vector_load %arg8[%swap3A_1164, %swap3A_1165] {strides = array<i32>} : memref<2x512xf32, #tpu.memory_space<vmem>>, vector<16xf32>,
      tpu.vector_store %arg8[%swap3A_1164, %swap3A_1165], %div3A_1163 {strides = array<i32>} : memref<2x512xf32, #tpu.memory_space<vmem>>, vector<16xf32>,
      %sub3A = arith.constant 1.000000e+00 : f32
      %sub3A_1167 = vector.broadcast %sub3A : f32 to vector<16xf32>
      %sub3A_1168 = arith.subf %sub3A_1167, %div3A_1163 : vector<16xf32>
      %swap3A_1169 = arith.constant 0 : i32
      %swap3A_1170 = arith.index_cast %swap3A_1169 : i32 to index
      %swap3A_1171 = arith.index_cast %mul3A_334 : i32 to index
      %swap3A_1172 = tpu.vector_load %arg9[%swap3A_1170, %swap3A_1171] {strides = array<i32>} : memref<2x512xf32, #tpu.memory_space<vmem>>, vector<16xf32>,
      tpu.vector_store %arg9[%swap3A_1170, %swap3A_1171], %sub3A_1168 {strides = array<i32>} : memref<2x512xf32, #tpu.memory_space<vmem>>, vector<16xf32>,
      %swap3A_1173 = arith.constant 0 : i32
      %swap3A_1174 = arith.index_cast %swap3A_1173 : i32 to index
      %swap3A_1175 = arith.index_cast %mul3A_334 : i32 to index
      %swap3A_1176 = tpu.vector_load %arg10[%swap3A_1174, %swap3A_1175] {strides = array<i32>} : memref<2x512xi32, #tpu.memory_space<vmem>>, vector<16xi32>,
      tpu.vector_store %arg10[%swap3A_1174, %swap3A_1175], %add3A_1156 {strides = array<i32>} : memref<2x512xi32, #tpu.memory_space<vmem>>, vector<16xi32>,
    }
    %scan3A_58 = arith.constant 32 : i32
    %add3A_59 = arith.constant 0 : i32
    %add3A_60 = arith.addi %mul3A_4, %add3A_59 : i32
    %dma_start3A_61 = arith.constant 0 : i32
    %dma_start3A_62 = arith.constant 0 : i32
    %dma_start3A_63 = tpu.memref_slice %arg8[%dma_start3A_61, %dma_start3A_62] : memref<2x512xf32, #tpu.memory_space<vmem>> -> memref<1x512xf32, #tpu.memory_space<vmem>>
    %dma_start3A_64 = tpu.memref_squeeze %dma_start3A_63 : memref<1x512xf32, #tpu.memory_space<vmem>> -> memref<512xf32, #tpu.memory_space<vmem>>
    %dma_start3A_65 = tpu.memref_slice %arg4[%shift_right_logical3A_1, %add3A_60] : memref<8x6144xf32, #tpu.memory_space<hbm>> -> memref<1x512xf32, #tpu.memory_space<hbm>>
    %dma_start3A_66 = tpu.memref_squeeze %dma_start3A_65 : memref<1x512xf32, #tpu.memory_space<hbm>> -> memref<512xf32, #tpu.memory_space<hbm>>
    %dma_start3A_67 = tpu.memref_slice %arg4[%shift_right_logical3A_1, %add3A_60] : memref<8x6144xf32, #tpu.memory_space<hbm>> -> memref<1x512xf32, #tpu.memory_space<hbm>>
    %dma_start3A_68 = tpu.memref_squeeze %dma_start3A_67 : memref<1x512xf32, #tpu.memory_space<hbm>> -> memref<512xf32, #tpu.memory_space<hbm>>
    %dma_start3A_69 = arith.constant 0 : i32
    %dma_start3A_70 = tpu.memref_slice %arg8[%dma_start3A_61, %dma_start3A_69] : memref<2x512xf32, #tpu.memory_space<vmem>> -> memref<1x512xf32, #tpu.memory_space<vmem>>
    %dma_start3A_71 = tpu.memref_squeeze %dma_start3A_70 : memref<1x512xf32, #tpu.memory_space<vmem>> -> memref<512xf32, #tpu.memory_space<vmem>>
    tpu.enqueue_dma source(%dma_start3A_71 : memref<512xf32, #tpu.memory_space<vmem>>) target(%dma_start3A_68 : memref<512xf32, #tpu.memory_space<hbm>>) target_semaphore(%arg14 : memref<!tpu.dma_semaphore, #tpu.memory_space<semaphore_mem>>)
    %dma_start3A_72 = arith.constant 0 : i32
    %dma_start3A_73 = arith.constant 0 : i32
    %dma_start3A_74 = tpu.memref_slice %arg9[%dma_start3A_72, %dma_start3A_73] : memref<2x512xf32, #tpu.memory_space<vmem>> -> memref<1x512xf32, #tpu.memory_space<vmem>>
    %dma_start3A_75 = tpu.memref_squeeze %dma_start3A_74 : memref<1x512xf32, #tpu.memory_space<vmem>> -> memref<512xf32, #tpu.memory_space<vmem>>
    %dma_start3A_76 = tpu.memref_slice %arg5[%shift_right_logical3A_1, %add3A_60] : memref<8x6144xf32, #tpu.memory_space<hbm>> -> memref<1x512xf32, #tpu.memory_space<hbm>>
    %dma_start3A_77 = tpu.memref_squeeze %dma_start3A_76 : memref<1x512xf32, #tpu.memory_space<hbm>> -> memref<512xf32, #tpu.memory_space<hbm>>
    %dma_start3A_78 = tpu.memref_slice %arg5[%shift_right_logical3A_1, %add3A_60] : memref<8x6144xf32, #tpu.memory_space<hbm>> -> memref<1x512xf32, #tpu.memory_space<hbm>>
    %dma_start3A_79 = tpu.memref_squeeze %dma_start3A_78 : memref<1x512xf32, #tpu.memory_space<hbm>> -> memref<512xf32, #tpu.memory_space<hbm>>
    %dma_start3A_80 = arith.constant 0 : i32
    %dma_start3A_81 = tpu.memref_slice %arg9[%dma_start3A_72, %dma_start3A_80] : memref<2x512xf32, #tpu.memory_space<vmem>> -> memref<1x512xf32, #tpu.memory_space<vmem>>
    %dma_start3A_82 = tpu.memref_squeeze %dma_start3A_81 : memref<1x512xf32, #tpu.memory_space<vmem>> -> memref<512xf32, #tpu.memory_space<vmem>>
    tpu.enqueue_dma source(%dma_start3A_82 : memref<512xf32, #tpu.memory_space<vmem>>) target(%dma_start3A_79 : memref<512xf32, #tpu.memory_space<hbm>>) target_semaphore(%arg14 : memref<!tpu.dma_semaphore, #tpu.memory_space<semaphore_mem>>)
    %dma_start3A_83 = arith.constant 0 : i32
    %dma_start3A_84 = arith.constant 0 : i32
    %dma_start3A_85 = tpu.memref_slice %arg10[%dma_start3A_83, %dma_start3A_84] : memref<2x512xi32, #tpu.memory_space<vmem>> -> memref<1x512xi32, #tpu.memory_space<vmem>>
    %dma_start3A_86 = tpu.memref_squeeze %dma_start3A_85 : memref<1x512xi32, #tpu.memory_space<vmem>> -> memref<512xi32, #tpu.memory_space<vmem>>
    %dma_start3A_87 = tpu.memref_slice %arg6[%shift_right_logical3A_1, %add3A_60] : memref<8x6144xi32, #tpu.memory_space<hbm>> -> memref<1x512xi32, #tpu.memory_space<hbm>>
    %dma_start3A_88 = tpu.memref_squeeze %dma_start3A_87 : memref<1x512xi32, #tpu.memory_space<hbm>> -> memref<512xi32, #tpu.memory_space<hbm>>
    %dma_start3A_89 = tpu.memref_slice %arg6[%shift_right_logical3A_1, %add3A_60] : memref<8x6144xi32, #tpu.memory_space<hbm>> -> memref<1x512xi32, #tpu.memory_space<hbm>>
    %dma_start3A_90 = tpu.memref_squeeze %dma_start3A_89 : memref<1x512xi32, #tpu.memory_space<hbm>> -> memref<512xi32, #tpu.memory_space<hbm>>
    %dma_start3A_91 = arith.constant 0 : i32
    %dma_start3A_92 = tpu.memref_slice %arg10[%dma_start3A_83, %dma_start3A_91] : memref<2x512xi32, #tpu.memory_space<vmem>> -> memref<1x512xi32, #tpu.memory_space<vmem>>
    %dma_start3A_93 = tpu.memref_squeeze %dma_start3A_92 : memref<1x512xi32, #tpu.memory_space<vmem>> -> memref<512xi32, #tpu.memory_space<vmem>>
    tpu.enqueue_dma source(%dma_start3A_93 : memref<512xi32, #tpu.memory_space<vmem>>) target(%dma_start3A_90 : memref<512xi32, #tpu.memory_space<hbm>>) target_semaphore(%arg14 : memref<!tpu.dma_semaphore, #tpu.memory_space<semaphore_mem>>)
    %add3A_94 = arith.constant 1024 : i32
    %add3A_95 = arith.addi %mul3A_4, %add3A_94 : i32
    %dma_start3A_96 = arith.constant 0 : i32
    %dma_start3A_97 = arith.constant 0 : i32
    %dma_start3A_98 = arith.constant 0 : i32
    %dma_start3A_99 = tpu.memref_slice %arg7[%dma_start3A_96, %dma_start3A_97, %dma_start3A_98] : memref<2x91x512xf32, #tpu.memory_space<vmem>> -> memref<1x91x512xf32, #tpu.memory_space<vmem>>
    %dma_start3A_100 = tpu.memref_squeeze %dma_start3A_99 : memref<1x91x512xf32, #tpu.memory_space<vmem>> -> memref<91x512xf32, #tpu.memory_space<vmem>>
    %dma_start3A_101 = arith.constant 0 : i32
    %dma_start3A_102 = tpu.memref_slice %arg2[%dma_start3A_101, %shift_right_logical3A_1, %add3A_95] : memref<91x8x20000xf32, #tpu.memory_space<hbm>> -> memref<91x1x512xf32, #tpu.memory_space<hbm>>
    %dma_start3A_103 = tpu.memref_squeeze %dma_start3A_102 : memref<91x1x512xf32, #tpu.memory_space<hbm>> -> memref<91x512xf32, #tpu.memory_space<hbm>>
    %dma_start3A_104 = arith.constant 0 : i32
    %dma_start3A_105 = arith.constant 0 : i32
    %dma_start3A_106 = tpu.memref_slice %arg7[%dma_start3A_96, %dma_start3A_104, %dma_start3A_105] : memref<2x91x512xf32, #tpu.memory_space<vmem>> -> memref<1x91x512xf32, #tpu.memory_space<vmem>>
    %dma_start3A_107 = tpu.memref_squeeze %dma_start3A_106 : memref<1x91x512xf32, #tpu.memory_space<vmem>> -> memref<91x512xf32, #tpu.memory_space<vmem>>
    %dma_start3A_108 = arith.constant 0 : i32
    %dma_start3A_109 = tpu.memref_slice %arg2[%dma_start3A_108, %shift_right_logical3A_1, %add3A_95] : memref<91x8x20000xf32, #tpu.memory_space<hbm>> -> memref<91x1x512xf32, #tpu.memory_space<hbm>>
    %dma_start3A_110 = tpu.memref_squeeze %dma_start3A_109 : memref<91x1x512xf32, #tpu.memory_space<hbm>> -> memref<91x512xf32, #tpu.memory_space<hbm>>
    tpu.enqueue_dma source(%dma_start3A_110 : memref<91x512xf32, #tpu.memory_space<hbm>>) target(%dma_start3A_107 : memref<91x512xf32, #tpu.memory_space<vmem>>) target_semaphore(%arg12 : memref<!tpu.dma_semaphore, #tpu.memory_space<semaphore_mem>>)
    %add3A_111 = arith.constant 512 : i32
    %add3A_112 = arith.addi %mul3A_4, %add3A_111 : i32
    %dma_wait3A_113 = arith.constant 1 : i32
    %dma_wait3A_114 = arith.constant 0 : i32
    %dma_wait3A_115 = arith.constant 0 : i32
    %dma_wait3A_116 = tpu.memref_slice %arg7[%dma_wait3A_113, %dma_wait3A_114, %dma_wait3A_115] : memref<2x91x512xf32, #tpu.memory_space<vmem>> -> memref<1x91x512xf32, #tpu.memory_space<vmem>>
    %dma_wait3A_117 = tpu.memref_squeeze %dma_wait3A_116 : memref<1x91x512xf32, #tpu.memory_space<vmem>> -> memref<91x512xf32, #tpu.memory_space<vmem>>
    %dma_wait3A_118 = arith.constant 0 : i32
    %dma_wait3A_119 = tpu.memref_slice %arg2[%dma_wait3A_118, %shift_right_logical3A_1, %add3A_112] : memref<91x8x20000xf32, #tpu.memory_space<hbm>> -> memref<91x1x512xf32, #tpu.memory_space<hbm>>
    %dma_wait3A_120 = tpu.memref_squeeze %dma_wait3A_119 : memref<91x1x512xf32, #tpu.memory_space<hbm>> -> memref<91x512xf32, #tpu.memory_space<hbm>>
    %dma_wait3A_121 = arith.constant 0 : i32
    %dma_wait3A_122 = arith.constant 0 : i32
    %dma_wait3A_123 = tpu.memref_slice %arg7[%dma_wait3A_113, %dma_wait3A_121, %dma_wait3A_122] : memref<2x91x512xf32, #tpu.memory_space<vmem>> -> memref<1x91x512xf32, #tpu.memory_space<vmem>>
    %dma_wait3A_124 = tpu.memref_squeeze %dma_wait3A_123 : memref<1x91x512xf32, #tpu.memory_space<vmem>> -> memref<91x512xf32, #tpu.memory_space<vmem>>
    %dma_wait3A_125 = arith.constant 0 : i32
    %dma_wait3A_126 = tpu.memref_slice %arg2[%dma_wait3A_125, %shift_right_logical3A_1, %add3A_112] : memref<91x8x20000xf32, #tpu.memory_space<hbm>> -> memref<91x1x512xf32, #tpu.memory_space<hbm>>
    %dma_wait3A_127 = tpu.memref_squeeze %dma_wait3A_126 : memref<91x1x512xf32, #tpu.memory_space<hbm>> -> memref<91x512xf32, #tpu.memory_space<hbm>>
    tpu.wait_dma2 semaphore(%arg13 : memref<!tpu.dma_semaphore, #tpu.memory_space<semaphore_mem>>) src(%dma_wait3A_127 : memref<91x512xf32, #tpu.memory_space<hbm>>) dst(%dma_wait3A_124 : memref<91x512xf32, #tpu.memory_space<vmem>>)
    %scan3A_128 = arith.constant 0 : i32
    %scan3A_129 = arith.constant 0 : i32
    %scan3A_130 = arith.constant 32 : i32
    %scan3A_131 = arith.addi %scan3A_129, %scan3A_130 : i32
    %scan3A_132 = arith.constant 1 : i32
    scf.for %scan3A_332 = %scan3A_129 to %scan3A_131 step %scan3A_132  : i32 {
      %mul3A_333 = arith.constant 16 : i32
      %mul3A_334 = arith.muli %scan3A_332, %mul3A_333 : i32
      %get3A = arith.constant 1 : i32
      %get3A_335 = arith.constant 0 : i32
      %get3A_336 = arith.index_cast %get3A : i32 to index
      %get3A_337 = arith.index_cast %get3A_335 : i32 to index
      %get3A_338 = arith.index_cast %mul3A_334 : i32 to index
      %get3A_339 = tpu.vector_load %arg7[%get3A_336, %get3A_337, %get3A_338] {strides = array<i32>} : memref<2x91x512xf32, #tpu.memory_space<vmem>>, vector<16xf32>,
      %broadcast_in_dim3A = arith.constant 0 : i32
      %broadcast_in_dim3A_340 = vector.broadcast %broadcast_in_dim3A : i32 to vector<16xi32>
      %get3A_341 = arith.constant 1 : i32
      %get3A_342 = arith.constant 1 : i32
      %get3A_343 = arith.index_cast %get3A_341 : i32 to index
      %get3A_344 = arith.index_cast %get3A_342 : i32 to index
      %get3A_345 = arith.index_cast %mul3A_334 : i32 to index
      %get3A_346 = tpu.vector_load %arg7[%get3A_343, %get3A_344, %get3A_345] {strides = array<i32>} : memref<2x91x512xf32, #tpu.memory_space<vmem>>, vector<16xf32>,
      %get3A_347 = arith.constant 1 : i32
      %get3A_348 = arith.constant 2 : i32
      %get3A_349 = arith.index_cast %get3A_347 : i32 to index
      %get3A_350 = arith.index_cast %get3A_348 : i32 to index
      %get3A_351 = arith.index_cast %mul3A_334 : i32 to index
      %get3A_352 = tpu.vector_load %arg7[%get3A_349, %get3A_350, %get3A_351] {strides = array<i32>} : memref<2x91x512xf32, #tpu.memory_space<vmem>>, vector<16xf32>,
      %max3A = arith.maximumf %get3A_346, %get3A_352 : vector<16xf32>
      %gt3A = arith.cmpf ogt, %max3A, %get3A_339 : vector<16xf32>
      %max3A_353 = arith.maximumf %get3A_339, %max3A : vector<16xf32>
      %broadcast_in_dim3A_354 = arith.constant 1 : i32
      %broadcast_in_dim3A_355 = vector.broadcast %broadcast_in_dim3A_354 : i32 to vector<16xi32>
      %select_n3A = arith.select %gt3A, %broadcast_in_dim3A_355, %broadcast_in_dim3A_340 : vector<16xi1>, vector<16xi32>
      %get3A_356 = arith.constant 1 : i32
      %get3A_357 = arith.constant 3 : i32
      %get3A_358 = arith.index_cast %get3A_356 : i32 to index
      %get3A_359 = arith.index_cast %get3A_357 : i32 to index
      %get3A_360 = arith.index_cast %mul3A_334 : i32 to index
      %get3A_361 = tpu.vector_load %arg7[%get3A_358, %get3A_359, %get3A_360] {strides = array<i32>} : memref<2x91x512xf32, #tpu.memory_space<vmem>>, vector<16xf32>,
      %get3A_362 = arith.constant 1 : i32
      %get3A_363 = arith.constant 4 : i32
      %get3A_364 = arith.index_cast %get3A_362 : i32 to index
      %get3A_365 = arith.index_cast %get3A_363 : i32 to index
      %get3A_366 = arith.index_cast %mul3A_334 : i32 to index
      %get3A_367 = tpu.vector_load %arg7[%get3A_364, %get3A_365, %get3A_366] {strides = array<i32>} : memref<2x91x512xf32, #tpu.memory_space<vmem>>, vector<16xf32>,
      %max3A_368 = arith.maximumf %get3A_361, %get3A_367 : vector<16xf32>
      %gt3A_369 = arith.cmpf ogt, %max3A_368, %max3A_353 : vector<16xf32>
      %max3A_370 = arith.maximumf %max3A_353, %max3A_368 : vector<16xf32>
      %broadcast_in_dim3A_371 = arith.constant 3 : i32
      %broadcast_in_dim3A_372 = vector.broadcast %broadcast_in_dim3A_371 : i32 to vector<16xi32>
      %select_n3A_373 = arith.select %gt3A_369, %broadcast_in_dim3A_372, %select_n3A : vector<16xi1>, vector<16xi32>
      %get3A_374 = arith.constant 1 : i32
      %get3A_375 = arith.constant 5 : i32
      %get3A_376 = arith.index_cast %get3A_374 : i32 to index
      %get3A_377 = arith.index_cast %get3A_375 : i32 to index
      %get3A_378 = arith.index_cast %mul3A_334 : i32 to index
      %get3A_379 = tpu.vector_load %arg7[%get3A_376, %get3A_377, %get3A_378] {strides = array<i32>} : memref<2x91x512xf32, #tpu.memory_space<vmem>>, vector<16xf32>,
      %get3A_380 = arith.constant 1 : i32
      %get3A_381 = arith.constant 6 : i32
      %get3A_382 = arith.index_cast %get3A_380 : i32 to index
      %get3A_383 = arith.index_cast %get3A_381 : i32 to index
      %get3A_384 = arith.index_cast %mul3A_334 : i32 to index
      %get3A_385 = tpu.vector_load %arg7[%get3A_382, %get3A_383, %get3A_384] {strides = array<i32>} : memref<2x91x512xf32, #tpu.memory_space<vmem>>, vector<16xf32>,
      %max3A_386 = arith.maximumf %get3A_379, %get3A_385 : vector<16xf32>
      %gt3A_387 = arith.cmpf ogt, %max3A_386, %max3A_370 : vector<16xf32>
      %max3A_388 = arith.maximumf %max3A_370, %max3A_386 : vector<16xf32>
      %broadcast_in_dim3A_389 = arith.constant 5 : i32
      %broadcast_in_dim3A_390 = vector.broadcast %broadcast_in_dim3A_389 : i32 to vector<16xi32>
      %select_n3A_391 = arith.select %gt3A_387, %broadcast_in_dim3A_390, %select_n3A_373 : vector<16xi1>, vector<16xi32>
      %get3A_392 = arith.constant 1 : i32
      %get3A_393 = arith.constant 7 : i32
      %get3A_394 = arith.index_cast %get3A_392 : i32 to index
      %get3A_395 = arith.index_cast %get3A_393 : i32 to index
      %get3A_396 = arith.index_cast %mul3A_334 : i32 to index
      %get3A_397 = tpu.vector_load %arg7[%get3A_394, %get3A_395, %get3A_396] {strides = array<i32>} : memref<2x91x512xf32, #tpu.memory_space<vmem>>, vector<16xf32>,
      %get3A_398 = arith.constant 1 : i32
      %get3A_399 = arith.constant 8 : i32
      %get3A_400 = arith.index_cast %get3A_398 : i32 to index
      %get3A_401 = arith.index_cast %get3A_399 : i32 to index
      %get3A_402 = arith.index_cast %mul3A_334 : i32 to index
      %get3A_403 = tpu.vector_load %arg7[%get3A_400, %get3A_401, %get3A_402] {strides = array<i32>} : memref<2x91x512xf32, #tpu.memory_space<vmem>>, vector<16xf32>,
      %max3A_404 = arith.maximumf %get3A_397, %get3A_403 : vector<16xf32>
      %gt3A_405 = arith.cmpf ogt, %max3A_404, %max3A_388 : vector<16xf32>
      %max3A_406 = arith.maximumf %max3A_388, %max3A_404 : vector<16xf32>
      %broadcast_in_dim3A_407 = arith.constant 7 : i32
      %broadcast_in_dim3A_408 = vector.broadcast %broadcast_in_dim3A_407 : i32 to vector<16xi32>
      %select_n3A_409 = arith.select %gt3A_405, %broadcast_in_dim3A_408, %select_n3A_391 : vector<16xi1>, vector<16xi32>
      %get3A_410 = arith.constant 1 : i32
      %get3A_411 = arith.constant 9 : i32
      %get3A_412 = arith.index_cast %get3A_410 : i32 to index
      %get3A_413 = arith.index_cast %get3A_411 : i32 to index
      %get3A_414 = arith.index_cast %mul3A_334 : i32 to index
      %get3A_415 = tpu.vector_load %arg7[%get3A_412, %get3A_413, %get3A_414] {strides = array<i32>} : memref<2x91x512xf32, #tpu.memory_space<vmem>>, vector<16xf32>,
      %get3A_416 = arith.constant 1 : i32
      %get3A_417 = arith.constant 10 : i32
      %get3A_418 = arith.index_cast %get3A_416 : i32 to index
      %get3A_419 = arith.index_cast %get3A_417 : i32 to index
      %get3A_420 = arith.index_cast %mul3A_334 : i32 to index
      %get3A_421 = tpu.vector_load %arg7[%get3A_418, %get3A_419, %get3A_420] {strides = array<i32>} : memref<2x91x512xf32, #tpu.memory_space<vmem>>, vector<16xf32>,
      %max3A_422 = arith.maximumf %get3A_415, %get3A_421 : vector<16xf32>
      %gt3A_423 = arith.cmpf ogt, %max3A_422, %max3A_406 : vector<16xf32>
      %max3A_424 = arith.maximumf %max3A_406, %max3A_422 : vector<16xf32>
      %broadcast_in_dim3A_425 = arith.constant 9 : i32
      %broadcast_in_dim3A_426 = vector.broadcast %broadcast_in_dim3A_425 : i32 to vector<16xi32>
      %select_n3A_427 = arith.select %gt3A_423, %broadcast_in_dim3A_426, %select_n3A_409 : vector<16xi1>, vector<16xi32>
      %get3A_428 = arith.constant 1 : i32
      %get3A_429 = arith.constant 11 : i32
      %get3A_430 = arith.index_cast %get3A_428 : i32 to index
      %get3A_431 = arith.index_cast %get3A_429 : i32 to index
      %get3A_432 = arith.index_cast %mul3A_334 : i32 to index
      %get3A_433 = tpu.vector_load %arg7[%get3A_430, %get3A_431, %get3A_432] {strides = array<i32>} : memref<2x91x512xf32, #tpu.memory_space<vmem>>, vector<16xf32>,
      %get3A_434 = arith.constant 1 : i32
      %get3A_435 = arith.constant 12 : i32
      %get3A_436 = arith.index_cast %get3A_434 : i32 to index
      %get3A_437 = arith.index_cast %get3A_435 : i32 to index
      %get3A_438 = arith.index_cast %mul3A_334 : i32 to index
      %get3A_439 = tpu.vector_load %arg7[%get3A_436, %get3A_437, %get3A_438] {strides = array<i32>} : memref<2x91x512xf32, #tpu.memory_space<vmem>>, vector<16xf32>,
      %max3A_440 = arith.maximumf %get3A_433, %get3A_439 : vector<16xf32>
      %gt3A_441 = arith.cmpf ogt, %max3A_440, %max3A_424 : vector<16xf32>
      %max3A_442 = arith.maximumf %max3A_424, %max3A_440 : vector<16xf32>
      %broadcast_in_dim3A_443 = arith.constant 11 : i32
      %broadcast_in_dim3A_444 = vector.broadcast %broadcast_in_dim3A_443 : i32 to vector<16xi32>
      %select_n3A_445 = arith.select %gt3A_441, %broadcast_in_dim3A_444, %select_n3A_427 : vector<16xi1>, vector<16xi32>
      %get3A_446 = arith.constant 1 : i32
      %get3A_447 = arith.constant 13 : i32
      %get3A_448 = arith.index_cast %get3A_446 : i32 to index
      %get3A_449 = arith.index_cast %get3A_447 : i32 to index
      %get3A_450 = arith.index_cast %mul3A_334 : i32 to index
      %get3A_451 = tpu.vector_load %arg7[%get3A_448, %get3A_449, %get3A_450] {strides = array<i32>} : memref<2x91x512xf32, #tpu.memory_space<vmem>>, vector<16xf32>,
      %get3A_452 = arith.constant 1 : i32
      %get3A_453 = arith.constant 14 : i32
      %get3A_454 = arith.index_cast %get3A_452 : i32 to index
      %get3A_455 = arith.index_cast %get3A_453 : i32 to index
      %get3A_456 = arith.index_cast %mul3A_334 : i32 to index
      %get3A_457 = tpu.vector_load %arg7[%get3A_454, %get3A_455, %get3A_456] {strides = array<i32>} : memref<2x91x512xf32, #tpu.memory_space<vmem>>, vector<16xf32>,
      %max3A_458 = arith.maximumf %get3A_451, %get3A_457 : vector<16xf32>
      %gt3A_459 = arith.cmpf ogt, %max3A_458, %max3A_442 : vector<16xf32>
      %max3A_460 = arith.maximumf %max3A_442, %max3A_458 : vector<16xf32>
      %broadcast_in_dim3A_461 = arith.constant 13 : i32
      %broadcast_in_dim3A_462 = vector.broadcast %broadcast_in_dim3A_461 : i32 to vector<16xi32>
      %select_n3A_463 = arith.select %gt3A_459, %broadcast_in_dim3A_462, %select_n3A_445 : vector<16xi1>, vector<16xi32>
      %get3A_464 = arith.constant 1 : i32
      %get3A_465 = arith.constant 15 : i32
      %get3A_466 = arith.index_cast %get3A_464 : i32 to index
      %get3A_467 = arith.index_cast %get3A_465 : i32 to index
      %get3A_468 = arith.index_cast %mul3A_334 : i32 to index
      %get3A_469 = tpu.vector_load %arg7[%get3A_466, %get3A_467, %get3A_468] {strides = array<i32>} : memref<2x91x512xf32, #tpu.memory_space<vmem>>, vector<16xf32>,
      %get3A_470 = arith.constant 1 : i32
      %get3A_471 = arith.constant 16 : i32
      %get3A_472 = arith.index_cast %get3A_470 : i32 to index
      %get3A_473 = arith.index_cast %get3A_471 : i32 to index
      %get3A_474 = arith.index_cast %mul3A_334 : i32 to index
      %get3A_475 = tpu.vector_load %arg7[%get3A_472, %get3A_473, %get3A_474] {strides = array<i32>} : memref<2x91x512xf32, #tpu.memory_space<vmem>>, vector<16xf32>,
      %max3A_476 = arith.maximumf %get3A_469, %get3A_475 : vector<16xf32>
      %gt3A_477 = arith.cmpf ogt, %max3A_476, %max3A_460 : vector<16xf32>
      %max3A_478 = arith.maximumf %max3A_460, %max3A_476 : vector<16xf32>
      %broadcast_in_dim3A_479 = arith.constant 15 : i32
      %broadcast_in_dim3A_480 = vector.broadcast %broadcast_in_dim3A_479 : i32 to vector<16xi32>
      %select_n3A_481 = arith.select %gt3A_477, %broadcast_in_dim3A_480, %select_n3A_463 : vector<16xi1>, vector<16xi32>
      %get3A_482 = arith.constant 1 : i32
      %get3A_483 = arith.constant 17 : i32
      %get3A_484 = arith.index_cast %get3A_482 : i32 to index
      %get3A_485 = arith.index_cast %get3A_483 : i32 to index
      %get3A_486 = arith.index_cast %mul3A_334 : i32 to index
      %get3A_487 = tpu.vector_load %arg7[%get3A_484, %get3A_485, %get3A_486] {strides = array<i32>} : memref<2x91x512xf32, #tpu.memory_space<vmem>>, vector<16xf32>,
      %get3A_488 = arith.constant 1 : i32
      %get3A_489 = arith.constant 18 : i32
      %get3A_490 = arith.index_cast %get3A_488 : i32 to index
      %get3A_491 = arith.index_cast %get3A_489 : i32 to index
      %get3A_492 = arith.index_cast %mul3A_334 : i32 to index
      %get3A_493 = tpu.vector_load %arg7[%get3A_490, %get3A_491, %get3A_492] {strides = array<i32>} : memref<2x91x512xf32, #tpu.memory_space<vmem>>, vector<16xf32>,
      %max3A_494 = arith.maximumf %get3A_487, %get3A_493 : vector<16xf32>
      %gt3A_495 = arith.cmpf ogt, %max3A_494, %max3A_478 : vector<16xf32>
      %max3A_496 = arith.maximumf %max3A_478, %max3A_494 : vector<16xf32>
      %broadcast_in_dim3A_497 = arith.constant 17 : i32
      %broadcast_in_dim3A_498 = vector.broadcast %broadcast_in_dim3A_497 : i32 to vector<16xi32>
      %select_n3A_499 = arith.select %gt3A_495, %broadcast_in_dim3A_498, %select_n3A_481 : vector<16xi1>, vector<16xi32>
      %get3A_500 = arith.constant 1 : i32
      %get3A_501 = arith.constant 19 : i32
      %get3A_502 = arith.index_cast %get3A_500 : i32 to index
      %get3A_503 = arith.index_cast %get3A_501 : i32 to index
      %get3A_504 = arith.index_cast %mul3A_334 : i32 to index
      %get3A_505 = tpu.vector_load %arg7[%get3A_502, %get3A_503, %get3A_504] {strides = array<i32>} : memref<2x91x512xf32, #tpu.memory_space<vmem>>, vector<16xf32>,
      %get3A_506 = arith.constant 1 : i32
      %get3A_507 = arith.constant 20 : i32
      %get3A_508 = arith.index_cast %get3A_506 : i32 to index
      %get3A_509 = arith.index_cast %get3A_507 : i32 to index
      %get3A_510 = arith.index_cast %mul3A_334 : i32 to index
      %get3A_511 = tpu.vector_load %arg7[%get3A_508, %get3A_509, %get3A_510] {strides = array<i32>} : memref<2x91x512xf32, #tpu.memory_space<vmem>>, vector<16xf32>,
      %max3A_512 = arith.maximumf %get3A_505, %get3A_511 : vector<16xf32>
      %gt3A_513 = arith.cmpf ogt, %max3A_512, %max3A_496 : vector<16xf32>
      %max3A_514 = arith.maximumf %max3A_496, %max3A_512 : vector<16xf32>
      %broadcast_in_dim3A_515 = arith.constant 19 : i32
      %broadcast_in_dim3A_516 = vector.broadcast %broadcast_in_dim3A_515 : i32 to vector<16xi32>
      %select_n3A_517 = arith.select %gt3A_513, %broadcast_in_dim3A_516, %select_n3A_499 : vector<16xi1>, vector<16xi32>
      %get3A_518 = arith.constant 1 : i32
      %get3A_519 = arith.constant 21 : i32
      %get3A_520 = arith.index_cast %get3A_518 : i32 to index
      %get3A_521 = arith.index_cast %get3A_519 : i32 to index
      %get3A_522 = arith.index_cast %mul3A_334 : i32 to index
      %get3A_523 = tpu.vector_load %arg7[%get3A_520, %get3A_521, %get3A_522] {strides = array<i32>} : memref<2x91x512xf32, #tpu.memory_space<vmem>>, vector<16xf32>,
      %get3A_524 = arith.constant 1 : i32
      %get3A_525 = arith.constant 22 : i32
      %get3A_526 = arith.index_cast %get3A_524 : i32 to index
      %get3A_527 = arith.index_cast %get3A_525 : i32 to index
      %get3A_528 = arith.index_cast %mul3A_334 : i32 to index
      %get3A_529 = tpu.vector_load %arg7[%get3A_526, %get3A_527, %get3A_528] {strides = array<i32>} : memref<2x91x512xf32, #tpu.memory_space<vmem>>, vector<16xf32>,
      %max3A_530 = arith.maximumf %get3A_523, %get3A_529 : vector<16xf32>
      %gt3A_531 = arith.cmpf ogt, %max3A_530, %max3A_514 : vector<16xf32>
      %max3A_532 = arith.maximumf %max3A_514, %max3A_530 : vector<16xf32>
      %broadcast_in_dim3A_533 = arith.constant 21 : i32
      %broadcast_in_dim3A_534 = vector.broadcast %broadcast_in_dim3A_533 : i32 to vector<16xi32>
      %select_n3A_535 = arith.select %gt3A_531, %broadcast_in_dim3A_534, %select_n3A_517 : vector<16xi1>, vector<16xi32>
      %get3A_536 = arith.constant 1 : i32
      %get3A_537 = arith.constant 23 : i32
      %get3A_538 = arith.index_cast %get3A_536 : i32 to index
      %get3A_539 = arith.index_cast %get3A_537 : i32 to index
      %get3A_540 = arith.index_cast %mul3A_334 : i32 to index
      %get3A_541 = tpu.vector_load %arg7[%get3A_538, %get3A_539, %get3A_540] {strides = array<i32>} : memref<2x91x512xf32, #tpu.memory_space<vmem>>, vector<16xf32>,
      %get3A_542 = arith.constant 1 : i32
      %get3A_543 = arith.constant 24 : i32
      %get3A_544 = arith.index_cast %get3A_542 : i32 to index
      %get3A_545 = arith.index_cast %get3A_543 : i32 to index
      %get3A_546 = arith.index_cast %mul3A_334 : i32 to index
      %get3A_547 = tpu.vector_load %arg7[%get3A_544, %get3A_545, %get3A_546] {strides = array<i32>} : memref<2x91x512xf32, #tpu.memory_space<vmem>>, vector<16xf32>,
      %max3A_548 = arith.maximumf %get3A_541, %get3A_547 : vector<16xf32>
      %gt3A_549 = arith.cmpf ogt, %max3A_548, %max3A_532 : vector<16xf32>
      %max3A_550 = arith.maximumf %max3A_532, %max3A_548 : vector<16xf32>
      %broadcast_in_dim3A_551 = arith.constant 23 : i32
      %broadcast_in_dim3A_552 = vector.broadcast %broadcast_in_dim3A_551 : i32 to vector<16xi32>
      %select_n3A_553 = arith.select %gt3A_549, %broadcast_in_dim3A_552, %select_n3A_535 : vector<16xi1>, vector<16xi32>
      %get3A_554 = arith.constant 1 : i32
      %get3A_555 = arith.constant 25 : i32
      %get3A_556 = arith.index_cast %get3A_554 : i32 to index
      %get3A_557 = arith.index_cast %get3A_555 : i32 to index
      %get3A_558 = arith.index_cast %mul3A_334 : i32 to index
      %get3A_559 = tpu.vector_load %arg7[%get3A_556, %get3A_557, %get3A_558] {strides = array<i32>} : memref<2x91x512xf32, #tpu.memory_space<vmem>>, vector<16xf32>,
      %get3A_560 = arith.constant 1 : i32
      %get3A_561 = arith.constant 26 : i32
      %get3A_562 = arith.index_cast %get3A_560 : i32 to index
      %get3A_563 = arith.index_cast %get3A_561 : i32 to index
      %get3A_564 = arith.index_cast %mul3A_334 : i32 to index
      %get3A_565 = tpu.vector_load %arg7[%get3A_562, %get3A_563, %get3A_564] {strides = array<i32>} : memref<2x91x512xf32, #tpu.memory_space<vmem>>, vector<16xf32>,
      %max3A_566 = arith.maximumf %get3A_559, %get3A_565 : vector<16xf32>
      %gt3A_567 = arith.cmpf ogt, %max3A_566, %max3A_550 : vector<16xf32>
      %max3A_568 = arith.maximumf %max3A_550, %max3A_566 : vector<16xf32>
      %broadcast_in_dim3A_569 = arith.constant 25 : i32
      %broadcast_in_dim3A_570 = vector.broadcast %broadcast_in_dim3A_569 : i32 to vector<16xi32>
      %select_n3A_571 = arith.select %gt3A_567, %broadcast_in_dim3A_570, %select_n3A_553 : vector<16xi1>, vector<16xi32>
      %get3A_572 = arith.constant 1 : i32
      %get3A_573 = arith.constant 27 : i32
      %get3A_574 = arith.index_cast %get3A_572 : i32 to index
      %get3A_575 = arith.index_cast %get3A_573 : i32 to index
      %get3A_576 = arith.index_cast %mul3A_334 : i32 to index
      %get3A_577 = tpu.vector_load %arg7[%get3A_574, %get3A_575, %get3A_576] {strides = array<i32>} : memref<2x91x512xf32, #tpu.memory_space<vmem>>, vector<16xf32>,
      %get3A_578 = arith.constant 1 : i32
      %get3A_579 = arith.constant 28 : i32
      %get3A_580 = arith.index_cast %get3A_578 : i32 to index
      %get3A_581 = arith.index_cast %get3A_579 : i32 to index
      %get3A_582 = arith.index_cast %mul3A_334 : i32 to index
      %get3A_583 = tpu.vector_load %arg7[%get3A_580, %get3A_581, %get3A_582] {strides = array<i32>} : memref<2x91x512xf32, #tpu.memory_space<vmem>>, vector<16xf32>,
      %max3A_584 = arith.maximumf %get3A_577, %get3A_583 : vector<16xf32>
      %gt3A_585 = arith.cmpf ogt, %max3A_584, %max3A_568 : vector<16xf32>
      %max3A_586 = arith.maximumf %max3A_568, %max3A_584 : vector<16xf32>
      %broadcast_in_dim3A_587 = arith.constant 27 : i32
      %broadcast_in_dim3A_588 = vector.broadcast %broadcast_in_dim3A_587 : i32 to vector<16xi32>
      %select_n3A_589 = arith.select %gt3A_585, %broadcast_in_dim3A_588, %select_n3A_571 : vector<16xi1>, vector<16xi32>
      %get3A_590 = arith.constant 1 : i32
      %get3A_591 = arith.constant 29 : i32
      %get3A_592 = arith.index_cast %get3A_590 : i32 to index
      %get3A_593 = arith.index_cast %get3A_591 : i32 to index
      %get3A_594 = arith.index_cast %mul3A_334 : i32 to index
      %get3A_595 = tpu.vector_load %arg7[%get3A_592, %get3A_593, %get3A_594] {strides = array<i32>} : memref<2x91x512xf32, #tpu.memory_space<vmem>>, vector<16xf32>,
      %get3A_596 = arith.constant 1 : i32
      %get3A_597 = arith.constant 30 : i32
      %get3A_598 = arith.index_cast %get3A_596 : i32 to index
      %get3A_599 = arith.index_cast %get3A_597 : i32 to index
      %get3A_600 = arith.index_cast %mul3A_334 : i32 to index
      %get3A_601 = tpu.vector_load %arg7[%get3A_598, %get3A_599, %get3A_600] {strides = array<i32>} : memref<2x91x512xf32, #tpu.memory_space<vmem>>, vector<16xf32>,
      %max3A_602 = arith.maximumf %get3A_595, %get3A_601 : vector<16xf32>
      %gt3A_603 = arith.cmpf ogt, %max3A_602, %max3A_586 : vector<16xf32>
      %max3A_604 = arith.maximumf %max3A_586, %max3A_602 : vector<16xf32>
      %broadcast_in_dim3A_605 = arith.constant 29 : i32
      %broadcast_in_dim3A_606 = vector.broadcast %broadcast_in_dim3A_605 : i32 to vector<16xi32>
      %select_n3A_607 = arith.select %gt3A_603, %broadcast_in_dim3A_606, %select_n3A_589 : vector<16xi1>, vector<16xi32>
      %get3A_608 = arith.constant 1 : i32
      %get3A_609 = arith.constant 31 : i32
      %get3A_610 = arith.index_cast %get3A_608 : i32 to index
      %get3A_611 = arith.index_cast %get3A_609 : i32 to index
      %get3A_612 = arith.index_cast %mul3A_334 : i32 to index
      %get3A_613 = tpu.vector_load %arg7[%get3A_610, %get3A_611, %get3A_612] {strides = array<i32>} : memref<2x91x512xf32, #tpu.memory_space<vmem>>, vector<16xf32>,
      %get3A_614 = arith.constant 1 : i32
      %get3A_615 = arith.constant 32 : i32
      %get3A_616 = arith.index_cast %get3A_614 : i32 to index
      %get3A_617 = arith.index_cast %get3A_615 : i32 to index
      %get3A_618 = arith.index_cast %mul3A_334 : i32 to index
      %get3A_619 = tpu.vector_load %arg7[%get3A_616, %get3A_617, %get3A_618] {strides = array<i32>} : memref<2x91x512xf32, #tpu.memory_space<vmem>>, vector<16xf32>,
      %max3A_620 = arith.maximumf %get3A_613, %get3A_619 : vector<16xf32>
      %gt3A_621 = arith.cmpf ogt, %max3A_620, %max3A_604 : vector<16xf32>
      %max3A_622 = arith.maximumf %max3A_604, %max3A_620 : vector<16xf32>
      %broadcast_in_dim3A_623 = arith.constant 31 : i32
      %broadcast_in_dim3A_624 = vector.broadcast %broadcast_in_dim3A_623 : i32 to vector<16xi32>
      %select_n3A_625 = arith.select %gt3A_621, %broadcast_in_dim3A_624, %select_n3A_607 : vector<16xi1>, vector<16xi32>
      %get3A_626 = arith.constant 1 : i32
      %get3A_627 = arith.constant 33 : i32
      %get3A_628 = arith.index_cast %get3A_626 : i32 to index
      %get3A_629 = arith.index_cast %get3A_627 : i32 to index
      %get3A_630 = arith.index_cast %mul3A_334 : i32 to index
      %get3A_631 = tpu.vector_load %arg7[%get3A_628, %get3A_629, %get3A_630] {strides = array<i32>} : memref<2x91x512xf32, #tpu.memory_space<vmem>>, vector<16xf32>,
      %get3A_632 = arith.constant 1 : i32
      %get3A_633 = arith.constant 34 : i32
      %get3A_634 = arith.index_cast %get3A_632 : i32 to index
      %get3A_635 = arith.index_cast %get3A_633 : i32 to index
      %get3A_636 = arith.index_cast %mul3A_334 : i32 to index
      %get3A_637 = tpu.vector_load %arg7[%get3A_634, %get3A_635, %get3A_636] {strides = array<i32>} : memref<2x91x512xf32, #tpu.memory_space<vmem>>, vector<16xf32>,
      %max3A_638 = arith.maximumf %get3A_631, %get3A_637 : vector<16xf32>
      %gt3A_639 = arith.cmpf ogt, %max3A_638, %max3A_622 : vector<16xf32>
      %max3A_640 = arith.maximumf %max3A_622, %max3A_638 : vector<16xf32>
      %broadcast_in_dim3A_641 = arith.constant 33 : i32
      %broadcast_in_dim3A_642 = vector.broadcast %broadcast_in_dim3A_641 : i32 to vector<16xi32>
      %select_n3A_643 = arith.select %gt3A_639, %broadcast_in_dim3A_642, %select_n3A_625 : vector<16xi1>, vector<16xi32>
      %get3A_644 = arith.constant 1 : i32
      %get3A_645 = arith.constant 35 : i32
      %get3A_646 = arith.index_cast %get3A_644 : i32 to index
      %get3A_647 = arith.index_cast %get3A_645 : i32 to index
      %get3A_648 = arith.index_cast %mul3A_334 : i32 to index
      %get3A_649 = tpu.vector_load %arg7[%get3A_646, %get3A_647, %get3A_648] {strides = array<i32>} : memref<2x91x512xf32, #tpu.memory_space<vmem>>, vector<16xf32>,
      %get3A_650 = arith.constant 1 : i32
      %get3A_651 = arith.constant 36 : i32
      %get3A_652 = arith.index_cast %get3A_650 : i32 to index
      %get3A_653 = arith.index_cast %get3A_651 : i32 to index
      %get3A_654 = arith.index_cast %mul3A_334 : i32 to index
      %get3A_655 = tpu.vector_load %arg7[%get3A_652, %get3A_653, %get3A_654] {strides = array<i32>} : memref<2x91x512xf32, #tpu.memory_space<vmem>>, vector<16xf32>,
      %max3A_656 = arith.maximumf %get3A_649, %get3A_655 : vector<16xf32>
      %gt3A_657 = arith.cmpf ogt, %max3A_656, %max3A_640 : vector<16xf32>
      %max3A_658 = arith.maximumf %max3A_640, %max3A_656 : vector<16xf32>
      %broadcast_in_dim3A_659 = arith.constant 35 : i32
      %broadcast_in_dim3A_660 = vector.broadcast %broadcast_in_dim3A_659 : i32 to vector<16xi32>
      %select_n3A_661 = arith.select %gt3A_657, %broadcast_in_dim3A_660, %select_n3A_643 : vector<16xi1>, vector<16xi32>
      %get3A_662 = arith.constant 1 : i32
      %get3A_663 = arith.constant 37 : i32
      %get3A_664 = arith.index_cast %get3A_662 : i32 to index
      %get3A_665 = arith.index_cast %get3A_663 : i32 to index
      %get3A_666 = arith.index_cast %mul3A_334 : i32 to index
      %get3A_667 = tpu.vector_load %arg7[%get3A_664, %get3A_665, %get3A_666] {strides = array<i32>} : memref<2x91x512xf32, #tpu.memory_space<vmem>>, vector<16xf32>,
      %get3A_668 = arith.constant 1 : i32
      %get3A_669 = arith.constant 38 : i32
      %get3A_670 = arith.index_cast %get3A_668 : i32 to index
      %get3A_671 = arith.index_cast %get3A_669 : i32 to index
      %get3A_672 = arith.index_cast %mul3A_334 : i32 to index
      %get3A_673 = tpu.vector_load %arg7[%get3A_670, %get3A_671, %get3A_672] {strides = array<i32>} : memref<2x91x512xf32, #tpu.memory_space<vmem>>, vector<16xf32>,
      %max3A_674 = arith.maximumf %get3A_667, %get3A_673 : vector<16xf32>
      %gt3A_675 = arith.cmpf ogt, %max3A_674, %max3A_658 : vector<16xf32>
      %max3A_676 = arith.maximumf %max3A_658, %max3A_674 : vector<16xf32>
      %broadcast_in_dim3A_677 = arith.constant 37 : i32
      %broadcast_in_dim3A_678 = vector.broadcast %broadcast_in_dim3A_677 : i32 to vector<16xi32>
      %select_n3A_679 = arith.select %gt3A_675, %broadcast_in_dim3A_678, %select_n3A_661 : vector<16xi1>, vector<16xi32>
      %get3A_680 = arith.constant 1 : i32
      %get3A_681 = arith.constant 39 : i32
      %get3A_682 = arith.index_cast %get3A_680 : i32 to index
      %get3A_683 = arith.index_cast %get3A_681 : i32 to index
      %get3A_684 = arith.index_cast %mul3A_334 : i32 to index
      %get3A_685 = tpu.vector_load %arg7[%get3A_682, %get3A_683, %get3A_684] {strides = array<i32>} : memref<2x91x512xf32, #tpu.memory_space<vmem>>, vector<16xf32>,
      %get3A_686 = arith.constant 1 : i32
      %get3A_687 = arith.constant 40 : i32
      %get3A_688 = arith.index_cast %get3A_686 : i32 to index
      %get3A_689 = arith.index_cast %get3A_687 : i32 to index
      %get3A_690 = arith.index_cast %mul3A_334 : i32 to index
      %get3A_691 = tpu.vector_load %arg7[%get3A_688, %get3A_689, %get3A_690] {strides = array<i32>} : memref<2x91x512xf32, #tpu.memory_space<vmem>>, vector<16xf32>,
      %max3A_692 = arith.maximumf %get3A_685, %get3A_691 : vector<16xf32>
      %gt3A_693 = arith.cmpf ogt, %max3A_692, %max3A_676 : vector<16xf32>
      %max3A_694 = arith.maximumf %max3A_676, %max3A_692 : vector<16xf32>
      %broadcast_in_dim3A_695 = arith.constant 39 : i32
      %broadcast_in_dim3A_696 = vector.broadcast %broadcast_in_dim3A_695 : i32 to vector<16xi32>
      %select_n3A_697 = arith.select %gt3A_693, %broadcast_in_dim3A_696, %select_n3A_679 : vector<16xi1>, vector<16xi32>
      %get3A_698 = arith.constant 1 : i32
      %get3A_699 = arith.constant 41 : i32
      %get3A_700 = arith.index_cast %get3A_698 : i32 to index
      %get3A_701 = arith.index_cast %get3A_699 : i32 to index
      %get3A_702 = arith.index_cast %mul3A_334 : i32 to index
      %get3A_703 = tpu.vector_load %arg7[%get3A_700, %get3A_701, %get3A_702] {strides = array<i32>} : memref<2x91x512xf32, #tpu.memory_space<vmem>>, vector<16xf32>,
      %get3A_704 = arith.constant 1 : i32
      %get3A_705 = arith.constant 42 : i32
      %get3A_706 = arith.index_cast %get3A_704 : i32 to index
      %get3A_707 = arith.index_cast %get3A_705 : i32 to index
      %get3A_708 = arith.index_cast %mul3A_334 : i32 to index
      %get3A_709 = tpu.vector_load %arg7[%get3A_706, %get3A_707, %get3A_708] {strides = array<i32>} : memref<2x91x512xf32, #tpu.memory_space<vmem>>, vector<16xf32>,
      %max3A_710 = arith.maximumf %get3A_703, %get3A_709 : vector<16xf32>
      %gt3A_711 = arith.cmpf ogt, %max3A_710, %max3A_694 : vector<16xf32>
      %max3A_712 = arith.maximumf %max3A_694, %max3A_710 : vector<16xf32>
      %broadcast_in_dim3A_713 = arith.constant 41 : i32
      %broadcast_in_dim3A_714 = vector.broadcast %broadcast_in_dim3A_713 : i32 to vector<16xi32>
      %select_n3A_715 = arith.select %gt3A_711, %broadcast_in_dim3A_714, %select_n3A_697 : vector<16xi1>, vector<16xi32>
      %get3A_716 = arith.constant 1 : i32
      %get3A_717 = arith.constant 43 : i32
      %get3A_718 = arith.index_cast %get3A_716 : i32 to index
      %get3A_719 = arith.index_cast %get3A_717 : i32 to index
      %get3A_720 = arith.index_cast %mul3A_334 : i32 to index
      %get3A_721 = tpu.vector_load %arg7[%get3A_718, %get3A_719, %get3A_720] {strides = array<i32>} : memref<2x91x512xf32, #tpu.memory_space<vmem>>, vector<16xf32>,
      %get3A_722 = arith.constant 1 : i32
      %get3A_723 = arith.constant 44 : i32
      %get3A_724 = arith.index_cast %get3A_722 : i32 to index
      %get3A_725 = arith.index_cast %get3A_723 : i32 to index
      %get3A_726 = arith.index_cast %mul3A_334 : i32 to index
      %get3A_727 = tpu.vector_load %arg7[%get3A_724, %get3A_725, %get3A_726] {strides = array<i32>} : memref<2x91x512xf32, #tpu.memory_space<vmem>>, vector<16xf32>,
      %max3A_728 = arith.maximumf %get3A_721, %get3A_727 : vector<16xf32>
      %gt3A_729 = arith.cmpf ogt, %max3A_728, %max3A_712 : vector<16xf32>
      %max3A_730 = arith.maximumf %max3A_712, %max3A_728 : vector<16xf32>
      %broadcast_in_dim3A_731 = arith.constant 43 : i32
      %broadcast_in_dim3A_732 = vector.broadcast %broadcast_in_dim3A_731 : i32 to vector<16xi32>
      %select_n3A_733 = arith.select %gt3A_729, %broadcast_in_dim3A_732, %select_n3A_715 : vector<16xi1>, vector<16xi32>
      %get3A_734 = arith.constant 1 : i32
      %get3A_735 = arith.constant 45 : i32
      %get3A_736 = arith.index_cast %get3A_734 : i32 to index
      %get3A_737 = arith.index_cast %get3A_735 : i32 to index
      %get3A_738 = arith.index_cast %mul3A_334 : i32 to index
      %get3A_739 = tpu.vector_load %arg7[%get3A_736, %get3A_737, %get3A_738] {strides = array<i32>} : memref<2x91x512xf32, #tpu.memory_space<vmem>>, vector<16xf32>,
      %get3A_740 = arith.constant 1 : i32
      %get3A_741 = arith.constant 46 : i32
      %get3A_742 = arith.index_cast %get3A_740 : i32 to index
      %get3A_743 = arith.index_cast %get3A_741 : i32 to index
      %get3A_744 = arith.index_cast %mul3A_334 : i32 to index
      %get3A_745 = tpu.vector_load %arg7[%get3A_742, %get3A_743, %get3A_744] {strides = array<i32>} : memref<2x91x512xf32, #tpu.memory_space<vmem>>, vector<16xf32>,
      %max3A_746 = arith.maximumf %get3A_739, %get3A_745 : vector<16xf32>
      %gt3A_747 = arith.cmpf ogt, %max3A_746, %max3A_730 : vector<16xf32>
      %max3A_748 = arith.maximumf %max3A_730, %max3A_746 : vector<16xf32>
      %broadcast_in_dim3A_749 = arith.constant 45 : i32
      %broadcast_in_dim3A_750 = vector.broadcast %broadcast_in_dim3A_749 : i32 to vector<16xi32>
      %select_n3A_751 = arith.select %gt3A_747, %broadcast_in_dim3A_750, %select_n3A_733 : vector<16xi1>, vector<16xi32>
      %get3A_752 = arith.constant 1 : i32
      %get3A_753 = arith.constant 47 : i32
      %get3A_754 = arith.index_cast %get3A_752 : i32 to index
      %get3A_755 = arith.index_cast %get3A_753 : i32 to index
      %get3A_756 = arith.index_cast %mul3A_334 : i32 to index
      %get3A_757 = tpu.vector_load %arg7[%get3A_754, %get3A_755, %get3A_756] {strides = array<i32>} : memref<2x91x512xf32, #tpu.memory_space<vmem>>, vector<16xf32>,
      %get3A_758 = arith.constant 1 : i32
      %get3A_759 = arith.constant 48 : i32
      %get3A_760 = arith.index_cast %get3A_758 : i32 to index
      %get3A_761 = arith.index_cast %get3A_759 : i32 to index
      %get3A_762 = arith.index_cast %mul3A_334 : i32 to index
      %get3A_763 = tpu.vector_load %arg7[%get3A_760, %get3A_761, %get3A_762] {strides = array<i32>} : memref<2x91x512xf32, #tpu.memory_space<vmem>>, vector<16xf32>,
      %max3A_764 = arith.maximumf %get3A_757, %get3A_763 : vector<16xf32>
      %gt3A_765 = arith.cmpf ogt, %max3A_764, %max3A_748 : vector<16xf32>
      %max3A_766 = arith.maximumf %max3A_748, %max3A_764 : vector<16xf32>
      %broadcast_in_dim3A_767 = arith.constant 47 : i32
      %broadcast_in_dim3A_768 = vector.broadcast %broadcast_in_dim3A_767 : i32 to vector<16xi32>
      %select_n3A_769 = arith.select %gt3A_765, %broadcast_in_dim3A_768, %select_n3A_751 : vector<16xi1>, vector<16xi32>
      %get3A_770 = arith.constant 1 : i32
      %get3A_771 = arith.constant 49 : i32
      %get3A_772 = arith.index_cast %get3A_770 : i32 to index
      %get3A_773 = arith.index_cast %get3A_771 : i32 to index
      %get3A_774 = arith.index_cast %mul3A_334 : i32 to index
      %get3A_775 = tpu.vector_load %arg7[%get3A_772, %get3A_773, %get3A_774] {strides = array<i32>} : memref<2x91x512xf32, #tpu.memory_space<vmem>>, vector<16xf32>,
      %get3A_776 = arith.constant 1 : i32
      %get3A_777 = arith.constant 50 : i32
      %get3A_778 = arith.index_cast %get3A_776 : i32 to index
      %get3A_779 = arith.index_cast %get3A_777 : i32 to index
      %get3A_780 = arith.index_cast %mul3A_334 : i32 to index
      %get3A_781 = tpu.vector_load %arg7[%get3A_778, %get3A_779, %get3A_780] {strides = array<i32>} : memref<2x91x512xf32, #tpu.memory_space<vmem>>, vector<16xf32>,
      %max3A_782 = arith.maximumf %get3A_775, %get3A_781 : vector<16xf32>
      %gt3A_783 = arith.cmpf ogt, %max3A_782, %max3A_766 : vector<16xf32>
      %max3A_784 = arith.maximumf %max3A_766, %max3A_782 : vector<16xf32>
      %broadcast_in_dim3A_785 = arith.constant 49 : i32
      %broadcast_in_dim3A_786 = vector.broadcast %broadcast_in_dim3A_785 : i32 to vector<16xi32>
      %select_n3A_787 = arith.select %gt3A_783, %broadcast_in_dim3A_786, %select_n3A_769 : vector<16xi1>, vector<16xi32>
      %get3A_788 = arith.constant 1 : i32
      %get3A_789 = arith.constant 51 : i32
      %get3A_790 = arith.index_cast %get3A_788 : i32 to index
      %get3A_791 = arith.index_cast %get3A_789 : i32 to index
      %get3A_792 = arith.index_cast %mul3A_334 : i32 to index
      %get3A_793 = tpu.vector_load %arg7[%get3A_790, %get3A_791, %get3A_792] {strides = array<i32>} : memref<2x91x512xf32, #tpu.memory_space<vmem>>, vector<16xf32>,
      %get3A_794 = arith.constant 1 : i32
      %get3A_795 = arith.constant 52 : i32
      %get3A_796 = arith.index_cast %get3A_794 : i32 to index
      %get3A_797 = arith.index_cast %get3A_795 : i32 to index
      %get3A_798 = arith.index_cast %mul3A_334 : i32 to index
      %get3A_799 = tpu.vector_load %arg7[%get3A_796, %get3A_797, %get3A_798] {strides = array<i32>} : memref<2x91x512xf32, #tpu.memory_space<vmem>>, vector<16xf32>,
      %max3A_800 = arith.maximumf %get3A_793, %get3A_799 : vector<16xf32>
      %gt3A_801 = arith.cmpf ogt, %max3A_800, %max3A_784 : vector<16xf32>
      %max3A_802 = arith.maximumf %max3A_784, %max3A_800 : vector<16xf32>
      %broadcast_in_dim3A_803 = arith.constant 51 : i32
      %broadcast_in_dim3A_804 = vector.broadcast %broadcast_in_dim3A_803 : i32 to vector<16xi32>
      %select_n3A_805 = arith.select %gt3A_801, %broadcast_in_dim3A_804, %select_n3A_787 : vector<16xi1>, vector<16xi32>
      %get3A_806 = arith.constant 1 : i32
      %get3A_807 = arith.constant 53 : i32
      %get3A_808 = arith.index_cast %get3A_806 : i32 to index
      %get3A_809 = arith.index_cast %get3A_807 : i32 to index
      %get3A_810 = arith.index_cast %mul3A_334 : i32 to index
      %get3A_811 = tpu.vector_load %arg7[%get3A_808, %get3A_809, %get3A_810] {strides = array<i32>} : memref<2x91x512xf32, #tpu.memory_space<vmem>>, vector<16xf32>,
      %get3A_812 = arith.constant 1 : i32
      %get3A_813 = arith.constant 54 : i32
      %get3A_814 = arith.index_cast %get3A_812 : i32 to index
      %get3A_815 = arith.index_cast %get3A_813 : i32 to index
      %get3A_816 = arith.index_cast %mul3A_334 : i32 to index
      %get3A_817 = tpu.vector_load %arg7[%get3A_814, %get3A_815, %get3A_816] {strides = array<i32>} : memref<2x91x512xf32, #tpu.memory_space<vmem>>, vector<16xf32>,
      %max3A_818 = arith.maximumf %get3A_811, %get3A_817 : vector<16xf32>
      %gt3A_819 = arith.cmpf ogt, %max3A_818, %max3A_802 : vector<16xf32>
      %max3A_820 = arith.maximumf %max3A_802, %max3A_818 : vector<16xf32>
      %broadcast_in_dim3A_821 = arith.constant 53 : i32
      %broadcast_in_dim3A_822 = vector.broadcast %broadcast_in_dim3A_821 : i32 to vector<16xi32>
      %select_n3A_823 = arith.select %gt3A_819, %broadcast_in_dim3A_822, %select_n3A_805 : vector<16xi1>, vector<16xi32>
      %get3A_824 = arith.constant 1 : i32
      %get3A_825 = arith.constant 55 : i32
      %get3A_826 = arith.index_cast %get3A_824 : i32 to index
      %get3A_827 = arith.index_cast %get3A_825 : i32 to index
      %get3A_828 = arith.index_cast %mul3A_334 : i32 to index
      %get3A_829 = tpu.vector_load %arg7[%get3A_826, %get3A_827, %get3A_828] {strides = array<i32>} : memref<2x91x512xf32, #tpu.memory_space<vmem>>, vector<16xf32>,
      %get3A_830 = arith.constant 1 : i32
      %get3A_831 = arith.constant 56 : i32
      %get3A_832 = arith.index_cast %get3A_830 : i32 to index
      %get3A_833 = arith.index_cast %get3A_831 : i32 to index
      %get3A_834 = arith.index_cast %mul3A_334 : i32 to index
      %get3A_835 = tpu.vector_load %arg7[%get3A_832, %get3A_833, %get3A_834] {strides = array<i32>} : memref<2x91x512xf32, #tpu.memory_space<vmem>>, vector<16xf32>,
      %max3A_836 = arith.maximumf %get3A_829, %get3A_835 : vector<16xf32>
      %gt3A_837 = arith.cmpf ogt, %max3A_836, %max3A_820 : vector<16xf32>
      %max3A_838 = arith.maximumf %max3A_820, %max3A_836 : vector<16xf32>
      %broadcast_in_dim3A_839 = arith.constant 55 : i32
      %broadcast_in_dim3A_840 = vector.broadcast %broadcast_in_dim3A_839 : i32 to vector<16xi32>
      %select_n3A_841 = arith.select %gt3A_837, %broadcast_in_dim3A_840, %select_n3A_823 : vector<16xi1>, vector<16xi32>
      %get3A_842 = arith.constant 1 : i32
      %get3A_843 = arith.constant 57 : i32
      %get3A_844 = arith.index_cast %get3A_842 : i32 to index
      %get3A_845 = arith.index_cast %get3A_843 : i32 to index
      %get3A_846 = arith.index_cast %mul3A_334 : i32 to index
      %get3A_847 = tpu.vector_load %arg7[%get3A_844, %get3A_845, %get3A_846] {strides = array<i32>} : memref<2x91x512xf32, #tpu.memory_space<vmem>>, vector<16xf32>,
      %get3A_848 = arith.constant 1 : i32
      %get3A_849 = arith.constant 58 : i32
      %get3A_850 = arith.index_cast %get3A_848 : i32 to index
      %get3A_851 = arith.index_cast %get3A_849 : i32 to index
      %get3A_852 = arith.index_cast %mul3A_334 : i32 to index
      %get3A_853 = tpu.vector_load %arg7[%get3A_850, %get3A_851, %get3A_852] {strides = array<i32>} : memref<2x91x512xf32, #tpu.memory_space<vmem>>, vector<16xf32>,
      %max3A_854 = arith.maximumf %get3A_847, %get3A_853 : vector<16xf32>
      %gt3A_855 = arith.cmpf ogt, %max3A_854, %max3A_838 : vector<16xf32>
      %max3A_856 = arith.maximumf %max3A_838, %max3A_854 : vector<16xf32>
      %broadcast_in_dim3A_857 = arith.constant 57 : i32
      %broadcast_in_dim3A_858 = vector.broadcast %broadcast_in_dim3A_857 : i32 to vector<16xi32>
      %select_n3A_859 = arith.select %gt3A_855, %broadcast_in_dim3A_858, %select_n3A_841 : vector<16xi1>, vector<16xi32>
      %get3A_860 = arith.constant 1 : i32
      %get3A_861 = arith.constant 59 : i32
      %get3A_862 = arith.index_cast %get3A_860 : i32 to index
      %get3A_863 = arith.index_cast %get3A_861 : i32 to index
      %get3A_864 = arith.index_cast %mul3A_334 : i32 to index
      %get3A_865 = tpu.vector_load %arg7[%get3A_862, %get3A_863, %get3A_864] {strides = array<i32>} : memref<2x91x512xf32, #tpu.memory_space<vmem>>, vector<16xf32>,
      %get3A_866 = arith.constant 1 : i32
      %get3A_867 = arith.constant 60 : i32
      %get3A_868 = arith.index_cast %get3A_866 : i32 to index
      %get3A_869 = arith.index_cast %get3A_867 : i32 to index
      %get3A_870 = arith.index_cast %mul3A_334 : i32 to index
      %get3A_871 = tpu.vector_load %arg7[%get3A_868, %get3A_869, %get3A_870] {strides = array<i32>} : memref<2x91x512xf32, #tpu.memory_space<vmem>>, vector<16xf32>,
      %max3A_872 = arith.maximumf %get3A_865, %get3A_871 : vector<16xf32>
      %gt3A_873 = arith.cmpf ogt, %max3A_872, %max3A_856 : vector<16xf32>
      %max3A_874 = arith.maximumf %max3A_856, %max3A_872 : vector<16xf32>
      %broadcast_in_dim3A_875 = arith.constant 59 : i32
      %broadcast_in_dim3A_876 = vector.broadcast %broadcast_in_dim3A_875 : i32 to vector<16xi32>
      %select_n3A_877 = arith.select %gt3A_873, %broadcast_in_dim3A_876, %select_n3A_859 : vector<16xi1>, vector<16xi32>
      %get3A_878 = arith.constant 1 : i32
      %get3A_879 = arith.constant 61 : i32
      %get3A_880 = arith.index_cast %get3A_878 : i32 to index
      %get3A_881 = arith.index_cast %get3A_879 : i32 to index
      %get3A_882 = arith.index_cast %mul3A_334 : i32 to index
      %get3A_883 = tpu.vector_load %arg7[%get3A_880, %get3A_881, %get3A_882] {strides = array<i32>} : memref<2x91x512xf32, #tpu.memory_space<vmem>>, vector<16xf32>,
      %get3A_884 = arith.constant 1 : i32
      %get3A_885 = arith.constant 62 : i32
      %get3A_886 = arith.index_cast %get3A_884 : i32 to index
      %get3A_887 = arith.index_cast %get3A_885 : i32 to index
      %get3A_888 = arith.index_cast %mul3A_334 : i32 to index
      %get3A_889 = tpu.vector_load %arg7[%get3A_886, %get3A_887, %get3A_888] {strides = array<i32>} : memref<2x91x512xf32, #tpu.memory_space<vmem>>, vector<16xf32>,
      %max3A_890 = arith.maximumf %get3A_883, %get3A_889 : vector<16xf32>
      %gt3A_891 = arith.cmpf ogt, %max3A_890, %max3A_874 : vector<16xf32>
      %max3A_892 = arith.maximumf %max3A_874, %max3A_890 : vector<16xf32>
      %broadcast_in_dim3A_893 = arith.constant 61 : i32
      %broadcast_in_dim3A_894 = vector.broadcast %broadcast_in_dim3A_893 : i32 to vector<16xi32>
      %select_n3A_895 = arith.select %gt3A_891, %broadcast_in_dim3A_894, %select_n3A_877 : vector<16xi1>, vector<16xi32>
      %get3A_896 = arith.constant 1 : i32
      %get3A_897 = arith.constant 63 : i32
      %get3A_898 = arith.index_cast %get3A_896 : i32 to index
      %get3A_899 = arith.index_cast %get3A_897 : i32 to index
      %get3A_900 = arith.index_cast %mul3A_334 : i32 to index
      %get3A_901 = tpu.vector_load %arg7[%get3A_898, %get3A_899, %get3A_900] {strides = array<i32>} : memref<2x91x512xf32, #tpu.memory_space<vmem>>, vector<16xf32>,
      %get3A_902 = arith.constant 1 : i32
      %get3A_903 = arith.constant 64 : i32
      %get3A_904 = arith.index_cast %get3A_902 : i32 to index
      %get3A_905 = arith.index_cast %get3A_903 : i32 to index
      %get3A_906 = arith.index_cast %mul3A_334 : i32 to index
      %get3A_907 = tpu.vector_load %arg7[%get3A_904, %get3A_905, %get3A_906] {strides = array<i32>} : memref<2x91x512xf32, #tpu.memory_space<vmem>>, vector<16xf32>,
      %max3A_908 = arith.maximumf %get3A_901, %get3A_907 : vector<16xf32>
      %gt3A_909 = arith.cmpf ogt, %max3A_908, %max3A_892 : vector<16xf32>
      %max3A_910 = arith.maximumf %max3A_892, %max3A_908 : vector<16xf32>
      %broadcast_in_dim3A_911 = arith.constant 63 : i32
      %broadcast_in_dim3A_912 = vector.broadcast %broadcast_in_dim3A_911 : i32 to vector<16xi32>
      %select_n3A_913 = arith.select %gt3A_909, %broadcast_in_dim3A_912, %select_n3A_895 : vector<16xi1>, vector<16xi32>
      %get3A_914 = arith.constant 1 : i32
      %get3A_915 = arith.constant 65 : i32
      %get3A_916 = arith.index_cast %get3A_914 : i32 to index
      %get3A_917 = arith.index_cast %get3A_915 : i32 to index
      %get3A_918 = arith.index_cast %mul3A_334 : i32 to index
      %get3A_919 = tpu.vector_load %arg7[%get3A_916, %get3A_917, %get3A_918] {strides = array<i32>} : memref<2x91x512xf32, #tpu.memory_space<vmem>>, vector<16xf32>,
      %get3A_920 = arith.constant 1 : i32
      %get3A_921 = arith.constant 66 : i32
      %get3A_922 = arith.index_cast %get3A_920 : i32 to index
      %get3A_923 = arith.index_cast %get3A_921 : i32 to index
      %get3A_924 = arith.index_cast %mul3A_334 : i32 to index
      %get3A_925 = tpu.vector_load %arg7[%get3A_922, %get3A_923, %get3A_924] {strides = array<i32>} : memref<2x91x512xf32, #tpu.memory_space<vmem>>, vector<16xf32>,
      %max3A_926 = arith.maximumf %get3A_919, %get3A_925 : vector<16xf32>
      %gt3A_927 = arith.cmpf ogt, %max3A_926, %max3A_910 : vector<16xf32>
      %max3A_928 = arith.maximumf %max3A_910, %max3A_926 : vector<16xf32>
      %broadcast_in_dim3A_929 = arith.constant 65 : i32
      %broadcast_in_dim3A_930 = vector.broadcast %broadcast_in_dim3A_929 : i32 to vector<16xi32>
      %select_n3A_931 = arith.select %gt3A_927, %broadcast_in_dim3A_930, %select_n3A_913 : vector<16xi1>, vector<16xi32>
      %get3A_932 = arith.constant 1 : i32
      %get3A_933 = arith.constant 67 : i32
      %get3A_934 = arith.index_cast %get3A_932 : i32 to index
      %get3A_935 = arith.index_cast %get3A_933 : i32 to index
      %get3A_936 = arith.index_cast %mul3A_334 : i32 to index
      %get3A_937 = tpu.vector_load %arg7[%get3A_934, %get3A_935, %get3A_936] {strides = array<i32>} : memref<2x91x512xf32, #tpu.memory_space<vmem>>, vector<16xf32>,
      %get3A_938 = arith.constant 1 : i32
      %get3A_939 = arith.constant 68 : i32
      %get3A_940 = arith.index_cast %get3A_938 : i32 to index
      %get3A_941 = arith.index_cast %get3A_939 : i32 to index
      %get3A_942 = arith.index_cast %mul3A_334 : i32 to index
      %get3A_943 = tpu.vector_load %arg7[%get3A_940, %get3A_941, %get3A_942] {strides = array<i32>} : memref<2x91x512xf32, #tpu.memory_space<vmem>>, vector<16xf32>,
      %max3A_944 = arith.maximumf %get3A_937, %get3A_943 : vector<16xf32>
      %gt3A_945 = arith.cmpf ogt, %max3A_944, %max3A_928 : vector<16xf32>
      %max3A_946 = arith.maximumf %max3A_928, %max3A_944 : vector<16xf32>
      %broadcast_in_dim3A_947 = arith.constant 67 : i32
      %broadcast_in_dim3A_948 = vector.broadcast %broadcast_in_dim3A_947 : i32 to vector<16xi32>
      %select_n3A_949 = arith.select %gt3A_945, %broadcast_in_dim3A_948, %select_n3A_931 : vector<16xi1>, vector<16xi32>
      %get3A_950 = arith.constant 1 : i32
      %get3A_951 = arith.constant 69 : i32
      %get3A_952 = arith.index_cast %get3A_950 : i32 to index
      %get3A_953 = arith.index_cast %get3A_951 : i32 to index
      %get3A_954 = arith.index_cast %mul3A_334 : i32 to index
      %get3A_955 = tpu.vector_load %arg7[%get3A_952, %get3A_953, %get3A_954] {strides = array<i32>} : memref<2x91x512xf32, #tpu.memory_space<vmem>>, vector<16xf32>,
      %get3A_956 = arith.constant 1 : i32
      %get3A_957 = arith.constant 70 : i32
      %get3A_958 = arith.index_cast %get3A_956 : i32 to index
      %get3A_959 = arith.index_cast %get3A_957 : i32 to index
      %get3A_960 = arith.index_cast %mul3A_334 : i32 to index
      %get3A_961 = tpu.vector_load %arg7[%get3A_958, %get3A_959, %get3A_960] {strides = array<i32>} : memref<2x91x512xf32, #tpu.memory_space<vmem>>, vector<16xf32>,
      %max3A_962 = arith.maximumf %get3A_955, %get3A_961 : vector<16xf32>
      %gt3A_963 = arith.cmpf ogt, %max3A_962, %max3A_946 : vector<16xf32>
      %max3A_964 = arith.maximumf %max3A_946, %max3A_962 : vector<16xf32>
      %broadcast_in_dim3A_965 = arith.constant 69 : i32
      %broadcast_in_dim3A_966 = vector.broadcast %broadcast_in_dim3A_965 : i32 to vector<16xi32>
      %select_n3A_967 = arith.select %gt3A_963, %broadcast_in_dim3A_966, %select_n3A_949 : vector<16xi1>, vector<16xi32>
      %get3A_968 = arith.constant 1 : i32
      %get3A_969 = arith.constant 71 : i32
      %get3A_970 = arith.index_cast %get3A_968 : i32 to index
      %get3A_971 = arith.index_cast %get3A_969 : i32 to index
      %get3A_972 = arith.index_cast %mul3A_334 : i32 to index
      %get3A_973 = tpu.vector_load %arg7[%get3A_970, %get3A_971, %get3A_972] {strides = array<i32>} : memref<2x91x512xf32, #tpu.memory_space<vmem>>, vector<16xf32>,
      %get3A_974 = arith.constant 1 : i32
      %get3A_975 = arith.constant 72 : i32
      %get3A_976 = arith.index_cast %get3A_974 : i32 to index
      %get3A_977 = arith.index_cast %get3A_975 : i32 to index
      %get3A_978 = arith.index_cast %mul3A_334 : i32 to index
      %get3A_979 = tpu.vector_load %arg7[%get3A_976, %get3A_977, %get3A_978] {strides = array<i32>} : memref<2x91x512xf32, #tpu.memory_space<vmem>>, vector<16xf32>,
      %max3A_980 = arith.maximumf %get3A_973, %get3A_979 : vector<16xf32>
      %gt3A_981 = arith.cmpf ogt, %max3A_980, %max3A_964 : vector<16xf32>
      %max3A_982 = arith.maximumf %max3A_964, %max3A_980 : vector<16xf32>
      %broadcast_in_dim3A_983 = arith.constant 71 : i32
      %broadcast_in_dim3A_984 = vector.broadcast %broadcast_in_dim3A_983 : i32 to vector<16xi32>
      %select_n3A_985 = arith.select %gt3A_981, %broadcast_in_dim3A_984, %select_n3A_967 : vector<16xi1>, vector<16xi32>
      %get3A_986 = arith.constant 1 : i32
      %get3A_987 = arith.constant 73 : i32
      %get3A_988 = arith.index_cast %get3A_986 : i32 to index
      %get3A_989 = arith.index_cast %get3A_987 : i32 to index
      %get3A_990 = arith.index_cast %mul3A_334 : i32 to index
      %get3A_991 = tpu.vector_load %arg7[%get3A_988, %get3A_989, %get3A_990] {strides = array<i32>} : memref<2x91x512xf32, #tpu.memory_space<vmem>>, vector<16xf32>,
      %get3A_992 = arith.constant 1 : i32
      %get3A_993 = arith.constant 74 : i32
      %get3A_994 = arith.index_cast %get3A_992 : i32 to index
      %get3A_995 = arith.index_cast %get3A_993 : i32 to index
      %get3A_996 = arith.index_cast %mul3A_334 : i32 to index
      %get3A_997 = tpu.vector_load %arg7[%get3A_994, %get3A_995, %get3A_996] {strides = array<i32>} : memref<2x91x512xf32, #tpu.memory_space<vmem>>, vector<16xf32>,
      %max3A_998 = arith.maximumf %get3A_991, %get3A_997 : vector<16xf32>
      %gt3A_999 = arith.cmpf ogt, %max3A_998, %max3A_982 : vector<16xf32>
      %max3A_1000 = arith.maximumf %max3A_982, %max3A_998 : vector<16xf32>
      %broadcast_in_dim3A_1001 = arith.constant 73 : i32
      %broadcast_in_dim3A_1002 = vector.broadcast %broadcast_in_dim3A_1001 : i32 to vector<16xi32>
      %select_n3A_1003 = arith.select %gt3A_999, %broadcast_in_dim3A_1002, %select_n3A_985 : vector<16xi1>, vector<16xi32>
      %get3A_1004 = arith.constant 1 : i32
      %get3A_1005 = arith.constant 75 : i32
      %get3A_1006 = arith.index_cast %get3A_1004 : i32 to index
      %get3A_1007 = arith.index_cast %get3A_1005 : i32 to index
      %get3A_1008 = arith.index_cast %mul3A_334 : i32 to index
      %get3A_1009 = tpu.vector_load %arg7[%get3A_1006, %get3A_1007, %get3A_1008] {strides = array<i32>} : memref<2x91x512xf32, #tpu.memory_space<vmem>>, vector<16xf32>,
      %get3A_1010 = arith.constant 1 : i32
      %get3A_1011 = arith.constant 76 : i32
      %get3A_1012 = arith.index_cast %get3A_1010 : i32 to index
      %get3A_1013 = arith.index_cast %get3A_1011 : i32 to index
      %get3A_1014 = arith.index_cast %mul3A_334 : i32 to index
      %get3A_1015 = tpu.vector_load %arg7[%get3A_1012, %get3A_1013, %get3A_1014] {strides = array<i32>} : memref<2x91x512xf32, #tpu.memory_space<vmem>>, vector<16xf32>,
      %max3A_1016 = arith.maximumf %get3A_1009, %get3A_1015 : vector<16xf32>
      %gt3A_1017 = arith.cmpf ogt, %max3A_1016, %max3A_1000 : vector<16xf32>
      %max3A_1018 = arith.maximumf %max3A_1000, %max3A_1016 : vector<16xf32>
      %broadcast_in_dim3A_1019 = arith.constant 75 : i32
      %broadcast_in_dim3A_1020 = vector.broadcast %broadcast_in_dim3A_1019 : i32 to vector<16xi32>
      %select_n3A_1021 = arith.select %gt3A_1017, %broadcast_in_dim3A_1020, %select_n3A_1003 : vector<16xi1>, vector<16xi32>
      %get3A_1022 = arith.constant 1 : i32
      %get3A_1023 = arith.constant 77 : i32
      %get3A_1024 = arith.index_cast %get3A_1022 : i32 to index
      %get3A_1025 = arith.index_cast %get3A_1023 : i32 to index
      %get3A_1026 = arith.index_cast %mul3A_334 : i32 to index
      %get3A_1027 = tpu.vector_load %arg7[%get3A_1024, %get3A_1025, %get3A_1026] {strides = array<i32>} : memref<2x91x512xf32, #tpu.memory_space<vmem>>, vector<16xf32>,
      %get3A_1028 = arith.constant 1 : i32
      %get3A_1029 = arith.constant 78 : i32
      %get3A_1030 = arith.index_cast %get3A_1028 : i32 to index
      %get3A_1031 = arith.index_cast %get3A_1029 : i32 to index
      %get3A_1032 = arith.index_cast %mul3A_334 : i32 to index
      %get3A_1033 = tpu.vector_load %arg7[%get3A_1030, %get3A_1031, %get3A_1032] {strides = array<i32>} : memref<2x91x512xf32, #tpu.memory_space<vmem>>, vector<16xf32>,
      %max3A_1034 = arith.maximumf %get3A_1027, %get3A_1033 : vector<16xf32>
      %gt3A_1035 = arith.cmpf ogt, %max3A_1034, %max3A_1018 : vector<16xf32>
      %max3A_1036 = arith.maximumf %max3A_1018, %max3A_1034 : vector<16xf32>
      %broadcast_in_dim3A_1037 = arith.constant 77 : i32
      %broadcast_in_dim3A_1038 = vector.broadcast %broadcast_in_dim3A_1037 : i32 to vector<16xi32>
      %select_n3A_1039 = arith.select %gt3A_1035, %broadcast_in_dim3A_1038, %select_n3A_1021 : vector<16xi1>, vector<16xi32>
      %get3A_1040 = arith.constant 1 : i32
      %get3A_1041 = arith.constant 79 : i32
      %get3A_1042 = arith.index_cast %get3A_1040 : i32 to index
      %get3A_1043 = arith.index_cast %get3A_1041 : i32 to index
      %get3A_1044 = arith.index_cast %mul3A_334 : i32 to index
      %get3A_1045 = tpu.vector_load %arg7[%get3A_1042, %get3A_1043, %get3A_1044] {strides = array<i32>} : memref<2x91x512xf32, #tpu.memory_space<vmem>>, vector<16xf32>,
      %get3A_1046 = arith.constant 1 : i32
      %get3A_1047 = arith.constant 80 : i32
      %get3A_1048 = arith.index_cast %get3A_1046 : i32 to index
      %get3A_1049 = arith.index_cast %get3A_1047 : i32 to index
      %get3A_1050 = arith.index_cast %mul3A_334 : i32 to index
      %get3A_1051 = tpu.vector_load %arg7[%get3A_1048, %get3A_1049, %get3A_1050] {strides = array<i32>} : memref<2x91x512xf32, #tpu.memory_space<vmem>>, vector<16xf32>,
      %max3A_1052 = arith.maximumf %get3A_1045, %get3A_1051 : vector<16xf32>
      %gt3A_1053 = arith.cmpf ogt, %max3A_1052, %max3A_1036 : vector<16xf32>
      %max3A_1054 = arith.maximumf %max3A_1036, %max3A_1052 : vector<16xf32>
      %broadcast_in_dim3A_1055 = arith.constant 79 : i32
      %broadcast_in_dim3A_1056 = vector.broadcast %broadcast_in_dim3A_1055 : i32 to vector<16xi32>
      %select_n3A_1057 = arith.select %gt3A_1053, %broadcast_in_dim3A_1056, %select_n3A_1039 : vector<16xi1>, vector<16xi32>
      %get3A_1058 = arith.constant 1 : i32
      %get3A_1059 = arith.constant 81 : i32
      %get3A_1060 = arith.index_cast %get3A_1058 : i32 to index
      %get3A_1061 = arith.index_cast %get3A_1059 : i32 to index
      %get3A_1062 = arith.index_cast %mul3A_334 : i32 to index
      %get3A_1063 = tpu.vector_load %arg7[%get3A_1060, %get3A_1061, %get3A_1062] {strides = array<i32>} : memref<2x91x512xf32, #tpu.memory_space<vmem>>, vector<16xf32>,
      %get3A_1064 = arith.constant 1 : i32
      %get3A_1065 = arith.constant 82 : i32
      %get3A_1066 = arith.index_cast %get3A_1064 : i32 to index
      %get3A_1067 = arith.index_cast %get3A_1065 : i32 to index
      %get3A_1068 = arith.index_cast %mul3A_334 : i32 to index
      %get3A_1069 = tpu.vector_load %arg7[%get3A_1066, %get3A_1067, %get3A_1068] {strides = array<i32>} : memref<2x91x512xf32, #tpu.memory_space<vmem>>, vector<16xf32>,
      %max3A_1070 = arith.maximumf %get3A_1063, %get3A_1069 : vector<16xf32>
      %gt3A_1071 = arith.cmpf ogt, %max3A_1070, %max3A_1054 : vector<16xf32>
      %max3A_1072 = arith.maximumf %max3A_1054, %max3A_1070 : vector<16xf32>
      %broadcast_in_dim3A_1073 = arith.constant 81 : i32
      %broadcast_in_dim3A_1074 = vector.broadcast %broadcast_in_dim3A_1073 : i32 to vector<16xi32>
      %select_n3A_1075 = arith.select %gt3A_1071, %broadcast_in_dim3A_1074, %select_n3A_1057 : vector<16xi1>, vector<16xi32>
      %get3A_1076 = arith.constant 1 : i32
      %get3A_1077 = arith.constant 83 : i32
      %get3A_1078 = arith.index_cast %get3A_1076 : i32 to index
      %get3A_1079 = arith.index_cast %get3A_1077 : i32 to index
      %get3A_1080 = arith.index_cast %mul3A_334 : i32 to index
      %get3A_1081 = tpu.vector_load %arg7[%get3A_1078, %get3A_1079, %get3A_1080] {strides = array<i32>} : memref<2x91x512xf32, #tpu.memory_space<vmem>>, vector<16xf32>,
      %get3A_1082 = arith.constant 1 : i32
      %get3A_1083 = arith.constant 84 : i32
      %get3A_1084 = arith.index_cast %get3A_1082 : i32 to index
      %get3A_1085 = arith.index_cast %get3A_1083 : i32 to index
      %get3A_1086 = arith.index_cast %mul3A_334 : i32 to index
      %get3A_1087 = tpu.vector_load %arg7[%get3A_1084, %get3A_1085, %get3A_1086] {strides = array<i32>} : memref<2x91x512xf32, #tpu.memory_space<vmem>>, vector<16xf32>,
      %max3A_1088 = arith.maximumf %get3A_1081, %get3A_1087 : vector<16xf32>
      %gt3A_1089 = arith.cmpf ogt, %max3A_1088, %max3A_1072 : vector<16xf32>
      %max3A_1090 = arith.maximumf %max3A_1072, %max3A_1088 : vector<16xf32>
      %broadcast_in_dim3A_1091 = arith.constant 83 : i32
      %broadcast_in_dim3A_1092 = vector.broadcast %broadcast_in_dim3A_1091 : i32 to vector<16xi32>
      %select_n3A_1093 = arith.select %gt3A_1089, %broadcast_in_dim3A_1092, %select_n3A_1075 : vector<16xi1>, vector<16xi32>
      %get3A_1094 = arith.constant 1 : i32
      %get3A_1095 = arith.constant 85 : i32
      %get3A_1096 = arith.index_cast %get3A_1094 : i32 to index
      %get3A_1097 = arith.index_cast %get3A_1095 : i32 to index
      %get3A_1098 = arith.index_cast %mul3A_334 : i32 to index
      %get3A_1099 = tpu.vector_load %arg7[%get3A_1096, %get3A_1097, %get3A_1098] {strides = array<i32>} : memref<2x91x512xf32, #tpu.memory_space<vmem>>, vector<16xf32>,
      %get3A_1100 = arith.constant 1 : i32
      %get3A_1101 = arith.constant 86 : i32
      %get3A_1102 = arith.index_cast %get3A_1100 : i32 to index
      %get3A_1103 = arith.index_cast %get3A_1101 : i32 to index
      %get3A_1104 = arith.index_cast %mul3A_334 : i32 to index
      %get3A_1105 = tpu.vector_load %arg7[%get3A_1102, %get3A_1103, %get3A_1104] {strides = array<i32>} : memref<2x91x512xf32, #tpu.memory_space<vmem>>, vector<16xf32>,
      %max3A_1106 = arith.maximumf %get3A_1099, %get3A_1105 : vector<16xf32>
      %gt3A_1107 = arith.cmpf ogt, %max3A_1106, %max3A_1090 : vector<16xf32>
      %max3A_1108 = arith.maximumf %max3A_1090, %max3A_1106 : vector<16xf32>
      %broadcast_in_dim3A_1109 = arith.constant 85 : i32
      %broadcast_in_dim3A_1110 = vector.broadcast %broadcast_in_dim3A_1109 : i32 to vector<16xi32>
      %select_n3A_1111 = arith.select %gt3A_1107, %broadcast_in_dim3A_1110, %select_n3A_1093 : vector<16xi1>, vector<16xi32>
      %get3A_1112 = arith.constant 1 : i32
      %get3A_1113 = arith.constant 87 : i32
      %get3A_1114 = arith.index_cast %get3A_1112 : i32 to index
      %get3A_1115 = arith.index_cast %get3A_1113 : i32 to index
      %get3A_1116 = arith.index_cast %mul3A_334 : i32 to index
      %get3A_1117 = tpu.vector_load %arg7[%get3A_1114, %get3A_1115, %get3A_1116] {strides = array<i32>} : memref<2x91x512xf32, #tpu.memory_space<vmem>>, vector<16xf32>,
      %get3A_1118 = arith.constant 1 : i32
      %get3A_1119 = arith.constant 88 : i32
      %get3A_1120 = arith.index_cast %get3A_1118 : i32 to index
      %get3A_1121 = arith.index_cast %get3A_1119 : i32 to index
      %get3A_1122 = arith.index_cast %mul3A_334 : i32 to index
      %get3A_1123 = tpu.vector_load %arg7[%get3A_1120, %get3A_1121, %get3A_1122] {strides = array<i32>} : memref<2x91x512xf32, #tpu.memory_space<vmem>>, vector<16xf32>,
      %max3A_1124 = arith.maximumf %get3A_1117, %get3A_1123 : vector<16xf32>
      %gt3A_1125 = arith.cmpf ogt, %max3A_1124, %max3A_1108 : vector<16xf32>
      %max3A_1126 = arith.maximumf %max3A_1108, %max3A_1124 : vector<16xf32>
      %broadcast_in_dim3A_1127 = arith.constant 87 : i32
      %broadcast_in_dim3A_1128 = vector.broadcast %broadcast_in_dim3A_1127 : i32 to vector<16xi32>
      %select_n3A_1129 = arith.select %gt3A_1125, %broadcast_in_dim3A_1128, %select_n3A_1111 : vector<16xi1>, vector<16xi32>
      %get3A_1130 = arith.constant 1 : i32
      %get3A_1131 = arith.constant 89 : i32
      %get3A_1132 = arith.index_cast %get3A_1130 : i32 to index
      %get3A_1133 = arith.index_cast %get3A_1131 : i32 to index
      %get3A_1134 = arith.index_cast %mul3A_334 : i32 to index
      %get3A_1135 = tpu.vector_load %arg7[%get3A_1132, %get3A_1133, %get3A_1134] {strides = array<i32>} : memref<2x91x512xf32, #tpu.memory_space<vmem>>, vector<16xf32>,
      %get3A_1136 = arith.constant 1 : i32
      %get3A_1137 = arith.constant 90 : i32
      %get3A_1138 = arith.index_cast %get3A_1136 : i32 to index
      %get3A_1139 = arith.index_cast %get3A_1137 : i32 to index
      %get3A_1140 = arith.index_cast %mul3A_334 : i32 to index
      %get3A_1141 = tpu.vector_load %arg7[%get3A_1138, %get3A_1139, %get3A_1140] {strides = array<i32>} : memref<2x91x512xf32, #tpu.memory_space<vmem>>, vector<16xf32>,
      %max3A_1142 = arith.maximumf %get3A_1135, %get3A_1141 : vector<16xf32>
      %gt3A_1143 = arith.cmpf ogt, %max3A_1142, %max3A_1126 : vector<16xf32>
      %max3A_1144 = arith.maximumf %max3A_1126, %max3A_1142 : vector<16xf32>
      %broadcast_in_dim3A_1145 = arith.constant 89 : i32
      %broadcast_in_dim3A_1146 = vector.broadcast %broadcast_in_dim3A_1145 : i32 to vector<16xi32>
      %select_n3A_1147 = arith.select %gt3A_1143, %broadcast_in_dim3A_1146, %select_n3A_1129 : vector<16xi1>, vector<16xi32>
      %add3A_1148 = vector.broadcast %mul3A_334 : i32 to vector<16xi32>
      %add3A_1149 = arith.addi %add3A_1148, %iota3A : vector<16xi32>
      %mul3A_1150 = arith.constant 0 : i32
      %mul3A_1151 = vector.broadcast %mul3A_1150 : i32 to vector<16xi32>
      %mul3A_1152 = arith.muli %iota3A, %mul3A_1151 : vector<16xi32>
      %add3A_1153 = arith.constant 1 : i32
      %add3A_1154 = vector.broadcast %add3A_1153 : i32 to vector<16xi32>
      %add3A_1155 = arith.addi %mul3A_1152, %add3A_1154 : vector<16xi32>
      %gather3A = tpu.vector_load_idx %arg7[%add3A_1155, %select_n3A_1147, %add3A_1149] : memref<2x91x512xf32, #tpu.memory_space<vmem>>[vector<16xi32>, vector<16xi32>, vector<16xi32>], vector<16xf32>,
      %ne3A = arith.cmpf one, %gather3A, %max3A_1144 : vector<16xf32>
      %convert_element_type3A = arith.extui %ne3A : vector<16xi1> to vector<16xi32>
      %add3A_1156 = arith.addi %select_n3A_1147, %convert_element_type3A : vector<16xi32>
      %neg3A = arith.constant 0.000000e+00 : f32
      %neg3A_1157 = vector.broadcast %neg3A : f32 to vector<16xf32>
      %neg3A_1158 = arith.subf %neg3A_1157, %max3A_1144 : vector<16xf32>
      %exp3A = math.exp %neg3A_1158 : vector<16xf32>
      %add3A_1159 = arith.constant 1.000000e+00 : f32
      %add3A_1160 = vector.broadcast %add3A_1159 : f32 to vector<16xf32>
      %add3A_1161 = arith.addf %add3A_1160, %exp3A : vector<16xf32>
      %div3A = arith.constant 1.000000e+00 : f32
      %div3A_1162 = vector.broadcast %div3A : f32 to vector<16xf32>
      %div3A_1163 = arith.divf %div3A_1162, %add3A_1161 : vector<16xf32>
      %swap3A = arith.constant 1 : i32
      %swap3A_1164 = arith.index_cast %swap3A : i32 to index
      %swap3A_1165 = arith.index_cast %mul3A_334 : i32 to index
      %swap3A_1166 = tpu.vector_load %arg8[%swap3A_1164, %swap3A_1165] {strides = array<i32>} : memref<2x512xf32, #tpu.memory_space<vmem>>, vector<16xf32>,
      tpu.vector_store %arg8[%swap3A_1164, %swap3A_1165], %div3A_1163 {strides = array<i32>} : memref<2x512xf32, #tpu.memory_space<vmem>>, vector<16xf32>,
      %sub3A = arith.constant 1.000000e+00 : f32
      %sub3A_1167 = vector.broadcast %sub3A : f32 to vector<16xf32>
      %sub3A_1168 = arith.subf %sub3A_1167, %div3A_1163 : vector<16xf32>
      %swap3A_1169 = arith.constant 1 : i32
      %swap3A_1170 = arith.index_cast %swap3A_1169 : i32 to index
      %swap3A_1171 = arith.index_cast %mul3A_334 : i32 to index
      %swap3A_1172 = tpu.vector_load %arg9[%swap3A_1170, %swap3A_1171] {strides = array<i32>} : memref<2x512xf32, #tpu.memory_space<vmem>>, vector<16xf32>,
      tpu.vector_store %arg9[%swap3A_1170, %swap3A_1171], %sub3A_1168 {strides = array<i32>} : memref<2x512xf32, #tpu.memory_space<vmem>>, vector<16xf32>,
      %swap3A_1173 = arith.constant 1 : i32
      %swap3A_1174 = arith.index_cast %swap3A_1173 : i32 to index
      %swap3A_1175 = arith.index_cast %mul3A_334 : i32 to index
      %swap3A_1176 = tpu.vector_load %arg10[%swap3A_1174, %swap3A_1175] {strides = array<i32>} : memref<2x512xi32, #tpu.memory_space<vmem>>, vector<16xi32>,
      tpu.vector_store %arg10[%swap3A_1174, %swap3A_1175], %add3A_1156 {strides = array<i32>} : memref<2x512xi32, #tpu.memory_space<vmem>>, vector<16xi32>,
    }
    %scan3A_133 = arith.constant 32 : i32
    %add3A_134 = arith.constant 512 : i32
    %add3A_135 = arith.addi %mul3A_4, %add3A_134 : i32
    %dma_start3A_136 = arith.constant 1 : i32
    %dma_start3A_137 = arith.constant 0 : i32
    %dma_start3A_138 = tpu.memref_slice %arg8[%dma_start3A_136, %dma_start3A_137] : memref<2x512xf32, #tpu.memory_space<vmem>> -> memref<1x512xf32, #tpu.memory_space<vmem>>
    %dma_start3A_139 = tpu.memref_squeeze %dma_start3A_138 : memref<1x512xf32, #tpu.memory_space<vmem>> -> memref<512xf32, #tpu.memory_space<vmem>>
    %dma_start3A_140 = tpu.memref_slice %arg4[%shift_right_logical3A_1, %add3A_135] : memref<8x6144xf32, #tpu.memory_space<hbm>> -> memref<1x512xf32, #tpu.memory_space<hbm>>
    %dma_start3A_141 = tpu.memref_squeeze %dma_start3A_140 : memref<1x512xf32, #tpu.memory_space<hbm>> -> memref<512xf32, #tpu.memory_space<hbm>>
    %dma_start3A_142 = tpu.memref_slice %arg4[%shift_right_logical3A_1, %add3A_135] : memref<8x6144xf32, #tpu.memory_space<hbm>> -> memref<1x512xf32, #tpu.memory_space<hbm>>
    %dma_start3A_143 = tpu.memref_squeeze %dma_start3A_142 : memref<1x512xf32, #tpu.memory_space<hbm>> -> memref<512xf32, #tpu.memory_space<hbm>>
    %dma_start3A_144 = arith.constant 0 : i32
    %dma_start3A_145 = tpu.memref_slice %arg8[%dma_start3A_136, %dma_start3A_144] : memref<2x512xf32, #tpu.memory_space<vmem>> -> memref<1x512xf32, #tpu.memory_space<vmem>>
    %dma_start3A_146 = tpu.memref_squeeze %dma_start3A_145 : memref<1x512xf32, #tpu.memory_space<vmem>> -> memref<512xf32, #tpu.memory_space<vmem>>
    tpu.enqueue_dma source(%dma_start3A_146 : memref<512xf32, #tpu.memory_space<vmem>>) target(%dma_start3A_143 : memref<512xf32, #tpu.memory_space<hbm>>) target_semaphore(%arg15 : memref<!tpu.dma_semaphore, #tpu.memory_space<semaphore_mem>>)
    %dma_start3A_147 = arith.constant 1 : i32
    %dma_start3A_148 = arith.constant 0 : i32
    %dma_start3A_149 = tpu.memref_slice %arg9[%dma_start3A_147, %dma_start3A_148] : memref<2x512xf32, #tpu.memory_space<vmem>> -> memref<1x512xf32, #tpu.memory_space<vmem>>
    %dma_start3A_150 = tpu.memref_squeeze %dma_start3A_149 : memref<1x512xf32, #tpu.memory_space<vmem>> -> memref<512xf32, #tpu.memory_space<vmem>>
    %dma_start3A_151 = tpu.memref_slice %arg5[%shift_right_logical3A_1, %add3A_135] : memref<8x6144xf32, #tpu.memory_space<hbm>> -> memref<1x512xf32, #tpu.memory_space<hbm>>
    %dma_start3A_152 = tpu.memref_squeeze %dma_start3A_151 : memref<1x512xf32, #tpu.memory_space<hbm>> -> memref<512xf32, #tpu.memory_space<hbm>>
    %dma_start3A_153 = tpu.memref_slice %arg5[%shift_right_logical3A_1, %add3A_135] : memref<8x6144xf32, #tpu.memory_space<hbm>> -> memref<1x512xf32, #tpu.memory_space<hbm>>
    %dma_start3A_154 = tpu.memref_squeeze %dma_start3A_153 : memref<1x512xf32, #tpu.memory_space<hbm>> -> memref<512xf32, #tpu.memory_space<hbm>>
    %dma_start3A_155 = arith.constant 0 : i32
    %dma_start3A_156 = tpu.memref_slice %arg9[%dma_start3A_147, %dma_start3A_155] : memref<2x512xf32, #tpu.memory_space<vmem>> -> memref<1x512xf32, #tpu.memory_space<vmem>>
    %dma_start3A_157 = tpu.memref_squeeze %dma_start3A_156 : memref<1x512xf32, #tpu.memory_space<vmem>> -> memref<512xf32, #tpu.memory_space<vmem>>
    tpu.enqueue_dma source(%dma_start3A_157 : memref<512xf32, #tpu.memory_space<vmem>>) target(%dma_start3A_154 : memref<512xf32, #tpu.memory_space<hbm>>) target_semaphore(%arg15 : memref<!tpu.dma_semaphore, #tpu.memory_space<semaphore_mem>>)
    %dma_start3A_158 = arith.constant 1 : i32
    %dma_start3A_159 = arith.constant 0 : i32
    %dma_start3A_160 = tpu.memref_slice %arg10[%dma_start3A_158, %dma_start3A_159] : memref<2x512xi32, #tpu.memory_space<vmem>> -> memref<1x512xi32, #tpu.memory_space<vmem>>
    %dma_start3A_161 = tpu.memref_squeeze %dma_start3A_160 : memref<1x512xi32, #tpu.memory_space<vmem>> -> memref<512xi32, #tpu.memory_space<vmem>>
    %dma_start3A_162 = tpu.memref_slice %arg6[%shift_right_logical3A_1, %add3A_135] : memref<8x6144xi32, #tpu.memory_space<hbm>> -> memref<1x512xi32, #tpu.memory_space<hbm>>
    %dma_start3A_163 = tpu.memref_squeeze %dma_start3A_162 : memref<1x512xi32, #tpu.memory_space<hbm>> -> memref<512xi32, #tpu.memory_space<hbm>>
    %dma_start3A_164 = tpu.memref_slice %arg6[%shift_right_logical3A_1, %add3A_135] : memref<8x6144xi32, #tpu.memory_space<hbm>> -> memref<1x512xi32, #tpu.memory_space<hbm>>
    %dma_start3A_165 = tpu.memref_squeeze %dma_start3A_164 : memref<1x512xi32, #tpu.memory_space<hbm>> -> memref<512xi32, #tpu.memory_space<hbm>>
    %dma_start3A_166 = arith.constant 0 : i32
    %dma_start3A_167 = tpu.memref_slice %arg10[%dma_start3A_158, %dma_start3A_166] : memref<2x512xi32, #tpu.memory_space<vmem>> -> memref<1x512xi32, #tpu.memory_space<vmem>>
    %dma_start3A_168 = tpu.memref_squeeze %dma_start3A_167 : memref<1x512xi32, #tpu.memory_space<vmem>> -> memref<512xi32, #tpu.memory_space<vmem>>
    tpu.enqueue_dma source(%dma_start3A_168 : memref<512xi32, #tpu.memory_space<vmem>>) target(%dma_start3A_165 : memref<512xi32, #tpu.memory_space<hbm>>) target_semaphore(%arg15 : memref<!tpu.dma_semaphore, #tpu.memory_space<semaphore_mem>>)
    %add3A_169 = arith.constant 1024 : i32
    %add3A_170 = arith.addi %mul3A_4, %add3A_169 : i32
    %dma_wait3A_171 = arith.constant 0 : i32
    %dma_wait3A_172 = arith.constant 0 : i32
    %dma_wait3A_173 = arith.constant 0 : i32
    %dma_wait3A_174 = tpu.memref_slice %arg7[%dma_wait3A_171, %dma_wait3A_172, %dma_wait3A_173] : memref<2x91x512xf32, #tpu.memory_space<vmem>> -> memref<1x91x512xf32, #tpu.memory_space<vmem>>
    %dma_wait3A_175 = tpu.memref_squeeze %dma_wait3A_174 : memref<1x91x512xf32, #tpu.memory_space<vmem>> -> memref<91x512xf32, #tpu.memory_space<vmem>>
    %dma_wait3A_176 = arith.constant 0 : i32
    %dma_wait3A_177 = tpu.memref_slice %arg2[%dma_wait3A_176, %shift_right_logical3A_1, %add3A_170] : memref<91x8x20000xf32, #tpu.memory_space<hbm>> -> memref<91x1x512xf32, #tpu.memory_space<hbm>>
    %dma_wait3A_178 = tpu.memref_squeeze %dma_wait3A_177 : memref<91x1x512xf32, #tpu.memory_space<hbm>> -> memref<91x512xf32, #tpu.memory_space<hbm>>
    %dma_wait3A_179 = arith.constant 0 : i32
    %dma_wait3A_180 = arith.constant 0 : i32
    %dma_wait3A_181 = tpu.memref_slice %arg7[%dma_wait3A_171, %dma_wait3A_179, %dma_wait3A_180] : memref<2x91x512xf32, #tpu.memory_space<vmem>> -> memref<1x91x512xf32, #tpu.memory_space<vmem>>
    %dma_wait3A_182 = tpu.memref_squeeze %dma_wait3A_181 : memref<1x91x512xf32, #tpu.memory_space<vmem>> -> memref<91x512xf32, #tpu.memory_space<vmem>>
    %dma_wait3A_183 = arith.constant 0 : i32
    %dma_wait3A_184 = tpu.memref_slice %arg2[%dma_wait3A_183, %shift_right_logical3A_1, %add3A_170] : memref<91x8x20000xf32, #tpu.memory_space<hbm>> -> memref<91x1x512xf32, #tpu.memory_space<hbm>>
    %dma_wait3A_185 = tpu.memref_squeeze %dma_wait3A_184 : memref<91x1x512xf32, #tpu.memory_space<hbm>> -> memref<91x512xf32, #tpu.memory_space<hbm>>
    tpu.wait_dma2 semaphore(%arg12 : memref<!tpu.dma_semaphore, #tpu.memory_space<semaphore_mem>>) src(%dma_wait3A_185 : memref<91x512xf32, #tpu.memory_space<hbm>>) dst(%dma_wait3A_182 : memref<91x512xf32, #tpu.memory_space<vmem>>)
    %add3A_186 = arith.constant 0 : i32
    %add3A_187 = arith.addi %mul3A_4, %add3A_186 : i32
    %dma_wait3A_188 = arith.constant 0 : i32
    %dma_wait3A_189 = arith.constant 0 : i32
    %dma_wait3A_190 = tpu.memref_slice %arg8[%dma_wait3A_188, %dma_wait3A_189] : memref<2x512xf32, #tpu.memory_space<vmem>> -> memref<1x512xf32, #tpu.memory_space<vmem>>
    %dma_wait3A_191 = tpu.memref_squeeze %dma_wait3A_190 : memref<1x512xf32, #tpu.memory_space<vmem>> -> memref<512xf32, #tpu.memory_space<vmem>>
    %dma_wait3A_192 = tpu.memref_slice %arg4[%shift_right_logical3A_1, %add3A_187] : memref<8x6144xf32, #tpu.memory_space<hbm>> -> memref<1x512xf32, #tpu.memory_space<hbm>>
    %dma_wait3A_193 = tpu.memref_squeeze %dma_wait3A_192 : memref<1x512xf32, #tpu.memory_space<hbm>> -> memref<512xf32, #tpu.memory_space<hbm>>
    %dma_wait3A_194 = tpu.memref_slice %arg4[%shift_right_logical3A_1, %add3A_187] : memref<8x6144xf32, #tpu.memory_space<hbm>> -> memref<1x512xf32, #tpu.memory_space<hbm>>
    %dma_wait3A_195 = tpu.memref_squeeze %dma_wait3A_194 : memref<1x512xf32, #tpu.memory_space<hbm>> -> memref<512xf32, #tpu.memory_space<hbm>>
    %dma_wait3A_196 = arith.constant 0 : i32
    %dma_wait3A_197 = tpu.memref_slice %arg8[%dma_wait3A_188, %dma_wait3A_196] : memref<2x512xf32, #tpu.memory_space<vmem>> -> memref<1x512xf32, #tpu.memory_space<vmem>>
    %dma_wait3A_198 = tpu.memref_squeeze %dma_wait3A_197 : memref<1x512xf32, #tpu.memory_space<vmem>> -> memref<512xf32, #tpu.memory_space<vmem>>
    tpu.wait_dma2 semaphore(%arg14 : memref<!tpu.dma_semaphore, #tpu.memory_space<semaphore_mem>>) src(%dma_wait3A_198 : memref<512xf32, #tpu.memory_space<vmem>>) dst(%dma_wait3A_195 : memref<512xf32, #tpu.memory_space<hbm>>)
    %dma_wait3A_199 = arith.constant 0 : i32
    %dma_wait3A_200 = arith.constant 0 : i32
    %dma_wait3A_201 = tpu.memref_slice %arg9[%dma_wait3A_199, %dma_wait3A_200] : memref<2x512xf32, #tpu.memory_space<vmem>> -> memref<1x512xf32, #tpu.memory_space<vmem>>
    %dma_wait3A_202 = tpu.memref_squeeze %dma_wait3A_201 : memref<1x512xf32, #tpu.memory_space<vmem>> -> memref<512xf32, #tpu.memory_space<vmem>>
    %dma_wait3A_203 = tpu.memref_slice %arg5[%shift_right_logical3A_1, %add3A_187] : memref<8x6144xf32, #tpu.memory_space<hbm>> -> memref<1x512xf32, #tpu.memory_space<hbm>>
    %dma_wait3A_204 = tpu.memref_squeeze %dma_wait3A_203 : memref<1x512xf32, #tpu.memory_space<hbm>> -> memref<512xf32, #tpu.memory_space<hbm>>
    %dma_wait3A_205 = tpu.memref_slice %arg5[%shift_right_logical3A_1, %add3A_187] : memref<8x6144xf32, #tpu.memory_space<hbm>> -> memref<1x512xf32, #tpu.memory_space<hbm>>
    %dma_wait3A_206 = tpu.memref_squeeze %dma_wait3A_205 : memref<1x512xf32, #tpu.memory_space<hbm>> -> memref<512xf32, #tpu.memory_space<hbm>>
    %dma_wait3A_207 = arith.constant 0 : i32
    %dma_wait3A_208 = tpu.memref_slice %arg9[%dma_wait3A_199, %dma_wait3A_207] : memref<2x512xf32, #tpu.memory_space<vmem>> -> memref<1x512xf32, #tpu.memory_space<vmem>>
    %dma_wait3A_209 = tpu.memref_squeeze %dma_wait3A_208 : memref<1x512xf32, #tpu.memory_space<vmem>> -> memref<512xf32, #tpu.memory_space<vmem>>
    tpu.wait_dma2 semaphore(%arg14 : memref<!tpu.dma_semaphore, #tpu.memory_space<semaphore_mem>>) src(%dma_wait3A_209 : memref<512xf32, #tpu.memory_space<vmem>>) dst(%dma_wait3A_206 : memref<512xf32, #tpu.memory_space<hbm>>)
    %dma_wait3A_210 = arith.constant 0 : i32
    %dma_wait3A_211 = arith.constant 0 : i32
    %dma_wait3A_212 = tpu.memref_slice %arg10[%dma_wait3A_210, %dma_wait3A_211] : memref<2x512xi32, #tpu.memory_space<vmem>> -> memref<1x512xi32, #tpu.memory_space<vmem>>
    %dma_wait3A_213 = tpu.memref_squeeze %dma_wait3A_212 : memref<1x512xi32, #tpu.memory_space<vmem>> -> memref<512xi32, #tpu.memory_space<vmem>>
    %dma_wait3A_214 = tpu.memref_slice %arg6[%shift_right_logical3A_1, %add3A_187] : memref<8x6144xi32, #tpu.memory_space<hbm>> -> memref<1x512xi32, #tpu.memory_space<hbm>>
    %dma_wait3A_215 = tpu.memref_squeeze %dma_wait3A_214 : memref<1x512xi32, #tpu.memory_space<hbm>> -> memref<512xi32, #tpu.memory_space<hbm>>
    %dma_wait3A_216 = tpu.memref_slice %arg6[%shift_right_logical3A_1, %add3A_187] : memref<8x6144xi32, #tpu.memory_space<hbm>> -> memref<1x512xi32, #tpu.memory_space<hbm>>
    %dma_wait3A_217 = tpu.memref_squeeze %dma_wait3A_216 : memref<1x512xi32, #tpu.memory_space<hbm>> -> memref<512xi32, #tpu.memory_space<hbm>>
    %dma_wait3A_218 = arith.constant 0 : i32
    %dma_wait3A_219 = tpu.memref_slice %arg10[%dma_wait3A_210, %dma_wait3A_218] : memref<2x512xi32, #tpu.memory_space<vmem>> -> memref<1x512xi32, #tpu.memory_space<vmem>>
    %dma_wait3A_220 = tpu.memref_squeeze %dma_wait3A_219 : memref<1x512xi32, #tpu.memory_space<vmem>> -> memref<512xi32, #tpu.memory_space<vmem>>
    tpu.wait_dma2 semaphore(%arg14 : memref<!tpu.dma_semaphore, #tpu.memory_space<semaphore_mem>>) src(%dma_wait3A_220 : memref<512xi32, #tpu.memory_space<vmem>>) dst(%dma_wait3A_217 : memref<512xi32, #tpu.memory_space<hbm>>)
    %scan3A_221 = arith.constant 0 : i32
    %scan3A_222 = arith.constant 0 : i32
    %scan3A_223 = arith.constant 32 : i32
    %scan3A_224 = arith.addi %scan3A_222, %scan3A_223 : i32
    %scan3A_225 = arith.constant 1 : i32
    scf.for %scan3A_332 = %scan3A_222 to %scan3A_224 step %scan3A_225  : i32 {
      %mul3A_333 = arith.constant 16 : i32
      %mul3A_334 = arith.muli %scan3A_332, %mul3A_333 : i32
      %get3A = arith.constant 0 : i32
      %get3A_335 = arith.constant 0 : i32
      %get3A_336 = arith.index_cast %get3A : i32 to index
      %get3A_337 = arith.index_cast %get3A_335 : i32 to index
      %get3A_338 = arith.index_cast %mul3A_334 : i32 to index
      %get3A_339 = tpu.vector_load %arg7[%get3A_336, %get3A_337, %get3A_338] {strides = array<i32>} : memref<2x91x512xf32, #tpu.memory_space<vmem>>, vector<16xf32>,
      %broadcast_in_dim3A = arith.constant 0 : i32
      %broadcast_in_dim3A_340 = vector.broadcast %broadcast_in_dim3A : i32 to vector<16xi32>
      %get3A_341 = arith.constant 0 : i32
      %get3A_342 = arith.constant 1 : i32
      %get3A_343 = arith.index_cast %get3A_341 : i32 to index
      %get3A_344 = arith.index_cast %get3A_342 : i32 to index
      %get3A_345 = arith.index_cast %mul3A_334 : i32 to index
      %get3A_346 = tpu.vector_load %arg7[%get3A_343, %get3A_344, %get3A_345] {strides = array<i32>} : memref<2x91x512xf32, #tpu.memory_space<vmem>>, vector<16xf32>,
      %get3A_347 = arith.constant 0 : i32
      %get3A_348 = arith.constant 2 : i32
      %get3A_349 = arith.index_cast %get3A_347 : i32 to index
      %get3A_350 = arith.index_cast %get3A_348 : i32 to index
      %get3A_351 = arith.index_cast %mul3A_334 : i32 to index
      %get3A_352 = tpu.vector_load %arg7[%get3A_349, %get3A_350, %get3A_351] {strides = array<i32>} : memref<2x91x512xf32, #tpu.memory_space<vmem>>, vector<16xf32>,
      %max3A = arith.maximumf %get3A_346, %get3A_352 : vector<16xf32>
      %gt3A = arith.cmpf ogt, %max3A, %get3A_339 : vector<16xf32>
      %max3A_353 = arith.maximumf %get3A_339, %max3A : vector<16xf32>
      %broadcast_in_dim3A_354 = arith.constant 1 : i32
      %broadcast_in_dim3A_355 = vector.broadcast %broadcast_in_dim3A_354 : i32 to vector<16xi32>
      %select_n3A = arith.select %gt3A, %broadcast_in_dim3A_355, %broadcast_in_dim3A_340 : vector<16xi1>, vector<16xi32>
      %get3A_356 = arith.constant 0 : i32
      %get3A_357 = arith.constant 3 : i32
      %get3A_358 = arith.index_cast %get3A_356 : i32 to index
      %get3A_359 = arith.index_cast %get3A_357 : i32 to index
      %get3A_360 = arith.index_cast %mul3A_334 : i32 to index
      %get3A_361 = tpu.vector_load %arg7[%get3A_358, %get3A_359, %get3A_360] {strides = array<i32>} : memref<2x91x512xf32, #tpu.memory_space<vmem>>, vector<16xf32>,
      %get3A_362 = arith.constant 0 : i32
      %get3A_363 = arith.constant 4 : i32
      %get3A_364 = arith.index_cast %get3A_362 : i32 to index
      %get3A_365 = arith.index_cast %get3A_363 : i32 to index
      %get3A_366 = arith.index_cast %mul3A_334 : i32 to index
      %get3A_367 = tpu.vector_load %arg7[%get3A_364, %get3A_365, %get3A_366] {strides = array<i32>} : memref<2x91x512xf32, #tpu.memory_space<vmem>>, vector<16xf32>,
      %max3A_368 = arith.maximumf %get3A_361, %get3A_367 : vector<16xf32>
      %gt3A_369 = arith.cmpf ogt, %max3A_368, %max3A_353 : vector<16xf32>
      %max3A_370 = arith.maximumf %max3A_353, %max3A_368 : vector<16xf32>
      %broadcast_in_dim3A_371 = arith.constant 3 : i32
      %broadcast_in_dim3A_372 = vector.broadcast %broadcast_in_dim3A_371 : i32 to vector<16xi32>
      %select_n3A_373 = arith.select %gt3A_369, %broadcast_in_dim3A_372, %select_n3A : vector<16xi1>, vector<16xi32>
      %get3A_374 = arith.constant 0 : i32
      %get3A_375 = arith.constant 5 : i32
      %get3A_376 = arith.index_cast %get3A_374 : i32 to index
      %get3A_377 = arith.index_cast %get3A_375 : i32 to index
      %get3A_378 = arith.index_cast %mul3A_334 : i32 to index
      %get3A_379 = tpu.vector_load %arg7[%get3A_376, %get3A_377, %get3A_378] {strides = array<i32>} : memref<2x91x512xf32, #tpu.memory_space<vmem>>, vector<16xf32>,
      %get3A_380 = arith.constant 0 : i32
      %get3A_381 = arith.constant 6 : i32
      %get3A_382 = arith.index_cast %get3A_380 : i32 to index
      %get3A_383 = arith.index_cast %get3A_381 : i32 to index
      %get3A_384 = arith.index_cast %mul3A_334 : i32 to index
      %get3A_385 = tpu.vector_load %arg7[%get3A_382, %get3A_383, %get3A_384] {strides = array<i32>} : memref<2x91x512xf32, #tpu.memory_space<vmem>>, vector<16xf32>,
      %max3A_386 = arith.maximumf %get3A_379, %get3A_385 : vector<16xf32>
      %gt3A_387 = arith.cmpf ogt, %max3A_386, %max3A_370 : vector<16xf32>
      %max3A_388 = arith.maximumf %max3A_370, %max3A_386 : vector<16xf32>
      %broadcast_in_dim3A_389 = arith.constant 5 : i32
      %broadcast_in_dim3A_390 = vector.broadcast %broadcast_in_dim3A_389 : i32 to vector<16xi32>
      %select_n3A_391 = arith.select %gt3A_387, %broadcast_in_dim3A_390, %select_n3A_373 : vector<16xi1>, vector<16xi32>
      %get3A_392 = arith.constant 0 : i32
      %get3A_393 = arith.constant 7 : i32
      %get3A_394 = arith.index_cast %get3A_392 : i32 to index
      %get3A_395 = arith.index_cast %get3A_393 : i32 to index
      %get3A_396 = arith.index_cast %mul3A_334 : i32 to index
      %get3A_397 = tpu.vector_load %arg7[%get3A_394, %get3A_395, %get3A_396] {strides = array<i32>} : memref<2x91x512xf32, #tpu.memory_space<vmem>>, vector<16xf32>,
      %get3A_398 = arith.constant 0 : i32
      %get3A_399 = arith.constant 8 : i32
      %get3A_400 = arith.index_cast %get3A_398 : i32 to index
      %get3A_401 = arith.index_cast %get3A_399 : i32 to index
      %get3A_402 = arith.index_cast %mul3A_334 : i32 to index
      %get3A_403 = tpu.vector_load %arg7[%get3A_400, %get3A_401, %get3A_402] {strides = array<i32>} : memref<2x91x512xf32, #tpu.memory_space<vmem>>, vector<16xf32>,
      %max3A_404 = arith.maximumf %get3A_397, %get3A_403 : vector<16xf32>
      %gt3A_405 = arith.cmpf ogt, %max3A_404, %max3A_388 : vector<16xf32>
      %max3A_406 = arith.maximumf %max3A_388, %max3A_404 : vector<16xf32>
      %broadcast_in_dim3A_407 = arith.constant 7 : i32
      %broadcast_in_dim3A_408 = vector.broadcast %broadcast_in_dim3A_407 : i32 to vector<16xi32>
      %select_n3A_409 = arith.select %gt3A_405, %broadcast_in_dim3A_408, %select_n3A_391 : vector<16xi1>, vector<16xi32>
      %get3A_410 = arith.constant 0 : i32
      %get3A_411 = arith.constant 9 : i32
      %get3A_412 = arith.index_cast %get3A_410 : i32 to index
      %get3A_413 = arith.index_cast %get3A_411 : i32 to index
      %get3A_414 = arith.index_cast %mul3A_334 : i32 to index
      %get3A_415 = tpu.vector_load %arg7[%get3A_412, %get3A_413, %get3A_414] {strides = array<i32>} : memref<2x91x512xf32, #tpu.memory_space<vmem>>, vector<16xf32>,
      %get3A_416 = arith.constant 0 : i32
      %get3A_417 = arith.constant 10 : i32
      %get3A_418 = arith.index_cast %get3A_416 : i32 to index
      %get3A_419 = arith.index_cast %get3A_417 : i32 to index
      %get3A_420 = arith.index_cast %mul3A_334 : i32 to index
      %get3A_421 = tpu.vector_load %arg7[%get3A_418, %get3A_419, %get3A_420] {strides = array<i32>} : memref<2x91x512xf32, #tpu.memory_space<vmem>>, vector<16xf32>,
      %max3A_422 = arith.maximumf %get3A_415, %get3A_421 : vector<16xf32>
      %gt3A_423 = arith.cmpf ogt, %max3A_422, %max3A_406 : vector<16xf32>
      %max3A_424 = arith.maximumf %max3A_406, %max3A_422 : vector<16xf32>
      %broadcast_in_dim3A_425 = arith.constant 9 : i32
      %broadcast_in_dim3A_426 = vector.broadcast %broadcast_in_dim3A_425 : i32 to vector<16xi32>
      %select_n3A_427 = arith.select %gt3A_423, %broadcast_in_dim3A_426, %select_n3A_409 : vector<16xi1>, vector<16xi32>
      %get3A_428 = arith.constant 0 : i32
      %get3A_429 = arith.constant 11 : i32
      %get3A_430 = arith.index_cast %get3A_428 : i32 to index
      %get3A_431 = arith.index_cast %get3A_429 : i32 to index
      %get3A_432 = arith.index_cast %mul3A_334 : i32 to index
      %get3A_433 = tpu.vector_load %arg7[%get3A_430, %get3A_431, %get3A_432] {strides = array<i32>} : memref<2x91x512xf32, #tpu.memory_space<vmem>>, vector<16xf32>,
      %get3A_434 = arith.constant 0 : i32
      %get3A_435 = arith.constant 12 : i32
      %get3A_436 = arith.index_cast %get3A_434 : i32 to index
      %get3A_437 = arith.index_cast %get3A_435 : i32 to index
      %get3A_438 = arith.index_cast %mul3A_334 : i32 to index
      %get3A_439 = tpu.vector_load %arg7[%get3A_436, %get3A_437, %get3A_438] {strides = array<i32>} : memref<2x91x512xf32, #tpu.memory_space<vmem>>, vector<16xf32>,
      %max3A_440 = arith.maximumf %get3A_433, %get3A_439 : vector<16xf32>
      %gt3A_441 = arith.cmpf ogt, %max3A_440, %max3A_424 : vector<16xf32>
      %max3A_442 = arith.maximumf %max3A_424, %max3A_440 : vector<16xf32>
      %broadcast_in_dim3A_443 = arith.constant 11 : i32
      %broadcast_in_dim3A_444 = vector.broadcast %broadcast_in_dim3A_443 : i32 to vector<16xi32>
      %select_n3A_445 = arith.select %gt3A_441, %broadcast_in_dim3A_444, %select_n3A_427 : vector<16xi1>, vector<16xi32>
      %get3A_446 = arith.constant 0 : i32
      %get3A_447 = arith.constant 13 : i32
      %get3A_448 = arith.index_cast %get3A_446 : i32 to index
      %get3A_449 = arith.index_cast %get3A_447 : i32 to index
      %get3A_450 = arith.index_cast %mul3A_334 : i32 to index
      %get3A_451 = tpu.vector_load %arg7[%get3A_448, %get3A_449, %get3A_450] {strides = array<i32>} : memref<2x91x512xf32, #tpu.memory_space<vmem>>, vector<16xf32>,
      %get3A_452 = arith.constant 0 : i32
      %get3A_453 = arith.constant 14 : i32
      %get3A_454 = arith.index_cast %get3A_452 : i32 to index
      %get3A_455 = arith.index_cast %get3A_453 : i32 to index
      %get3A_456 = arith.index_cast %mul3A_334 : i32 to index
      %get3A_457 = tpu.vector_load %arg7[%get3A_454, %get3A_455, %get3A_456] {strides = array<i32>} : memref<2x91x512xf32, #tpu.memory_space<vmem>>, vector<16xf32>,
      %max3A_458 = arith.maximumf %get3A_451, %get3A_457 : vector<16xf32>
      %gt3A_459 = arith.cmpf ogt, %max3A_458, %max3A_442 : vector<16xf32>
      %max3A_460 = arith.maximumf %max3A_442, %max3A_458 : vector<16xf32>
      %broadcast_in_dim3A_461 = arith.constant 13 : i32
      %broadcast_in_dim3A_462 = vector.broadcast %broadcast_in_dim3A_461 : i32 to vector<16xi32>
      %select_n3A_463 = arith.select %gt3A_459, %broadcast_in_dim3A_462, %select_n3A_445 : vector<16xi1>, vector<16xi32>
      %get3A_464 = arith.constant 0 : i32
      %get3A_465 = arith.constant 15 : i32
      %get3A_466 = arith.index_cast %get3A_464 : i32 to index
      %get3A_467 = arith.index_cast %get3A_465 : i32 to index
      %get3A_468 = arith.index_cast %mul3A_334 : i32 to index
      %get3A_469 = tpu.vector_load %arg7[%get3A_466, %get3A_467, %get3A_468] {strides = array<i32>} : memref<2x91x512xf32, #tpu.memory_space<vmem>>, vector<16xf32>,
      %get3A_470 = arith.constant 0 : i32
      %get3A_471 = arith.constant 16 : i32
      %get3A_472 = arith.index_cast %get3A_470 : i32 to index
      %get3A_473 = arith.index_cast %get3A_471 : i32 to index
      %get3A_474 = arith.index_cast %mul3A_334 : i32 to index
      %get3A_475 = tpu.vector_load %arg7[%get3A_472, %get3A_473, %get3A_474] {strides = array<i32>} : memref<2x91x512xf32, #tpu.memory_space<vmem>>, vector<16xf32>,
      %max3A_476 = arith.maximumf %get3A_469, %get3A_475 : vector<16xf32>
      %gt3A_477 = arith.cmpf ogt, %max3A_476, %max3A_460 : vector<16xf32>
      %max3A_478 = arith.maximumf %max3A_460, %max3A_476 : vector<16xf32>
      %broadcast_in_dim3A_479 = arith.constant 15 : i32
      %broadcast_in_dim3A_480 = vector.broadcast %broadcast_in_dim3A_479 : i32 to vector<16xi32>
      %select_n3A_481 = arith.select %gt3A_477, %broadcast_in_dim3A_480, %select_n3A_463 : vector<16xi1>, vector<16xi32>
      %get3A_482 = arith.constant 0 : i32
      %get3A_483 = arith.constant 17 : i32
      %get3A_484 = arith.index_cast %get3A_482 : i32 to index
      %get3A_485 = arith.index_cast %get3A_483 : i32 to index
      %get3A_486 = arith.index_cast %mul3A_334 : i32 to index
      %get3A_487 = tpu.vector_load %arg7[%get3A_484, %get3A_485, %get3A_486] {strides = array<i32>} : memref<2x91x512xf32, #tpu.memory_space<vmem>>, vector<16xf32>,
      %get3A_488 = arith.constant 0 : i32
      %get3A_489 = arith.constant 18 : i32
      %get3A_490 = arith.index_cast %get3A_488 : i32 to index
      %get3A_491 = arith.index_cast %get3A_489 : i32 to index
      %get3A_492 = arith.index_cast %mul3A_334 : i32 to index
      %get3A_493 = tpu.vector_load %arg7[%get3A_490, %get3A_491, %get3A_492] {strides = array<i32>} : memref<2x91x512xf32, #tpu.memory_space<vmem>>, vector<16xf32>,
      %max3A_494 = arith.maximumf %get3A_487, %get3A_493 : vector<16xf32>
      %gt3A_495 = arith.cmpf ogt, %max3A_494, %max3A_478 : vector<16xf32>
      %max3A_496 = arith.maximumf %max3A_478, %max3A_494 : vector<16xf32>
      %broadcast_in_dim3A_497 = arith.constant 17 : i32
      %broadcast_in_dim3A_498 = vector.broadcast %broadcast_in_dim3A_497 : i32 to vector<16xi32>
      %select_n3A_499 = arith.select %gt3A_495, %broadcast_in_dim3A_498, %select_n3A_481 : vector<16xi1>, vector<16xi32>
      %get3A_500 = arith.constant 0 : i32
      %get3A_501 = arith.constant 19 : i32
      %get3A_502 = arith.index_cast %get3A_500 : i32 to index
      %get3A_503 = arith.index_cast %get3A_501 : i32 to index
      %get3A_504 = arith.index_cast %mul3A_334 : i32 to index
      %get3A_505 = tpu.vector_load %arg7[%get3A_502, %get3A_503, %get3A_504] {strides = array<i32>} : memref<2x91x512xf32, #tpu.memory_space<vmem>>, vector<16xf32>,
      %get3A_506 = arith.constant 0 : i32
      %get3A_507 = arith.constant 20 : i32
      %get3A_508 = arith.index_cast %get3A_506 : i32 to index
      %get3A_509 = arith.index_cast %get3A_507 : i32 to index
      %get3A_510 = arith.index_cast %mul3A_334 : i32 to index
      %get3A_511 = tpu.vector_load %arg7[%get3A_508, %get3A_509, %get3A_510] {strides = array<i32>} : memref<2x91x512xf32, #tpu.memory_space<vmem>>, vector<16xf32>,
      %max3A_512 = arith.maximumf %get3A_505, %get3A_511 : vector<16xf32>
      %gt3A_513 = arith.cmpf ogt, %max3A_512, %max3A_496 : vector<16xf32>
      %max3A_514 = arith.maximumf %max3A_496, %max3A_512 : vector<16xf32>
      %broadcast_in_dim3A_515 = arith.constant 19 : i32
      %broadcast_in_dim3A_516 = vector.broadcast %broadcast_in_dim3A_515 : i32 to vector<16xi32>
      %select_n3A_517 = arith.select %gt3A_513, %broadcast_in_dim3A_516, %select_n3A_499 : vector<16xi1>, vector<16xi32>
      %get3A_518 = arith.constant 0 : i32
      %get3A_519 = arith.constant 21 : i32
      %get3A_520 = arith.index_cast %get3A_518 : i32 to index
      %get3A_521 = arith.index_cast %get3A_519 : i32 to index
      %get3A_522 = arith.index_cast %mul3A_334 : i32 to index
      %get3A_523 = tpu.vector_load %arg7[%get3A_520, %get3A_521, %get3A_522] {strides = array<i32>} : memref<2x91x512xf32, #tpu.memory_space<vmem>>, vector<16xf32>,
      %get3A_524 = arith.constant 0 : i32
      %get3A_525 = arith.constant 22 : i32
      %get3A_526 = arith.index_cast %get3A_524 : i32 to index
      %get3A_527 = arith.index_cast %get3A_525 : i32 to index
      %get3A_528 = arith.index_cast %mul3A_334 : i32 to index
      %get3A_529 = tpu.vector_load %arg7[%get3A_526, %get3A_527, %get3A_528] {strides = array<i32>} : memref<2x91x512xf32, #tpu.memory_space<vmem>>, vector<16xf32>,
      %max3A_530 = arith.maximumf %get3A_523, %get3A_529 : vector<16xf32>
      %gt3A_531 = arith.cmpf ogt, %max3A_530, %max3A_514 : vector<16xf32>
      %max3A_532 = arith.maximumf %max3A_514, %max3A_530 : vector<16xf32>
      %broadcast_in_dim3A_533 = arith.constant 21 : i32
      %broadcast_in_dim3A_534 = vector.broadcast %broadcast_in_dim3A_533 : i32 to vector<16xi32>
      %select_n3A_535 = arith.select %gt3A_531, %broadcast_in_dim3A_534, %select_n3A_517 : vector<16xi1>, vector<16xi32>
      %get3A_536 = arith.constant 0 : i32
      %get3A_537 = arith.constant 23 : i32
      %get3A_538 = arith.index_cast %get3A_536 : i32 to index
      %get3A_539 = arith.index_cast %get3A_537 : i32 to index
      %get3A_540 = arith.index_cast %mul3A_334 : i32 to index
      %get3A_541 = tpu.vector_load %arg7[%get3A_538, %get3A_539, %get3A_540] {strides = array<i32>} : memref<2x91x512xf32, #tpu.memory_space<vmem>>, vector<16xf32>,
      %get3A_542 = arith.constant 0 : i32
      %get3A_543 = arith.constant 24 : i32
      %get3A_544 = arith.index_cast %get3A_542 : i32 to index
      %get3A_545 = arith.index_cast %get3A_543 : i32 to index
      %get3A_546 = arith.index_cast %mul3A_334 : i32 to index
      %get3A_547 = tpu.vector_load %arg7[%get3A_544, %get3A_545, %get3A_546] {strides = array<i32>} : memref<2x91x512xf32, #tpu.memory_space<vmem>>, vector<16xf32>,
      %max3A_548 = arith.maximumf %get3A_541, %get3A_547 : vector<16xf32>
      %gt3A_549 = arith.cmpf ogt, %max3A_548, %max3A_532 : vector<16xf32>
      %max3A_550 = arith.maximumf %max3A_532, %max3A_548 : vector<16xf32>
      %broadcast_in_dim3A_551 = arith.constant 23 : i32
      %broadcast_in_dim3A_552 = vector.broadcast %broadcast_in_dim3A_551 : i32 to vector<16xi32>
      %select_n3A_553 = arith.select %gt3A_549, %broadcast_in_dim3A_552, %select_n3A_535 : vector<16xi1>, vector<16xi32>
      %get3A_554 = arith.constant 0 : i32
      %get3A_555 = arith.constant 25 : i32
      %get3A_556 = arith.index_cast %get3A_554 : i32 to index
      %get3A_557 = arith.index_cast %get3A_555 : i32 to index
      %get3A_558 = arith.index_cast %mul3A_334 : i32 to index
      %get3A_559 = tpu.vector_load %arg7[%get3A_556, %get3A_557, %get3A_558] {strides = array<i32>} : memref<2x91x512xf32, #tpu.memory_space<vmem>>, vector<16xf32>,
      %get3A_560 = arith.constant 0 : i32
      %get3A_561 = arith.constant 26 : i32
      %get3A_562 = arith.index_cast %get3A_560 : i32 to index
      %get3A_563 = arith.index_cast %get3A_561 : i32 to index
      %get3A_564 = arith.index_cast %mul3A_334 : i32 to index
      %get3A_565 = tpu.vector_load %arg7[%get3A_562, %get3A_563, %get3A_564] {strides = array<i32>} : memref<2x91x512xf32, #tpu.memory_space<vmem>>, vector<16xf32>,
      %max3A_566 = arith.maximumf %get3A_559, %get3A_565 : vector<16xf32>
      %gt3A_567 = arith.cmpf ogt, %max3A_566, %max3A_550 : vector<16xf32>
      %max3A_568 = arith.maximumf %max3A_550, %max3A_566 : vector<16xf32>
      %broadcast_in_dim3A_569 = arith.constant 25 : i32
      %broadcast_in_dim3A_570 = vector.broadcast %broadcast_in_dim3A_569 : i32 to vector<16xi32>
      %select_n3A_571 = arith.select %gt3A_567, %broadcast_in_dim3A_570, %select_n3A_553 : vector<16xi1>, vector<16xi32>
      %get3A_572 = arith.constant 0 : i32
      %get3A_573 = arith.constant 27 : i32
      %get3A_574 = arith.index_cast %get3A_572 : i32 to index
      %get3A_575 = arith.index_cast %get3A_573 : i32 to index
      %get3A_576 = arith.index_cast %mul3A_334 : i32 to index
      %get3A_577 = tpu.vector_load %arg7[%get3A_574, %get3A_575, %get3A_576] {strides = array<i32>} : memref<2x91x512xf32, #tpu.memory_space<vmem>>, vector<16xf32>,
      %get3A_578 = arith.constant 0 : i32
      %get3A_579 = arith.constant 28 : i32
      %get3A_580 = arith.index_cast %get3A_578 : i32 to index
      %get3A_581 = arith.index_cast %get3A_579 : i32 to index
      %get3A_582 = arith.index_cast %mul3A_334 : i32 to index
      %get3A_583 = tpu.vector_load %arg7[%get3A_580, %get3A_581, %get3A_582] {strides = array<i32>} : memref<2x91x512xf32, #tpu.memory_space<vmem>>, vector<16xf32>,
      %max3A_584 = arith.maximumf %get3A_577, %get3A_583 : vector<16xf32>
      %gt3A_585 = arith.cmpf ogt, %max3A_584, %max3A_568 : vector<16xf32>
      %max3A_586 = arith.maximumf %max3A_568, %max3A_584 : vector<16xf32>
      %broadcast_in_dim3A_587 = arith.constant 27 : i32
      %broadcast_in_dim3A_588 = vector.broadcast %broadcast_in_dim3A_587 : i32 to vector<16xi32>
      %select_n3A_589 = arith.select %gt3A_585, %broadcast_in_dim3A_588, %select_n3A_571 : vector<16xi1>, vector<16xi32>
      %get3A_590 = arith.constant 0 : i32
      %get3A_591 = arith.constant 29 : i32
      %get3A_592 = arith.index_cast %get3A_590 : i32 to index
      %get3A_593 = arith.index_cast %get3A_591 : i32 to index
      %get3A_594 = arith.index_cast %mul3A_334 : i32 to index
      %get3A_595 = tpu.vector_load %arg7[%get3A_592, %get3A_593, %get3A_594] {strides = array<i32>} : memref<2x91x512xf32, #tpu.memory_space<vmem>>, vector<16xf32>,
      %get3A_596 = arith.constant 0 : i32
      %get3A_597 = arith.constant 30 : i32
      %get3A_598 = arith.index_cast %get3A_596 : i32 to index
      %get3A_599 = arith.index_cast %get3A_597 : i32 to index
      %get3A_600 = arith.index_cast %mul3A_334 : i32 to index
      %get3A_601 = tpu.vector_load %arg7[%get3A_598, %get3A_599, %get3A_600] {strides = array<i32>} : memref<2x91x512xf32, #tpu.memory_space<vmem>>, vector<16xf32>,
      %max3A_602 = arith.maximumf %get3A_595, %get3A_601 : vector<16xf32>
      %gt3A_603 = arith.cmpf ogt, %max3A_602, %max3A_586 : vector<16xf32>
      %max3A_604 = arith.maximumf %max3A_586, %max3A_602 : vector<16xf32>
      %broadcast_in_dim3A_605 = arith.constant 29 : i32
      %broadcast_in_dim3A_606 = vector.broadcast %broadcast_in_dim3A_605 : i32 to vector<16xi32>
      %select_n3A_607 = arith.select %gt3A_603, %broadcast_in_dim3A_606, %select_n3A_589 : vector<16xi1>, vector<16xi32>
      %get3A_608 = arith.constant 0 : i32
      %get3A_609 = arith.constant 31 : i32
      %get3A_610 = arith.index_cast %get3A_608 : i32 to index
      %get3A_611 = arith.index_cast %get3A_609 : i32 to index
      %get3A_612 = arith.index_cast %mul3A_334 : i32 to index
      %get3A_613 = tpu.vector_load %arg7[%get3A_610, %get3A_611, %get3A_612] {strides = array<i32>} : memref<2x91x512xf32, #tpu.memory_space<vmem>>, vector<16xf32>,
      %get3A_614 = arith.constant 0 : i32
      %get3A_615 = arith.constant 32 : i32
      %get3A_616 = arith.index_cast %get3A_614 : i32 to index
      %get3A_617 = arith.index_cast %get3A_615 : i32 to index
      %get3A_618 = arith.index_cast %mul3A_334 : i32 to index
      %get3A_619 = tpu.vector_load %arg7[%get3A_616, %get3A_617, %get3A_618] {strides = array<i32>} : memref<2x91x512xf32, #tpu.memory_space<vmem>>, vector<16xf32>,
      %max3A_620 = arith.maximumf %get3A_613, %get3A_619 : vector<16xf32>
      %gt3A_621 = arith.cmpf ogt, %max3A_620, %max3A_604 : vector<16xf32>
      %max3A_622 = arith.maximumf %max3A_604, %max3A_620 : vector<16xf32>
      %broadcast_in_dim3A_623 = arith.constant 31 : i32
      %broadcast_in_dim3A_624 = vector.broadcast %broadcast_in_dim3A_623 : i32 to vector<16xi32>
      %select_n3A_625 = arith.select %gt3A_621, %broadcast_in_dim3A_624, %select_n3A_607 : vector<16xi1>, vector<16xi32>
      %get3A_626 = arith.constant 0 : i32
      %get3A_627 = arith.constant 33 : i32
      %get3A_628 = arith.index_cast %get3A_626 : i32 to index
      %get3A_629 = arith.index_cast %get3A_627 : i32 to index
      %get3A_630 = arith.index_cast %mul3A_334 : i32 to index
      %get3A_631 = tpu.vector_load %arg7[%get3A_628, %get3A_629, %get3A_630] {strides = array<i32>} : memref<2x91x512xf32, #tpu.memory_space<vmem>>, vector<16xf32>,
      %get3A_632 = arith.constant 0 : i32
      %get3A_633 = arith.constant 34 : i32
      %get3A_634 = arith.index_cast %get3A_632 : i32 to index
      %get3A_635 = arith.index_cast %get3A_633 : i32 to index
      %get3A_636 = arith.index_cast %mul3A_334 : i32 to index
      %get3A_637 = tpu.vector_load %arg7[%get3A_634, %get3A_635, %get3A_636] {strides = array<i32>} : memref<2x91x512xf32, #tpu.memory_space<vmem>>, vector<16xf32>,
      %max3A_638 = arith.maximumf %get3A_631, %get3A_637 : vector<16xf32>
      %gt3A_639 = arith.cmpf ogt, %max3A_638, %max3A_622 : vector<16xf32>
      %max3A_640 = arith.maximumf %max3A_622, %max3A_638 : vector<16xf32>
      %broadcast_in_dim3A_641 = arith.constant 33 : i32
      %broadcast_in_dim3A_642 = vector.broadcast %broadcast_in_dim3A_641 : i32 to vector<16xi32>
      %select_n3A_643 = arith.select %gt3A_639, %broadcast_in_dim3A_642, %select_n3A_625 : vector<16xi1>, vector<16xi32>
      %get3A_644 = arith.constant 0 : i32
      %get3A_645 = arith.constant 35 : i32
      %get3A_646 = arith.index_cast %get3A_644 : i32 to index
      %get3A_647 = arith.index_cast %get3A_645 : i32 to index
      %get3A_648 = arith.index_cast %mul3A_334 : i32 to index
      %get3A_649 = tpu.vector_load %arg7[%get3A_646, %get3A_647, %get3A_648] {strides = array<i32>} : memref<2x91x512xf32, #tpu.memory_space<vmem>>, vector<16xf32>,
      %get3A_650 = arith.constant 0 : i32
      %get3A_651 = arith.constant 36 : i32
      %get3A_652 = arith.index_cast %get3A_650 : i32 to index
      %get3A_653 = arith.index_cast %get3A_651 : i32 to index
      %get3A_654 = arith.index_cast %mul3A_334 : i32 to index
      %get3A_655 = tpu.vector_load %arg7[%get3A_652, %get3A_653, %get3A_654] {strides = array<i32>} : memref<2x91x512xf32, #tpu.memory_space<vmem>>, vector<16xf32>,
      %max3A_656 = arith.maximumf %get3A_649, %get3A_655 : vector<16xf32>
      %gt3A_657 = arith.cmpf ogt, %max3A_656, %max3A_640 : vector<16xf32>
      %max3A_658 = arith.maximumf %max3A_640, %max3A_656 : vector<16xf32>
      %broadcast_in_dim3A_659 = arith.constant 35 : i32
      %broadcast_in_dim3A_660 = vector.broadcast %broadcast_in_dim3A_659 : i32 to vector<16xi32>
      %select_n3A_661 = arith.select %gt3A_657, %broadcast_in_dim3A_660, %select_n3A_643 : vector<16xi1>, vector<16xi32>
      %get3A_662 = arith.constant 0 : i32
      %get3A_663 = arith.constant 37 : i32
      %get3A_664 = arith.index_cast %get3A_662 : i32 to index
      %get3A_665 = arith.index_cast %get3A_663 : i32 to index
      %get3A_666 = arith.index_cast %mul3A_334 : i32 to index
      %get3A_667 = tpu.vector_load %arg7[%get3A_664, %get3A_665, %get3A_666] {strides = array<i32>} : memref<2x91x512xf32, #tpu.memory_space<vmem>>, vector<16xf32>,
      %get3A_668 = arith.constant 0 : i32
      %get3A_669 = arith.constant 38 : i32
      %get3A_670 = arith.index_cast %get3A_668 : i32 to index
      %get3A_671 = arith.index_cast %get3A_669 : i32 to index
      %get3A_672 = arith.index_cast %mul3A_334 : i32 to index
      %get3A_673 = tpu.vector_load %arg7[%get3A_670, %get3A_671, %get3A_672] {strides = array<i32>} : memref<2x91x512xf32, #tpu.memory_space<vmem>>, vector<16xf32>,
      %max3A_674 = arith.maximumf %get3A_667, %get3A_673 : vector<16xf32>
      %gt3A_675 = arith.cmpf ogt, %max3A_674, %max3A_658 : vector<16xf32>
      %max3A_676 = arith.maximumf %max3A_658, %max3A_674 : vector<16xf32>
      %broadcast_in_dim3A_677 = arith.constant 37 : i32
      %broadcast_in_dim3A_678 = vector.broadcast %broadcast_in_dim3A_677 : i32 to vector<16xi32>
      %select_n3A_679 = arith.select %gt3A_675, %broadcast_in_dim3A_678, %select_n3A_661 : vector<16xi1>, vector<16xi32>
      %get3A_680 = arith.constant 0 : i32
      %get3A_681 = arith.constant 39 : i32
      %get3A_682 = arith.index_cast %get3A_680 : i32 to index
      %get3A_683 = arith.index_cast %get3A_681 : i32 to index
      %get3A_684 = arith.index_cast %mul3A_334 : i32 to index
      %get3A_685 = tpu.vector_load %arg7[%get3A_682, %get3A_683, %get3A_684] {strides = array<i32>} : memref<2x91x512xf32, #tpu.memory_space<vmem>>, vector<16xf32>,
      %get3A_686 = arith.constant 0 : i32
      %get3A_687 = arith.constant 40 : i32
      %get3A_688 = arith.index_cast %get3A_686 : i32 to index
      %get3A_689 = arith.index_cast %get3A_687 : i32 to index
      %get3A_690 = arith.index_cast %mul3A_334 : i32 to index
      %get3A_691 = tpu.vector_load %arg7[%get3A_688, %get3A_689, %get3A_690] {strides = array<i32>} : memref<2x91x512xf32, #tpu.memory_space<vmem>>, vector<16xf32>,
      %max3A_692 = arith.maximumf %get3A_685, %get3A_691 : vector<16xf32>
      %gt3A_693 = arith.cmpf ogt, %max3A_692, %max3A_676 : vector<16xf32>
      %max3A_694 = arith.maximumf %max3A_676, %max3A_692 : vector<16xf32>
      %broadcast_in_dim3A_695 = arith.constant 39 : i32
      %broadcast_in_dim3A_696 = vector.broadcast %broadcast_in_dim3A_695 : i32 to vector<16xi32>
      %select_n3A_697 = arith.select %gt3A_693, %broadcast_in_dim3A_696, %select_n3A_679 : vector<16xi1>, vector<16xi32>
      %get3A_698 = arith.constant 0 : i32
      %get3A_699 = arith.constant 41 : i32
      %get3A_700 = arith.index_cast %get3A_698 : i32 to index
      %get3A_701 = arith.index_cast %get3A_699 : i32 to index
      %get3A_702 = arith.index_cast %mul3A_334 : i32 to index
      %get3A_703 = tpu.vector_load %arg7[%get3A_700, %get3A_701, %get3A_702] {strides = array<i32>} : memref<2x91x512xf32, #tpu.memory_space<vmem>>, vector<16xf32>,
      %get3A_704 = arith.constant 0 : i32
      %get3A_705 = arith.constant 42 : i32
      %get3A_706 = arith.index_cast %get3A_704 : i32 to index
      %get3A_707 = arith.index_cast %get3A_705 : i32 to index
      %get3A_708 = arith.index_cast %mul3A_334 : i32 to index
      %get3A_709 = tpu.vector_load %arg7[%get3A_706, %get3A_707, %get3A_708] {strides = array<i32>} : memref<2x91x512xf32, #tpu.memory_space<vmem>>, vector<16xf32>,
      %max3A_710 = arith.maximumf %get3A_703, %get3A_709 : vector<16xf32>
      %gt3A_711 = arith.cmpf ogt, %max3A_710, %max3A_694 : vector<16xf32>
      %max3A_712 = arith.maximumf %max3A_694, %max3A_710 : vector<16xf32>
      %broadcast_in_dim3A_713 = arith.constant 41 : i32
      %broadcast_in_dim3A_714 = vector.broadcast %broadcast_in_dim3A_713 : i32 to vector<16xi32>
      %select_n3A_715 = arith.select %gt3A_711, %broadcast_in_dim3A_714, %select_n3A_697 : vector<16xi1>, vector<16xi32>
      %get3A_716 = arith.constant 0 : i32
      %get3A_717 = arith.constant 43 : i32
      %get3A_718 = arith.index_cast %get3A_716 : i32 to index
      %get3A_719 = arith.index_cast %get3A_717 : i32 to index
      %get3A_720 = arith.index_cast %mul3A_334 : i32 to index
      %get3A_721 = tpu.vector_load %arg7[%get3A_718, %get3A_719, %get3A_720] {strides = array<i32>} : memref<2x91x512xf32, #tpu.memory_space<vmem>>, vector<16xf32>,
      %get3A_722 = arith.constant 0 : i32
      %get3A_723 = arith.constant 44 : i32
      %get3A_724 = arith.index_cast %get3A_722 : i32 to index
      %get3A_725 = arith.index_cast %get3A_723 : i32 to index
      %get3A_726 = arith.index_cast %mul3A_334 : i32 to index
      %get3A_727 = tpu.vector_load %arg7[%get3A_724, %get3A_725, %get3A_726] {strides = array<i32>} : memref<2x91x512xf32, #tpu.memory_space<vmem>>, vector<16xf32>,
      %max3A_728 = arith.maximumf %get3A_721, %get3A_727 : vector<16xf32>
      %gt3A_729 = arith.cmpf ogt, %max3A_728, %max3A_712 : vector<16xf32>
      %max3A_730 = arith.maximumf %max3A_712, %max3A_728 : vector<16xf32>
      %broadcast_in_dim3A_731 = arith.constant 43 : i32
      %broadcast_in_dim3A_732 = vector.broadcast %broadcast_in_dim3A_731 : i32 to vector<16xi32>
      %select_n3A_733 = arith.select %gt3A_729, %broadcast_in_dim3A_732, %select_n3A_715 : vector<16xi1>, vector<16xi32>
      %get3A_734 = arith.constant 0 : i32
      %get3A_735 = arith.constant 45 : i32
      %get3A_736 = arith.index_cast %get3A_734 : i32 to index
      %get3A_737 = arith.index_cast %get3A_735 : i32 to index
      %get3A_738 = arith.index_cast %mul3A_334 : i32 to index
      %get3A_739 = tpu.vector_load %arg7[%get3A_736, %get3A_737, %get3A_738] {strides = array<i32>} : memref<2x91x512xf32, #tpu.memory_space<vmem>>, vector<16xf32>,
      %get3A_740 = arith.constant 0 : i32
      %get3A_741 = arith.constant 46 : i32
      %get3A_742 = arith.index_cast %get3A_740 : i32 to index
      %get3A_743 = arith.index_cast %get3A_741 : i32 to index
      %get3A_744 = arith.index_cast %mul3A_334 : i32 to index
      %get3A_745 = tpu.vector_load %arg7[%get3A_742, %get3A_743, %get3A_744] {strides = array<i32>} : memref<2x91x512xf32, #tpu.memory_space<vmem>>, vector<16xf32>,
      %max3A_746 = arith.maximumf %get3A_739, %get3A_745 : vector<16xf32>
      %gt3A_747 = arith.cmpf ogt, %max3A_746, %max3A_730 : vector<16xf32>
      %max3A_748 = arith.maximumf %max3A_730, %max3A_746 : vector<16xf32>
      %broadcast_in_dim3A_749 = arith.constant 45 : i32
      %broadcast_in_dim3A_750 = vector.broadcast %broadcast_in_dim3A_749 : i32 to vector<16xi32>
      %select_n3A_751 = arith.select %gt3A_747, %broadcast_in_dim3A_750, %select_n3A_733 : vector<16xi1>, vector<16xi32>
      %get3A_752 = arith.constant 0 : i32
      %get3A_753 = arith.constant 47 : i32
      %get3A_754 = arith.index_cast %get3A_752 : i32 to index
      %get3A_755 = arith.index_cast %get3A_753 : i32 to index
      %get3A_756 = arith.index_cast %mul3A_334 : i32 to index
      %get3A_757 = tpu.vector_load %arg7[%get3A_754, %get3A_755, %get3A_756] {strides = array<i32>} : memref<2x91x512xf32, #tpu.memory_space<vmem>>, vector<16xf32>,
      %get3A_758 = arith.constant 0 : i32
      %get3A_759 = arith.constant 48 : i32
      %get3A_760 = arith.index_cast %get3A_758 : i32 to index
      %get3A_761 = arith.index_cast %get3A_759 : i32 to index
      %get3A_762 = arith.index_cast %mul3A_334 : i32 to index
      %get3A_763 = tpu.vector_load %arg7[%get3A_760, %get3A_761, %get3A_762] {strides = array<i32>} : memref<2x91x512xf32, #tpu.memory_space<vmem>>, vector<16xf32>,
      %max3A_764 = arith.maximumf %get3A_757, %get3A_763 : vector<16xf32>
      %gt3A_765 = arith.cmpf ogt, %max3A_764, %max3A_748 : vector<16xf32>
      %max3A_766 = arith.maximumf %max3A_748, %max3A_764 : vector<16xf32>
      %broadcast_in_dim3A_767 = arith.constant 47 : i32
      %broadcast_in_dim3A_768 = vector.broadcast %broadcast_in_dim3A_767 : i32 to vector<16xi32>
      %select_n3A_769 = arith.select %gt3A_765, %broadcast_in_dim3A_768, %select_n3A_751 : vector<16xi1>, vector<16xi32>
      %get3A_770 = arith.constant 0 : i32
      %get3A_771 = arith.constant 49 : i32
      %get3A_772 = arith.index_cast %get3A_770 : i32 to index
      %get3A_773 = arith.index_cast %get3A_771 : i32 to index
      %get3A_774 = arith.index_cast %mul3A_334 : i32 to index
      %get3A_775 = tpu.vector_load %arg7[%get3A_772, %get3A_773, %get3A_774] {strides = array<i32>} : memref<2x91x512xf32, #tpu.memory_space<vmem>>, vector<16xf32>,
      %get3A_776 = arith.constant 0 : i32
      %get3A_777 = arith.constant 50 : i32
      %get3A_778 = arith.index_cast %get3A_776 : i32 to index
      %get3A_779 = arith.index_cast %get3A_777 : i32 to index
      %get3A_780 = arith.index_cast %mul3A_334 : i32 to index
      %get3A_781 = tpu.vector_load %arg7[%get3A_778, %get3A_779, %get3A_780] {strides = array<i32>} : memref<2x91x512xf32, #tpu.memory_space<vmem>>, vector<16xf32>,
      %max3A_782 = arith.maximumf %get3A_775, %get3A_781 : vector<16xf32>
      %gt3A_783 = arith.cmpf ogt, %max3A_782, %max3A_766 : vector<16xf32>
      %max3A_784 = arith.maximumf %max3A_766, %max3A_782 : vector<16xf32>
      %broadcast_in_dim3A_785 = arith.constant 49 : i32
      %broadcast_in_dim3A_786 = vector.broadcast %broadcast_in_dim3A_785 : i32 to vector<16xi32>
      %select_n3A_787 = arith.select %gt3A_783, %broadcast_in_dim3A_786, %select_n3A_769 : vector<16xi1>, vector<16xi32>
      %get3A_788 = arith.constant 0 : i32
      %get3A_789 = arith.constant 51 : i32
      %get3A_790 = arith.index_cast %get3A_788 : i32 to index
      %get3A_791 = arith.index_cast %get3A_789 : i32 to index
      %get3A_792 = arith.index_cast %mul3A_334 : i32 to index
      %get3A_793 = tpu.vector_load %arg7[%get3A_790, %get3A_791, %get3A_792] {strides = array<i32>} : memref<2x91x512xf32, #tpu.memory_space<vmem>>, vector<16xf32>,
      %get3A_794 = arith.constant 0 : i32
      %get3A_795 = arith.constant 52 : i32
      %get3A_796 = arith.index_cast %get3A_794 : i32 to index
      %get3A_797 = arith.index_cast %get3A_795 : i32 to index
      %get3A_798 = arith.index_cast %mul3A_334 : i32 to index
      %get3A_799 = tpu.vector_load %arg7[%get3A_796, %get3A_797, %get3A_798] {strides = array<i32>} : memref<2x91x512xf32, #tpu.memory_space<vmem>>, vector<16xf32>,
      %max3A_800 = arith.maximumf %get3A_793, %get3A_799 : vector<16xf32>
      %gt3A_801 = arith.cmpf ogt, %max3A_800, %max3A_784 : vector<16xf32>
      %max3A_802 = arith.maximumf %max3A_784, %max3A_800 : vector<16xf32>
      %broadcast_in_dim3A_803 = arith.constant 51 : i32
      %broadcast_in_dim3A_804 = vector.broadcast %broadcast_in_dim3A_803 : i32 to vector<16xi32>
      %select_n3A_805 = arith.select %gt3A_801, %broadcast_in_dim3A_804, %select_n3A_787 : vector<16xi1>, vector<16xi32>
      %get3A_806 = arith.constant 0 : i32
      %get3A_807 = arith.constant 53 : i32
      %get3A_808 = arith.index_cast %get3A_806 : i32 to index
      %get3A_809 = arith.index_cast %get3A_807 : i32 to index
      %get3A_810 = arith.index_cast %mul3A_334 : i32 to index
      %get3A_811 = tpu.vector_load %arg7[%get3A_808, %get3A_809, %get3A_810] {strides = array<i32>} : memref<2x91x512xf32, #tpu.memory_space<vmem>>, vector<16xf32>,
      %get3A_812 = arith.constant 0 : i32
      %get3A_813 = arith.constant 54 : i32
      %get3A_814 = arith.index_cast %get3A_812 : i32 to index
      %get3A_815 = arith.index_cast %get3A_813 : i32 to index
      %get3A_816 = arith.index_cast %mul3A_334 : i32 to index
      %get3A_817 = tpu.vector_load %arg7[%get3A_814, %get3A_815, %get3A_816] {strides = array<i32>} : memref<2x91x512xf32, #tpu.memory_space<vmem>>, vector<16xf32>,
      %max3A_818 = arith.maximumf %get3A_811, %get3A_817 : vector<16xf32>
      %gt3A_819 = arith.cmpf ogt, %max3A_818, %max3A_802 : vector<16xf32>
      %max3A_820 = arith.maximumf %max3A_802, %max3A_818 : vector<16xf32>
      %broadcast_in_dim3A_821 = arith.constant 53 : i32
      %broadcast_in_dim3A_822 = vector.broadcast %broadcast_in_dim3A_821 : i32 to vector<16xi32>
      %select_n3A_823 = arith.select %gt3A_819, %broadcast_in_dim3A_822, %select_n3A_805 : vector<16xi1>, vector<16xi32>
      %get3A_824 = arith.constant 0 : i32
      %get3A_825 = arith.constant 55 : i32
      %get3A_826 = arith.index_cast %get3A_824 : i32 to index
      %get3A_827 = arith.index_cast %get3A_825 : i32 to index
      %get3A_828 = arith.index_cast %mul3A_334 : i32 to index
      %get3A_829 = tpu.vector_load %arg7[%get3A_826, %get3A_827, %get3A_828] {strides = array<i32>} : memref<2x91x512xf32, #tpu.memory_space<vmem>>, vector<16xf32>,
      %get3A_830 = arith.constant 0 : i32
      %get3A_831 = arith.constant 56 : i32
      %get3A_832 = arith.index_cast %get3A_830 : i32 to index
      %get3A_833 = arith.index_cast %get3A_831 : i32 to index
      %get3A_834 = arith.index_cast %mul3A_334 : i32 to index
      %get3A_835 = tpu.vector_load %arg7[%get3A_832, %get3A_833, %get3A_834] {strides = array<i32>} : memref<2x91x512xf32, #tpu.memory_space<vmem>>, vector<16xf32>,
      %max3A_836 = arith.maximumf %get3A_829, %get3A_835 : vector<16xf32>
      %gt3A_837 = arith.cmpf ogt, %max3A_836, %max3A_820 : vector<16xf32>
      %max3A_838 = arith.maximumf %max3A_820, %max3A_836 : vector<16xf32>
      %broadcast_in_dim3A_839 = arith.constant 55 : i32
      %broadcast_in_dim3A_840 = vector.broadcast %broadcast_in_dim3A_839 : i32 to vector<16xi32>
      %select_n3A_841 = arith.select %gt3A_837, %broadcast_in_dim3A_840, %select_n3A_823 : vector<16xi1>, vector<16xi32>
      %get3A_842 = arith.constant 0 : i32
      %get3A_843 = arith.constant 57 : i32
      %get3A_844 = arith.index_cast %get3A_842 : i32 to index
      %get3A_845 = arith.index_cast %get3A_843 : i32 to index
      %get3A_846 = arith.index_cast %mul3A_334 : i32 to index
      %get3A_847 = tpu.vector_load %arg7[%get3A_844, %get3A_845, %get3A_846] {strides = array<i32>} : memref<2x91x512xf32, #tpu.memory_space<vmem>>, vector<16xf32>,
      %get3A_848 = arith.constant 0 : i32
      %get3A_849 = arith.constant 58 : i32
      %get3A_850 = arith.index_cast %get3A_848 : i32 to index
      %get3A_851 = arith.index_cast %get3A_849 : i32 to index
      %get3A_852 = arith.index_cast %mul3A_334 : i32 to index
      %get3A_853 = tpu.vector_load %arg7[%get3A_850, %get3A_851, %get3A_852] {strides = array<i32>} : memref<2x91x512xf32, #tpu.memory_space<vmem>>, vector<16xf32>,
      %max3A_854 = arith.maximumf %get3A_847, %get3A_853 : vector<16xf32>
      %gt3A_855 = arith.cmpf ogt, %max3A_854, %max3A_838 : vector<16xf32>
      %max3A_856 = arith.maximumf %max3A_838, %max3A_854 : vector<16xf32>
      %broadcast_in_dim3A_857 = arith.constant 57 : i32
      %broadcast_in_dim3A_858 = vector.broadcast %broadcast_in_dim3A_857 : i32 to vector<16xi32>
      %select_n3A_859 = arith.select %gt3A_855, %broadcast_in_dim3A_858, %select_n3A_841 : vector<16xi1>, vector<16xi32>
      %get3A_860 = arith.constant 0 : i32
      %get3A_861 = arith.constant 59 : i32
      %get3A_862 = arith.index_cast %get3A_860 : i32 to index
      %get3A_863 = arith.index_cast %get3A_861 : i32 to index
      %get3A_864 = arith.index_cast %mul3A_334 : i32 to index
      %get3A_865 = tpu.vector_load %arg7[%get3A_862, %get3A_863, %get3A_864] {strides = array<i32>} : memref<2x91x512xf32, #tpu.memory_space<vmem>>, vector<16xf32>,
      %get3A_866 = arith.constant 0 : i32
      %get3A_867 = arith.constant 60 : i32
      %get3A_868 = arith.index_cast %get3A_866 : i32 to index
      %get3A_869 = arith.index_cast %get3A_867 : i32 to index
      %get3A_870 = arith.index_cast %mul3A_334 : i32 to index
      %get3A_871 = tpu.vector_load %arg7[%get3A_868, %get3A_869, %get3A_870] {strides = array<i32>} : memref<2x91x512xf32, #tpu.memory_space<vmem>>, vector<16xf32>,
      %max3A_872 = arith.maximumf %get3A_865, %get3A_871 : vector<16xf32>
      %gt3A_873 = arith.cmpf ogt, %max3A_872, %max3A_856 : vector<16xf32>
      %max3A_874 = arith.maximumf %max3A_856, %max3A_872 : vector<16xf32>
      %broadcast_in_dim3A_875 = arith.constant 59 : i32
      %broadcast_in_dim3A_876 = vector.broadcast %broadcast_in_dim3A_875 : i32 to vector<16xi32>
      %select_n3A_877 = arith.select %gt3A_873, %broadcast_in_dim3A_876, %select_n3A_859 : vector<16xi1>, vector<16xi32>
      %get3A_878 = arith.constant 0 : i32
      %get3A_879 = arith.constant 61 : i32
      %get3A_880 = arith.index_cast %get3A_878 : i32 to index
      %get3A_881 = arith.index_cast %get3A_879 : i32 to index
      %get3A_882 = arith.index_cast %mul3A_334 : i32 to index
      %get3A_883 = tpu.vector_load %arg7[%get3A_880, %get3A_881, %get3A_882] {strides = array<i32>} : memref<2x91x512xf32, #tpu.memory_space<vmem>>, vector<16xf32>,
      %get3A_884 = arith.constant 0 : i32
      %get3A_885 = arith.constant 62 : i32
      %get3A_886 = arith.index_cast %get3A_884 : i32 to index
      %get3A_887 = arith.index_cast %get3A_885 : i32 to index
      %get3A_888 = arith.index_cast %mul3A_334 : i32 to index
      %get3A_889 = tpu.vector_load %arg7[%get3A_886, %get3A_887, %get3A_888] {strides = array<i32>} : memref<2x91x512xf32, #tpu.memory_space<vmem>>, vector<16xf32>,
      %max3A_890 = arith.maximumf %get3A_883, %get3A_889 : vector<16xf32>
      %gt3A_891 = arith.cmpf ogt, %max3A_890, %max3A_874 : vector<16xf32>
      %max3A_892 = arith.maximumf %max3A_874, %max3A_890 : vector<16xf32>
      %broadcast_in_dim3A_893 = arith.constant 61 : i32
      %broadcast_in_dim3A_894 = vector.broadcast %broadcast_in_dim3A_893 : i32 to vector<16xi32>
      %select_n3A_895 = arith.select %gt3A_891, %broadcast_in_dim3A_894, %select_n3A_877 : vector<16xi1>, vector<16xi32>
      %get3A_896 = arith.constant 0 : i32
      %get3A_897 = arith.constant 63 : i32
      %get3A_898 = arith.index_cast %get3A_896 : i32 to index
      %get3A_899 = arith.index_cast %get3A_897 : i32 to index
      %get3A_900 = arith.index_cast %mul3A_334 : i32 to index
      %get3A_901 = tpu.vector_load %arg7[%get3A_898, %get3A_899, %get3A_900] {strides = array<i32>} : memref<2x91x512xf32, #tpu.memory_space<vmem>>, vector<16xf32>,
      %get3A_902 = arith.constant 0 : i32
      %get3A_903 = arith.constant 64 : i32
      %get3A_904 = arith.index_cast %get3A_902 : i32 to index
      %get3A_905 = arith.index_cast %get3A_903 : i32 to index
      %get3A_906 = arith.index_cast %mul3A_334 : i32 to index
      %get3A_907 = tpu.vector_load %arg7[%get3A_904, %get3A_905, %get3A_906] {strides = array<i32>} : memref<2x91x512xf32, #tpu.memory_space<vmem>>, vector<16xf32>,
      %max3A_908 = arith.maximumf %get3A_901, %get3A_907 : vector<16xf32>
      %gt3A_909 = arith.cmpf ogt, %max3A_908, %max3A_892 : vector<16xf32>
      %max3A_910 = arith.maximumf %max3A_892, %max3A_908 : vector<16xf32>
      %broadcast_in_dim3A_911 = arith.constant 63 : i32
      %broadcast_in_dim3A_912 = vector.broadcast %broadcast_in_dim3A_911 : i32 to vector<16xi32>
      %select_n3A_913 = arith.select %gt3A_909, %broadcast_in_dim3A_912, %select_n3A_895 : vector<16xi1>, vector<16xi32>
      %get3A_914 = arith.constant 0 : i32
      %get3A_915 = arith.constant 65 : i32
      %get3A_916 = arith.index_cast %get3A_914 : i32 to index
      %get3A_917 = arith.index_cast %get3A_915 : i32 to index
      %get3A_918 = arith.index_cast %mul3A_334 : i32 to index
      %get3A_919 = tpu.vector_load %arg7[%get3A_916, %get3A_917, %get3A_918] {strides = array<i32>} : memref<2x91x512xf32, #tpu.memory_space<vmem>>, vector<16xf32>,
      %get3A_920 = arith.constant 0 : i32
      %get3A_921 = arith.constant 66 : i32
      %get3A_922 = arith.index_cast %get3A_920 : i32 to index
      %get3A_923 = arith.index_cast %get3A_921 : i32 to index
      %get3A_924 = arith.index_cast %mul3A_334 : i32 to index
      %get3A_925 = tpu.vector_load %arg7[%get3A_922, %get3A_923, %get3A_924] {strides = array<i32>} : memref<2x91x512xf32, #tpu.memory_space<vmem>>, vector<16xf32>,
      %max3A_926 = arith.maximumf %get3A_919, %get3A_925 : vector<16xf32>
      %gt3A_927 = arith.cmpf ogt, %max3A_926, %max3A_910 : vector<16xf32>
      %max3A_928 = arith.maximumf %max3A_910, %max3A_926 : vector<16xf32>
      %broadcast_in_dim3A_929 = arith.constant 65 : i32
      %broadcast_in_dim3A_930 = vector.broadcast %broadcast_in_dim3A_929 : i32 to vector<16xi32>
      %select_n3A_931 = arith.select %gt3A_927, %broadcast_in_dim3A_930, %select_n3A_913 : vector<16xi1>, vector<16xi32>
      %get3A_932 = arith.constant 0 : i32
      %get3A_933 = arith.constant 67 : i32
      %get3A_934 = arith.index_cast %get3A_932 : i32 to index
      %get3A_935 = arith.index_cast %get3A_933 : i32 to index
      %get3A_936 = arith.index_cast %mul3A_334 : i32 to index
      %get3A_937 = tpu.vector_load %arg7[%get3A_934, %get3A_935, %get3A_936] {strides = array<i32>} : memref<2x91x512xf32, #tpu.memory_space<vmem>>, vector<16xf32>,
      %get3A_938 = arith.constant 0 : i32
      %get3A_939 = arith.constant 68 : i32
      %get3A_940 = arith.index_cast %get3A_938 : i32 to index
      %get3A_941 = arith.index_cast %get3A_939 : i32 to index
      %get3A_942 = arith.index_cast %mul3A_334 : i32 to index
      %get3A_943 = tpu.vector_load %arg7[%get3A_940, %get3A_941, %get3A_942] {strides = array<i32>} : memref<2x91x512xf32, #tpu.memory_space<vmem>>, vector<16xf32>,
      %max3A_944 = arith.maximumf %get3A_937, %get3A_943 : vector<16xf32>
      %gt3A_945 = arith.cmpf ogt, %max3A_944, %max3A_928 : vector<16xf32>
      %max3A_946 = arith.maximumf %max3A_928, %max3A_944 : vector<16xf32>
      %broadcast_in_dim3A_947 = arith.constant 67 : i32
      %broadcast_in_dim3A_948 = vector.broadcast %broadcast_in_dim3A_947 : i32 to vector<16xi32>
      %select_n3A_949 = arith.select %gt3A_945, %broadcast_in_dim3A_948, %select_n3A_931 : vector<16xi1>, vector<16xi32>
      %get3A_950 = arith.constant 0 : i32
      %get3A_951 = arith.constant 69 : i32
      %get3A_952 = arith.index_cast %get3A_950 : i32 to index
      %get3A_953 = arith.index_cast %get3A_951 : i32 to index
      %get3A_954 = arith.index_cast %mul3A_334 : i32 to index
      %get3A_955 = tpu.vector_load %arg7[%get3A_952, %get3A_953, %get3A_954] {strides = array<i32>} : memref<2x91x512xf32, #tpu.memory_space<vmem>>, vector<16xf32>,
      %get3A_956 = arith.constant 0 : i32
      %get3A_957 = arith.constant 70 : i32
      %get3A_958 = arith.index_cast %get3A_956 : i32 to index
      %get3A_959 = arith.index_cast %get3A_957 : i32 to index
      %get3A_960 = arith.index_cast %mul3A_334 : i32 to index
      %get3A_961 = tpu.vector_load %arg7[%get3A_958, %get3A_959, %get3A_960] {strides = array<i32>} : memref<2x91x512xf32, #tpu.memory_space<vmem>>, vector<16xf32>,
      %max3A_962 = arith.maximumf %get3A_955, %get3A_961 : vector<16xf32>
      %gt3A_963 = arith.cmpf ogt, %max3A_962, %max3A_946 : vector<16xf32>
      %max3A_964 = arith.maximumf %max3A_946, %max3A_962 : vector<16xf32>
      %broadcast_in_dim3A_965 = arith.constant 69 : i32
      %broadcast_in_dim3A_966 = vector.broadcast %broadcast_in_dim3A_965 : i32 to vector<16xi32>
      %select_n3A_967 = arith.select %gt3A_963, %broadcast_in_dim3A_966, %select_n3A_949 : vector<16xi1>, vector<16xi32>
      %get3A_968 = arith.constant 0 : i32
      %get3A_969 = arith.constant 71 : i32
      %get3A_970 = arith.index_cast %get3A_968 : i32 to index
      %get3A_971 = arith.index_cast %get3A_969 : i32 to index
      %get3A_972 = arith.index_cast %mul3A_334 : i32 to index
      %get3A_973 = tpu.vector_load %arg7[%get3A_970, %get3A_971, %get3A_972] {strides = array<i32>} : memref<2x91x512xf32, #tpu.memory_space<vmem>>, vector<16xf32>,
      %get3A_974 = arith.constant 0 : i32
      %get3A_975 = arith.constant 72 : i32
      %get3A_976 = arith.index_cast %get3A_974 : i32 to index
      %get3A_977 = arith.index_cast %get3A_975 : i32 to index
      %get3A_978 = arith.index_cast %mul3A_334 : i32 to index
      %get3A_979 = tpu.vector_load %arg7[%get3A_976, %get3A_977, %get3A_978] {strides = array<i32>} : memref<2x91x512xf32, #tpu.memory_space<vmem>>, vector<16xf32>,
      %max3A_980 = arith.maximumf %get3A_973, %get3A_979 : vector<16xf32>
      %gt3A_981 = arith.cmpf ogt, %max3A_980, %max3A_964 : vector<16xf32>
      %max3A_982 = arith.maximumf %max3A_964, %max3A_980 : vector<16xf32>
      %broadcast_in_dim3A_983 = arith.constant 71 : i32
      %broadcast_in_dim3A_984 = vector.broadcast %broadcast_in_dim3A_983 : i32 to vector<16xi32>
      %select_n3A_985 = arith.select %gt3A_981, %broadcast_in_dim3A_984, %select_n3A_967 : vector<16xi1>, vector<16xi32>
      %get3A_986 = arith.constant 0 : i32
      %get3A_987 = arith.constant 73 : i32
      %get3A_988 = arith.index_cast %get3A_986 : i32 to index
      %get3A_989 = arith.index_cast %get3A_987 : i32 to index
      %get3A_990 = arith.index_cast %mul3A_334 : i32 to index
      %get3A_991 = tpu.vector_load %arg7[%get3A_988, %get3A_989, %get3A_990] {strides = array<i32>} : memref<2x91x512xf32, #tpu.memory_space<vmem>>, vector<16xf32>,
      %get3A_992 = arith.constant 0 : i32
      %get3A_993 = arith.constant 74 : i32
      %get3A_994 = arith.index_cast %get3A_992 : i32 to index
      %get3A_995 = arith.index_cast %get3A_993 : i32 to index
      %get3A_996 = arith.index_cast %mul3A_334 : i32 to index
      %get3A_997 = tpu.vector_load %arg7[%get3A_994, %get3A_995, %get3A_996] {strides = array<i32>} : memref<2x91x512xf32, #tpu.memory_space<vmem>>, vector<16xf32>,
      %max3A_998 = arith.maximumf %get3A_991, %get3A_997 : vector<16xf32>
      %gt3A_999 = arith.cmpf ogt, %max3A_998, %max3A_982 : vector<16xf32>
      %max3A_1000 = arith.maximumf %max3A_982, %max3A_998 : vector<16xf32>
      %broadcast_in_dim3A_1001 = arith.constant 73 : i32
      %broadcast_in_dim3A_1002 = vector.broadcast %broadcast_in_dim3A_1001 : i32 to vector<16xi32>
      %select_n3A_1003 = arith.select %gt3A_999, %broadcast_in_dim3A_1002, %select_n3A_985 : vector<16xi1>, vector<16xi32>
      %get3A_1004 = arith.constant 0 : i32
      %get3A_1005 = arith.constant 75 : i32
      %get3A_1006 = arith.index_cast %get3A_1004 : i32 to index
      %get3A_1007 = arith.index_cast %get3A_1005 : i32 to index
      %get3A_1008 = arith.index_cast %mul3A_334 : i32 to index
      %get3A_1009 = tpu.vector_load %arg7[%get3A_1006, %get3A_1007, %get3A_1008] {strides = array<i32>} : memref<2x91x512xf32, #tpu.memory_space<vmem>>, vector<16xf32>,
      %get3A_1010 = arith.constant 0 : i32
      %get3A_1011 = arith.constant 76 : i32
      %get3A_1012 = arith.index_cast %get3A_1010 : i32 to index
      %get3A_1013 = arith.index_cast %get3A_1011 : i32 to index
      %get3A_1014 = arith.index_cast %mul3A_334 : i32 to index
      %get3A_1015 = tpu.vector_load %arg7[%get3A_1012, %get3A_1013, %get3A_1014] {strides = array<i32>} : memref<2x91x512xf32, #tpu.memory_space<vmem>>, vector<16xf32>,
      %max3A_1016 = arith.maximumf %get3A_1009, %get3A_1015 : vector<16xf32>
      %gt3A_1017 = arith.cmpf ogt, %max3A_1016, %max3A_1000 : vector<16xf32>
      %max3A_1018 = arith.maximumf %max3A_1000, %max3A_1016 : vector<16xf32>
      %broadcast_in_dim3A_1019 = arith.constant 75 : i32
      %broadcast_in_dim3A_1020 = vector.broadcast %broadcast_in_dim3A_1019 : i32 to vector<16xi32>
      %select_n3A_1021 = arith.select %gt3A_1017, %broadcast_in_dim3A_1020, %select_n3A_1003 : vector<16xi1>, vector<16xi32>
      %get3A_1022 = arith.constant 0 : i32
      %get3A_1023 = arith.constant 77 : i32
      %get3A_1024 = arith.index_cast %get3A_1022 : i32 to index
      %get3A_1025 = arith.index_cast %get3A_1023 : i32 to index
      %get3A_1026 = arith.index_cast %mul3A_334 : i32 to index
      %get3A_1027 = tpu.vector_load %arg7[%get3A_1024, %get3A_1025, %get3A_1026] {strides = array<i32>} : memref<2x91x512xf32, #tpu.memory_space<vmem>>, vector<16xf32>,
      %get3A_1028 = arith.constant 0 : i32
      %get3A_1029 = arith.constant 78 : i32
      %get3A_1030 = arith.index_cast %get3A_1028 : i32 to index
      %get3A_1031 = arith.index_cast %get3A_1029 : i32 to index
      %get3A_1032 = arith.index_cast %mul3A_334 : i32 to index
      %get3A_1033 = tpu.vector_load %arg7[%get3A_1030, %get3A_1031, %get3A_1032] {strides = array<i32>} : memref<2x91x512xf32, #tpu.memory_space<vmem>>, vector<16xf32>,
      %max3A_1034 = arith.maximumf %get3A_1027, %get3A_1033 : vector<16xf32>
      %gt3A_1035 = arith.cmpf ogt, %max3A_1034, %max3A_1018 : vector<16xf32>
      %max3A_1036 = arith.maximumf %max3A_1018, %max3A_1034 : vector<16xf32>
      %broadcast_in_dim3A_1037 = arith.constant 77 : i32
      %broadcast_in_dim3A_1038 = vector.broadcast %broadcast_in_dim3A_1037 : i32 to vector<16xi32>
      %select_n3A_1039 = arith.select %gt3A_1035, %broadcast_in_dim3A_1038, %select_n3A_1021 : vector<16xi1>, vector<16xi32>
      %get3A_1040 = arith.constant 0 : i32
      %get3A_1041 = arith.constant 79 : i32
      %get3A_1042 = arith.index_cast %get3A_1040 : i32 to index
      %get3A_1043 = arith.index_cast %get3A_1041 : i32 to index
      %get3A_1044 = arith.index_cast %mul3A_334 : i32 to index
      %get3A_1045 = tpu.vector_load %arg7[%get3A_1042, %get3A_1043, %get3A_1044] {strides = array<i32>} : memref<2x91x512xf32, #tpu.memory_space<vmem>>, vector<16xf32>,
      %get3A_1046 = arith.constant 0 : i32
      %get3A_1047 = arith.constant 80 : i32
      %get3A_1048 = arith.index_cast %get3A_1046 : i32 to index
      %get3A_1049 = arith.index_cast %get3A_1047 : i32 to index
      %get3A_1050 = arith.index_cast %mul3A_334 : i32 to index
      %get3A_1051 = tpu.vector_load %arg7[%get3A_1048, %get3A_1049, %get3A_1050] {strides = array<i32>} : memref<2x91x512xf32, #tpu.memory_space<vmem>>, vector<16xf32>,
      %max3A_1052 = arith.maximumf %get3A_1045, %get3A_1051 : vector<16xf32>
      %gt3A_1053 = arith.cmpf ogt, %max3A_1052, %max3A_1036 : vector<16xf32>
      %max3A_1054 = arith.maximumf %max3A_1036, %max3A_1052 : vector<16xf32>
      %broadcast_in_dim3A_1055 = arith.constant 79 : i32
      %broadcast_in_dim3A_1056 = vector.broadcast %broadcast_in_dim3A_1055 : i32 to vector<16xi32>
      %select_n3A_1057 = arith.select %gt3A_1053, %broadcast_in_dim3A_1056, %select_n3A_1039 : vector<16xi1>, vector<16xi32>
      %get3A_1058 = arith.constant 0 : i32
      %get3A_1059 = arith.constant 81 : i32
      %get3A_1060 = arith.index_cast %get3A_1058 : i32 to index
      %get3A_1061 = arith.index_cast %get3A_1059 : i32 to index
      %get3A_1062 = arith.index_cast %mul3A_334 : i32 to index
      %get3A_1063 = tpu.vector_load %arg7[%get3A_1060, %get3A_1061, %get3A_1062] {strides = array<i32>} : memref<2x91x512xf32, #tpu.memory_space<vmem>>, vector<16xf32>,
      %get3A_1064 = arith.constant 0 : i32
      %get3A_1065 = arith.constant 82 : i32
      %get3A_1066 = arith.index_cast %get3A_1064 : i32 to index
      %get3A_1067 = arith.index_cast %get3A_1065 : i32 to index
      %get3A_1068 = arith.index_cast %mul3A_334 : i32 to index
      %get3A_1069 = tpu.vector_load %arg7[%get3A_1066, %get3A_1067, %get3A_1068] {strides = array<i32>} : memref<2x91x512xf32, #tpu.memory_space<vmem>>, vector<16xf32>,
      %max3A_1070 = arith.maximumf %get3A_1063, %get3A_1069 : vector<16xf32>
      %gt3A_1071 = arith.cmpf ogt, %max3A_1070, %max3A_1054 : vector<16xf32>
      %max3A_1072 = arith.maximumf %max3A_1054, %max3A_1070 : vector<16xf32>
      %broadcast_in_dim3A_1073 = arith.constant 81 : i32
      %broadcast_in_dim3A_1074 = vector.broadcast %broadcast_in_dim3A_1073 : i32 to vector<16xi32>
      %select_n3A_1075 = arith.select %gt3A_1071, %broadcast_in_dim3A_1074, %select_n3A_1057 : vector<16xi1>, vector<16xi32>
      %get3A_1076 = arith.constant 0 : i32
      %get3A_1077 = arith.constant 83 : i32
      %get3A_1078 = arith.index_cast %get3A_1076 : i32 to index
      %get3A_1079 = arith.index_cast %get3A_1077 : i32 to index
      %get3A_1080 = arith.index_cast %mul3A_334 : i32 to index
      %get3A_1081 = tpu.vector_load %arg7[%get3A_1078, %get3A_1079, %get3A_1080] {strides = array<i32>} : memref<2x91x512xf32, #tpu.memory_space<vmem>>, vector<16xf32>,
      %get3A_1082 = arith.constant 0 : i32
      %get3A_1083 = arith.constant 84 : i32
      %get3A_1084 = arith.index_cast %get3A_1082 : i32 to index
      %get3A_1085 = arith.index_cast %get3A_1083 : i32 to index
      %get3A_1086 = arith.index_cast %mul3A_334 : i32 to index
      %get3A_1087 = tpu.vector_load %arg7[%get3A_1084, %get3A_1085, %get3A_1086] {strides = array<i32>} : memref<2x91x512xf32, #tpu.memory_space<vmem>>, vector<16xf32>,
      %max3A_1088 = arith.maximumf %get3A_1081, %get3A_1087 : vector<16xf32>
      %gt3A_1089 = arith.cmpf ogt, %max3A_1088, %max3A_1072 : vector<16xf32>
      %max3A_1090 = arith.maximumf %max3A_1072, %max3A_1088 : vector<16xf32>
      %broadcast_in_dim3A_1091 = arith.constant 83 : i32
      %broadcast_in_dim3A_1092 = vector.broadcast %broadcast_in_dim3A_1091 : i32 to vector<16xi32>
      %select_n3A_1093 = arith.select %gt3A_1089, %broadcast_in_dim3A_1092, %select_n3A_1075 : vector<16xi1>, vector<16xi32>
      %get3A_1094 = arith.constant 0 : i32
      %get3A_1095 = arith.constant 85 : i32
      %get3A_1096 = arith.index_cast %get3A_1094 : i32 to index
      %get3A_1097 = arith.index_cast %get3A_1095 : i32 to index
      %get3A_1098 = arith.index_cast %mul3A_334 : i32 to index
      %get3A_1099 = tpu.vector_load %arg7[%get3A_1096, %get3A_1097, %get3A_1098] {strides = array<i32>} : memref<2x91x512xf32, #tpu.memory_space<vmem>>, vector<16xf32>,
      %get3A_1100 = arith.constant 0 : i32
      %get3A_1101 = arith.constant 86 : i32
      %get3A_1102 = arith.index_cast %get3A_1100 : i32 to index
      %get3A_1103 = arith.index_cast %get3A_1101 : i32 to index
      %get3A_1104 = arith.index_cast %mul3A_334 : i32 to index
      %get3A_1105 = tpu.vector_load %arg7[%get3A_1102, %get3A_1103, %get3A_1104] {strides = array<i32>} : memref<2x91x512xf32, #tpu.memory_space<vmem>>, vector<16xf32>,
      %max3A_1106 = arith.maximumf %get3A_1099, %get3A_1105 : vector<16xf32>
      %gt3A_1107 = arith.cmpf ogt, %max3A_1106, %max3A_1090 : vector<16xf32>
      %max3A_1108 = arith.maximumf %max3A_1090, %max3A_1106 : vector<16xf32>
      %broadcast_in_dim3A_1109 = arith.constant 85 : i32
      %broadcast_in_dim3A_1110 = vector.broadcast %broadcast_in_dim3A_1109 : i32 to vector<16xi32>
      %select_n3A_1111 = arith.select %gt3A_1107, %broadcast_in_dim3A_1110, %select_n3A_1093 : vector<16xi1>, vector<16xi32>
      %get3A_1112 = arith.constant 0 : i32
      %get3A_1113 = arith.constant 87 : i32
      %get3A_1114 = arith.index_cast %get3A_1112 : i32 to index
      %get3A_1115 = arith.index_cast %get3A_1113 : i32 to index
      %get3A_1116 = arith.index_cast %mul3A_334 : i32 to index
      %get3A_1117 = tpu.vector_load %arg7[%get3A_1114, %get3A_1115, %get3A_1116] {strides = array<i32>} : memref<2x91x512xf32, #tpu.memory_space<vmem>>, vector<16xf32>,
      %get3A_1118 = arith.constant 0 : i32
      %get3A_1119 = arith.constant 88 : i32
      %get3A_1120 = arith.index_cast %get3A_1118 : i32 to index
      %get3A_1121 = arith.index_cast %get3A_1119 : i32 to index
      %get3A_1122 = arith.index_cast %mul3A_334 : i32 to index
      %get3A_1123 = tpu.vector_load %arg7[%get3A_1120, %get3A_1121, %get3A_1122] {strides = array<i32>} : memref<2x91x512xf32, #tpu.memory_space<vmem>>, vector<16xf32>,
      %max3A_1124 = arith.maximumf %get3A_1117, %get3A_1123 : vector<16xf32>
      %gt3A_1125 = arith.cmpf ogt, %max3A_1124, %max3A_1108 : vector<16xf32>
      %max3A_1126 = arith.maximumf %max3A_1108, %max3A_1124 : vector<16xf32>
      %broadcast_in_dim3A_1127 = arith.constant 87 : i32
      %broadcast_in_dim3A_1128 = vector.broadcast %broadcast_in_dim3A_1127 : i32 to vector<16xi32>
      %select_n3A_1129 = arith.select %gt3A_1125, %broadcast_in_dim3A_1128, %select_n3A_1111 : vector<16xi1>, vector<16xi32>
      %get3A_1130 = arith.constant 0 : i32
      %get3A_1131 = arith.constant 89 : i32
      %get3A_1132 = arith.index_cast %get3A_1130 : i32 to index
      %get3A_1133 = arith.index_cast %get3A_1131 : i32 to index
      %get3A_1134 = arith.index_cast %mul3A_334 : i32 to index
      %get3A_1135 = tpu.vector_load %arg7[%get3A_1132, %get3A_1133, %get3A_1134] {strides = array<i32>} : memref<2x91x512xf32, #tpu.memory_space<vmem>>, vector<16xf32>,
      %get3A_1136 = arith.constant 0 : i32
      %get3A_1137 = arith.constant 90 : i32
      %get3A_1138 = arith.index_cast %get3A_1136 : i32 to index
      %get3A_1139 = arith.index_cast %get3A_1137 : i32 to index
      %get3A_1140 = arith.index_cast %mul3A_334 : i32 to index
      %get3A_1141 = tpu.vector_load %arg7[%get3A_1138, %get3A_1139, %get3A_1140] {strides = array<i32>} : memref<2x91x512xf32, #tpu.memory_space<vmem>>, vector<16xf32>,
      %max3A_1142 = arith.maximumf %get3A_1135, %get3A_1141 : vector<16xf32>
      %gt3A_1143 = arith.cmpf ogt, %max3A_1142, %max3A_1126 : vector<16xf32>
      %max3A_1144 = arith.maximumf %max3A_1126, %max3A_1142 : vector<16xf32>
      %broadcast_in_dim3A_1145 = arith.constant 89 : i32
      %broadcast_in_dim3A_1146 = vector.broadcast %broadcast_in_dim3A_1145 : i32 to vector<16xi32>
      %select_n3A_1147 = arith.select %gt3A_1143, %broadcast_in_dim3A_1146, %select_n3A_1129 : vector<16xi1>, vector<16xi32>
      %add3A_1148 = vector.broadcast %mul3A_334 : i32 to vector<16xi32>
      %add3A_1149 = arith.addi %add3A_1148, %iota3A : vector<16xi32>
      %mul3A_1150 = arith.constant 0 : i32
      %mul3A_1151 = vector.broadcast %mul3A_1150 : i32 to vector<16xi32>
      %mul3A_1152 = arith.muli %iota3A, %mul3A_1151 : vector<16xi32>
      %add3A_1153 = arith.constant 0 : i32
      %add3A_1154 = vector.broadcast %add3A_1153 : i32 to vector<16xi32>
      %add3A_1155 = arith.addi %mul3A_1152, %add3A_1154 : vector<16xi32>
      %gather3A = tpu.vector_load_idx %arg7[%add3A_1155, %select_n3A_1147, %add3A_1149] : memref<2x91x512xf32, #tpu.memory_space<vmem>>[vector<16xi32>, vector<16xi32>, vector<16xi32>], vector<16xf32>,
      %ne3A = arith.cmpf one, %gather3A, %max3A_1144 : vector<16xf32>
      %convert_element_type3A = arith.extui %ne3A : vector<16xi1> to vector<16xi32>
      %add3A_1156 = arith.addi %select_n3A_1147, %convert_element_type3A : vector<16xi32>
      %neg3A = arith.constant 0.000000e+00 : f32
      %neg3A_1157 = vector.broadcast %neg3A : f32 to vector<16xf32>
      %neg3A_1158 = arith.subf %neg3A_1157, %max3A_1144 : vector<16xf32>
      %exp3A = math.exp %neg3A_1158 : vector<16xf32>
      %add3A_1159 = arith.constant 1.000000e+00 : f32
      %add3A_1160 = vector.broadcast %add3A_1159 : f32 to vector<16xf32>
      %add3A_1161 = arith.addf %add3A_1160, %exp3A : vector<16xf32>
      %div3A = arith.constant 1.000000e+00 : f32
      %div3A_1162 = vector.broadcast %div3A : f32 to vector<16xf32>
      %div3A_1163 = arith.divf %div3A_1162, %add3A_1161 : vector<16xf32>
      %swap3A = arith.constant 0 : i32
      %swap3A_1164 = arith.index_cast %swap3A : i32 to index
      %swap3A_1165 = arith.index_cast %mul3A_334 : i32 to index
      %swap3A_1166 = tpu.vector_load %arg8[%swap3A_1164, %swap3A_1165] {strides = array<i32>} : memref<2x512xf32, #tpu.memory_space<vmem>>, vector<16xf32>,
      tpu.vector_store %arg8[%swap3A_1164, %swap3A_1165], %div3A_1163 {strides = array<i32>} : memref<2x512xf32, #tpu.memory_space<vmem>>, vector<16xf32>,
      %sub3A = arith.constant 1.000000e+00 : f32
      %sub3A_1167 = vector.broadcast %sub3A : f32 to vector<16xf32>
      %sub3A_1168 = arith.subf %sub3A_1167, %div3A_1163 : vector<16xf32>
      %swap3A_1169 = arith.constant 0 : i32
      %swap3A_1170 = arith.index_cast %swap3A_1169 : i32 to index
      %swap3A_1171 = arith.index_cast %mul3A_334 : i32 to index
      %swap3A_1172 = tpu.vector_load %arg9[%swap3A_1170, %swap3A_1171] {strides = array<i32>} : memref<2x512xf32, #tpu.memory_space<vmem>>, vector<16xf32>,
      tpu.vector_store %arg9[%swap3A_1170, %swap3A_1171], %sub3A_1168 {strides = array<i32>} : memref<2x512xf32, #tpu.memory_space<vmem>>, vector<16xf32>,
      %swap3A_1173 = arith.constant 0 : i32
      %swap3A_1174 = arith.index_cast %swap3A_1173 : i32 to index
      %swap3A_1175 = arith.index_cast %mul3A_334 : i32 to index
      %swap3A_1176 = tpu.vector_load %arg10[%swap3A_1174, %swap3A_1175] {strides = array<i32>} : memref<2x512xi32, #tpu.memory_space<vmem>>, vector<16xi32>,
      tpu.vector_store %arg10[%swap3A_1174, %swap3A_1175], %add3A_1156 {strides = array<i32>} : memref<2x512xi32, #tpu.memory_space<vmem>>, vector<16xi32>,
    }
    %scan3A_226 = arith.constant 32 : i32
    %add3A_227 = arith.constant 1024 : i32
    %add3A_228 = arith.addi %mul3A_4, %add3A_227 : i32
    %dma_start3A_229 = arith.constant 0 : i32
    %dma_start3A_230 = arith.constant 0 : i32
    %dma_start3A_231 = tpu.memref_slice %arg8[%dma_start3A_229, %dma_start3A_230] : memref<2x512xf32, #tpu.memory_space<vmem>> -> memref<1x512xf32, #tpu.memory_space<vmem>>
    %dma_start3A_232 = tpu.memref_squeeze %dma_start3A_231 : memref<1x512xf32, #tpu.memory_space<vmem>> -> memref<512xf32, #tpu.memory_space<vmem>>
    %dma_start3A_233 = tpu.memref_slice %arg4[%shift_right_logical3A_1, %add3A_228] : memref<8x6144xf32, #tpu.memory_space<hbm>> -> memref<1x512xf32, #tpu.memory_space<hbm>>
    %dma_start3A_234 = tpu.memref_squeeze %dma_start3A_233 : memref<1x512xf32, #tpu.memory_space<hbm>> -> memref<512xf32, #tpu.memory_space<hbm>>
    %dma_start3A_235 = tpu.memref_slice %arg4[%shift_right_logical3A_1, %add3A_228] : memref<8x6144xf32, #tpu.memory_space<hbm>> -> memref<1x512xf32, #tpu.memory_space<hbm>>
    %dma_start3A_236 = tpu.memref_squeeze %dma_start3A_235 : memref<1x512xf32, #tpu.memory_space<hbm>> -> memref<512xf32, #tpu.memory_space<hbm>>
    %dma_start3A_237 = arith.constant 0 : i32
    %dma_start3A_238 = tpu.memref_slice %arg8[%dma_start3A_229, %dma_start3A_237] : memref<2x512xf32, #tpu.memory_space<vmem>> -> memref<1x512xf32, #tpu.memory_space<vmem>>
    %dma_start3A_239 = tpu.memref_squeeze %dma_start3A_238 : memref<1x512xf32, #tpu.memory_space<vmem>> -> memref<512xf32, #tpu.memory_space<vmem>>
    tpu.enqueue_dma source(%dma_start3A_239 : memref<512xf32, #tpu.memory_space<vmem>>) target(%dma_start3A_236 : memref<512xf32, #tpu.memory_space<hbm>>) target_semaphore(%arg14 : memref<!tpu.dma_semaphore, #tpu.memory_space<semaphore_mem>>)
    %dma_start3A_240 = arith.constant 0 : i32
    %dma_start3A_241 = arith.constant 0 : i32
    %dma_start3A_242 = tpu.memref_slice %arg9[%dma_start3A_240, %dma_start3A_241] : memref<2x512xf32, #tpu.memory_space<vmem>> -> memref<1x512xf32, #tpu.memory_space<vmem>>
    %dma_start3A_243 = tpu.memref_squeeze %dma_start3A_242 : memref<1x512xf32, #tpu.memory_space<vmem>> -> memref<512xf32, #tpu.memory_space<vmem>>
    %dma_start3A_244 = tpu.memref_slice %arg5[%shift_right_logical3A_1, %add3A_228] : memref<8x6144xf32, #tpu.memory_space<hbm>> -> memref<1x512xf32, #tpu.memory_space<hbm>>
    %dma_start3A_245 = tpu.memref_squeeze %dma_start3A_244 : memref<1x512xf32, #tpu.memory_space<hbm>> -> memref<512xf32, #tpu.memory_space<hbm>>
    %dma_start3A_246 = tpu.memref_slice %arg5[%shift_right_logical3A_1, %add3A_228] : memref<8x6144xf32, #tpu.memory_space<hbm>> -> memref<1x512xf32, #tpu.memory_space<hbm>>
    %dma_start3A_247 = tpu.memref_squeeze %dma_start3A_246 : memref<1x512xf32, #tpu.memory_space<hbm>> -> memref<512xf32, #tpu.memory_space<hbm>>
    %dma_start3A_248 = arith.constant 0 : i32
    %dma_start3A_249 = tpu.memref_slice %arg9[%dma_start3A_240, %dma_start3A_248] : memref<2x512xf32, #tpu.memory_space<vmem>> -> memref<1x512xf32, #tpu.memory_space<vmem>>
    %dma_start3A_250 = tpu.memref_squeeze %dma_start3A_249 : memref<1x512xf32, #tpu.memory_space<vmem>> -> memref<512xf32, #tpu.memory_space<vmem>>
    tpu.enqueue_dma source(%dma_start3A_250 : memref<512xf32, #tpu.memory_space<vmem>>) target(%dma_start3A_247 : memref<512xf32, #tpu.memory_space<hbm>>) target_semaphore(%arg14 : memref<!tpu.dma_semaphore, #tpu.memory_space<semaphore_mem>>)
    %dma_start3A_251 = arith.constant 0 : i32
    %dma_start3A_252 = arith.constant 0 : i32
    %dma_start3A_253 = tpu.memref_slice %arg10[%dma_start3A_251, %dma_start3A_252] : memref<2x512xi32, #tpu.memory_space<vmem>> -> memref<1x512xi32, #tpu.memory_space<vmem>>
    %dma_start3A_254 = tpu.memref_squeeze %dma_start3A_253 : memref<1x512xi32, #tpu.memory_space<vmem>> -> memref<512xi32, #tpu.memory_space<vmem>>
    %dma_start3A_255 = tpu.memref_slice %arg6[%shift_right_logical3A_1, %add3A_228] : memref<8x6144xi32, #tpu.memory_space<hbm>> -> memref<1x512xi32, #tpu.memory_space<hbm>>
    %dma_start3A_256 = tpu.memref_squeeze %dma_start3A_255 : memref<1x512xi32, #tpu.memory_space<hbm>> -> memref<512xi32, #tpu.memory_space<hbm>>
    %dma_start3A_257 = tpu.memref_slice %arg6[%shift_right_logical3A_1, %add3A_228] : memref<8x6144xi32, #tpu.memory_space<hbm>> -> memref<1x512xi32, #tpu.memory_space<hbm>>
    %dma_start3A_258 = tpu.memref_squeeze %dma_start3A_257 : memref<1x512xi32, #tpu.memory_space<hbm>> -> memref<512xi32, #tpu.memory_space<hbm>>
    %dma_start3A_259 = arith.constant 0 : i32
    %dma_start3A_260 = tpu.memref_slice %arg10[%dma_start3A_251, %dma_start3A_259] : memref<2x512xi32, #tpu.memory_space<vmem>> -> memref<1x512xi32, #tpu.memory_space<vmem>>
    %dma_start3A_261 = tpu.memref_squeeze %dma_start3A_260 : memref<1x512xi32, #tpu.memory_space<vmem>> -> memref<512xi32, #tpu.memory_space<vmem>>
    tpu.enqueue_dma source(%dma_start3A_261 : memref<512xi32, #tpu.memory_space<vmem>>) target(%dma_start3A_258 : memref<512xi32, #tpu.memory_space<hbm>>) target_semaphore(%arg14 : memref<!tpu.dma_semaphore, #tpu.memory_space<semaphore_mem>>)
    %add3A_262 = arith.constant 512 : i32
    %add3A_263 = arith.addi %mul3A_4, %add3A_262 : i32
    %dma_wait3A_264 = arith.constant 1 : i32
    %dma_wait3A_265 = arith.constant 0 : i32
    %dma_wait3A_266 = tpu.memref_slice %arg8[%dma_wait3A_264, %dma_wait3A_265] : memref<2x512xf32, #tpu.memory_space<vmem>> -> memref<1x512xf32, #tpu.memory_space<vmem>>
    %dma_wait3A_267 = tpu.memref_squeeze %dma_wait3A_266 : memref<1x512xf32, #tpu.memory_space<vmem>> -> memref<512xf32, #tpu.memory_space<vmem>>
    %dma_wait3A_268 = tpu.memref_slice %arg4[%shift_right_logical3A_1, %add3A_263] : memref<8x6144xf32, #tpu.memory_space<hbm>> -> memref<1x512xf32, #tpu.memory_space<hbm>>
    %dma_wait3A_269 = tpu.memref_squeeze %dma_wait3A_268 : memref<1x512xf32, #tpu.memory_space<hbm>> -> memref<512xf32, #tpu.memory_space<hbm>>
    %dma_wait3A_270 = tpu.memref_slice %arg4[%shift_right_logical3A_1, %add3A_263] : memref<8x6144xf32, #tpu.memory_space<hbm>> -> memref<1x512xf32, #tpu.memory_space<hbm>>
    %dma_wait3A_271 = tpu.memref_squeeze %dma_wait3A_270 : memref<1x512xf32, #tpu.memory_space<hbm>> -> memref<512xf32, #tpu.memory_space<hbm>>
    %dma_wait3A_272 = arith.constant 0 : i32
    %dma_wait3A_273 = tpu.memref_slice %arg8[%dma_wait3A_264, %dma_wait3A_272] : memref<2x512xf32, #tpu.memory_space<vmem>> -> memref<1x512xf32, #tpu.memory_space<vmem>>
    %dma_wait3A_274 = tpu.memref_squeeze %dma_wait3A_273 : memref<1x512xf32, #tpu.memory_space<vmem>> -> memref<512xf32, #tpu.memory_space<vmem>>
    tpu.wait_dma2 semaphore(%arg15 : memref<!tpu.dma_semaphore, #tpu.memory_space<semaphore_mem>>) src(%dma_wait3A_274 : memref<512xf32, #tpu.memory_space<vmem>>) dst(%dma_wait3A_271 : memref<512xf32, #tpu.memory_space<hbm>>)
    %dma_wait3A_275 = arith.constant 1 : i32
    %dma_wait3A_276 = arith.constant 0 : i32
    %dma_wait3A_277 = tpu.memref_slice %arg9[%dma_wait3A_275, %dma_wait3A_276] : memref<2x512xf32, #tpu.memory_space<vmem>> -> memref<1x512xf32, #tpu.memory_space<vmem>>
    %dma_wait3A_278 = tpu.memref_squeeze %dma_wait3A_277 : memref<1x512xf32, #tpu.memory_space<vmem>> -> memref<512xf32, #tpu.memory_space<vmem>>
    %dma_wait3A_279 = tpu.memref_slice %arg5[%shift_right_logical3A_1, %add3A_263] : memref<8x6144xf32, #tpu.memory_space<hbm>> -> memref<1x512xf32, #tpu.memory_space<hbm>>
    %dma_wait3A_280 = tpu.memref_squeeze %dma_wait3A_279 : memref<1x512xf32, #tpu.memory_space<hbm>> -> memref<512xf32, #tpu.memory_space<hbm>>
    %dma_wait3A_281 = tpu.memref_slice %arg5[%shift_right_logical3A_1, %add3A_263] : memref<8x6144xf32, #tpu.memory_space<hbm>> -> memref<1x512xf32, #tpu.memory_space<hbm>>
    %dma_wait3A_282 = tpu.memref_squeeze %dma_wait3A_281 : memref<1x512xf32, #tpu.memory_space<hbm>> -> memref<512xf32, #tpu.memory_space<hbm>>
    %dma_wait3A_283 = arith.constant 0 : i32
    %dma_wait3A_284 = tpu.memref_slice %arg9[%dma_wait3A_275, %dma_wait3A_283] : memref<2x512xf32, #tpu.memory_space<vmem>> -> memref<1x512xf32, #tpu.memory_space<vmem>>
    %dma_wait3A_285 = tpu.memref_squeeze %dma_wait3A_284 : memref<1x512xf32, #tpu.memory_space<vmem>> -> memref<512xf32, #tpu.memory_space<vmem>>
    tpu.wait_dma2 semaphore(%arg15 : memref<!tpu.dma_semaphore, #tpu.memory_space<semaphore_mem>>) src(%dma_wait3A_285 : memref<512xf32, #tpu.memory_space<vmem>>) dst(%dma_wait3A_282 : memref<512xf32, #tpu.memory_space<hbm>>)
    %dma_wait3A_286 = arith.constant 1 : i32
    %dma_wait3A_287 = arith.constant 0 : i32
    %dma_wait3A_288 = tpu.memref_slice %arg10[%dma_wait3A_286, %dma_wait3A_287] : memref<2x512xi32, #tpu.memory_space<vmem>> -> memref<1x512xi32, #tpu.memory_space<vmem>>
    %dma_wait3A_289 = tpu.memref_squeeze %dma_wait3A_288 : memref<1x512xi32, #tpu.memory_space<vmem>> -> memref<512xi32, #tpu.memory_space<vmem>>
    %dma_wait3A_290 = tpu.memref_slice %arg6[%shift_right_logical3A_1, %add3A_263] : memref<8x6144xi32, #tpu.memory_space<hbm>> -> memref<1x512xi32, #tpu.memory_space<hbm>>
    %dma_wait3A_291 = tpu.memref_squeeze %dma_wait3A_290 : memref<1x512xi32, #tpu.memory_space<hbm>> -> memref<512xi32, #tpu.memory_space<hbm>>
    %dma_wait3A_292 = tpu.memref_slice %arg6[%shift_right_logical3A_1, %add3A_263] : memref<8x6144xi32, #tpu.memory_space<hbm>> -> memref<1x512xi32, #tpu.memory_space<hbm>>
    %dma_wait3A_293 = tpu.memref_squeeze %dma_wait3A_292 : memref<1x512xi32, #tpu.memory_space<hbm>> -> memref<512xi32, #tpu.memory_space<hbm>>
    %dma_wait3A_294 = arith.constant 0 : i32
    %dma_wait3A_295 = tpu.memref_slice %arg10[%dma_wait3A_286, %dma_wait3A_294] : memref<2x512xi32, #tpu.memory_space<vmem>> -> memref<1x512xi32, #tpu.memory_space<vmem>>
    %dma_wait3A_296 = tpu.memref_squeeze %dma_wait3A_295 : memref<1x512xi32, #tpu.memory_space<vmem>> -> memref<512xi32, #tpu.memory_space<vmem>>
    tpu.wait_dma2 semaphore(%arg15 : memref<!tpu.dma_semaphore, #tpu.memory_space<semaphore_mem>>) src(%dma_wait3A_296 : memref<512xi32, #tpu.memory_space<vmem>>) dst(%dma_wait3A_293 : memref<512xi32, #tpu.memory_space<hbm>>)
    %add3A_297 = arith.constant 1024 : i32
    %add3A_298 = arith.addi %mul3A_4, %add3A_297 : i32
    %dma_wait3A_299 = arith.constant 0 : i32
    %dma_wait3A_300 = arith.constant 0 : i32
    %dma_wait3A_301 = tpu.memref_slice %arg8[%dma_wait3A_299, %dma_wait3A_300] : memref<2x512xf32, #tpu.memory_space<vmem>> -> memref<1x512xf32, #tpu.memory_space<vmem>>
    %dma_wait3A_302 = tpu.memref_squeeze %dma_wait3A_301 : memref<1x512xf32, #tpu.memory_space<vmem>> -> memref<512xf32, #tpu.memory_space<vmem>>
    %dma_wait3A_303 = tpu.memref_slice %arg4[%shift_right_logical3A_1, %add3A_298] : memref<8x6144xf32, #tpu.memory_space<hbm>> -> memref<1x512xf32, #tpu.memory_space<hbm>>
    %dma_wait3A_304 = tpu.memref_squeeze %dma_wait3A_303 : memref<1x512xf32, #tpu.memory_space<hbm>> -> memref<512xf32, #tpu.memory_space<hbm>>
    %dma_wait3A_305 = tpu.memref_slice %arg4[%shift_right_logical3A_1, %add3A_298] : memref<8x6144xf32, #tpu.memory_space<hbm>> -> memref<1x512xf32, #tpu.memory_space<hbm>>
    %dma_wait3A_306 = tpu.memref_squeeze %dma_wait3A_305 : memref<1x512xf32, #tpu.memory_space<hbm>> -> memref<512xf32, #tpu.memory_space<hbm>>
    %dma_wait3A_307 = arith.constant 0 : i32
    %dma_wait3A_308 = tpu.memref_slice %arg8[%dma_wait3A_299, %dma_wait3A_307] : memref<2x512xf32, #tpu.memory_space<vmem>> -> memref<1x512xf32, #tpu.memory_space<vmem>>
    %dma_wait3A_309 = tpu.memref_squeeze %dma_wait3A_308 : memref<1x512xf32, #tpu.memory_space<vmem>> -> memref<512xf32, #tpu.memory_space<vmem>>
    tpu.wait_dma2 semaphore(%arg14 : memref<!tpu.dma_semaphore, #tpu.memory_space<semaphore_mem>>) src(%dma_wait3A_309 : memref<512xf32, #tpu.memory_space<vmem>>) dst(%dma_wait3A_306 : memref<512xf32, #tpu.memory_space<hbm>>)
    %dma_wait3A_310 = arith.constant 0 : i32
    %dma_wait3A_311 = arith.constant 0 : i32
    %dma_wait3A_312 = tpu.memref_slice %arg9[%dma_wait3A_310, %dma_wait3A_311] : memref<2x512xf32, #tpu.memory_space<vmem>> -> memref<1x512xf32, #tpu.memory_space<vmem>>
    %dma_wait3A_313 = tpu.memref_squeeze %dma_wait3A_312 : memref<1x512xf32, #tpu.memory_space<vmem>> -> memref<512xf32, #tpu.memory_space<vmem>>
    %dma_wait3A_314 = tpu.memref_slice %arg5[%shift_right_logical3A_1, %add3A_298] : memref<8x6144xf32, #tpu.memory_space<hbm>> -> memref<1x512xf32, #tpu.memory_space<hbm>>
    %dma_wait3A_315 = tpu.memref_squeeze %dma_wait3A_314 : memref<1x512xf32, #tpu.memory_space<hbm>> -> memref<512xf32, #tpu.memory_space<hbm>>
    %dma_wait3A_316 = tpu.memref_slice %arg5[%shift_right_logical3A_1, %add3A_298] : memref<8x6144xf32, #tpu.memory_space<hbm>> -> memref<1x512xf32, #tpu.memory_space<hbm>>
    %dma_wait3A_317 = tpu.memref_squeeze %dma_wait3A_316 : memref<1x512xf32, #tpu.memory_space<hbm>> -> memref<512xf32, #tpu.memory_space<hbm>>
    %dma_wait3A_318 = arith.constant 0 : i32
    %dma_wait3A_319 = tpu.memref_slice %arg9[%dma_wait3A_310, %dma_wait3A_318] : memref<2x512xf32, #tpu.memory_space<vmem>> -> memref<1x512xf32, #tpu.memory_space<vmem>>
    %dma_wait3A_320 = tpu.memref_squeeze %dma_wait3A_319 : memref<1x512xf32, #tpu.memory_space<vmem>> -> memref<512xf32, #tpu.memory_space<vmem>>
    tpu.wait_dma2 semaphore(%arg14 : memref<!tpu.dma_semaphore, #tpu.memory_space<semaphore_mem>>) src(%dma_wait3A_320 : memref<512xf32, #tpu.memory_space<vmem>>) dst(%dma_wait3A_317 : memref<512xf32, #tpu.memory_space<hbm>>)
    %dma_wait3A_321 = arith.constant 0 : i32
    %dma_wait3A_322 = arith.constant 0 : i32
    %dma_wait3A_323 = tpu.memref_slice %arg10[%dma_wait3A_321, %dma_wait3A_322] : memref<2x512xi32, #tpu.memory_space<vmem>> -> memref<1x512xi32, #tpu.memory_space<vmem>>
    %dma_wait3A_324 = tpu.memref_squeeze %dma_wait3A_323 : memref<1x512xi32, #tpu.memory_space<vmem>> -> memref<512xi32, #tpu.memory_space<vmem>>
    %dma_wait3A_325 = tpu.memref_slice %arg6[%shift_right_logical3A_1, %add3A_298] : memref<8x6144xi32, #tpu.memory_space<hbm>> -> memref<1x512xi32, #tpu.memory_space<hbm>>
    %dma_wait3A_326 = tpu.memref_squeeze %dma_wait3A_325 : memref<1x512xi32, #tpu.memory_space<hbm>> -> memref<512xi32, #tpu.memory_space<hbm>>
    %dma_wait3A_327 = tpu.memref_slice %arg6[%shift_right_logical3A_1, %add3A_298] : memref<8x6144xi32, #tpu.memory_space<hbm>> -> memref<1x512xi32, #tpu.memory_space<hbm>>
    %dma_wait3A_328 = tpu.memref_squeeze %dma_wait3A_327 : memref<1x512xi32, #tpu.memory_space<hbm>> -> memref<512xi32, #tpu.memory_space<hbm>>
    %dma_wait3A_329 = arith.constant 0 : i32
    %dma_wait3A_330 = tpu.memref_slice %arg10[%dma_wait3A_321, %dma_wait3A_329] : memref<2x512xi32, #tpu.memory_space<vmem>> -> memref<1x512xi32, #tpu.memory_space<vmem>>
    %dma_wait3A_331 = tpu.memref_squeeze %dma_wait3A_330 : memref<1x512xi32, #tpu.memory_space<vmem>> -> memref<512xi32, #tpu.memory_space<vmem>>
    tpu.wait_dma2 semaphore(%arg14 : memref<!tpu.dma_semaphore, #tpu.memory_space<semaphore_mem>>) src(%dma_wait3A_331 : memref<512xi32, #tpu.memory_space<vmem>>) dst(%dma_wait3A_328 : memref<512xi32, #tpu.memory_space<hbm>>)
    return
  }
}

module attributes {stable_mosaic.version = 14 : i64} {
  func.func @_tc_body(%arg0: i32, %arg1: memref<91x8x2048xf32, #tpu.memory_space<vmem>>, %arg2: memref<8x2048xf32, #tpu.memory_space<vmem>>, %arg3: memref<8x2048xf32, #tpu.memory_space<vmem>>, %arg4: memref<8x2048xi32, #tpu.memory_space<vmem>>) attributes {dimension_semantics = [#tpu.dimension_semantics<arbitrary>], iteration_bounds = array<i64: 7>, scalar_prefetch = 0 : i64, scratch_operands = 0 : i64, tpu.core_type = #tpu.core_type<tc>, window_params = [{transform_indices = @transform_0, window_bounds = array<i64: 91, 8, 2048>}, {transform_indices = @transform_1, window_bounds = array<i64: 8, 2048>}, {transform_indices = @transform_2, window_bounds = array<i64: 8, 2048>}, {transform_indices = @transform_3, window_bounds = array<i64: 8, 2048>}]} {
    %get3A = arith.constant 0 : index
    %get3A_0 = arith.constant 0 : index
    %get3A_1 = arith.constant 0 : index
    %get3A_2 = vector.load %arg1[%get3A, %get3A_0, %get3A_1] : memref<91x8x2048xf32, #tpu.memory_space<vmem>>, vector<91x8x2048xf32>
    %reduce_max3A = arith.constant dense<0xFF800000> : vector<8x2048xf32>
    %reduce_max3A_3 = vector.multi_reduction <maximumf>, %get3A_2, %reduce_max3A [0] : vector<91x8x2048xf32> to vector<8x2048xf32>
    %iota3A = tpu.iota {dimensions = array<i32: 0>} : vector<91x8x2048xi32>
    %broadcast_in_dim3A = vector.shape_cast %reduce_max3A_3 : vector<8x2048xf32> to vector<1x8x2048xf32>
    %eq3A = vector.broadcast %broadcast_in_dim3A : vector<1x8x2048xf32> to vector<91x8x2048xf32>
    %eq3A_4 = arith.cmpf oeq, %get3A_2, %eq3A : vector<91x8x2048xf32>
    %jit3A = arith.constant 91 : i32
    %broadcast_in_dim3A_5 = vector.broadcast %jit3A : i32 to vector<91x8x2048xi32>
    %select_n3A = arith.select %eq3A_4, %iota3A, %broadcast_in_dim3A_5 : vector<91x8x2048xi1>, vector<91x8x2048xi32>
    %reduce_min3A = arith.constant dense<2147483647> : vector<8x2048xi32>
    %reduce_min3A_6 = vector.multi_reduction <minsi>, %select_n3A, %reduce_min3A [0] : vector<91x8x2048xi32> to vector<8x2048xi32>
    %neg3A = arith.constant 0.000000e+00 : f32
    %neg3A_7 = vector.broadcast %neg3A : f32 to vector<8x2048xf32>
    %neg3A_8 = arith.subf %neg3A_7, %reduce_max3A_3 : vector<8x2048xf32>
    %exp3A = math.exp %neg3A_8 : vector<8x2048xf32>
    %add3A = arith.constant 1.000000e+00 : f32
    %add3A_9 = vector.broadcast %add3A : f32 to vector<8x2048xf32>
    %add3A_10 = arith.addf %add3A_9, %exp3A : vector<8x2048xf32>
    %div3A = arith.constant 1.000000e+00 : f32
    %div3A_11 = vector.broadcast %div3A : f32 to vector<8x2048xf32>
    %div3A_12 = arith.divf %div3A_11, %add3A_10 : vector<8x2048xf32>
    %swap3A = arith.constant 0 : index
    %swap3A_13 = arith.constant 0 : index
    %swap3A_14 = vector.load %arg2[%swap3A, %swap3A_13] : memref<8x2048xf32, #tpu.memory_space<vmem>>, vector<8x2048xf32>
    tpu.vector_store %arg2[%swap3A, %swap3A_13], %div3A_12 {strides = array<i32>} : memref<8x2048xf32, #tpu.memory_space<vmem>>, vector<8x2048xf32>,
    %sub3A = arith.constant 1.000000e+00 : f32
    %sub3A_15 = vector.broadcast %sub3A : f32 to vector<8x2048xf32>
    %sub3A_16 = arith.subf %sub3A_15, %div3A_12 : vector<8x2048xf32>
    %swap3A_17 = arith.constant 0 : index
    %swap3A_18 = arith.constant 0 : index
    %swap3A_19 = vector.load %arg3[%swap3A_17, %swap3A_18] : memref<8x2048xf32, #tpu.memory_space<vmem>>, vector<8x2048xf32>
    tpu.vector_store %arg3[%swap3A_17, %swap3A_18], %sub3A_16 {strides = array<i32>} : memref<8x2048xf32, #tpu.memory_space<vmem>>, vector<8x2048xf32>,
    %swap3A_20 = arith.constant 0 : index
    %swap3A_21 = arith.constant 0 : index
    %swap3A_22 = vector.load %arg4[%swap3A_20, %swap3A_21] : memref<8x2048xi32, #tpu.memory_space<vmem>>, vector<8x2048xi32>
    tpu.vector_store %arg4[%swap3A_20, %swap3A_21], %reduce_min3A_6 {strides = array<i32>} : memref<8x2048xi32, #tpu.memory_space<vmem>>, vector<8x2048xi32>,
    return
  }
  func.func @transform_0(%arg0: i32) -> (i32, i32, i32) {
    %add3A = arith.constant 3 : i32
    %add3A_0 = arith.addi %add3A, %arg0 : i32
    %c0_i32 = arith.constant 0 : i32
    %c0_i32_1 = arith.constant 0 : i32
    %c0_i32_2 = arith.constant 0 : i32
    return %c0_i32, %c0_i32_1, %add3A_0 : i32, i32, i32
  }
  func.func @transform_1(%arg0: i32) -> (i32, i32) {
    %c0_i32 = arith.constant 0 : i32
    %c0_i32_0 = arith.constant 0 : i32
    return %c0_i32, %arg0 : i32, i32
  }
  func.func @transform_2(%arg0: i32) -> (i32, i32) {
    %c0_i32 = arith.constant 0 : i32
    %c0_i32_0 = arith.constant 0 : i32
    return %c0_i32, %arg0 : i32, i32
  }
  func.func @transform_3(%arg0: i32) -> (i32, i32) {
    %c0_i32 = arith.constant 0 : i32
    %c0_i32_0 = arith.constant 0 : i32
    return %c0_i32, %arg0 : i32, i32
  }
}

module attributes {stable_mosaic.version = 14 : i64} {
  func.func @_tc_box_body(%arg0: memref<8x4x20000xf32, #tpu.memory_space<vmem>>, %arg1: memref<8x2xi32, #tpu.memory_space<vmem>>, %arg2: memref<8x4x20000xf32, #tpu.memory_space<vmem>>) attributes {dimension_semantics = [], scalar_prefetch = 0 : i64, scratch_operands = 0 : i64, tpu.core_type = #tpu.core_type<tc>} {
    %get3A = arith.constant 0 : index
    %get3A_0 = arith.constant 0 : index
    %get3A_1 = vector.load %arg1[%get3A, %get3A_0] : memref<8x2xi32, #tpu.memory_space<vmem>>, vector<8x2xi32>
    %convert_element_type3A = arith.sitofp %get3A_1 : vector<8x2xi32> to vector<8x2xf32>
    %slice3A = vector.extract_strided_slice %convert_element_type3A {offsets = [0, 0], sizes = [8, 1], strides = [1, 1]} : vector<8x2xf32> to vector<8x1xf32>
    %slice3A_2 = vector.extract_strided_slice %convert_element_type3A {offsets = [0, 1], sizes = [8, 1], strides = [1, 1]} : vector<8x2xf32> to vector<8x1xf32>
    %get3A_3 = arith.constant 0 : index
    %get3A_4 = arith.constant 0 : index
    %get3A_5 = arith.constant 0 : index
    %get3A_6 = vector.load %arg0[%get3A_3, %get3A_4, %get3A_5] : memref<8x4x20000xf32, #tpu.memory_space<vmem>>, vector<8x1x20000xf32>
    %get3A_7 = vector.shape_cast %get3A_6 : vector<8x1x20000xf32> to vector<8x20000xf32>
    %get3A_8 = arith.constant 0 : index
    %get3A_9 = arith.constant 1 : index
    %get3A_10 = arith.constant 0 : index
    %get3A_11 = vector.load %arg0[%get3A_8, %get3A_9, %get3A_10] : memref<8x4x20000xf32, #tpu.memory_space<vmem>>, vector<8x1x20000xf32>
    %get3A_12 = vector.shape_cast %get3A_11 : vector<8x1x20000xf32> to vector<8x20000xf32>
    %get3A_13 = arith.constant 0 : index
    %get3A_14 = arith.constant 2 : index
    %get3A_15 = arith.constant 0 : index
    %get3A_16 = vector.load %arg0[%get3A_13, %get3A_14, %get3A_15] : memref<8x4x20000xf32, #tpu.memory_space<vmem>>, vector<8x1x20000xf32>
    %get3A_17 = vector.shape_cast %get3A_16 : vector<8x1x20000xf32> to vector<8x20000xf32>
    %mul3A = arith.constant 5.000000e-01 : f32
    %mul3A_18 = vector.broadcast %mul3A : f32 to vector<8x20000xf32>
    %mul3A_19 = arith.mulf %get3A_17, %mul3A_18 : vector<8x20000xf32>
    %get3A_20 = arith.constant 0 : index
    %get3A_21 = arith.constant 3 : index
    %get3A_22 = arith.constant 0 : index
    %get3A_23 = vector.load %arg0[%get3A_20, %get3A_21, %get3A_22] : memref<8x4x20000xf32, #tpu.memory_space<vmem>>, vector<8x1x20000xf32>
    %get3A_24 = vector.shape_cast %get3A_23 : vector<8x1x20000xf32> to vector<8x20000xf32>
    %mul3A_25 = arith.constant 5.000000e-01 : f32
    %mul3A_26 = vector.broadcast %mul3A_25 : f32 to vector<8x20000xf32>
    %mul3A_27 = arith.mulf %get3A_24, %mul3A_26 : vector<8x20000xf32>
    %sub3A = arith.subf %get3A_7, %mul3A_19 : vector<8x20000xf32>
    %mul3A_28 = vector.broadcast %slice3A_2 : vector<8x1xf32> to vector<8x20000xf32>
    %mul3A_29 = arith.mulf %sub3A, %mul3A_28 : vector<8x20000xf32>
    %swap3A = arith.constant 0 : index
    %swap3A_30 = arith.constant 0 : index
    %swap3A_31 = arith.constant 0 : index
    %swap3A_32 = vector.load %arg2[%swap3A, %swap3A_30, %swap3A_31] : memref<8x4x20000xf32, #tpu.memory_space<vmem>>, vector<8x1x20000xf32>
    %swap3A_33 = vector.shape_cast %swap3A_32 : vector<8x1x20000xf32> to vector<8x20000xf32>
    %swap3A_34 = vector.shape_cast %mul3A_29 : vector<8x20000xf32> to vector<8x1x20000xf32>
    tpu.vector_store %arg2[%swap3A, %swap3A_30, %swap3A_31], %swap3A_34 {strides = array<i32>} : memref<8x4x20000xf32, #tpu.memory_space<vmem>>, vector<8x1x20000xf32>,
    %sub3A_35 = arith.subf %get3A_12, %mul3A_27 : vector<8x20000xf32>
    %mul3A_36 = vector.broadcast %slice3A : vector<8x1xf32> to vector<8x20000xf32>
    %mul3A_37 = arith.mulf %sub3A_35, %mul3A_36 : vector<8x20000xf32>
    %swap3A_38 = arith.constant 0 : index
    %swap3A_39 = arith.constant 1 : index
    %swap3A_40 = arith.constant 0 : index
    %swap3A_41 = vector.load %arg2[%swap3A_38, %swap3A_39, %swap3A_40] : memref<8x4x20000xf32, #tpu.memory_space<vmem>>, vector<8x1x20000xf32>
    %swap3A_42 = vector.shape_cast %swap3A_41 : vector<8x1x20000xf32> to vector<8x20000xf32>
    %swap3A_43 = vector.shape_cast %mul3A_37 : vector<8x20000xf32> to vector<8x1x20000xf32>
    tpu.vector_store %arg2[%swap3A_38, %swap3A_39, %swap3A_40], %swap3A_43 {strides = array<i32>} : memref<8x4x20000xf32, #tpu.memory_space<vmem>>, vector<8x1x20000xf32>,
    %add3A = arith.addf %get3A_7, %mul3A_19 : vector<8x20000xf32>
    %mul3A_44 = vector.broadcast %slice3A_2 : vector<8x1xf32> to vector<8x20000xf32>
    %mul3A_45 = arith.mulf %add3A, %mul3A_44 : vector<8x20000xf32>
    %swap3A_46 = arith.constant 0 : index
    %swap3A_47 = arith.constant 2 : index
    %swap3A_48 = arith.constant 0 : index
    %swap3A_49 = vector.load %arg2[%swap3A_46, %swap3A_47, %swap3A_48] : memref<8x4x20000xf32, #tpu.memory_space<vmem>>, vector<8x1x20000xf32>
    %swap3A_50 = vector.shape_cast %swap3A_49 : vector<8x1x20000xf32> to vector<8x20000xf32>
    %swap3A_51 = vector.shape_cast %mul3A_45 : vector<8x20000xf32> to vector<8x1x20000xf32>
    tpu.vector_store %arg2[%swap3A_46, %swap3A_47, %swap3A_48], %swap3A_51 {strides = array<i32>} : memref<8x4x20000xf32, #tpu.memory_space<vmem>>, vector<8x1x20000xf32>,
    %add3A_52 = arith.addf %get3A_12, %mul3A_27 : vector<8x20000xf32>
    %mul3A_53 = vector.broadcast %slice3A : vector<8x1xf32> to vector<8x20000xf32>
    %mul3A_54 = arith.mulf %add3A_52, %mul3A_53 : vector<8x20000xf32>
    %swap3A_55 = arith.constant 0 : index
    %swap3A_56 = arith.constant 3 : index
    %swap3A_57 = arith.constant 0 : index
    %swap3A_58 = vector.load %arg2[%swap3A_55, %swap3A_56, %swap3A_57] : memref<8x4x20000xf32, #tpu.memory_space<vmem>>, vector<8x1x20000xf32>
    %swap3A_59 = vector.shape_cast %swap3A_58 : vector<8x1x20000xf32> to vector<8x20000xf32>
    %swap3A_60 = vector.shape_cast %mul3A_54 : vector<8x20000xf32> to vector<8x1x20000xf32>
    tpu.vector_store %arg2[%swap3A_55, %swap3A_56, %swap3A_57], %swap3A_60 {strides = array<i32>} : memref<8x4x20000xf32, #tpu.memory_space<vmem>>, vector<8x1x20000xf32>,
    return
  }
}

</mosaic_0001>

<sc_bundles>
// kernel: kernel.5.cloned.1.call-start
scs
__scs_entry_jumppad:
0x0: {  	(pc) =	sbr.rel $0x88, $3  }
0x1: {  	(tag) =	ssettag $0x0;
	lr =	simm.s32 $0x1  }
0x2: {  	[smem:$0x3F9E] =	sst lr;
	_ =	strace $0xD0000000  }
0x3: {  	_ = 	snop  }
0x4: {  	_ = 	snop  }
0x5: {  	_ = 	snop  }
0x6: {  	_ = 	snop  }
0x7: {  	_ = 	snop  }
__scs_overlays_trampoline_lowered:
0x8: {  	[smem:$0x3FAD] =	sst s0  }
0x9: {  	[smem:$0x3FAE] =	sst s1  }
0xa: {  	[smem:$0x3FAF] =	sst s2  }
0xb: {  	[smem:$0x3FB0] =	sst s3  }
0xc: {  	[smem:$0x3FB1] =	sst s4  }
0xd: {  	[smem:$0x3FB2] =	sst s5  }
0xe: {  	[smem:$0x3FB3] =	sst s6  }
0xf: {  	[smem:$0x3FB4] =	sst s7  }
0x10: {  	[smem:$0x3FB5] =	sst s8  }
0x11: {  	[smem:$0x3FB6] =	sst s9;
	s0 =	simm.s32 @!p0 $0x0  }
0x12: {  	s1 =	sld [smem:$0x3F9C];
	s0 =	simm.s32 @p0 $0x1  }
0x13: {  	[smem:$0x3FB7] =	sst s0;
	s0 =	simm.s32 @!p1 $0x0  }
0x14: {  	s2 =	sld [smem:$0x3F9B];
	s0 =	simm.s32 @p1 $0x1  }
0x15: {  	[smem:$0x3FB8] =	sst s0;
	s0 =	simm.s32 @!p2 $0x0  }
0x16: {  	s3 =	sld [smem:$0x3FDB];
	s0 =	simm.s32 @p2 $0x1  }
0x17: {  	s4 =	simm.s32 $0x1BF5;
	[smem:$0x3FBA] =	sst s0  }
0x18: {  	s0 =	sld [smem:$0x3F9D];
	_ =	swait.ge [sflag:s4], $0x0  }
0x19: {  	s7 =	sld [smem:$0x3F9E]  }
0x1a: {  	s8 =	sadd.s32 $0xFFFFE003, lr  }
0x1b: {  	s9 =	sadd.s32 $0xFFFFFEF7, lr;
	s5 =	simm.s32 $0xFFFFFFFF;
	p2 =	slt.u32 s8, $0xFFFFF086  }
0x1c: {  	p1 =	slt.u32 s9, $0xF7A;
	s5 =	simm.s32 @!p2 $0x0  }
0x1d: {  	s5 =	simm.s32 @p1 $0x1;
	p0 =	seq.s32 s7, s2  }
0x1e: {  	s7 =	smul.u32 @!p0 $0xF7A, s2;
	p2 =	seq.s32 @!p0 s5, $0x0  }
0x1f: {  	s9 =	smul.u32 $0xF7A, s1;
	s8 =	simm.s32 @!p0 $0x1BF5;
	p2 =	por !p2, p0  }
0x20: {  	[sflag:s8] =	ssyncset.s32 @!p0 $0xFFFFF086;
	s6 =	sadd.s32 @!p0 s3, s7;
	s7 =	simm.s32 @!p0 $0x108  }
0x21: {  	s3 =	sadd.s32 s3, s9;
	s6 =	sadd.s32 @!p0 $0x88, s6;
	s7 =	simm.s32 @p2 $0x1082  }
0x22: {  	[simem:s7], [sflag:s8] =	dma.local @!p0 [hbm:s6], $0xF7A  }
0x23: {  	s9 =	sor.u32 $0xD0000000, s2;
	s6 =	simm.s32 $0x108;
	_ =	swait.ge @!p0 [sflag:s8], $0x0  }
0x24: {  	s3 =	sadd.s32 $0x88, s3;
	s6 =	simm.s32 @!p1 $0x1082;
	[sflag:s4] =	ssyncset.s32 $0xFFFFF086  }
0x25: {  	[simem:s6], [sflag:s4] =	dma.local [hbm:s3], $0xF7A  }
0x26: {  	[smem:$0x3F9E] =	sst s1;
	(tag) =	ssettag s2;
	_ =	strace s9  }
0x27: {  	s1 =	sld [smem:$0x3FAE]  }
0x28: {  	s2 =	sld [smem:$0x3FAF]  }
0x29: {  	s4 =	sld [smem:$0x3FB1]  }
0x2a: {  	p0 =	seq.s32 s5, $0x0;
	s5 =	sld [smem:$0x3FB2]  }
0x2b: {  	s6 =	sld [smem:$0x3FB3]  }
0x2c: {  	s7 =	sld [smem:$0x3FB4]  }
0x2d: {  	s3 =	simm.s32 $0x108;
	s8 =	sld [smem:$0x3FB5]  }
0x2e: {  	s3 =	simm.s32 @!p0 $0x1082;
	s9 =	sld [smem:$0x3FB6]  }
0x2f: {  	lr =	sadd.s32 s0, s3;
	s0 =	sld [smem:$0x3FAD]  }
0x30: {  	s3 =	sld [smem:$0x3FB0]  }
0x31: {  	[smem:$0x3FB9] =	sst s10  }
0x32: {  	s10 =	sld [smem:$0x3FB7];
	_ =	sdelay $0x3  }
0x33: {  	p0 =	seq.s32 s10, $0x1;
	s10 =	sld [smem:$0x3FB9];
	_ =	sdelay $0x3  }
0x34: {  	[smem:$0x3FB9] =	sst s10  }
0x35: {  	s10 =	sld [smem:$0x3FB8];
	_ =	sdelay $0x3  }
0x36: {  	p1 =	seq.s32 s10, $0x1;
	s10 =	sld [smem:$0x3FB9];
	_ =	sdelay $0x3  }
0x37: {  	[smem:$0x3FB9] =	sst s10  }
0x38: {  	s10 =	sld [smem:$0x3FBA]  }
0x39: {  	_ = 	snop;
	(pc) =	sbr.ind lr, $3  }
0x3a: {  	_ = 	snop  }
0x3b: {  	_ = 	snop  }
0x3c: {  	p2 =	seq.s32 s10, $0x1;
	s10 =	sld [smem:$0x3FB9]  }
0x3d: {  	_ =	shalt  }
0x3e: {  	_ =	shalt  }
0x3f: {  	_ =	shalt  }
0x40: {  	_ =	shalt  }
0x41: {  	_ =	shalt  }
0x42: {  	_ =	shalt  }
0x43: {  	_ =	shalt  }
0x44: {  	_ =	shalt  }
0x45: {  	_ =	shalt  }
0x46: {  	_ =	shalt  }
0x47: {  	_ =	shalt  }
0x48: {  	_ =	shalt  }
0x49: {  	_ =	shalt  }
0x4a: {  	_ =	shalt  }
0x4b: {  	_ =	shalt  }
0x4c: {  	_ =	shalt  }
0x4d: {  	_ =	shalt  }
0x4e: {  	_ =	shalt  }
0x4f: {  	_ =	shalt  }
0x50: {  	_ =	shalt  }
0x51: {  	_ =	shalt  }
0x52: {  	_ =	shalt  }
0x53: {  	_ =	shalt  }
0x54: {  	_ =	shalt  }
0x55: {  	_ =	shalt  }
0x56: {  	_ =	shalt  }
0x57: {  	_ =	shalt  }
0x58: {  	_ =	shalt  }
0x59: {  	_ =	shalt  }
0x5a: {  	_ =	shalt  }
0x5b: {  	_ =	shalt  }
0x5c: {  	_ =	shalt  }
0x5d: {  	_ =	shalt  }
0x5e: {  	_ =	shalt  }
0x5f: {  	_ =	shalt  }
0x60: {  	_ =	shalt  }
0x61: {  	_ =	shalt  }
0x62: {  	_ =	shalt  }
0x63: {  	_ =	shalt  }
0x64: {  	_ =	shalt  }
0x65: {  	_ =	shalt  }
0x66: {  	_ =	shalt  }
0x67: {  	_ =	shalt  }
0x68: {  	_ =	shalt  }
0x69: {  	_ =	shalt  }
0x6a: {  	_ =	shalt  }
0x6b: {  	_ =	shalt  }
0x6c: {  	_ =	shalt  }
0x6d: {  	_ =	shalt  }
0x6e: {  	_ =	shalt  }
0x6f: {  	_ =	shalt  }
0x70: {  	_ =	shalt  }
0x71: {  	_ =	shalt  }
0x72: {  	_ =	shalt  }
0x73: {  	_ =	shalt  }
0x74: {  	_ =	shalt  }
0x75: {  	_ =	shalt  }
0x76: {  	_ =	shalt  }
0x77: {  	_ =	shalt  }
0x78: {  	_ =	shalt  }
0x79: {  	_ =	shalt  }
0x7a: {  	_ =	shalt  }
0x7b: {  	_ =	shalt  }
0x7c: {  	_ =	shalt  }
0x7d: {  	_ =	shalt  }
0x7e: {  	_ =	shalt  }
0x7f: {  	_ =	shalt  }
0x80: {  	_ =	shalt  }
0x81: {  	_ =	shalt  }
0x82: {  	_ =	shalt  }
0x83: {  	_ =	shalt  }
0x84: {  	_ =	shalt  }
0x85: {  	_ =	shalt  }
0x86: {  	_ =	shalt  }
0x87: {  	_ =	shalt  }
.Lfunc_end0:
.L_simem_size_0:
called_computation_lowered:
.L_overlay_start_0:
0x88: {  	s2 =	sld [smem:$0x3FD9]  }
0x89: {  	s3 =	sld [smem:$0x3FFE];
	_ =	sdelay $0x1  }
0x8a: {  	s1 =	srdreg.scid  }
0x8b: {  	s0 =	sand.u32 $0x1, s1  }
0x8c: {  	s14 =	sshll.u32 s0, $0xA;
	s2 =	sadd.s32 s3, s2  }
0x8d: {  	s2 =	sadd.s32 s2, s14  }
0x8e: {  	[smem:$0x3FC5] =	sst s2  }
0x8f: {  	_ = 	snop  }
0x90: {  	s2 =	sld [smem:$0x3FD0];
	_ =	sdelay $0x2  }
0x91: {  	s4 =	simm.s32 $0xA;
	s5 =	simm.s32 $0x10;
	s15 =	sld [smem:$0x3FC9]  }
0x92: {  	[smem:s5], [sflag:s4] =	dma.local [hbm:s2], $0x1  }
0x93: {  	_ =	swait.eq [sflag:s4], $0x1  }
0x94: {  	[sflag:s4] =	ssyncset.done $0x0  }
0x95: {  	s16 =	sld [smem:$0x11];
	[sflag:s4] =	ssyncadd.s32 $0xFFFFFFFF  }
0x96: {  	s17 =	sld [smem:$0x12];
	(tm) =	ssettm $0x1  }
0x97: {  	s18 =	sld [smem:$0x3FFB];
	_ =	sdelay $0x3  }
0x98: {  	_ =	strace s18  }
0x99: {  	s5 =	sld [smem:$0x3FFC];
	_ =	sdelay $0x3  }
0x9a: {  	_ =	strace s5  }
0x9b: {  	s5 =	sld [smem:$0x3FFD];
	_ =	sdelay $0x3  }
0x9c: {  	_ =	strace s5  }
0x9d: {  	_ =	strace $0x8FFFFFFF  }
0x9e: {  	s19 =	sld [smem:$0x3FDB];
	_ =	sdelay $0x1  }
0x9f: {  	s6 =	simm.s32 $_scs_section_size  }
0xa0: {  	s7 =	simm.s32 $_size__tile_overlayer_lowered;
	s8 =	simm.s32 $_tile_overlayer_lowered  }
0xa1: {  	s22 =	simm.s32 $0x1BFF;
	s21 =	sshll.u32 s8, $0x1;
	s5 =	sadd.s32 s6, s19  }
0xa2: {  	s9 =	simm.s32 $0x0;
	s20 =	sshll.u32 s7, $0x1;
	s7 =	sadd.s32 s21, s5  }
0xa3: {  	[timem:s9], [sflag:s22] =	dma.local [hbm:s7], s20  }
0xa4: {  	_ =	swait.ge [sflag:s22], s20  }
0xa5: {  	s6 =	ssub.s32 $0x0, s20;
	[sflag:s22] =	ssyncset.done $0x0  }
0xa6: {  	[sflag:s22] =	ssyncadd.s32 s6;
	_ =	sdelay $0x1  }
0xa7: {  	s23 =	simm.s32 $0x1B8B  }
0xa8: {  	_ =	swait.ge [sflag:s23], $0x1  }
0xa9: {  	[sflag:s23] =	ssyncset.done $0x0  }
0xaa: {  	s25 =	simm.s32 $0x1B8E;
	s24 =	sld [smem:$0x3FFE];
	[sflag:s23] =	ssyncadd.s32 $0xFFFFFFFF  }
0xab: {  	s26 =	simm.s32 $execute0_lowered;
	[smem:$0x3FD2] =	sst s25  }
0xac: {  	s7 =	sshll.u32 s26, $0x1;
	_ =	strace $0x80000046;
	[dreg:$0x1] =	wrdreg $0xFFFFFFFF  }
0xad: {  	s28 =	simm.s32 $_size_execute0_lowered;
	s5 =	sadd.s32 s5, s7;
	[dreg:$0x0] =	wrdreg $0x0  }
0xae: {  	s7 =	sshll.u32 s28, $0x1;
	[dreg:$0x2] =	wrdreg s5  }
0xaf: {  	[dreg:$0x3] =	wrdreg s7  }
0xb0: {  	[dreg:$0x4] =	wrdreg $0xC0  }
0xb1: {  	_ =	task [dreg:s9], $0x5FFFF  }
0xb2: {  	[dreg:$0x1] =	wrdreg $0xFFFFFFFF  }
0xb3: {  	[dreg:$0x0] =	wrdreg $0x60  }
0xb4: {  	[dreg:$0x2] =	wrdreg s15  }
0xb5: {  	[dreg:$0x3] =	wrdreg s17  }
0xb6: {  	[dreg:$0x4] =	wrdreg s24  }
0xb7: {  	[dreg:$0x5] =	wrdreg s16  }
0xb8: {  	[dreg:$0x6] =	wrdreg $0x9  }
0xb9: {  	_ =	task.clear_ibuf [dreg:s9], $0x7FFFF;
	_ =	strace $0x90000046  }
0xba: {  	s29 =	simm.s32 $0x9;
	_ =	strace $0x80000048  }
0xbb: {  	_ =	swait.ge [sflag:s29], $0x1  }
0xbc: {  	[sflag:s29] =	ssyncadd.s32 $0xFFFFFFFF  }
0xbd: {  	_ =	strace $0x90000048  }
0xbe: {  	_ =	sfence  }
0xbf: {  	s30 =	sld [smem:$0x0];
	_ =	sdelay $0x2  }
0xc0: {  	s31 =	sshll.u32 s1, $0xD;
	s1 =	sshrl.u32 s1, $0x2  }
0xc1: {  	s3 =	sand.u32 $0x4000, s31;
	s1 =	sadd.s32 s1, s30  }
0xc2: {  	s0 =	sor.u32 s3, s0;
	s1 =	sshll.u32 s1, $0x11  }
0xc3: {  	s0 =	sor.u32 s1, s0  }
0xc4: {  	s0 =	sadd.s32 $0x8F2B, s0  }
0xc5: {  	[sflag:s0] =	ssyncadd.remote.s32 $0x1  }
0xc6: {  	_ =	sfence.sel $0xFFFF  }
0xc7: {  	[dreg:$0x0] =	wrdreg $0xFFFFFFFF;
	(pc) =	sbr.abs _section_cstart, $3  }
0xc8: {  	[dreg:$0x1] =	wrdreg $0xFFFFFFFF  }
0xc9: {  	_ =	task.clear_ibuf [dreg:s9], $0x2FFFF;
	_ =	strace $0x9FFFFFFF  }
0xca: {  	(tm) =	ssettm $0x7FFFFFFF  }
0xcb: {  	_ =	shalt  }
tec
execute0_lowered:
.L_overlay_start_1:
0x0: {  	(tag) =	ssettag $0x1  }
0x1: {  	s0 =	rddreg [dreg:$0x0]  }
0x2: {  	s1 =	rddreg [dreg:$0x2]  }
0x3: {  	s2 =	rddreg [dreg:$0x3]  }
0x4: {  	s6 =	stileid.u32;
	s4 =	srdreg.scid  }
0x5: {  	s3 =	simm.s32 $0x0;
	s18 =	simm.s32 $0x5;
	s19 =	simm.s32 $0x80  }
0x6: {  	s20 =	simm.s32 $0x27400;
	s30 =	simm.s32 $0x1;
	s28 =	simm.s32 $0x18700  }
0x7: {  	s29 =	simm.s32 $0x18800;
	s21 =	simm.s32 $0x18900;
	s22 =	simm.s32 $0x18A00  }
0x8: {  	s23 =	simm.s32 $0x18B00;
	s24 =	simm.s32 $0x2;
	s5 =	sshll.u32 s6, $0x1  }
0x9: {  	s31 =	simm.s32 $0x3;
	s4 =	sand.u32 $0x1, s4;
	s5 =	sand.u32 $0x2, s5  }
0xa: {  	[smem:$0x7FF] =	sst s3;
	s6 =	sshll.u32 s6, $0x6;
	s5 =	sor.u32 s4, s5  }
0xb: {  	s13 =	sadd.s32 $0xE00, s1;
	s4 =	ssub.s32 $0x2, s4;
	s5 =	smul.u32 $0x3000, s5  }
0xc: {  	s1 =	sadd.s32 $0x2600, s1;
	s6 =	sand.u32 $0x380, s6;
	s7 =	sshrl.u32 s4, $0x1  }
0xd: {  	_ =	strace $0x80000047;
	s16 =	ssub.s32 s4, s7;
	s5 =	sor.u32 s6, s5  }
0xe: {  	s26 =	smax.u32 s16, $0x1;
	s8 =	sshrl.u32 s5, $0x3;
	s6 =	sadd.s32 $0x1000, s5  }
0xf: {  	s25 =	sadd.s32 $0x2000, s5;
	[dreg:$0x5] =	wrdreg s26;
	s4 =	sadd.s32 s0, s8  }
0x10: {  	s12 =	sshrl.u32 s6, $0x3;
	s6 =	sadd.s32 s13, s8;
	s15 =	sshrl.u32 s25, $0x3  }
0x11: {  	s7 =	sadd.s32 s1, s8;
	s8 =	sadd.s32 s2, s8;
	s5 =	sadd.s32 s0, s12  }
0x12: {  	s9 =	sadd.s32 s0, s15;
	s10 =	sadd.s32 s13, s12;
	s11 =	sadd.s32 s1, s12  }
0x13: {  	s12 =	sadd.s32 s2, s12;
	s13 =	sadd.s32 s13, s15;
	s14 =	sadd.s32 s1, s15  }
0x14: {  	v0 =	vimm.s32 $0x0;
	v1 =	vlaneseq.u32;
	s15 =	sadd.s32 s2, s15;
	s0 =	simm.s32 $0x4;
	s1 =	simm.s32 $0x0  }
.LBB2_1:
0x15: {  	s2 =	rddreg [dreg:$0x1];
	s16 =	simm.s32 $0x18C00  }
0x16: {  	[tilespmem:s16], [sflag:$0x5] =	stream.linear.gather [hbm4b:s2+s3], $0x80, $0x38;
	[tilespmem:$0x18C80] =	vst v63  }
0x17: {  	_ =	swait.ge [sflag:s18], $0x80  }
0x18: {  	[sflag:s18] =	ssyncset.done $0x0  }
0x19: {  	s16 =	sadd.s32 $0x0, s4;
	[sflag:s18] =	ssyncadd.s32 $0xFFFFFF80  }
0x1a: {  	[tilespmem:s3], [sflag:$0x1] =	stream.strided.gather [hbm4b:s16+s19], $0x400, s20, s19, $0x38;
	[tilespmem:$0x18C80] =	vst v63  }
0x1b: {  	s17 =	simm.s32 $0x400;
	s26 =	sadd.s32 $0x80, s16  }
0x1c: {  	[tilespmem:s17], [sflag:$0x1] =	stream.strided.gather [hbm4b:s26+s19], $0x400, s20, s19, $0x38;
	[tilespmem:$0x18C80] =	vst v63  }
0x1d: {  	s2 =	simm.s32 $0x27400;
	s25 =	sadd.s32 $0x100, s16;
	s26 =	simm.s32 $0x800  }
0x1e: {  	[tilespmem:s26], [sflag:$0x1] =	stream.strided.gather [hbm4b:s25+s19], $0x400, s20, s19, $0x38;
	[tilespmem:$0x18C80] =	vst v63  }
0x1f: {  	s17 =	sadd.s32 $0x180, s16;
	s16 =	simm.s32 $0x1000;
	s25 =	simm.s32 $0xC00  }
.LBB2_2:
0x20: {  	[tilespmem:s25], [sflag:$0x1] =	stream.strided.gather [hbm4b:s17+s19], $0x400, s20, s19, $0x38;
	[tilespmem:$0x18C80] =	vst v63  }
0x21: {  	s17 =	sadd.s32 s2, s4;
	p0 =	seq.s32 s2, $0x188800;
	s2 =	sadd.s32 $0x27400, s2  }
0x22: {  	[tilespmem:s16], [sflag:$0x1] =	stream.strided.gather [hbm4b:s17+s19], $0x400, s20, s19, $0x38;
	[tilespmem:$0x18C80] =	vst v63  }
.Ltmp0:
0x23: {  	s26 =	sadd.s32 $0x400, s16;
	s25 =	sadd.s32 $0x80, s17;
	(pc) =	sbr.rel @!p0 .LBB2_2-.Ltmp0, $4  }
0x24: {  	[tilespmem:s26], [sflag:$0x1] =	stream.strided.gather [hbm4b:s25+s19], $0x400, s20, s19, $0x38;
	[tilespmem:$0x18C80] =	vst v63  }
0x25: {  	s25 =	sadd.s32 $0x100, s17;
	s26 =	sadd.s32 $0x800, s16  }
0x26: {  	[tilespmem:s26], [sflag:$0x1] =	stream.strided.gather [hbm4b:s25+s19], $0x400, s20, s19, $0x38;
	[tilespmem:$0x18C80] =	vst v63  }
0x27: {  	s17 =	sadd.s32 $0x180, s17;
	s25 =	sadd.s32 $0xC00, s16;
	s16 =	sadd.s32 $0x1000, s16  }
0x28: {  	[tilespmem:s25], [sflag:$0x1] =	stream.strided.gather [hbm4b:s17+s19], $0x400, s20, s19, $0x38;
	[tilespmem:$0x18C80] =	vst v63  }
0x29: {  	s2 =	sadd.s32 $0x1AFC00, s4;
	s16 =	simm.s32 $0xB000  }
0x2a: {  	[tilespmem:s16], [sflag:$0x1] =	stream.strided.gather [hbm4b:s2+s19], $0x180, s20, s19, $0x38;
	[tilespmem:$0x18C80] =	vst v63  }
0x2b: {  	s26 =	simm.s32 $0xB400;
	s25 =	sadd.s32 $0x80, s2  }
0x2c: {  	[tilespmem:s26], [sflag:$0x1] =	stream.strided.gather [hbm4b:s25+s19], $0x180, s20, s19, $0x38;
	[tilespmem:$0x18C80] =	vst v63  }
0x2d: {  	s17 =	sadd.s32 $0x100, s2;
	s25 =	simm.s32 $0xB800  }
0x2e: {  	[tilespmem:s25], [sflag:$0x1] =	stream.strided.gather [hbm4b:s17+s19], $0x180, s20, s19, $0x38;
	[tilespmem:$0x18C80] =	vst v63  }
0x2f: {  	s2 =	sadd.s32 $0x180, s2;
	s26 =	simm.s32 $0xBC00  }
0x30: {  	[tilespmem:s26], [sflag:$0x1] =	stream.strided.gather [hbm4b:s2+s19], $0x180, s20, s19, $0x38;
	[tilespmem:$0x18C80] =	vst v63  }
0x31: {  	s16 =	sadd.s32 $0x0, s5;
	s17 =	simm.s32 $0xC000  }
0x32: {  	[tilespmem:s17], [sflag:$0x2] =	stream.strided.gather [hbm4b:s16+s19], $0x400, s20, s19, $0x38;
	[tilespmem:$0x18C80] =	vst v63  }
0x33: {  	s25 =	sadd.s32 $0x80, s16;
	s26 =	simm.s32 $0xC400  }
0x34: {  	[tilespmem:s26], [sflag:$0x2] =	stream.strided.gather [hbm4b:s25+s19], $0x400, s20, s19, $0x38;
	[tilespmem:$0x18C80] =	vst v63  }
0x35: {  	s2 =	simm.s32 $0x27400;
	s25 =	sadd.s32 $0x100, s16;
	s26 =	simm.s32 $0xC800  }
0x36: {  	[tilespmem:s26], [sflag:$0x2] =	stream.strided.gather [hbm4b:s25+s19], $0x400, s20, s19, $0x38;
	[tilespmem:$0x18C80] =	vst v63  }
0x37: {  	s17 =	sadd.s32 $0x180, s16;
	s16 =	simm.s32 $0xD000;
	s25 =	simm.s32 $0xCC00  }
.LBB2_4:
0x38: {  	[tilespmem:s25], [sflag:$0x2] =	stream.strided.gather [hbm4b:s17+s19], $0x400, s20, s19, $0x38;
	[tilespmem:$0x18C80] =	vst v63  }
0x39: {  	s17 =	sadd.s32 s2, s5;
	p0 =	seq.s32 s2, $0x188800;
	s2 =	sadd.s32 $0x27400, s2  }
0x3a: {  	[tilespmem:s16], [sflag:$0x2] =	stream.strided.gather [hbm4b:s17+s19], $0x400, s20, s19, $0x38;
	[tilespmem:$0x18C80] =	vst v63  }
.Ltmp1:
0x3b: {  	s26 =	sadd.s32 $0x400, s16;
	s25 =	sadd.s32 $0x80, s17;
	(pc) =	sbr.rel @!p0 .LBB2_4-.Ltmp1, $4  }
0x3c: {  	[tilespmem:s26], [sflag:$0x2] =	stream.strided.gather [hbm4b:s25+s19], $0x400, s20, s19, $0x38;
	[tilespmem:$0x18C80] =	vst v63  }
0x3d: {  	s25 =	sadd.s32 $0x100, s17;
	s26 =	sadd.s32 $0x800, s16  }
0x3e: {  	[tilespmem:s26], [sflag:$0x2] =	stream.strided.gather [hbm4b:s25+s19], $0x400, s20, s19, $0x38;
	[tilespmem:$0x18C80] =	vst v63  }
0x3f: {  	s17 =	sadd.s32 $0x180, s17;
	s25 =	sadd.s32 $0xC00, s16;
	s16 =	sadd.s32 $0x1000, s16  }
0x40: {  	[tilespmem:s25], [sflag:$0x2] =	stream.strided.gather [hbm4b:s17+s19], $0x400, s20, s19, $0x38;
	[tilespmem:$0x18C80] =	vst v63  }
0x41: {  	s2 =	sadd.s32 $0x1AFC00, s5;
	s16 =	simm.s32 $0x17000  }
0x42: {  	[tilespmem:s16], [sflag:$0x2] =	stream.strided.gather [hbm4b:s2+s19], $0x180, s20, s19, $0x38;
	[tilespmem:$0x18C80] =	vst v63  }
0x43: {  	s26 =	simm.s32 $0x17400;
	s25 =	sadd.s32 $0x80, s2  }
0x44: {  	[tilespmem:s26], [sflag:$0x2] =	stream.strided.gather [hbm4b:s25+s19], $0x180, s20, s19, $0x38;
	[tilespmem:$0x18C80] =	vst v63  }
0x45: {  	s17 =	sadd.s32 $0x100, s2;
	s25 =	simm.s32 $0x17800  }
0x46: {  	[tilespmem:s25], [sflag:$0x2] =	stream.strided.gather [hbm4b:s17+s19], $0x180, s20, s19, $0x38;
	[tilespmem:$0x18C80] =	vst v63  }
0x47: {  	s2 =	sadd.s32 $0x180, s2;
	s26 =	simm.s32 $0x17C00  }
0x48: {  	[tilespmem:s26], [sflag:$0x2] =	stream.strided.gather [hbm4b:s2+s19], $0x180, s20, s19, $0x38;
	[tilespmem:$0x18C80] =	vst v63  }
0x49: {  	_ =	swait.ge [sflag:s30], $0xB600  }
0x4a: {  	[sflag:s30] =	ssyncset.done $0x0  }
0x4b: {  	s17 =	simm.s32 $0x0;
	s2 =	simm.s32 $0x0;
	[sflag:s30] =	ssyncadd.s32 $0xFFFF4A00  }
.LBB2_6:
0x4c: {  	s16 =	sshll.u32 s17, $0x7  }
0x4d: {  	s25 =	sand.u32 $0x70, s2;
	s16 =	sand.u32 $0x3FFFFC00, s16  }
0x4e: {  	s16 =	sor.u32 s25, s16  }
0x4f: {  	v2 =	vld [tilespmem:s16+$0x0]  }
0x50: {  	v3 =	vld [tilespmem:s16+$0x80]  }
0x51: {  	v4 =	vld [tilespmem:s16+$0x100]  }
0x52: {  	v5 =	vld [tilespmem:s16+$0x180]  }
0x53: {  	v6 =	vld [tilespmem:s16+$0x200]  }
0x54: {  	v7 =	vld [tilespmem:s16+$0x280]  }
0x55: {  	v8 =	vld [tilespmem:s16+$0x300]  }
0x56: {  	v9 =	vld [tilespmem:s16+$0x380]  }
0x57: {  	v10 =	vld [tilespmem:s16+$0x1000]  }
0x58: {  	v11 =	vld [tilespmem:s16+$0x1080]  }
0x59: {  	v12 =	vld [tilespmem:s16+$0x1100]  }
0x5a: {  	v13 =	vld [tilespmem:s16+$0x1180]  }
0x5b: {  	v14 =	vld [tilespmem:s16+$0x1200]  }
0x5c: {  	v15 =	vld [tilespmem:s16+$0x1280]  }
0x5d: {  	v16 =	vld [tilespmem:s16+$0x1300]  }
0x5e: {  	v17 =	vld [tilespmem:s16+$0x1380]  }
0x5f: {  	v18 =	vld [tilespmem:s16+$0x2000]  }
0x60: {  	v19 =	vld [tilespmem:s16+$0x2080]  }
0x61: {  	v20 =	vld [tilespmem:s16+$0x2100]  }
0x62: {  	v21 =	vld [tilespmem:s16+$0x2180]  }
0x63: {  	v22 =	vld [tilespmem:s16+$0x2200]  }
0x64: {  	v23 =	vld [tilespmem:s16+$0x2280]  }
0x65: {  	v24 =	vld [tilespmem:s16+$0x2300]  }
0x66: {  	v25 =	vld [tilespmem:s16+$0x2380]  }
0x67: {  	v26 =	vld [tilespmem:s16+$0x3000]  }
0x68: {  	v27 =	vld [tilespmem:s16+$0x3080]  }
0x69: {  	v28 =	vld [tilespmem:s16+$0x3100]  }
0x6a: {  	v29 =	vld [tilespmem:s16+$0x3180]  }
0x6b: {  	v30 =	vld [tilespmem:s16+$0x3200]  }
0x6c: {  	v31 =	vld [tilespmem:s16+$0x3280]  }
0x6d: {  	v32 =	vld [tilespmem:s16+$0x3300]  }
0x6e: {  	v33 =	vld [tilespmem:s16+$0x3380]  }
0x6f: {  	v34 =	vld [tilespmem:s16+$0x4000]  }
0x70: {  	v35 =	vld [tilespmem:s16+$0x4080]  }
0x71: {  	v36 =	vld [tilespmem:s16+$0x4100]  }
0x72: {  	v37 =	vld [tilespmem:s16+$0x4180]  }
0x73: {  	v38 =	vld [tilespmem:s16+$0x4200]  }
0x74: {  	v39 =	vld [tilespmem:s16+$0x4280]  }
0x75: {  	v40 =	vld [tilespmem:s16+$0x4300]  }
0x76: {  	v41 =	vld [tilespmem:s16+$0x4380]  }
0x77: {  	v42 =	vld [tilespmem:s16+$0x5000]  }
0x78: {  	v43 =	vld [tilespmem:s16+$0x5080]  }
0x79: {  	v44 =	vld [tilespmem:s16+$0x5100]  }
0x7a: {  	v45 =	vld [tilespmem:s16+$0x5180]  }
0x7b: {  	v3 =	vmax.f32 v3, v4;
	v4 =	vld [tilespmem:s16+$0x5200]  }
0x7c: {  	v9 =	vmax.f32 v9, v10;
	v10 =	vld [tilespmem:s16+$0x5380]  }
0x7d: {  	v60 =	vmax.f32 v11, v12;
	v11 =	vld [tilespmem:s16+$0x6100]  }
0x7e: {  	v61 =	vmax.f32 v13, v14;
	v14 =	vld [tilespmem:s16+$0x6180]  }
0x7f: {  	v13 =	vld [tilespmem:s16+$0x6280]  }
0x80: {  	v63 =	vmax.f32 v15, v16;
	v15 =	vld [tilespmem:s16+$0x6300]  }
0x81: {  	v46 =	vmax.f32 v17, v18;
	v18 =	vld [tilespmem:s16+$0x6380]  }
0x82: {  	v47 =	vmax.f32 v19, v20;
	v17 =	vld [tilespmem:s16+$0x7080]  }
0x83: {  	v49 =	vmax.f32 v21, v22;
	v51 =	vmax.f32 v23, v24;
	v52 =	vmax.f32 v25, v26;
	v19 =	vld [tilespmem:s16+$0x7100]  }
0x84: {  	v54 =	vmax.f32 v27, v28;
	v22 =	vld [tilespmem:s16+$0x7180];
	v56 =	vmax.f32 v29, v30;
	v57 =	vmax.f32 v31, v32  }
0x85: {  	v21 =	vld [tilespmem:s16+$0x7280];
	vm0 =	vgt.f32 v3, v2;
	v2 =	vmax.f32 v2, v3;
	v3 =	vmax.f32 v5, v6  }
0x86: {  	v23 =	vld [tilespmem:s16+$0x7300];
	vm1 =	vgt.f32 v3, v2;
	v2 =	vmax.f32 v2, v3;
	v3 =	vmax.f32 v7, v8  }
0x87: {  	v26 =	vld [tilespmem:s16+$0x7380];
	v58 =	vsel vm0, $0x1, v0;
	v8 =	vmax.f32 v2, v3;
	vm7 =	vgt.f32 v3, v2  }
0x88: {  	v5 =	vld [tilespmem:s16+$0x5280];
	v2 =	vsel vm1, $0x3, v58;
	vm8 =	vgt.f32 v9, v8;
	v59 =	vmax.f32 v8, v9  }
0x89: {  	v6 =	vld [tilespmem:s16+$0x5300];
	v2 =	vsel vm7, $0x5, v2;
	vm9 =	vgt.f32 v60, v59;
	v7 =	vmax.f32 v59, v60  }
0x8a: {  	v25 =	vld [tilespmem:s16+$0x8080];
	v2 =	vsel vm8, $0x7, v2;
	v59 =	vmax.f32 v33, v34;
	v4 =	vmax.f32 v45, v4  }
0x8b: {  	v3 =	vld [tilespmem:s16+$0x6000];
	v13 =	vmax.f32 v13, v15;
	v17 =	vmax.f32 v17, v19;
	v21 =	vmax.f32 v21, v23  }
0x8c: {  	v9 =	vld [tilespmem:s16+$0x6080];
	v62 =	vmax.f32 v7, v61;
	vm10 =	vgt.f32 v61, v7;
	v2 =	vsel vm9, $0x9, v2  }
0x8d: {  	v7 =	vld [tilespmem:s16+$0x6200];
	v61 =	vmax.f32 v35, v36;
	v36 =	vmax.f32 v39, v40;
	v40 =	vmax.f32 v41, v42  }
0x8e: {  	v41 =	vld [tilespmem:s16+$0x8280];
	v42 =	vmax.f32 v43, v44;
	v5 =	vmax.f32 v5, v6;
	vm11 =	vgt.f32 v63, v62  }
0x8f: {  	v43 =	vld [tilespmem:s16+$0x8300];
	v16 =	vmax.f32 v62, v63;
	v2 =	vsel vm10, $0xB, v2;
	v62 =	vmax.f32 v37, v38  }
0x90: {  	v63 =	vld [tilespmem:s16+$0x8100];
	vm12 =	vgt.f32 v46, v16;
	v8 =	vmax.f32 v16, v46;
	v2 =	vsel vm11, $0xD, v2  }
0x91: {  	v37 =	vld [tilespmem:s16+$0x8180];
	v3 =	vmax.f32 v10, v3;
	v48 =	vmax.f32 v8, v47;
	vm13 =	vgt.f32 v47, v8  }
0x92: {  	v38 =	vld [tilespmem:s16+$0x8200];
	v2 =	vsel vm12, $0xF, v2;
	v9 =	vmax.f32 v9, v11;
	v50 =	vmax.f32 v48, v49  }
0x93: {  	v45 =	vld [tilespmem:s16+$0x8380];
	vm14 =	vgt.f32 v49, v48;
	v2 =	vsel vm13, $0x11, v2;
	vm15 =	vgt.f32 v51, v50  }
0x94: {  	v8 =	vld [tilespmem:s16+$0x7000];
	v12 =	vmax.f32 v50, v51;
	v2 =	vsel vm14, $0x13, v2;
	v50 =	vmax.f32 v14, v7  }
0x95: {  	v46 =	vld [tilespmem:s16+$0x9000];
	v29 =	vmax.f32 v41, v43;
	v53 =	vmax.f32 v12, v52;
	vm4 =	vgt.f32 v52, v12  }
0x96: {  	v49 =	vld [tilespmem:s16+$0x9180];
	v2 =	vsel vm15, $0x15, v2;
	v25 =	vmax.f32 v25, v63;
	v55 =	vmax.f32 v53, v54  }
0x97: {  	v51 =	vld [tilespmem:s16+$0x9200];
	v34 =	vmax.f32 v37, v38;
	vm5 =	vgt.f32 v54, v53;
	v16 =	vmax.f32 v55, v56  }
0x98: {  	v12 =	vld [tilespmem:s16+$0x7200];
	v2 =	vsel vm4, $0x17, v2;
	vm6 =	vgt.f32 v56, v55;
	v58 =	vmax.f32 v16, v57  }
0x99: {  	v47 =	vld [tilespmem:s16+$0x9080];
	v2 =	vsel vm5, $0x19, v2;
	v8 =	vmax.f32 v18, v8;
	v60 =	vmax.f32 v58, v59  }
0x9a: {  	v48 =	vld [tilespmem:s16+$0x9100];
	vm7 =	vgt.f32 v57, v16;
	v2 =	vsel vm6, $0x1B, v2;
	v20 =	vmax.f32 v60, v61  }
0x9b: {  	v52 =	vld [tilespmem:s16+$0x9280];
	vm8 =	vgt.f32 v59, v58;
	v2 =	vsel vm7, $0x1D, v2;
	v35 =	vmax.f32 v20, v62  }
0x9c: {  	v55 =	vld [tilespmem:s16+$0x9380];
	v43 =	vmax.f32 v49, v51;
	vm9 =	vgt.f32 v61, v60;
	v39 =	vmax.f32 v35, v36  }
0x9d: {  	v16 =	vld [tilespmem:s16+$0x8000];
	v2 =	vsel vm8, $0x1F, v2;
	v56 =	vmax.f32 v22, v12;
	v24 =	vmax.f32 v39, v40  }
0x9e: {  	v57 =	vld [tilespmem:s16+$0xA000];
	vm10 =	vgt.f32 v62, v20;
	v2 =	vsel vm9, $0x21, v2;
	v44 =	vmax.f32 v24, v42  }
0x9f: {  	v58 =	vld [tilespmem:s16+$0xA080];
	vm11 =	vgt.f32 v36, v35;
	vm14 =	vgt.f32 v4, v44;
	v4 =	vmax.f32 v44, v4  }
0xa0: {  	v61 =	vld [tilespmem:s16+$0xA100];
	v2 =	vsel vm10, $0x23, v2;
	vm15 =	vgt.f32 v5, v4;
	v4 =	vmax.f32 v4, v5  }
0xa1: {  	v37 =	vld [tilespmem:s16+$0xA280];
	vm12 =	vgt.f32 v40, v39;
	v2 =	vsel vm11, $0x25, v2;
	v10 =	vmax.f32 v4, v3  }
0xa2: {  	v62 =	vld [tilespmem:s16+$0xA180];
	v60 =	vmax.f32 v26, v16;
	vm4 =	vgt.f32 v3, v4;
	v3 =	vmax.f32 v10, v9  }
0xa3: {  	v35 =	vld [tilespmem:s16+$0xA200];
	v39 =	vmax.f32 v45, v46;
	v12 =	vmax.f32 v55, v57;
	v14 =	vmax.f32 v3, v50  }
0xa4: {  	v54 =	vld [tilespmem:s16+$0x9300];
	vm13 =	vgt.f32 v42, v24;
	v2 =	vsel vm12, $0x27, v2;
	v53 =	vmax.f32 v14, v13  }
0xa5: {  	v40 =	vld [tilespmem:s16+$0xA300];
	v2 =	vsel vm13, $0x29, v2;
	v16 =	vmax.f32 v58, v61;
	v18 =	vmax.f32 v53, v8  }
0xa6: {  	v42 =	vld [tilespmem:s16+$0xA380];
	v2 =	vsel vm14, $0x2B, v2;
	vm6 =	vgt.f32 v50, v3;
	v3 =	vmax.f32 v18, v17  }
0xa7: {  	v44 =	vld [tilespmem:s16+$0xB000];
	v5 =	vmax.f32 v47, v48;
	v2 =	vsel vm15, $0x2D, v2;
	v22 =	vmax.f32 v3, v56  }
0xa8: {  	v49 =	vmax.f32 v62, v35;
	vm5 =	vgt.f32 v9, v10;
	v59 =	vmax.f32 v22, v21  }
0xa9: {  	v45 =	vld [tilespmem:s16+$0xB080];
	v2 =	vsel vm4, $0x2F, v2;
	v10 =	vmax.f32 v52, v54;
	v26 =	vmax.f32 v59, v60  }
0xaa: {  	v47 =	vld [tilespmem:s16+$0xB100];
	v51 =	vmax.f32 v37, v40;
	v2 =	vsel vm5, $0x31, v2;
	v63 =	vmax.f32 v26, v25  }
0xab: {  	vm7 =	vgt.f32 v13, v14;
	v2 =	vsel vm6, $0x33, v2;
	v36 =	vmax.f32 v63, v34  }
0xac: {  	v6 =	vmax.f32 v42, v44;
	vm8 =	vgt.f32 v8, v53;
	v38 =	vmax.f32 v36, v29  }
0xad: {  	v2 =	vsel vm7, $0x35, v2;
	vm9 =	vgt.f32 v17, v18;
	v41 =	vmax.f32 v38, v39  }
0xae: {  	v2 =	vsel vm8, $0x37, v2;
	vm10 =	vgt.f32 v56, v3;
	v3 =	vmax.f32 v41, v5  }
0xaf: {  	v15 =	vmax.f32 v45, v47;
	v2 =	vsel vm9, $0x39, v2;
	v11 =	vmax.f32 v3, v43  }
0xb0: {  	vm11 =	vgt.f32 v21, v22;
	v2 =	vsel vm10, $0x3B, v2;
	v46 =	vmax.f32 v11, v10  }
0xb1: {  	vm12 =	vgt.f32 v60, v59;
	v2 =	vsel vm11, $0x3D, v2;
	v48 =	vmax.f32 v46, v12  }
0xb2: {  	vm13 =	vgt.f32 v25, v26;
	v2 =	vsel vm12, $0x3F, v2;
	v50 =	vmax.f32 v48, v16  }
0xb3: {  	vm14 =	vgt.f32 v34, v63;
	v2 =	vsel vm13, $0x41, v2;
	v52 =	vmax.f32 v50, v49  }
0xb4: {  	vm15 =	vgt.f32 v29, v36;
	v2 =	vsel vm14, $0x43, v2;
	v53 =	vmax.f32 v52, v51  }
0xb5: {  	vm4 =	vgt.f32 v39, v38;
	v2 =	vsel vm15, $0x45, v2;
	v54 =	vmax.f32 v53, v6  }
0xb6: {  	vm5 =	vgt.f32 v5, v41;
	v2 =	vsel vm4, $0x47, v2;
	v55 =	vmax.f32 v54, v15  }
0xb7: {  	vm6 =	vgt.f32 v43, v3;
	v2 =	vsel vm5, $0x49, v2;
	v56 =	vsub.f32 $0.0e+00, v55  }
0xb8: {  	vm7 =	vgt.f32 v10, v11;
	v2 =	vsel vm6, $0x4B, v2  }
0xb9: {  	vm8 =	vgt.f32 v12, v46;
	v2 =	vsel vm7, $0x4D, v2;
	v57 =	vmul.f32 $1.442695020e+00, v56  }
0xba: {  	vm9 =	vgt.f32 v16, v48;
	v2 =	vsel vm8, $0x4F, v2  }
0xbb: {  	vm10 =	vgt.f32 v49, v50;
	v2 =	vsel vm9, $0x51, v2;
	(erf) = vpow2.f32 v57  }
0xbc: {  	vm11 =	vgt.f32 v51, v52;
	v2 =	vsel vm10, $0x53, v2  }
0xbd: {  	v2 =	vsel vm11, $0x55, v2;
	vm12 =	vgt.f32 v6, v53  }
0xbe: {  	v3 =	vmov s2;
	v2 =	vsel vm12, $0x57, v2;
	vm13 =	vgt.f32 v15, v54  }
0xbf: {  	v58 =	vor.u32 s2, v1;
	v3 =	vshll.u32 v3, $0x3;
	v2 =	vsel vm13, $0x59, v2  }
0xc0: {  	v4 =	vand.u32 $0x7F, v58;
	v3 =	vand.u32 $0xC00, v3;
	v59 =	vshll.u32 v2, $0x9  }
0xc1: {  	v3 =	vor.u32 v3, v4;
	v60 =	vshll.u32 v2, $0x7;
	v5 =	vand.u32 $0x7FFFF000, v59  }
0xc2: {  	v6 =	vand.u32 $0x380, v60;
	v3 =	vor.u32 v5, v3  }
0xc3: {  	v3 =	vor.u32 v6, v3  }
0xc4: {  	v61 =	vpop (erf)  }
0xc5: {  	v4 =	vadd.f32 $1.000000000e+00, v61;
	_ =	sdelay $0x1  }
0xc6: {  	(erf) = vrcp.f32 v4  }
0xc7: {  	v3 =	vld.idx.msk [tilespmem:v3+s3+$0x0], $0xffff;
	_ =	sdelay $0x4  }
0xc8: {  	vm14 =	vlt.f32 v3, v55;
	vm15 =	vgt.f32 v3, v55  }
0xc9: {  	s26 =	sshll.u32 s17, $0x5;
	p0 =	sne.s32 s17, $0x1F;
	vm0 =	vmor vm15, vm14  }
.Ltmp2:
0xca: {  	s16 =	sand.u32 $0xFFFFFF00, s26;
	v63 =	vsel vm0, $0x1, v0;
	(pc) =	sbr.rel @p0 .LBB2_6-.Ltmp2, $4  }
0xcb: {  	s16 =	sor.u32 s25, s16;
	v2 =	vadd.s32 v63, v2;
	v3 =	vpop (erf)  }
0xcc: {  	[tilespmem:s16+$0x18800] =	vst v2;
	v62 =	vsub.f32 $1.000000000e+00, v3  }
0xcd: {  	[tilespmem:s16+$0x18000] =	vst v3  }
0xce: {  	s17 =	sadd.s32 $0x1, s17;
	s2 =	sadd.s32 $0x10, s2;
	[tilespmem:s16+$0x18400] =	vst v62  }
0xcf: {  	s2 =	simm.s32 $0x0;
	s16 =	simm.s32 $0x18000  }
0xd0: {  	[hbm4b:s6+s2] =	stream.linear.scatter [tilespmem:s16], [sflag:$0x3], $0x80, $0x38;
	[tilespmem:$0x18C80] =	vst v63  }
0xd1: {  	s26 =	sadd.s32 $0x80, s6;
	s17 =	simm.s32 $0x18100  }
0xd2: {  	[hbm4b:s26+s2] =	stream.linear.scatter [tilespmem:s17], [sflag:$0x3], $0x80, $0x38;
	[tilespmem:$0x18C80] =	vst v63  }
0xd3: {  	s25 =	sadd.s32 $0x100, s6;
	s26 =	simm.s32 $0x18200  }
0xd4: {  	[hbm4b:s25+s2] =	stream.linear.scatter [tilespmem:s26], [sflag:$0x3], $0x80, $0x38;
	[tilespmem:$0x18C80] =	vst v63  }
0xd5: {  	s25 =	sadd.s32 $0x180, s6;
	s26 =	simm.s32 $0x18300  }
0xd6: {  	[hbm4b:s25+s2] =	stream.linear.scatter [tilespmem:s26], [sflag:$0x3], $0x80, $0x38;
	[tilespmem:$0x18C80] =	vst v63  }
0xd7: {  	s17 =	simm.s32 $0x18400  }
0xd8: {  	[hbm4b:s7+s2] =	stream.linear.scatter [tilespmem:s17], [sflag:$0x3], $0x80, $0x38;
	[tilespmem:$0x18C80] =	vst v63  }
0xd9: {  	s25 =	sadd.s32 $0x80, s7;
	s26 =	simm.s32 $0x18500  }
0xda: {  	[hbm4b:s25+s2] =	stream.linear.scatter [tilespmem:s26], [sflag:$0x3], $0x80, $0x38;
	[tilespmem:$0x18C80] =	vst v63  }
0xdb: {  	s25 =	sadd.s32 $0x100, s7;
	s26 =	simm.s32 $0x18600  }
0xdc: {  	[hbm4b:s25+s2] =	stream.linear.scatter [tilespmem:s26], [sflag:$0x3], $0x80, $0x38;
	[tilespmem:$0x18C80] =	vst v63  }
0xdd: {  	s17 =	sadd.s32 $0x180, s7  }
0xde: {  	[hbm4b:s17+s2] =	stream.linear.scatter [tilespmem:s28], [sflag:$0x3], $0x80, $0x38;
	[tilespmem:$0x18C80] =	vst v63  }
0xdf: {  	_ = 	snop  }
0xe0: {  	[hbm4b:s8+s2] =	stream.linear.scatter [tilespmem:s29], [sflag:$0x3], $0x80, $0x38;
	[tilespmem:$0x18C80] =	vst v63  }
0xe1: {  	s25 =	sadd.s32 $0x80, s8  }
0xe2: {  	[hbm4b:s25+s2] =	stream.linear.scatter [tilespmem:s21], [sflag:$0x3], $0x80, $0x38;
	[tilespmem:$0x18C80] =	vst v63  }
0xe3: {  	s26 =	sadd.s32 $0x100, s8  }
0xe4: {  	[hbm4b:s26+s2] =	stream.linear.scatter [tilespmem:s22], [sflag:$0x3], $0x80, $0x38;
	[tilespmem:$0x18C80] =	vst v63  }
0xe5: {  	s17 =	sadd.s32 $0x180, s8  }
0xe6: {  	[hbm4b:s17+s2] =	stream.linear.scatter [tilespmem:s23], [sflag:$0x3], $0x80, $0x38;
	[tilespmem:$0x18C80] =	vst v63  }
0xe7: {  	s16 =	sadd.s32 $0x0, s9  }
0xe8: {  	[tilespmem:s2], [sflag:$0x1] =	stream.strided.gather [hbm4b:s16+s19], $0x400, s20, s19, $0x38;
	[tilespmem:$0x18C80] =	vst v63  }
0xe9: {  	s25 =	sadd.s32 $0x80, s16;
	s26 =	simm.s32 $0x400  }
0xea: {  	[tilespmem:s26], [sflag:$0x1] =	stream.strided.gather [hbm4b:s25+s19], $0x400, s20, s19, $0x38;
	[tilespmem:$0x18C80] =	vst v63  }
0xeb: {  	s17 =	sadd.s32 $0x180, s16;
	s25 =	sadd.s32 $0x100, s16;
	s26 =	simm.s32 $0x800  }
0xec: {  	[tilespmem:s26], [sflag:$0x1] =	stream.strided.gather [hbm4b:s25+s19], $0x400, s20, s19, $0x38;
	[tilespmem:$0x18C80] =	vst v63  }
0xed: {  	s2 =	simm.s32 $0x27400;
	s16 =	simm.s32 $0x1000;
	s25 =	simm.s32 $0xC00  }
.LBB2_8:
0xee: {  	[tilespmem:s25], [sflag:$0x1] =	stream.strided.gather [hbm4b:s17+s19], $0x400, s20, s19, $0x38;
	[tilespmem:$0x18C80] =	vst v63  }
0xef: {  	s17 =	sadd.s32 s2, s9;
	p0 =	seq.s32 s2, $0x188800;
	s2 =	sadd.s32 $0x27400, s2  }
0xf0: {  	[tilespmem:s16], [sflag:$0x1] =	stream.strided.gather [hbm4b:s17+s19], $0x400, s20, s19, $0x38;
	[tilespmem:$0x18C80] =	vst v63  }
.Ltmp3:
0xf1: {  	s26 =	sadd.s32 $0x400, s16;
	s25 =	sadd.s32 $0x80, s17;
	(pc) =	sbr.rel @!p0 .LBB2_8-.Ltmp3, $4  }
0xf2: {  	[tilespmem:s26], [sflag:$0x1] =	stream.strided.gather [hbm4b:s25+s19], $0x400, s20, s19, $0x38;
	[tilespmem:$0x18C80] =	vst v63  }
0xf3: {  	s25 =	sadd.s32 $0x100, s17;
	s26 =	sadd.s32 $0x800, s16  }
0xf4: {  	[tilespmem:s26], [sflag:$0x1] =	stream.strided.gather [hbm4b:s25+s19], $0x400, s20, s19, $0x38;
	[tilespmem:$0x18C80] =	vst v63  }
0xf5: {  	s17 =	sadd.s32 $0x180, s17;
	s25 =	sadd.s32 $0xC00, s16;
	s16 =	sadd.s32 $0x1000, s16  }
0xf6: {  	[tilespmem:s25], [sflag:$0x1] =	stream.strided.gather [hbm4b:s17+s19], $0x400, s20, s19, $0x38;
	[tilespmem:$0x18C80] =	vst v63  }
0xf7: {  	s2 =	sadd.s32 $0x1AFC00, s9;
	s16 =	simm.s32 $0xB000  }
0xf8: {  	[tilespmem:s16], [sflag:$0x1] =	stream.strided.gather [hbm4b:s2+s19], $0x180, s20, s19, $0x38;
	[tilespmem:$0x18C80] =	vst v63  }
0xf9: {  	s26 =	simm.s32 $0xB400;
	s25 =	sadd.s32 $0x80, s2  }
0xfa: {  	[tilespmem:s26], [sflag:$0x1] =	stream.strided.gather [hbm4b:s25+s19], $0x180, s20, s19, $0x38;
	[tilespmem:$0x18C80] =	vst v63  }
0xfb: {  	s17 =	sadd.s32 $0x100, s2;
	s25 =	simm.s32 $0xB800  }
0xfc: {  	[tilespmem:s25], [sflag:$0x1] =	stream.strided.gather [hbm4b:s17+s19], $0x180, s20, s19, $0x38;
	[tilespmem:$0x18C80] =	vst v63  }
0xfd: {  	s2 =	sadd.s32 $0x180, s2;
	s26 =	simm.s32 $0xBC00  }
0xfe: {  	[tilespmem:s26], [sflag:$0x1] =	stream.strided.gather [hbm4b:s2+s19], $0x180, s20, s19, $0x38;
	[tilespmem:$0x18C80] =	vst v63  }
0xff: {  	_ =	swait.ge [sflag:s24], $0xB600  }
0x100: {  	[sflag:s24] =	ssyncset.done $0x0  }
0x101: {  	s17 =	simm.s32 $0x0;
	s2 =	simm.s32 $0x0;
	[sflag:s24] =	ssyncadd.s32 $0xFFFF4A00  }
.LBB2_10:
0x102: {  	s16 =	sshll.u32 s17, $0x7  }
0x103: {  	s25 =	sand.u32 $0x70, s2;
	s16 =	sand.u32 $0x3FFFFC00, s16  }
0x104: {  	s16 =	sor.u32 s25, s16  }
0x105: {  	v2 =	vld [tilespmem:s16+$0xC000]  }
0x106: {  	v3 =	vld [tilespmem:s16+$0xC080]  }
0x107: {  	v4 =	vld [tilespmem:s16+$0xC100]  }
0x108: {  	v5 =	vld [tilespmem:s16+$0xC180]  }
0x109: {  	v6 =	vld [tilespmem:s16+$0xC200]  }
0x10a: {  	v7 =	vld [tilespmem:s16+$0xC280]  }
0x10b: {  	v8 =	vld [tilespmem:s16+$0xC300]  }
0x10c: {  	v9 =	vld [tilespmem:s16+$0xC380]  }
0x10d: {  	v10 =	vld [tilespmem:s16+$0xD000]  }
0x10e: {  	v11 =	vld [tilespmem:s16+$0xD080]  }
0x10f: {  	v12 =	vld [tilespmem:s16+$0xD100]  }
0x110: {  	v13 =	vld [tilespmem:s16+$0xD180]  }
0x111: {  	v14 =	vld [tilespmem:s16+$0xD200]  }
0x112: {  	v15 =	vld [tilespmem:s16+$0xD280]  }
0x113: {  	v16 =	vld [tilespmem:s16+$0xD300]  }
0x114: {  	v17 =	vld [tilespmem:s16+$0xD380]  }
0x115: {  	v18 =	vld [tilespmem:s16+$0xE000]  }
0x116: {  	v19 =	vld [tilespmem:s16+$0xE080]  }
0x117: {  	v20 =	vld [tilespmem:s16+$0xE100]  }
0x118: {  	v21 =	vld [tilespmem:s16+$0xE180]  }
0x119: {  	v22 =	vld [tilespmem:s16+$0xE200]  }
0x11a: {  	v23 =	vld [tilespmem:s16+$0xE280]  }
0x11b: {  	v24 =	vld [tilespmem:s16+$0xE300]  }
0x11c: {  	v25 =	vld [tilespmem:s16+$0xE380]  }
0x11d: {  	v26 =	vld [tilespmem:s16+$0xF000]  }
0x11e: {  	v27 =	vld [tilespmem:s16+$0xF080]  }
0x11f: {  	v28 =	vld [tilespmem:s16+$0xF100]  }
0x120: {  	v29 =	vld [tilespmem:s16+$0xF180]  }
0x121: {  	v30 =	vld [tilespmem:s16+$0xF200]  }
0x122: {  	v31 =	vld [tilespmem:s16+$0xF280]  }
0x123: {  	v32 =	vld [tilespmem:s16+$0xF300]  }
0x124: {  	v33 =	vld [tilespmem:s16+$0xF380]  }
0x125: {  	v34 =	vld [tilespmem:s16+$0x10000]  }
0x126: {  	v35 =	vld [tilespmem:s16+$0x10080]  }
0x127: {  	v36 =	vld [tilespmem:s16+$0x10100]  }
0x128: {  	v37 =	vld [tilespmem:s16+$0x10180]  }
0x129: {  	v38 =	vld [tilespmem:s16+$0x10200]  }
0x12a: {  	v39 =	vld [tilespmem:s16+$0x10280]  }
0x12b: {  	v40 =	vld [tilespmem:s16+$0x10300]  }
0x12c: {  	v41 =	vld [tilespmem:s16+$0x10380]  }
0x12d: {  	v42 =	vld [tilespmem:s16+$0x11000]  }
0x12e: {  	v43 =	vld [tilespmem:s16+$0x11080]  }
0x12f: {  	v3 =	vmax.f32 v3, v4;
	v4 =	vld [tilespmem:s16+$0x11100]  }
0x130: {  	v5 =	vmax.f32 v5, v6;
	v6 =	vld [tilespmem:s16+$0x11180]  }
0x131: {  	v7 =	vmax.f32 v7, v8;
	v8 =	vld [tilespmem:s16+$0x11280]  }
0x132: {  	v58 =	vmax.f32 v9, v10;
	v9 =	vld [tilespmem:s16+$0x11300]  }
0x133: {  	v11 =	vmax.f32 v11, v12;
	v12 =	vld [tilespmem:s16+$0x11380]  }
0x134: {  	v60 =	vmax.f32 v13, v14;
	v13 =	vld [tilespmem:s16+$0x12100]  }
0x135: {  	v61 =	vmax.f32 v15, v16;
	v16 =	vld [tilespmem:s16+$0x12180]  }
0x136: {  	v63 =	vmax.f32 v17, v18;
	v15 =	vld [tilespmem:s16+$0x12280]  }
0x137: {  	v45 =	vmax.f32 v19, v20;
	v46 =	vmax.f32 v21, v22;
	v17 =	vld [tilespmem:s16+$0x12300];
	v48 =	vmax.f32 v23, v24  }
0x138: {  	v20 =	vld [tilespmem:s16+$0x12380];
	v50 =	vmax.f32 v25, v26;
	v51 =	vmax.f32 v27, v28;
	v53 =	vmax.f32 v29, v30  }
0x139: {  	v55 =	vmax.f32 v31, v32;
	v56 =	vmax.f32 v33, v34;
	v27 =	vld [tilespmem:s16+$0x14080];
	v44 =	vmax.f32 v2, v3  }
0x13a: {  	v29 =	vld [tilespmem:s16+$0x14100];
	vm0 =	vgt.f32 v3, v2;
	vm1 =	vgt.f32 v5, v44;
	v3 =	vmax.f32 v44, v5  }
0x13b: {  	v19 =	vld [tilespmem:s16+$0x13080];
	v57 =	vsel vm0, $0x1, v0;
	vm7 =	vgt.f32 v7, v3;
	v3 =	vmax.f32 v3, v7  }
0x13c: {  	v2 =	vld [tilespmem:s16+$0x11200];
	v5 =	vsel vm1, $0x3, v57;
	v10 =	vmax.f32 v3, v58;
	vm8 =	vgt.f32 v58, v3  }
0x13d: {  	v21 =	vld [tilespmem:s16+$0x13100];
	v3 =	vsel vm7, $0x5, v5;
	v58 =	vmax.f32 v35, v36;
	vm9 =	vgt.f32 v11, v10  }
0x13e: {  	v32 =	vld [tilespmem:s16+$0x14180];
	v59 =	vmax.f32 v10, v11;
	v3 =	vsel vm8, $0x7, v3;
	v4 =	vmax.f32 v43, v4  }
0x13f: {  	v5 =	vld [tilespmem:s16+$0x12000];
	v8 =	vmax.f32 v8, v9;
	v31 =	vmax.f32 v27, v29;
	vm10 =	vgt.f32 v60, v59  }
0x140: {  	v36 =	vld [tilespmem:s16+$0x14200];
	v7 =	vmax.f32 v59, v60;
	v3 =	vsel vm9, $0x9, v3;
	v60 =	vmax.f32 v37, v38  }
0x141: {  	v11 =	vld [tilespmem:s16+$0x12080];
	v2 =	vmax.f32 v6, v2;
	v62 =	vmax.f32 v7, v61;
	vm11 =	vgt.f32 v61, v7  }
0x142: {  	v38 =	vld [tilespmem:s16+$0x14280];
	v3 =	vsel vm10, $0xB, v3;
	v61 =	vmax.f32 v39, v40;
	vm12 =	vgt.f32 v63, v62  }
0x143: {  	v7 =	vld [tilespmem:s16+$0x12200];
	v44 =	vmax.f32 v62, v63;
	v3 =	vsel vm11, $0xD, v3;
	v63 =	vmax.f32 v41, v42  }
0x144: {  	v39 =	vld [tilespmem:s16+$0x14300];
	vm13 =	vgt.f32 v45, v44;
	v10 =	vmax.f32 v44, v45;
	v3 =	vsel vm12, $0xF, v3  }
0x145: {  	v23 =	vld [tilespmem:s16+$0x13280];
	v5 =	vmax.f32 v12, v5;
	v35 =	vmax.f32 v32, v36;
	v47 =	vmax.f32 v10, v46  }
0x146: {  	v25 =	vld [tilespmem:s16+$0x13300];
	vm14 =	vgt.f32 v46, v10;
	v3 =	vsel vm13, $0x11, v3;
	v41 =	vmax.f32 v11, v13  }
0x147: {  	v33 =	vld [tilespmem:s16+$0x16180];
	vm15 =	vgt.f32 v48, v47;
	v49 =	vmax.f32 v47, v48;
	v3 =	vsel vm14, $0x13, v3  }
0x148: {  	v10 =	vld [tilespmem:s16+$0x13000];
	v47 =	vmax.f32 v15, v17;
	vm4 =	vgt.f32 v50, v49;
	v14 =	vmax.f32 v49, v50  }
0x149: {  	v36 =	vld [tilespmem:s16+$0x16200];
	v3 =	vsel vm15, $0x15, v3;
	v7 =	vmax.f32 v16, v7;
	v6 =	vmax.f32 v38, v39  }
0x14a: {  	v48 =	vld [tilespmem:s16+$0x15280];
	v52 =	vmax.f32 v14, v51;
	vm5 =	vgt.f32 v51, v14;
	v3 =	vsel vm4, $0x17, v3  }
0x14b: {  	v50 =	vld [tilespmem:s16+$0x15300];
	vm6 =	vgt.f32 v53, v52;
	v54 =	vmax.f32 v52, v53;
	v3 =	vsel vm5, $0x19, v3  }
0x14c: {  	v24 =	vld [tilespmem:s16+$0x13180];
	v52 =	vmax.f32 v19, v21;
	vm7 =	vgt.f32 v55, v54;
	v18 =	vmax.f32 v54, v55  }
0x14d: {  	v14 =	vld [tilespmem:s16+$0x13200];
	v3 =	vsel vm6, $0x1B, v3;
	v49 =	vmax.f32 v20, v10;
	v57 =	vmax.f32 v18, v56  }
0x14e: {  	v28 =	vld [tilespmem:s16+$0x13380];
	vm8 =	vgt.f32 v56, v18;
	v3 =	vsel vm7, $0x1D, v3;
	vm9 =	vgt.f32 v58, v57  }
0x14f: {  	v53 =	vld [tilespmem:s16+$0x15380];
	v59 =	vmax.f32 v57, v58;
	v3 =	vsel vm8, $0x1F, v3;
	v58 =	vmax.f32 v23, v25  }
0x150: {  	v18 =	vld [tilespmem:s16+$0x14000];
	v10 =	vmax.f32 v48, v50;
	v50 =	vmax.f32 v33, v36;
	v22 =	vmax.f32 v59, v60  }
0x151: {  	v56 =	vld [tilespmem:s16+$0x16000];
	vm10 =	vgt.f32 v60, v59;
	v3 =	vsel vm9, $0x21, v3;
	v62 =	vmax.f32 v22, v61  }
0x152: {  	v9 =	vld [tilespmem:s16+$0x14380];
	v55 =	vmax.f32 v24, v14;
	vm11 =	vgt.f32 v61, v22;
	v37 =	vmax.f32 v62, v63  }
0x153: {  	v44 =	vld [tilespmem:s16+$0x15180];
	v3 =	vsel vm10, $0x23, v3;
	vm13 =	vgt.f32 v4, v37;
	v4 =	vmax.f32 v37, v4  }
0x154: {  	v45 =	vld [tilespmem:s16+$0x15200];
	vm12 =	vgt.f32 v63, v62;
	v3 =	vsel vm11, $0x25, v3;
	v26 =	vmax.f32 v4, v2  }
0x155: {  	v59 =	vld [tilespmem:s16+$0x16080];
	v3 =	vsel vm12, $0x27, v3;
	v61 =	vmax.f32 v28, v18;
	v40 =	vmax.f32 v26, v8  }
0x156: {  	v62 =	vld [tilespmem:s16+$0x16100];
	v14 =	vmax.f32 v53, v56;
	vm14 =	vgt.f32 v2, v4;
	v4 =	vmax.f32 v40, v5  }
0x157: {  	v42 =	vld [tilespmem:s16+$0x15100];
	v2 =	vsel vm13, $0x29, v3;
	vm15 =	vgt.f32 v8, v26;
	v43 =	vmax.f32 v4, v41  }
0x158: {  	v3 =	vld [tilespmem:s16+$0x15000];
	v2 =	vsel vm14, $0x2B, v2;
	vm4 =	vgt.f32 v5, v40;
	v46 =	vmax.f32 v43, v7  }
0x159: {  	v38 =	vld [tilespmem:s16+$0x16280];
	v2 =	vsel vm15, $0x2D, v2;
	vm5 =	vgt.f32 v41, v4;
	v5 =	vmax.f32 v46, v47  }
0x15a: {  	v8 =	vld [tilespmem:s16+$0x15080];
	v2 =	vsel vm4, $0x2F, v2;
	v4 =	vmax.f32 v44, v45;
	v51 =	vmax.f32 v5, v49  }
0x15b: {  	v40 =	vld [tilespmem:s16+$0x16300];
	v18 =	vmax.f32 v59, v62;
	vm6 =	vgt.f32 v7, v43;
	v54 =	vmax.f32 v51, v52  }
0x15c: {  	v2 =	vsel vm5, $0x31, v2;
	vm7 =	vgt.f32 v47, v46;
	v57 =	vmax.f32 v54, v55  }
0x15d: {  	v48 =	vld [tilespmem:s16+$0x17100];
	v2 =	vsel vm6, $0x33, v2;
	v3 =	vmax.f32 v9, v3;
	v60 =	vmax.f32 v57, v58  }
0x15e: {  	v44 =	vld [tilespmem:s16+$0x17000];
	vm8 =	vgt.f32 v49, v5;
	v2 =	vsel vm7, $0x35, v2;
	v63 =	vmax.f32 v60, v61  }
0x15f: {  	v46 =	vld [tilespmem:s16+$0x17080];
	v8 =	vmax.f32 v8, v42;
	vm9 =	vgt.f32 v52, v51;
	v34 =	vmax.f32 v63, v31  }
0x160: {  	v42 =	vld [tilespmem:s16+$0x16380];
	v2 =	vsel vm8, $0x37, v2;
	v9 =	vmax.f32 v38, v40;
	v37 =	vmax.f32 v34, v35  }
0x161: {  	vm10 =	vgt.f32 v55, v54;
	v2 =	vsel vm9, $0x39, v2;
	v39 =	vmax.f32 v37, v6  }
0x162: {  	vm11 =	vgt.f32 v58, v57;
	v2 =	vsel vm10, $0x3B, v2;
	v41 =	vmax.f32 v39, v3  }
0x163: {  	vm12 =	vgt.f32 v61, v60;
	v2 =	vsel vm11, $0x3D, v2;
	v43 =	vmax.f32 v41, v8  }
0x164: {  	v12 =	vmax.f32 v46, v48;
	vm13 =	vgt.f32 v31, v63;
	v45 =	vmax.f32 v43, v4  }
0x165: {  	v2 =	vsel vm12, $0x3F, v2;
	v52 =	vmax.f32 v42, v44;
	v47 =	vmax.f32 v45, v10  }
0x166: {  	vm14 =	vgt.f32 v35, v34;
	v2 =	vsel vm13, $0x41, v2;
	v49 =	vmax.f32 v47, v14  }
0x167: {  	vm15 =	vgt.f32 v6, v37;
	v2 =	vsel vm14, $0x43, v2;
	v51 =	vmax.f32 v49, v18  }
0x168: {  	vm4 =	vgt.f32 v3, v39;
	v2 =	vsel vm15, $0x45, v2;
	v22 =	vmax.f32 v51, v50  }
0x169: {  	vm5 =	vgt.f32 v8, v41;
	v2 =	vsel vm4, $0x47, v2;
	v53 =	vmax.f32 v22, v9  }
0x16a: {  	vm6 =	vgt.f32 v4, v43;
	v2 =	vsel vm5, $0x49, v2;
	v13 =	vmax.f32 v53, v52  }
0x16b: {  	vm7 =	vgt.f32 v10, v45;
	v2 =	vsel vm6, $0x4B, v2;
	v3 =	vmax.f32 v13, v12  }
0x16c: {  	vm8 =	vgt.f32 v14, v47;
	v2 =	vsel vm7, $0x4D, v2;
	v54 =	vsub.f32 $0.0e+00, v3  }
0x16d: {  	vm9 =	vgt.f32 v18, v49;
	v2 =	vsel vm8, $0x4F, v2  }
0x16e: {  	vm10 =	vgt.f32 v50, v51;
	v2 =	vsel vm9, $0x51, v2;
	v55 =	vmul.f32 $1.442695020e+00, v54  }
0x16f: {  	vm11 =	vgt.f32 v9, v22;
	v2 =	vsel vm10, $0x53, v2  }
0x170: {  	vm12 =	vgt.f32 v52, v53;
	v2 =	vsel vm11, $0x55, v2;
	(erf) = vpow2.f32 v55  }
0x171: {  	v2 =	vsel vm12, $0x57, v2;
	vm13 =	vgt.f32 v12, v13  }
0x172: {  	v56 =	vmov s2;
	v2 =	vsel vm13, $0x59, v2  }
0x173: {  	v4 =	vshll.u32 v56, $0x3;
	v57 =	vshll.u32 v2, $0x9  }
0x174: {  	v4 =	vand.u32 $0xC00, v4;
	v58 =	vshll.u32 v2, $0x7;
	v5 =	vand.u32 $0x7FFFF000, v57  }
0x175: {  	v59 =	vor.u32 s2, v1;
	v6 =	vand.u32 $0x380, v58;
	v4 =	vor.u32 v4, v5  }
0x176: {  	v5 =	vand.u32 $0x7F, v59;
	v4 =	vor.u32 v6, v4  }
0x177: {  	v4 =	vor.u32 v5, v4  }
0x178: {  	v4 =	vadd.s32 $0xC000, v4  }
0x179: {  	v60 =	vpop (erf)  }
0x17a: {  	v61 =	vadd.f32 $1.000000000e+00, v60;
	_ =	sdelay $0x1  }
0x17b: {  	(erf) = vrcp.f32 v61  }
0x17c: {  	v4 =	vld.idx.msk [tilespmem:v4+s3+$0x0], $0xffff;
	_ =	sdelay $0x4  }
0x17d: {  	vm14 =	vlt.f32 v4, v3;
	vm15 =	vgt.f32 v4, v3  }
0x17e: {  	s26 =	sshll.u32 s17, $0x5;
	p0 =	sne.s32 s17, $0x1F;
	vm0 =	vmor vm15, vm14  }
.Ltmp4:
0x17f: {  	s16 =	sand.u32 $0xFFFFFF00, s26;
	v63 =	vsel vm0, $0x1, v0;
	(pc) =	sbr.rel @p0 .LBB2_10-.Ltmp4, $4  }
0x180: {  	s16 =	sor.u32 s25, s16;
	v2 =	vadd.s32 v63, v2;
	v3 =	vpop (erf)  }
0x181: {  	[tilespmem:s16+$0x18880] =	vst v2;
	v62 =	vsub.f32 $1.000000000e+00, v3  }
0x182: {  	[tilespmem:s16+$0x18080] =	vst v3  }
0x183: {  	s17 =	sadd.s32 $0x1, s17;
	s2 =	sadd.s32 $0x10, s2;
	[tilespmem:s16+$0x18480] =	vst v62  }
0x184: {  	s2 =	simm.s32 $0x0;
	s16 =	simm.s32 $0x18080  }
0x185: {  	[hbm4b:s10+s2] =	stream.linear.scatter [tilespmem:s16], [sflag:$0x4], $0x80, $0x38;
	[tilespmem:$0x18C80] =	vst v63  }
0x186: {  	s26 =	sadd.s32 $0x80, s10;
	s17 =	simm.s32 $0x18180  }
0x187: {  	[hbm4b:s26+s2] =	stream.linear.scatter [tilespmem:s17], [sflag:$0x4], $0x80, $0x38;
	[tilespmem:$0x18C80] =	vst v63  }
0x188: {  	s25 =	sadd.s32 $0x100, s10;
	s26 =	simm.s32 $0x18280  }
0x189: {  	[hbm4b:s25+s2] =	stream.linear.scatter [tilespmem:s26], [sflag:$0x4], $0x80, $0x38;
	[tilespmem:$0x18C80] =	vst v63  }
0x18a: {  	s25 =	sadd.s32 $0x180, s10;
	s26 =	simm.s32 $0x18380  }
0x18b: {  	[hbm4b:s25+s2] =	stream.linear.scatter [tilespmem:s26], [sflag:$0x4], $0x80, $0x38;
	[tilespmem:$0x18C80] =	vst v63  }
0x18c: {  	s17 =	simm.s32 $0x18480  }
0x18d: {  	[hbm4b:s11+s2] =	stream.linear.scatter [tilespmem:s17], [sflag:$0x4], $0x80, $0x38;
	[tilespmem:$0x18C80] =	vst v63  }
0x18e: {  	s25 =	sadd.s32 $0x80, s11;
	s26 =	simm.s32 $0x18580  }
0x18f: {  	[hbm4b:s25+s2] =	stream.linear.scatter [tilespmem:s26], [sflag:$0x4], $0x80, $0x38;
	[tilespmem:$0x18C80] =	vst v63  }
0x190: {  	s25 =	sadd.s32 $0x100, s11;
	s26 =	simm.s32 $0x18680  }
0x191: {  	[hbm4b:s25+s2] =	stream.linear.scatter [tilespmem:s26], [sflag:$0x4], $0x80, $0x38;
	[tilespmem:$0x18C80] =	vst v63  }
0x192: {  	s25 =	sadd.s32 $0x180, s11;
	s26 =	simm.s32 $0x18780  }
0x193: {  	[hbm4b:s25+s2] =	stream.linear.scatter [tilespmem:s26], [sflag:$0x4], $0x80, $0x38;
	[tilespmem:$0x18C80] =	vst v63  }
0x194: {  	s17 =	simm.s32 $0x18880  }
0x195: {  	[hbm4b:s12+s2] =	stream.linear.scatter [tilespmem:s17], [sflag:$0x4], $0x80, $0x38;
	[tilespmem:$0x18C80] =	vst v63  }
0x196: {  	s25 =	sadd.s32 $0x80, s12;
	s26 =	simm.s32 $0x18980  }
0x197: {  	[hbm4b:s25+s2] =	stream.linear.scatter [tilespmem:s26], [sflag:$0x4], $0x80, $0x38;
	[tilespmem:$0x18C80] =	vst v63  }
0x198: {  	s25 =	sadd.s32 $0x100, s12;
	s26 =	simm.s32 $0x18A80  }
0x199: {  	[hbm4b:s25+s2] =	stream.linear.scatter [tilespmem:s26], [sflag:$0x4], $0x80, $0x38;
	[tilespmem:$0x18C80] =	vst v63  }
0x19a: {  	s25 =	sadd.s32 $0x180, s12;
	s26 =	simm.s32 $0x18B80  }
0x19b: {  	[hbm4b:s25+s2] =	stream.linear.scatter [tilespmem:s26], [sflag:$0x4], $0x80, $0x38;
	[tilespmem:$0x18C80] =	vst v63  }
0x19c: {  	_ =	swait.ge [sflag:s30], $0xB600  }
0x19d: {  	[sflag:s30] =	ssyncset.done $0x0  }
0x19e: {  	[sflag:s30] =	ssyncadd.s32 $0xFFFF4A00  }
0x19f: {  	_ =	swait.ge [sflag:s31], $0x200  }
0x1a0: {  	[sflag:s31] =	ssyncset.done $0x0  }
0x1a1: {  	[sflag:s31] =	ssyncadd.s32 $0xFFFFFE00  }
0x1a2: {  	_ =	swait.ge [sflag:s31], $0x200  }
0x1a3: {  	[sflag:s31] =	ssyncset.done $0x0  }
0x1a4: {  	[sflag:s31] =	ssyncadd.s32 $0xFFFFFE00  }
0x1a5: {  	_ =	swait.ge [sflag:s31], $0x200  }
0x1a6: {  	[sflag:s31] =	ssyncset.done $0x0  }
0x1a7: {  	s17 =	simm.s32 $0x0;
	[sflag:s31] =	ssyncadd.s32 $0xFFFFFE00  }
.LBB2_12:
0x1a8: {  	s16 =	sshll.u32 s17, $0x7  }
0x1a9: {  	s25 =	sand.u32 $0x70, s2;
	s16 =	sand.u32 $0x3FFFFC00, s16  }
0x1aa: {  	s16 =	sor.u32 s25, s16  }
0x1ab: {  	v2 =	vld [tilespmem:s16+$0x0]  }
0x1ac: {  	v3 =	vld [tilespmem:s16+$0x80]  }
0x1ad: {  	v4 =	vld [tilespmem:s16+$0x100]  }
0x1ae: {  	v5 =	vld [tilespmem:s16+$0x180]  }
0x1af: {  	v6 =	vld [tilespmem:s16+$0x200]  }
0x1b0: {  	v7 =	vld [tilespmem:s16+$0x280]  }
0x1b1: {  	v8 =	vld [tilespmem:s16+$0x300]  }
0x1b2: {  	v9 =	vld [tilespmem:s16+$0x380]  }
0x1b3: {  	v10 =	vld [tilespmem:s16+$0x1000]  }
0x1b4: {  	v11 =	vld [tilespmem:s16+$0x1080]  }
0x1b5: {  	v12 =	vld [tilespmem:s16+$0x1100]  }
0x1b6: {  	v13 =	vld [tilespmem:s16+$0x1180]  }
0x1b7: {  	v14 =	vld [tilespmem:s16+$0x1200]  }
0x1b8: {  	v15 =	vld [tilespmem:s16+$0x1280]  }
0x1b9: {  	v16 =	vld [tilespmem:s16+$0x1300]  }
0x1ba: {  	v17 =	vld [tilespmem:s16+$0x1380]  }
0x1bb: {  	v18 =	vld [tilespmem:s16+$0x2000]  }
0x1bc: {  	v19 =	vld [tilespmem:s16+$0x2080]  }
0x1bd: {  	v20 =	vld [tilespmem:s16+$0x2100]  }
0x1be: {  	v21 =	vld [tilespmem:s16+$0x2180]  }
0x1bf: {  	v22 =	vld [tilespmem:s16+$0x2200]  }
0x1c0: {  	v23 =	vld [tilespmem:s16+$0x2280]  }
0x1c1: {  	v24 =	vld [tilespmem:s16+$0x2300]  }
0x1c2: {  	v25 =	vld [tilespmem:s16+$0x2380]  }
0x1c3: {  	v26 =	vld [tilespmem:s16+$0x3000]  }
0x1c4: {  	v27 =	vld [tilespmem:s16+$0x3080]  }
0x1c5: {  	v28 =	vld [tilespmem:s16+$0x3100]  }
0x1c6: {  	v29 =	vld [tilespmem:s16+$0x3180]  }
0x1c7: {  	v30 =	vld [tilespmem:s16+$0x3200]  }
0x1c8: {  	v31 =	vld [tilespmem:s16+$0x3280]  }
0x1c9: {  	v32 =	vld [tilespmem:s16+$0x3300]  }
0x1ca: {  	v33 =	vld [tilespmem:s16+$0x3380]  }
0x1cb: {  	v34 =	vld [tilespmem:s16+$0x4000]  }
0x1cc: {  	v35 =	vld [tilespmem:s16+$0x4080]  }
0x1cd: {  	v36 =	vld [tilespmem:s16+$0x4100]  }
0x1ce: {  	v37 =	vld [tilespmem:s16+$0x4180]  }
0x1cf: {  	v38 =	vld [tilespmem:s16+$0x4200]  }
0x1d0: {  	v39 =	vld [tilespmem:s16+$0x4280]  }
0x1d1: {  	v40 =	vld [tilespmem:s16+$0x4300]  }
0x1d2: {  	v41 =	vld [tilespmem:s16+$0x4380]  }
0x1d3: {  	v42 =	vld [tilespmem:s16+$0x5000]  }
0x1d4: {  	v43 =	vld [tilespmem:s16+$0x5080]  }
0x1d5: {  	v44 =	vld [tilespmem:s16+$0x5100]  }
0x1d6: {  	v45 =	vld [tilespmem:s16+$0x5180]  }
0x1d7: {  	v3 =	vmax.f32 v3, v4;
	v4 =	vld [tilespmem:s16+$0x5200]  }
0x1d8: {  	v9 =	vmax.f32 v9, v10;
	v10 =	vld [tilespmem:s16+$0x5380]  }
0x1d9: {  	v60 =	vmax.f32 v11, v12;
	v11 =	vld [tilespmem:s16+$0x6100]  }
0x1da: {  	v61 =	vmax.f32 v13, v14;
	v14 =	vld [tilespmem:s16+$0x6180]  }
0x1db: {  	v13 =	vld [tilespmem:s16+$0x6280]  }
0x1dc: {  	v63 =	vmax.f32 v15, v16;
	v15 =	vld [tilespmem:s16+$0x6300]  }
0x1dd: {  	v46 =	vmax.f32 v17, v18;
	v18 =	vld [tilespmem:s16+$0x6380]  }
0x1de: {  	v47 =	vmax.f32 v19, v20;
	v17 =	vld [tilespmem:s16+$0x7080]  }
0x1df: {  	v49 =	vmax.f32 v21, v22;
	v51 =	vmax.f32 v23, v24;
	v52 =	vmax.f32 v25, v26;
	v19 =	vld [tilespmem:s16+$0x7100]  }
0x1e0: {  	v54 =	vmax.f32 v27, v28;
	v22 =	vld [tilespmem:s16+$0x7180];
	v56 =	vmax.f32 v29, v30;
	v57 =	vmax.f32 v31, v32  }
0x1e1: {  	v21 =	vld [tilespmem:s16+$0x7280];
	vm0 =	vgt.f32 v3, v2;
	v2 =	vmax.f32 v2, v3;
	v3 =	vmax.f32 v5, v6  }
0x1e2: {  	v23 =	vld [tilespmem:s16+$0x7300];
	vm1 =	vgt.f32 v3, v2;
	v2 =	vmax.f32 v2, v3;
	v3 =	vmax.f32 v7, v8  }
0x1e3: {  	v26 =	vld [tilespmem:s16+$0x7380];
	v58 =	vsel vm0, $0x1, v0;
	v8 =	vmax.f32 v2, v3;
	vm7 =	vgt.f32 v3, v2  }
0x1e4: {  	v5 =	vld [tilespmem:s16+$0x5280];
	v2 =	vsel vm1, $0x3, v58;
	vm8 =	vgt.f32 v9, v8;
	v59 =	vmax.f32 v8, v9  }
0x1e5: {  	v6 =	vld [tilespmem:s16+$0x5300];
	v2 =	vsel vm7, $0x5, v2;
	vm9 =	vgt.f32 v60, v59;
	v7 =	vmax.f32 v59, v60  }
0x1e6: {  	v25 =	vld [tilespmem:s16+$0x8080];
	v2 =	vsel vm8, $0x7, v2;
	v59 =	vmax.f32 v33, v34;
	v4 =	vmax.f32 v45, v4  }
0x1e7: {  	v3 =	vld [tilespmem:s16+$0x6000];
	v13 =	vmax.f32 v13, v15;
	v17 =	vmax.f32 v17, v19;
	v21 =	vmax.f32 v21, v23  }
0x1e8: {  	v9 =	vld [tilespmem:s16+$0x6080];
	v62 =	vmax.f32 v7, v61;
	vm10 =	vgt.f32 v61, v7;
	v2 =	vsel vm9, $0x9, v2  }
0x1e9: {  	v7 =	vld [tilespmem:s16+$0x6200];
	v61 =	vmax.f32 v35, v36;
	v36 =	vmax.f32 v39, v40;
	v40 =	vmax.f32 v41, v42  }
0x1ea: {  	v41 =	vld [tilespmem:s16+$0x8280];
	v42 =	vmax.f32 v43, v44;
	v5 =	vmax.f32 v5, v6;
	vm11 =	vgt.f32 v63, v62  }
0x1eb: {  	v43 =	vld [tilespmem:s16+$0x8300];
	v16 =	vmax.f32 v62, v63;
	v2 =	vsel vm10, $0xB, v2;
	v62 =	vmax.f32 v37, v38  }
0x1ec: {  	v63 =	vld [tilespmem:s16+$0x8100];
	vm12 =	vgt.f32 v46, v16;
	v8 =	vmax.f32 v16, v46;
	v2 =	vsel vm11, $0xD, v2  }
0x1ed: {  	v37 =	vld [tilespmem:s16+$0x8180];
	v3 =	vmax.f32 v10, v3;
	v48 =	vmax.f32 v8, v47;
	vm13 =	vgt.f32 v47, v8  }
0x1ee: {  	v38 =	vld [tilespmem:s16+$0x8200];
	v2 =	vsel vm12, $0xF, v2;
	v9 =	vmax.f32 v9, v11;
	v50 =	vmax.f32 v48, v49  }
0x1ef: {  	v45 =	vld [tilespmem:s16+$0x8380];
	vm14 =	vgt.f32 v49, v48;
	v2 =	vsel vm13, $0x11, v2;
	vm15 =	vgt.f32 v51, v50  }
0x1f0: {  	v8 =	vld [tilespmem:s16+$0x7000];
	v12 =	vmax.f32 v50, v51;
	v2 =	vsel vm14, $0x13, v2;
	v50 =	vmax.f32 v14, v7  }
0x1f1: {  	v46 =	vld [tilespmem:s16+$0x9000];
	v29 =	vmax.f32 v41, v43;
	v53 =	vmax.f32 v12, v52;
	vm4 =	vgt.f32 v52, v12  }
0x1f2: {  	v49 =	vld [tilespmem:s16+$0x9180];
	v2 =	vsel vm15, $0x15, v2;
	v25 =	vmax.f32 v25, v63;
	v55 =	vmax.f32 v53, v54  }
0x1f3: {  	v51 =	vld [tilespmem:s16+$0x9200];
	v34 =	vmax.f32 v37, v38;
	vm5 =	vgt.f32 v54, v53;
	v16 =	vmax.f32 v55, v56  }
0x1f4: {  	v12 =	vld [tilespmem:s16+$0x7200];
	v2 =	vsel vm4, $0x17, v2;
	vm6 =	vgt.f32 v56, v55;
	v58 =	vmax.f32 v16, v57  }
0x1f5: {  	v47 =	vld [tilespmem:s16+$0x9080];
	v2 =	vsel vm5, $0x19, v2;
	v8 =	vmax.f32 v18, v8;
	v60 =	vmax.f32 v58, v59  }
0x1f6: {  	v48 =	vld [tilespmem:s16+$0x9100];
	vm7 =	vgt.f32 v57, v16;
	v2 =	vsel vm6, $0x1B, v2;
	v20 =	vmax.f32 v60, v61  }
0x1f7: {  	v52 =	vld [tilespmem:s16+$0x9280];
	vm8 =	vgt.f32 v59, v58;
	v2 =	vsel vm7, $0x1D, v2;
	v35 =	vmax.f32 v20, v62  }
0x1f8: {  	v55 =	vld [tilespmem:s16+$0x9380];
	v43 =	vmax.f32 v49, v51;
	vm9 =	vgt.f32 v61, v60;
	v39 =	vmax.f32 v35, v36  }
0x1f9: {  	v16 =	vld [tilespmem:s16+$0x8000];
	v2 =	vsel vm8, $0x1F, v2;
	v56 =	vmax.f32 v22, v12;
	v24 =	vmax.f32 v39, v40  }
0x1fa: {  	v57 =	vld [tilespmem:s16+$0xA000];
	vm10 =	vgt.f32 v62, v20;
	v2 =	vsel vm9, $0x21, v2;
	v44 =	vmax.f32 v24, v42  }
0x1fb: {  	v58 =	vld [tilespmem:s16+$0xA080];
	vm11 =	vgt.f32 v36, v35;
	vm14 =	vgt.f32 v4, v44;
	v4 =	vmax.f32 v44, v4  }
0x1fc: {  	v61 =	vld [tilespmem:s16+$0xA100];
	v2 =	vsel vm10, $0x23, v2;
	vm15 =	vgt.f32 v5, v4;
	v4 =	vmax.f32 v4, v5  }
0x1fd: {  	v37 =	vld [tilespmem:s16+$0xA280];
	vm12 =	vgt.f32 v40, v39;
	v2 =	vsel vm11, $0x25, v2;
	v10 =	vmax.f32 v4, v3  }
0x1fe: {  	v62 =	vld [tilespmem:s16+$0xA180];
	v60 =	vmax.f32 v26, v16;
	vm4 =	vgt.f32 v3, v4;
	v3 =	vmax.f32 v10, v9  }
0x1ff: {  	v35 =	vld [tilespmem:s16+$0xA200];
	v39 =	vmax.f32 v45, v46;
	v12 =	vmax.f32 v55, v57;
	v14 =	vmax.f32 v3, v50  }
0x200: {  	v54 =	vld [tilespmem:s16+$0x9300];
	vm13 =	vgt.f32 v42, v24;
	v2 =	vsel vm12, $0x27, v2;
	v53 =	vmax.f32 v14, v13  }
0x201: {  	v40 =	vld [tilespmem:s16+$0xA300];
	v2 =	vsel vm13, $0x29, v2;
	v16 =	vmax.f32 v58, v61;
	v18 =	vmax.f32 v53, v8  }
0x202: {  	v42 =	vld [tilespmem:s16+$0xA380];
	v2 =	vsel vm14, $0x2B, v2;
	vm6 =	vgt.f32 v50, v3;
	v3 =	vmax.f32 v18, v17  }
0x203: {  	v44 =	vld [tilespmem:s16+$0xB000];
	v5 =	vmax.f32 v47, v48;
	v2 =	vsel vm15, $0x2D, v2;
	v22 =	vmax.f32 v3, v56  }
0x204: {  	v49 =	vmax.f32 v62, v35;
	vm5 =	vgt.f32 v9, v10;
	v59 =	vmax.f32 v22, v21  }
0x205: {  	v45 =	vld [tilespmem:s16+$0xB080];
	v2 =	vsel vm4, $0x2F, v2;
	v10 =	vmax.f32 v52, v54;
	v26 =	vmax.f32 v59, v60  }
0x206: {  	v47 =	vld [tilespmem:s16+$0xB100];
	v51 =	vmax.f32 v37, v40;
	v2 =	vsel vm5, $0x31, v2;
	v63 =	vmax.f32 v26, v25  }
0x207: {  	vm7 =	vgt.f32 v13, v14;
	v2 =	vsel vm6, $0x33, v2;
	v36 =	vmax.f32 v63, v34  }
0x208: {  	v6 =	vmax.f32 v42, v44;
	vm8 =	vgt.f32 v8, v53;
	v38 =	vmax.f32 v36, v29  }
0x209: {  	v2 =	vsel vm7, $0x35, v2;
	vm9 =	vgt.f32 v17, v18;
	v41 =	vmax.f32 v38, v39  }
0x20a: {  	v2 =	vsel vm8, $0x37, v2;
	vm10 =	vgt.f32 v56, v3;
	v3 =	vmax.f32 v41, v5  }
0x20b: {  	v15 =	vmax.f32 v45, v47;
	v2 =	vsel vm9, $0x39, v2;
	v11 =	vmax.f32 v3, v43  }
0x20c: {  	vm11 =	vgt.f32 v21, v22;
	v2 =	vsel vm10, $0x3B, v2;
	v46 =	vmax.f32 v11, v10  }
0x20d: {  	vm12 =	vgt.f32 v60, v59;
	v2 =	vsel vm11, $0x3D, v2;
	v48 =	vmax.f32 v46, v12  }
0x20e: {  	vm13 =	vgt.f32 v25, v26;
	v2 =	vsel vm12, $0x3F, v2;
	v50 =	vmax.f32 v48, v16  }
0x20f: {  	vm14 =	vgt.f32 v34, v63;
	v2 =	vsel vm13, $0x41, v2;
	v52 =	vmax.f32 v50, v49  }
0x210: {  	vm15 =	vgt.f32 v29, v36;
	v2 =	vsel vm14, $0x43, v2;
	v53 =	vmax.f32 v52, v51  }
0x211: {  	vm4 =	vgt.f32 v39, v38;
	v2 =	vsel vm15, $0x45, v2;
	v54 =	vmax.f32 v53, v6  }
0x212: {  	vm5 =	vgt.f32 v5, v41;
	v2 =	vsel vm4, $0x47, v2;
	v55 =	vmax.f32 v54, v15  }
0x213: {  	vm6 =	vgt.f32 v43, v3;
	v2 =	vsel vm5, $0x49, v2;
	v56 =	vsub.f32 $0.0e+00, v55  }
0x214: {  	vm7 =	vgt.f32 v10, v11;
	v2 =	vsel vm6, $0x4B, v2  }
0x215: {  	vm8 =	vgt.f32 v12, v46;
	v2 =	vsel vm7, $0x4D, v2;
	v57 =	vmul.f32 $1.442695020e+00, v56  }
0x216: {  	vm9 =	vgt.f32 v16, v48;
	v2 =	vsel vm8, $0x4F, v2  }
0x217: {  	vm10 =	vgt.f32 v49, v50;
	v2 =	vsel vm9, $0x51, v2;
	(erf) = vpow2.f32 v57  }
0x218: {  	vm11 =	vgt.f32 v51, v52;
	v2 =	vsel vm10, $0x53, v2  }
0x219: {  	v2 =	vsel vm11, $0x55, v2;
	vm12 =	vgt.f32 v6, v53  }
0x21a: {  	v3 =	vmov s2;
	v2 =	vsel vm12, $0x57, v2;
	vm13 =	vgt.f32 v15, v54  }
0x21b: {  	v58 =	vor.u32 s2, v1;
	v3 =	vshll.u32 v3, $0x3;
	v2 =	vsel vm13, $0x59, v2  }
0x21c: {  	v4 =	vand.u32 $0x7F, v58;
	v3 =	vand.u32 $0xC00, v3;
	v59 =	vshll.u32 v2, $0x9  }
0x21d: {  	v3 =	vor.u32 v3, v4;
	v60 =	vshll.u32 v2, $0x7;
	v5 =	vand.u32 $0x7FFFF000, v59  }
0x21e: {  	v6 =	vand.u32 $0x380, v60;
	v3 =	vor.u32 v5, v3  }
0x21f: {  	v3 =	vor.u32 v6, v3  }
0x220: {  	v61 =	vpop (erf)  }
0x221: {  	v4 =	vadd.f32 $1.000000000e+00, v61;
	_ =	sdelay $0x1  }
0x222: {  	(erf) = vrcp.f32 v4  }
0x223: {  	v3 =	vld.idx.msk [tilespmem:v3+s3+$0x0], $0xffff;
	_ =	sdelay $0x4  }
0x224: {  	vm14 =	vlt.f32 v3, v55;
	vm15 =	vgt.f32 v3, v55  }
0x225: {  	s26 =	sshll.u32 s17, $0x5;
	p0 =	sne.s32 s17, $0x1F;
	vm0 =	vmor vm15, vm14  }
.Ltmp5:
0x226: {  	s16 =	sand.u32 $0xFFFFFF00, s26;
	v63 =	vsel vm0, $0x1, v0;
	(pc) =	sbr.rel @p0 .LBB2_12-.Ltmp5, $4  }
0x227: {  	s16 =	sor.u32 s25, s16;
	v2 =	vadd.s32 v63, v2;
	v3 =	vpop (erf)  }
0x228: {  	[tilespmem:s16+$0x18800] =	vst v2;
	v62 =	vsub.f32 $1.000000000e+00, v3  }
0x229: {  	[tilespmem:s16+$0x18000] =	vst v3  }
0x22a: {  	s17 =	sadd.s32 $0x1, s17;
	s2 =	sadd.s32 $0x10, s2;
	[tilespmem:s16+$0x18400] =	vst v62  }
0x22b: {  	s2 =	simm.s32 $0x18000  }
0x22c: {  	[hbm4b:s13+s3] =	stream.linear.scatter [tilespmem:s2], [sflag:$0x3], $0x80, $0x38;
	[tilespmem:$0x18C80] =	vst v63  }
0x22d: {  	s26 =	sadd.s32 $0x80, s13;
	s16 =	simm.s32 $0x18100  }
0x22e: {  	[hbm4b:s26+s3] =	stream.linear.scatter [tilespmem:s16], [sflag:$0x3], $0x80, $0x38;
	[tilespmem:$0x18C80] =	vst v63  }
0x22f: {  	s17 =	simm.s32 $0x18200;
	s16 =	sadd.s32 $0x100, s13  }
0x230: {  	[hbm4b:s16+s3] =	stream.linear.scatter [tilespmem:s17], [sflag:$0x3], $0x80, $0x38;
	[tilespmem:$0x18C80] =	vst v63  }
0x231: {  	s25 =	sadd.s32 $0x180, s13;
	s26 =	simm.s32 $0x18300  }
0x232: {  	[hbm4b:s25+s3] =	stream.linear.scatter [tilespmem:s26], [sflag:$0x3], $0x80, $0x38;
	[tilespmem:$0x18C80] =	vst v63  }
0x233: {  	s17 =	simm.s32 $0x18400  }
0x234: {  	[hbm4b:s14+s3] =	stream.linear.scatter [tilespmem:s17], [sflag:$0x3], $0x80, $0x38;
	[tilespmem:$0x18C80] =	vst v63  }
0x235: {  	s25 =	sadd.s32 $0x80, s14;
	s26 =	simm.s32 $0x18500  }
0x236: {  	[hbm4b:s25+s3] =	stream.linear.scatter [tilespmem:s26], [sflag:$0x3], $0x80, $0x38;
	[tilespmem:$0x18C80] =	vst v63  }
0x237: {  	s17 =	sadd.s32 $0x100, s14;
	s25 =	simm.s32 $0x18600  }
0x238: {  	[hbm4b:s17+s3] =	stream.linear.scatter [tilespmem:s25], [sflag:$0x3], $0x80, $0x38;
	[tilespmem:$0x18C80] =	vst v63  }
0x239: {  	s26 =	sadd.s32 $0x180, s14  }
0x23a: {  	[hbm4b:s26+s3] =	stream.linear.scatter [tilespmem:s28], [sflag:$0x3], $0x80, $0x38;
	[tilespmem:$0x18C80] =	vst v63  }
0x23b: {  	_ = 	snop  }
0x23c: {  	[hbm4b:s15+s3] =	stream.linear.scatter [tilespmem:s29], [sflag:$0x3], $0x80, $0x38;
	[tilespmem:$0x18C80] =	vst v63  }
0x23d: {  	s16 =	sadd.s32 $0x80, s15  }
0x23e: {  	[hbm4b:s16+s3] =	stream.linear.scatter [tilespmem:s21], [sflag:$0x3], $0x80, $0x38;
	[tilespmem:$0x18C80] =	vst v63  }
0x23f: {  	s17 =	sadd.s32 $0x100, s15  }
0x240: {  	[hbm4b:s17+s3] =	stream.linear.scatter [tilespmem:s22], [sflag:$0x3], $0x80, $0x38;
	[tilespmem:$0x18C80] =	vst v63  }
0x241: {  	s25 =	sadd.s32 $0x180, s15  }
0x242: {  	[hbm4b:s25+s3] =	stream.linear.scatter [tilespmem:s23], [sflag:$0x3], $0x80, $0x38;
	[tilespmem:$0x18C80] =	vst v63  }
0x243: {  	_ =	swait.ge [sflag:s0], $0x200  }
0x244: {  	[sflag:s0] =	ssyncset.done $0x0  }
0x245: {  	[sflag:s0] =	ssyncadd.s32 $0xFFFFFE00  }
0x246: {  	_ =	swait.ge [sflag:s0], $0x200  }
0x247: {  	[sflag:s0] =	ssyncset.done $0x0  }
0x248: {  	[sflag:s0] =	ssyncadd.s32 $0xFFFFFE00  }
0x249: {  	_ =	swait.ge [sflag:s0], $0x200  }
0x24a: {  	[sflag:s0] =	ssyncset.done $0x0  }
0x24b: {  	[sflag:s0] =	ssyncadd.s32 $0xFFFFFE00  }
0x24c: {  	_ =	swait.ge [sflag:s31], $0x200  }
0x24d: {  	[sflag:s31] =	ssyncset.done $0x0  }
0x24e: {  	[sflag:s31] =	ssyncadd.s32 $0xFFFFFE00  }
0x24f: {  	_ =	swait.ge [sflag:s31], $0x200  }
0x250: {  	[sflag:s31] =	ssyncset.done $0x0  }
0x251: {  	[sflag:s31] =	ssyncadd.s32 $0xFFFFFE00  }
0x252: {  	_ =	swait.ge [sflag:s31], $0x200  }
0x253: {  	s1 =	sadd.s32 $0x1, s1;
	s26 =	rddreg [dreg:$0x5]  }
0x254: {  	p0 =	sne.s32 s1, s26  }
.Ltmp6:
0x255: {  	_ = 	snop;
	(pc) =	sbr.rel @p0 .LBB2_1-.Ltmp6, $3  }
0x256: {  	_ =	sdelay $0x1  }
0x257: {  	[sflag:s31] =	ssyncset.done $0x0  }
0x258: {  	[sflag:s31] =	ssyncadd.s32 $0xFFFFFE00  }
0x259: {  	_ =	sfence.sel $0x180000  }
0x25a: {  	[bflag:$0x0] =	sbarrier.arrive $0xFFFF  }
0x25b: {  	_ =	strace $0x90000047  }
0x25c: {  	s0 =	stileid.u32;
	[bflag:$0x2] =	sbarrier.arrive $0xFFFF  }
0x25d: {  	p0 =	sne.s32 s0, $0x0;
	s0 =	rddreg [dreg:$0x4]  }
0x25e: {  	s0 =	sadd.s32 @!p0 $0x100000, s0  }
0x25f: {  	[sflag:s0] =	ssyncadd.tile.s32 @!p0 $0x1;
	_ =	shalt  }
.Lfunc_end2:
_tile_overlayer_lowered:
.L_overlay_start_2:
0x260: {  	(tag) =	ssettag $0x2  }
0x261: {  	s0 =	rddreg [dreg:$0x0];
	s2 =	stileid.u32  }
0x262: {  	s1 =	rddreg [dreg:$0x1];
	p0 =	sne.s32 s2, $0x0  }
0x263: {  	s3 =	rddreg [dreg:$0x2];
	[bflag:$0x3] =	sbarrier.arrive $0xFFFF;
	s2 =	simm.s32 @!p0 $0x1C05  }
0x264: {  	[timem:s3], [sflag:s2] =	dma.local @!p0 [hbm:s0], s1  }
0x265: {  	s0 =	simm.s32 @!p0 $0x5  }
0x266: {  	_ =	swait.ge @!p0 [sflag:s0], s1  }
0x267: {  	s1 =	ssub.s32 @!p0 $0x0, s1;
	[sflag:s0] =	ssyncset.done @!p0 $0x0  }
0x268: {  	[sflag:s0] =	ssyncadd.s32 @!p0 s1  }
0x269: {  	[bflag:$0x3] =	sbarrier.arrive $0xFFFF  }
0x26a: {  	_ =	shalt  }

</sc_bundles>
